<compile_context>
chip_gen: v7x
topology: tpu7x:2x2x1
jax: 0.10.2.dev20260603
libtpu: 0.0.44.dev20260713+nightly
codegen_flags: <defaults>
</compile_context>

<pallas_src>
import functools

import jax
import jax.numpy as jnp
from jax import lax
from jax.experimental import pallas as pl
from jax.experimental.pallas import tpu as pltpu
from jax.experimental.pallas import tpu_sc as plsc

N = 10000
D = 128
E = 320000
OUT = 10
L = 4

NC, NS = 2, 16
NW = NC * NS
RPT = 80
EPAD = NW * RPT * 128
NB = 2
NH = RPT // 2
NP = 10112
RT = NP // NS
DUMMY = N

_BN = 2000
_GRID = N // _BN


@functools.cache
def _make_sc_kernels():
    mesh = plsc.VectorSubcoreMesh(core_axis_name="c", subcore_axis_name="s",
                                  num_cores=NC, num_subcores=NS)

    @functools.partial(
        pl.kernel,
        out_type=jax.ShapeDtypeStruct((NC * NP, D), jnp.float32),
        mesh=mesh,
        scratch_types=[
            pltpu.VMEM((128,), jnp.int32),
            pltpu.VMEM((128,), jnp.int32),
            pltpu.VMEM((128, D), jnp.float32),
            pltpu.VMEM_SHARED((NP, D), jnp.float32),
            pltpu.SemaphoreType.DMA,
        ],
    )
    def _sc_prop(xt, srcg, dsts, zeros, out, srcv, dstv, rows, acc, sem):
        c = lax.axis_index("c")
        s = lax.axis_index("s")
        w = c * NS + s
        r0 = s * RT
        pltpu.sync_copy(zeros.at[pl.ds(r0, RT)], acc.at[pl.ds(r0, RT)])
        plsc.subcore_barrier()

        def step(k, carry):
            row = w * RPT + k
            pltpu.sync_copy(srcg.at[row], srcv)
            pltpu.sync_copy(dsts.at[row], dstv)
            pltpu.async_copy(xt.at[srcv], rows, sem).wait()
            pltpu.sync_copy(rows, acc.at[dstv], add=True)
            return carry

        lax.fori_loop(0, RPT, step, 0)
        plsc.subcore_barrier()
        pltpu.sync_copy(acc.at[pl.ds(r0, RT)], out.at[pl.ds(c * NP + r0, RT)])

    @functools.partial(
        pl.kernel,
        out_type=jax.ShapeDtypeStruct((NC * NP, 16), jnp.float32),
        mesh=mesh,
        scratch_types=[
            pltpu.VMEM((128,), jnp.int32),
            pltpu.VMEM((128, 16), jnp.float32),
            pltpu.VMEM_SHARED((NP, 16), jnp.float32),
        ],
    )
    def _sc_deg(srcd, zeros16, ones16, out, idxv, ones, acc):
        c = lax.axis_index("c")
        s = lax.axis_index("s")
        w = c * NS + s
        r0 = s * RT
        pltpu.sync_copy(ones16, ones)
        pltpu.sync_copy(zeros16.at[pl.ds(r0, RT)], acc.at[pl.ds(r0, RT)])
        plsc.subcore_barrier()

        def step(k, carry):
            pltpu.sync_copy(srcd.at[w * RPT + k], idxv)
            pltpu.sync_copy(ones, acc.at[idxv], add=True)
            return carry

        lax.fori_loop(0, RPT, step, 0)
        plsc.subcore_barrier()
        pltpu.sync_copy(acc.at[pl.ds(r0, RT)], out.at[pl.ds(c * NP + r0, RT)])

    return _sc_prop, _sc_deg



def _row_spec(width=D):
    return pl.BlockSpec((_BN, width), lambda i: (i, 0))


def _pair_spec(width=D):
    return pl.BlockSpec((2, _BN, width), lambda i: (0, i, 0))


def _full_spec(shape):
    return pl.BlockSpec(shape, lambda i: tuple(0 for _ in shape))


def _prep_body(dp_ref, feat_ref, xt_ref, dis_ref, dis2_ref):
    deg = dp_ref[0, :, 0:1] + dp_ref[1, :, 0:1]
    dis = jnp.where(deg > 0, lax.rsqrt(jnp.maximum(deg, 1e-12)), 0.0)
    xt_ref[...] = dis * feat_ref[...]
    dis_ref[...] = dis
    dis2_ref[...] = dis * dis


def _make_prep(interpret=False):
    return pl.pallas_call(
        _prep_body,
        grid=(_GRID,),
        in_specs=[_pair_spec(16), _row_spec()],
        out_specs=[_row_spec(), _row_spec(1), _row_spec(1)],
        out_shape=[
            jax.ShapeDtypeStruct((N, D), jnp.float32),
            jax.ShapeDtypeStruct((N, 1), jnp.float32),
            jax.ShapeDtypeStruct((N, 1), jnp.float32),
        ],
        interpret=interpret,
    )


def _scale1_body(p_ref, dis2_ref, a1_ref):
    a1_ref[...] = -dis2_ref[...] * (p_ref[0] + p_ref[1])


def _make_scale1(interpret=False):
    return pl.pallas_call(
        _scale1_body,
        grid=(_GRID,),
        in_specs=[_pair_spec(), _row_spec(1)],
        out_specs=_row_spec(),
        out_shape=jax.ShapeDtypeStruct((N, D), jnp.float32),
        interpret=interpret,
    )


def _scale2_body(p_ref, dis2_ref, a0_ref, a2_ref):
    a2_ref[...] = -2.0 * dis2_ref[...] * (p_ref[0] + p_ref[1]) - a0_ref[...]


def _make_scale2(interpret=False):
    return pl.pallas_call(
        _scale2_body,
        grid=(_GRID,),
        in_specs=[_pair_spec(), _row_spec(1), _row_spec()],
        out_specs=_row_spec(),
        out_shape=jax.ShapeDtypeStruct((N, D), jnp.float32),
        interpret=interpret,
    )


def _mm_body(x_ref, p1_ref, p2_ref, p3_ref, dis_ref, wp_ref, b_ref,
             y_ref, stats_ref, acc_ref):
    i = pl.program_id(0)
    dis = dis_ref[...]
    x = x_ref[...]
    z1 = dis * (p1_ref[0] + p1_ref[1])
    z2 = dis * (p2_ref[0] + p2_ref[1])
    z3 = dis * (p3_ref[0] + p3_ref[1])
    y = jnp.dot(x, wp_ref[0], preferred_element_type=jnp.float32)
    y += jnp.dot(z1, wp_ref[1], preferred_element_type=jnp.float32)
    y += jnp.dot(z2, wp_ref[2], preferred_element_type=jnp.float32)
    y += jnp.dot(z3, wp_ref[3], preferred_element_type=jnp.float32)
    y += b_ref[...]
    y_ref[...] = y

    @pl.when(i == 0)
    def _():
        acc_ref[...] = jnp.zeros_like(acc_ref)

    acc_ref[0:1, :] += jnp.sum(y, axis=0, keepdims=True)
    acc_ref[1:2, :] += jnp.sum(y * y, axis=0, keepdims=True)

    @pl.when(i == _GRID - 1)
    def _():
        stats_ref[...] = acc_ref[...]


def _make_mm(interpret=False):
    return pl.pallas_call(
        _mm_body,
        grid=(_GRID,),
        in_specs=[_row_spec(), _pair_spec(), _pair_spec(), _pair_spec(),
                  _row_spec(1), _full_spec((4, D, D)), _full_spec((1, D))],
        out_specs=[_row_spec(), _full_spec((2, D))],
        out_shape=[
            jax.ShapeDtypeStruct((N, D), jnp.float32),
            jax.ShapeDtypeStruct((2, D), jnp.float32),
        ],
        scratch_shapes=[pltpu.VMEM((2, D), jnp.float32)],
        interpret=interpret,
    )


def _gn(y, stats, w, b, ms):
    mean = stats[0:1, :] * (1.0 / N)
    ey2 = stats[1:2, :] * (1.0 / N)
    var = ey2 - (2.0 * ms - ms * ms) * mean * mean
    return w * (y - ms * mean) * lax.rsqrt(var + 1e-5) + b


def _norm_body(y_ref, stats_ref, w_ref, b_ref, ms_ref, dis_ref,
               xn_ref, a0_ref):
    v = _gn(y_ref[...], stats_ref[...], w_ref[...], b_ref[...], ms_ref[...])
    v = jnp.where(v > 0, v, 0.1 * v)
    xn_ref[...] = v
    a0_ref[...] = dis_ref[...] * v


def _make_norm(interpret=False):
    return pl.pallas_call(
        _norm_body,
        grid=(_GRID,),
        in_specs=[_row_spec(), _full_spec((2, D)), _full_spec((1, D)),
                  _full_spec((1, D)), _full_spec((1, D)), _row_spec(1)],
        out_specs=[_row_spec(), _row_spec()],
        out_shape=[
            jax.ShapeDtypeStruct((N, D), jnp.float32),
            jax.ShapeDtypeStruct((N, D), jnp.float32),
        ],
        interpret=interpret,
    )


def _norm3_body(y_ref, stats_ref, w_ref, b_ref, ms_ref, feat_ref,
                psum_ref, acc_ref):
    i = pl.program_id(0)
    v = _gn(y_ref[...], stats_ref[...], w_ref[...], b_ref[...], ms_ref[...])
    f = jnp.maximum(feat_ref[...] + v, 0.0)

    @pl.when(i == 0)
    def _():
        acc_ref[...] = jnp.zeros_like(acc_ref)

    acc_ref[...] += jnp.sum(f, axis=0, keepdims=True)

    @pl.when(i == _GRID - 1)
    def _():
        psum_ref[...] = acc_ref[...]


def _make_norm3(interpret=False):
    return pl.pallas_call(
        _norm3_body,
        grid=(_GRID,),
        in_specs=[_row_spec(), _full_spec((2, D)), _full_spec((1, D)),
                  _full_spec((1, D)), _full_spec((1, D)), _row_spec()],
        out_specs=_full_spec((1, D)),
        out_shape=jax.ShapeDtypeStruct((1, D), jnp.float32),
        scratch_shapes=[pltpu.VMEM((1, D), jnp.float32)],
        interpret=interpret,
    )


def _final_body(psum_ref, lw_ref, lb_ref, out_ref):
    pooled = psum_ref[...] * (1.0 / N)
    o = lax.dot_general(pooled, lw_ref[...], (((1,), (1,)), ((), ())),
                        preferred_element_type=jnp.float32)
    o = o + lb_ref[...]
    out_ref[...] = jnp.maximum(o, 0.0) + jnp.log(1.0 + jnp.exp(-jnp.abs(o)))


def _make_final(interpret=False):
    return pl.pallas_call(
        _final_body,
        in_specs=[pl.BlockSpec((1, D), lambda: (0, 0)),
                  pl.BlockSpec((OUT, D), lambda: (0, 0)),
                  pl.BlockSpec((1, OUT), lambda: (0, 0))],
        out_specs=pl.BlockSpec((1, OUT), lambda: (0, 0)),
        out_shape=jax.ShapeDtypeStruct((1, OUT), jnp.float32),
        interpret=interpret,
    )



def kernel(edge_index, feat, convW, convB, gnW, gnB, gnMS, linW, linB):
    src = edge_index[0].astype(jnp.int32)
    dst = edge_index[1].astype(jnp.int32)
    pad = EPAD - E
    nrows = EPAD // 128
    padi = jnp.arange(pad, dtype=jnp.int32)
    pad_src = padi % jnp.int32(N)
    pad_dst = jnp.int32(N) + padi % jnp.int32(NP - N)
    srcg = jnp.concatenate([src, pad_src]).reshape(nrows, 128)
    dsts = jnp.concatenate([dst, pad_dst]).reshape(nrows, 128)
    srcd = jnp.concatenate([src, pad_dst]).reshape(nrows, 128)
    zeros = jnp.zeros((NP, D), jnp.float32)
    zeros16 = jnp.zeros((NP, 16), jnp.float32)
    ones16 = jnp.ones((128, 16), jnp.float32)

    convW = convW.astype(jnp.float32)
    Wp = jnp.stack([
        convW[:, 0] - convW[:, 2],
        convW[:, 3] - convW[:, 1],
        -2.0 * convW[:, 2],
        -2.0 * convW[:, 3],
    ], axis=1)

    _sc_prop, _sc_deg = _make_sc_kernels()
    prep = _make_prep()
    scale1 = _make_scale1()
    scale2 = _make_scale2()
    mm = _make_mm()
    norm = _make_norm()
    norm3 = _make_norm3()
    final = _make_final()

    dp = _sc_deg(srcd, zeros16, ones16).reshape(2, NP, 16)
    xt0, dis, dis2 = prep(dp, feat)

    x = feat
    a0 = xt0
    for i in range(L):
        p1 = _sc_prop(a0, srcg, dsts, zeros).reshape(2, NP, D)
        a1 = scale1(p1, dis2)
        p2 = _sc_prop(a1, srcg, dsts, zeros).reshape(2, NP, D)
        a2 = scale2(p2, dis2, a0)
        p3 = _sc_prop(a2, srcg, dsts, zeros).reshape(2, NP, D)
        y, stats = mm(x, p1, p2, p3, dis, Wp[i],
                      convB[i].reshape(1, D))
        if i < L - 1:
            x, a0 = norm(y, stats, gnW[i].reshape(1, D), gnB[i].reshape(1, D),
                         gnMS[i].reshape(1, D), dis)
        else:
            psum = norm3(y, stats, gnW[i].reshape(1, D), gnB[i].reshape(1, D),
                         gnMS[i].reshape(1, D), feat)
    out = final(psum, linW, linB.reshape(1, OUT))
    return out[0]

# --- scband reference (transcript-rebuilt; emitter-appended) ---
"""Pipeline reference for scband-cheb-gcn1-63024350101692 (READ-ONLY COPY).

The authoritative reference and input builder live on the scoring server;
editing this copy changes nothing except your own understanding.
"""

import jax, jax.numpy as jnp
import numpy as np

N = 10000
E = 320000
D = 128
OUT = 10
K = 4
L = 4  # number of ChebConv layers (3 hidden + final)


def setup_inputs(seed: int = 0) -> dict:
    key = jax.random.key(seed)
    ks = jax.random.split(key, 6)
    edge_index = jax.random.randint(ks[0], (2, E), 0, N)
    feat = jax.random.normal(ks[1], (N, D), dtype=jnp.float32)
    # ChebConv weights: [layer, K, in, out]; all dims 128 here
    convW = jax.random.normal(ks[2], (L, K, D, D), dtype=jnp.float32) * 0.05
    convB = jnp.zeros((L, D), dtype=jnp.float32)
    # GraphNorm params: weight, bias, mean_scale per layer
    gnW = jnp.ones((L, D), dtype=jnp.float32)
    gnB = jnp.zeros((L, D), dtype=jnp.float32)
    gnMS = jnp.ones((L, D), dtype=jnp.float32)
    # final linear
    linW = jax.random.normal(ks[3], (OUT, D), dtype=jnp.float32) * 0.05
    linB = jnp.zeros((OUT,), dtype=jnp.float32)
    return {"edge_index": edge_index, "feat": feat, "convW": convW, "convB": convB,
            "gnW": gnW, "gnB": gnB, "gnMS": gnMS, "linW": linW, "linB": linB}


def _prop(x, src, dst, w, n):
    # one application of scaled Laplacian L_hat = -D^{-1/2} A D^{-1/2} (lambda_max=2)
    return jax.ops.segment_sum(w[:, None] * x[src], dst, num_segments=n)


def _cheb_conv(x, src, dst, w, Ws, b):
    n = x.shape[0]
    Tx0 = x
    out = Tx0 @ Ws[0]
    Tx1 = _prop(Tx0, src, dst, w, n)
    out = out + Tx1 @ Ws[1]
    Tx2 = 2.0 * _prop(Tx1, src, dst, w, n) - Tx0
    out = out + Tx2 @ Ws[2]
    Tx3 = 2.0 * _prop(Tx2, src, dst, w, n) - Tx1
    out = out + Tx3 @ Ws[3]
    return out + b


def _graph_norm(x, w, b, ms, eps=1e-5):
    # PyG GraphNorm with a single graph (batch=None)
    mean = jnp.mean(x, axis=0, keepdims=True)
    xc = x - ms * mean
    var = jnp.mean(xc * xc, axis=0, keepdims=True)
    return w * xc / jnp.sqrt(var + eps) + b


def reference(edge_index, feat, convW, convB, gnW, gnB, gnMS, linW, linB):
    src = edge_index[0]
    dst = edge_index[1]
    n = feat.shape[0]
    deg = jax.ops.segment_sum(jnp.ones((src.shape[0],), dtype=feat.dtype), src, num_segments=n)
    dis = jnp.where(deg > 0, jax.lax.rsqrt(jnp.maximum(deg, 1e-12)), 0.0)
    w = -dis[src] * dis[dst]

    feat1 = feat
    for i in range(3):
        feat1 = _cheb_conv(feat1, src, dst, w, convW[i], convB[i])
        feat1 = _graph_norm(feat1, gnW[i], gnB[i], gnMS[i])
        feat1 = jnp.where(feat1 > 0, feat1, 0.1 * feat1)  # leaky_relu(0.1)
    feat1 = _cheb_conv(feat1, src, dst, w, convW[3], convB[3])
    feat1 = feat + _graph_norm(feat1, gnW[3], gnB[3], gnMS[3])
    feat1 = jax.nn.relu(feat1)
    pooled = jnp.mean(feat1, axis=0)  # global_mean_pool with single graph, squeezed
    out = pooled @ linW.T + linB
    return jax.nn.softplus(out)

if __name__ == "__main__":
    import jax
    _d = setup_inputs()
    print(jax.jit(kernel)(*tuple(_d.values())))

</pallas_src>

<mosaic_0001>
#map = affine_map<(d0, d1) -> (0, 0)>
module attributes {stable_mosaic.version = 14 : i64} {
  func.func @_sc_prop(%arg0: i32, %arg1: i32, %arg2: memref<10000x128xf32, #tpu.memory_space<hbm>>, %arg3: memref<2560x128xi32, #tpu.memory_space<hbm>>, %arg4: memref<2560x128xi32, #tpu.memory_space<hbm>>, %arg5: memref<10112x128xf32, #tpu.memory_space<hbm>>, %arg6: memref<20224x128xf32, #tpu.memory_space<hbm>>, %arg7: memref<128xi32, #tpu.memory_space<vmem>>, %arg8: memref<128xi32, #tpu.memory_space<vmem>>, %arg9: memref<128x128xf32, #tpu.memory_space<vmem>>, %arg10: memref<10112x128xf32, #tpu.memory_space<vmem_shared>>, %arg11: memref<!tpu.dma_semaphore, #tpu.memory_space<semaphore_mem>>) attributes {dimension_semantics = [#tpu.dimension_semantics<core_parallel>, #tpu.dimension_semantics<subcore_parallel>], iteration_bounds = array<i64: 2, 16>, scalar_prefetch = 0 : i64, scratch_operands = 5 : i64, tpu.core_type = #tpu.core_type<sc_vector_subcore>, window_params = [{transform_indices = #map}, {transform_indices = #map}, {transform_indices = #map}, {transform_indices = #map}, {transform_indices = #map}]} {
    %mul3A = arith.constant 16 : i32
    %mul3A_0 = arith.muli %arg0, %mul3A : i32
    %add3A = arith.addi %mul3A_0, %arg1 : i32
    %mul3A_1 = arith.constant 632 : i32
    %mul3A_2 = arith.muli %arg1, %mul3A_1 : i32
    "tpu.region"() ({
      %run_scoped3A = tpu.sem_alloc : memref<!tpu.dma_semaphore, #tpu.memory_space<semaphore_mem>>
      %dma_start3A = arith.constant 0 : i32
      %dma_start3A_12 = tpu.memref_slice %arg10[%mul3A_2, %dma_start3A] : memref<10112x128xf32, #tpu.memory_space<vmem_shared>> -> memref<632x128xf32, #tpu.memory_space<vmem_shared>>
      %dma_start3A_13 = arith.constant 0 : i32
      %dma_start3A_14 = tpu.memref_slice %arg5[%mul3A_2, %dma_start3A_13] : memref<10112x128xf32, #tpu.memory_space<hbm>> -> memref<632x128xf32, #tpu.memory_space<hbm>>
      tpu.enqueue_dma source(%dma_start3A_14 : memref<632x128xf32, #tpu.memory_space<hbm>>) target(%dma_start3A_12 : memref<632x128xf32, #tpu.memory_space<vmem_shared>>) target_semaphore(%run_scoped3A : memref<!tpu.dma_semaphore, #tpu.memory_space<semaphore_mem>>)
      %dma_wait3A = arith.constant 0 : i32
      %dma_wait3A_15 = tpu.memref_slice %arg10[%mul3A_2, %dma_wait3A] : memref<10112x128xf32, #tpu.memory_space<vmem_shared>> -> memref<632x128xf32, #tpu.memory_space<vmem_shared>>
      %dma_wait3A_16 = arith.constant 0 : i32
      %dma_wait3A_17 = tpu.memref_slice %arg5[%mul3A_2, %dma_wait3A_16] : memref<10112x128xf32, #tpu.memory_space<hbm>> -> memref<632x128xf32, #tpu.memory_space<hbm>>
      tpu.wait_dma2 semaphore(%run_scoped3A : memref<!tpu.dma_semaphore, #tpu.memory_space<semaphore_mem>>) src(%dma_wait3A_17 : memref<632x128xf32, #tpu.memory_space<hbm>>) dst(%dma_wait3A_15 : memref<632x128xf32, #tpu.memory_space<vmem_shared>>)
      tpu.yield
    }) : () -> ()
    %barrier3A = arith.constant 0 : index
    tpu.barrier barrier_id(%barrier3A)
    %scan3A = arith.constant 0 : i32
    %scan3A_3 = arith.constant 0 : i32
    %scan3A_4 = arith.constant 80 : i32
    %scan3A_5 = arith.addi %scan3A_3, %scan3A_4 : i32
    %scan3A_6 = arith.constant 1 : i32
    scf.for %scan3A_12 = %scan3A_3 to %scan3A_5 step %scan3A_6  : i32 {
      %mul3A_13 = arith.constant 80 : i32
      %mul3A_14 = arith.muli %add3A, %mul3A_13 : i32
      %add3A_15 = arith.addi %mul3A_14, %scan3A_12 : i32
      "tpu.region"() ({
        %run_scoped3A = tpu.sem_alloc : memref<!tpu.dma_semaphore, #tpu.memory_space<semaphore_mem>>
        %dma_start3A_20 = arith.constant 0 : i32
        %dma_start3A_21 = tpu.memref_slice %arg3[%add3A_15, %dma_start3A_20] : memref<2560x128xi32, #tpu.memory_space<hbm>> -> memref<1x128xi32, #tpu.memory_space<hbm>>
        %dma_start3A_22 = tpu.memref_squeeze %dma_start3A_21 : memref<1x128xi32, #tpu.memory_space<hbm>> -> memref<128xi32, #tpu.memory_space<hbm>>
        %dma_start3A_23 = arith.constant 0 : i32
        %dma_start3A_24 = tpu.memref_slice %arg3[%add3A_15, %dma_start3A_23] : memref<2560x128xi32, #tpu.memory_space<hbm>> -> memref<1x128xi32, #tpu.memory_space<hbm>>
        %dma_start3A_25 = tpu.memref_squeeze %dma_start3A_24 : memref<1x128xi32, #tpu.memory_space<hbm>> -> memref<128xi32, #tpu.memory_space<hbm>>
        tpu.enqueue_dma source(%dma_start3A_25 : memref<128xi32, #tpu.memory_space<hbm>>) target(%arg7 : memref<128xi32, #tpu.memory_space<vmem>>) target_semaphore(%run_scoped3A : memref<!tpu.dma_semaphore, #tpu.memory_space<semaphore_mem>>)
        %dma_wait3A_26 = arith.constant 0 : i32
        %dma_wait3A_27 = tpu.memref_slice %arg3[%add3A_15, %dma_wait3A_26] : memref<2560x128xi32, #tpu.memory_space<hbm>> -> memref<1x128xi32, #tpu.memory_space<hbm>>
        %dma_wait3A_28 = tpu.memref_squeeze %dma_wait3A_27 : memref<1x128xi32, #tpu.memory_space<hbm>> -> memref<128xi32, #tpu.memory_space<hbm>>
        %dma_wait3A_29 = arith.constant 0 : i32
        %dma_wait3A_30 = tpu.memref_slice %arg3[%add3A_15, %dma_wait3A_29] : memref<2560x128xi32, #tpu.memory_space<hbm>> -> memref<1x128xi32, #tpu.memory_space<hbm>>
        %dma_wait3A_31 = tpu.memref_squeeze %dma_wait3A_30 : memref<1x128xi32, #tpu.memory_space<hbm>> -> memref<128xi32, #tpu.memory_space<hbm>>
        tpu.wait_dma2 semaphore(%run_scoped3A : memref<!tpu.dma_semaphore, #tpu.memory_space<semaphore_mem>>) src(%dma_wait3A_31 : memref<128xi32, #tpu.memory_space<hbm>>) dst(%arg7 : memref<128xi32, #tpu.memory_space<vmem>>)
        tpu.yield
      }) : () -> ()
      "tpu.region"() ({
        %run_scoped3A = tpu.sem_alloc : memref<!tpu.dma_semaphore, #tpu.memory_space<semaphore_mem>>
        %dma_start3A_20 = arith.constant 0 : i32
        %dma_start3A_21 = tpu.memref_slice %arg4[%add3A_15, %dma_start3A_20] : memref<2560x128xi32, #tpu.memory_space<hbm>> -> memref<1x128xi32, #tpu.memory_space<hbm>>
        %dma_start3A_22 = tpu.memref_squeeze %dma_start3A_21 : memref<1x128xi32, #tpu.memory_space<hbm>> -> memref<128xi32, #tpu.memory_space<hbm>>
        %dma_start3A_23 = arith.constant 0 : i32
        %dma_start3A_24 = tpu.memref_slice %arg4[%add3A_15, %dma_start3A_23] : memref<2560x128xi32, #tpu.memory_space<hbm>> -> memref<1x128xi32, #tpu.memory_space<hbm>>
        %dma_start3A_25 = tpu.memref_squeeze %dma_start3A_24 : memref<1x128xi32, #tpu.memory_space<hbm>> -> memref<128xi32, #tpu.memory_space<hbm>>
        tpu.enqueue_dma source(%dma_start3A_25 : memref<128xi32, #tpu.memory_space<hbm>>) target(%arg8 : memref<128xi32, #tpu.memory_space<vmem>>) target_semaphore(%run_scoped3A : memref<!tpu.dma_semaphore, #tpu.memory_space<semaphore_mem>>)
        %dma_wait3A_26 = arith.constant 0 : i32
        %dma_wait3A_27 = tpu.memref_slice %arg4[%add3A_15, %dma_wait3A_26] : memref<2560x128xi32, #tpu.memory_space<hbm>> -> memref<1x128xi32, #tpu.memory_space<hbm>>
        %dma_wait3A_28 = tpu.memref_squeeze %dma_wait3A_27 : memref<1x128xi32, #tpu.memory_space<hbm>> -> memref<128xi32, #tpu.memory_space<hbm>>
        %dma_wait3A_29 = arith.constant 0 : i32
        %dma_wait3A_30 = tpu.memref_slice %arg4[%add3A_15, %dma_wait3A_29] : memref<2560x128xi32, #tpu.memory_space<hbm>> -> memref<1x128xi32, #tpu.memory_space<hbm>>
        %dma_wait3A_31 = tpu.memref_squeeze %dma_wait3A_30 : memref<1x128xi32, #tpu.memory_space<hbm>> -> memref<128xi32, #tpu.memory_space<hbm>>
        tpu.wait_dma2 semaphore(%run_scoped3A : memref<!tpu.dma_semaphore, #tpu.memory_space<semaphore_mem>>) src(%dma_wait3A_31 : memref<128xi32, #tpu.memory_space<hbm>>) dst(%arg8 : memref<128xi32, #tpu.memory_space<vmem>>)
        tpu.yield
      }) : () -> ()
      %dma_start3A = arith.constant 0 : i32
      %dma_start3A_16 = arith.constant 0 : i32
      %dma_start3A_17 = tpu.memref_slice %arg2[%dma_start3A, %dma_start3A_16] : memref<10000x128xf32, #tpu.memory_space<hbm>> -> memref<10000x128xf32, #tpu.memory_space<hbm>>
      tpu.enqueue_indirect_dma source(%dma_start3A_17 : memref<10000x128xf32, #tpu.memory_space<hbm>>) target(%arg9 : memref<128x128xf32, #tpu.memory_space<vmem>>) offsets(%arg7 : memref<128xi32, #tpu.memory_space<vmem>>) semaphore(%arg11 : memref<!tpu.dma_semaphore, #tpu.memory_space<semaphore_mem>>)
      %dma_wait3A = arith.constant 0 : i32
      %dma_wait3A_18 = arith.constant 0 : i32
      %dma_wait3A_19 = tpu.memref_slice %arg2[%dma_wait3A, %dma_wait3A_18] : memref<10000x128xf32, #tpu.memory_space<hbm>> -> memref<10000x128xf32, #tpu.memory_space<hbm>>
      tpu.wait_indirect_dma semaphore(%arg11 : memref<!tpu.dma_semaphore, #tpu.memory_space<semaphore_mem>>) src(%dma_wait3A_19 : memref<10000x128xf32, #tpu.memory_space<hbm>>) dst(%arg9 : memref<128x128xf32, #tpu.memory_space<vmem>>)
      "tpu.region"() ({
        %run_scoped3A = tpu.sem_alloc : memref<!tpu.dma_semaphore, #tpu.memory_space<semaphore_mem>>
        %dma_start3A_20 = arith.constant 0 : i32
        %dma_start3A_21 = arith.constant 0 : i32
        %dma_start3A_22 = tpu.memref_slice %arg10[%dma_start3A_20, %dma_start3A_21] : memref<10112x128xf32, #tpu.memory_space<vmem_shared>> -> memref<10112x128xf32, #tpu.memory_space<vmem_shared>>
        tpu.enqueue_indirect_dma source(%arg9 : memref<128x128xf32, #tpu.memory_space<vmem>>) target(%dma_start3A_22 : memref<10112x128xf32, #tpu.memory_space<vmem_shared>>) offsets(%arg8 : memref<128xi32, #tpu.memory_space<vmem>>) semaphore(%run_scoped3A : memref<!tpu.dma_semaphore, #tpu.memory_space<semaphore_mem>>) {add = true}
        %dma_wait3A_23 = arith.constant 0 : i32
        %dma_wait3A_24 = arith.constant 0 : i32
        %dma_wait3A_25 = tpu.memref_slice %arg10[%dma_wait3A_23, %dma_wait3A_24] : memref<10112x128xf32, #tpu.memory_space<vmem_shared>> -> memref<10112x128xf32, #tpu.memory_space<vmem_shared>>
        tpu.wait_indirect_dma semaphore(%run_scoped3A : memref<!tpu.dma_semaphore, #tpu.memory_space<semaphore_mem>>) src(%arg9 : memref<128x128xf32, #tpu.memory_space<vmem>>) dst(%dma_wait3A_25 : memref<10112x128xf32, #tpu.memory_space<vmem_shared>>)
        tpu.yield
      }) : () -> ()
    }
    %scan3A_7 = arith.constant 80 : i32
    %barrier3A_8 = arith.constant 0 : index
    tpu.barrier barrier_id(%barrier3A_8)
    %mul3A_9 = arith.constant 10112 : i32
    %mul3A_10 = arith.muli %arg0, %mul3A_9 : i32
    %add3A_11 = arith.addi %mul3A_10, %mul3A_2 : i32
    "tpu.region"() ({
      %run_scoped3A = tpu.sem_alloc : memref<!tpu.dma_semaphore, #tpu.memory_space<semaphore_mem>>
      %dma_start3A = arith.constant 0 : i32
      %dma_start3A_12 = tpu.memref_slice %arg6[%add3A_11, %dma_start3A] : memref<20224x128xf32, #tpu.memory_space<hbm>> -> memref<632x128xf32, #tpu.memory_space<hbm>>
      %dma_start3A_13 = arith.constant 0 : i32
      %dma_start3A_14 = tpu.memref_slice %arg10[%mul3A_2, %dma_start3A_13] : memref<10112x128xf32, #tpu.memory_space<vmem_shared>> -> memref<632x128xf32, #tpu.memory_space<vmem_shared>>
      tpu.enqueue_dma source(%dma_start3A_14 : memref<632x128xf32, #tpu.memory_space<vmem_shared>>) target(%dma_start3A_12 : memref<632x128xf32, #tpu.memory_space<hbm>>) target_semaphore(%run_scoped3A : memref<!tpu.dma_semaphore, #tpu.memory_space<semaphore_mem>>)
      %dma_wait3A = arith.constant 0 : i32
      %dma_wait3A_15 = tpu.memref_slice %arg6[%add3A_11, %dma_wait3A] : memref<20224x128xf32, #tpu.memory_space<hbm>> -> memref<632x128xf32, #tpu.memory_space<hbm>>
      %dma_wait3A_16 = arith.constant 0 : i32
      %dma_wait3A_17 = tpu.memref_slice %arg10[%mul3A_2, %dma_wait3A_16] : memref<10112x128xf32, #tpu.memory_space<vmem_shared>> -> memref<632x128xf32, #tpu.memory_space<vmem_shared>>
      tpu.wait_dma2 semaphore(%run_scoped3A : memref<!tpu.dma_semaphore, #tpu.memory_space<semaphore_mem>>) src(%dma_wait3A_17 : memref<632x128xf32, #tpu.memory_space<vmem_shared>>) dst(%dma_wait3A_15 : memref<632x128xf32, #tpu.memory_space<hbm>>)
      tpu.yield
    }) : () -> ()
    return
  }
}

#map = affine_map<(d0, d1) -> (0, 0)>
module attributes {stable_mosaic.version = 14 : i64} {
  func.func @_sc_deg(%arg0: i32, %arg1: i32, %arg2: memref<2560x128xi32, #tpu.memory_space<hbm>>, %arg3: memref<10112x16xf32, #tpu.memory_space<hbm>>, %arg4: memref<128x16xf32, #tpu.memory_space<hbm>>, %arg5: memref<20224x16xf32, #tpu.memory_space<hbm>>, %arg6: memref<128xi32, #tpu.memory_space<vmem>>, %arg7: memref<128x16xf32, #tpu.memory_space<vmem>>, %arg8: memref<10112x16xf32, #tpu.memory_space<vmem_shared>>) attributes {dimension_semantics = [#tpu.dimension_semantics<core_parallel>, #tpu.dimension_semantics<subcore_parallel>], iteration_bounds = array<i64: 2, 16>, scalar_prefetch = 0 : i64, scratch_operands = 3 : i64, tpu.core_type = #tpu.core_type<sc_vector_subcore>, window_params = [{transform_indices = #map}, {transform_indices = #map}, {transform_indices = #map}, {transform_indices = #map}]} {
    %mul3A = arith.constant 16 : i32
    %mul3A_0 = arith.muli %arg0, %mul3A : i32
    %add3A = arith.addi %mul3A_0, %arg1 : i32
    %mul3A_1 = arith.constant 632 : i32
    %mul3A_2 = arith.muli %arg1, %mul3A_1 : i32
    "tpu.region"() ({
      %run_scoped3A = tpu.sem_alloc : memref<!tpu.dma_semaphore, #tpu.memory_space<semaphore_mem>>
      tpu.enqueue_dma source(%arg4 : memref<128x16xf32, #tpu.memory_space<hbm>>) target(%arg7 : memref<128x16xf32, #tpu.memory_space<vmem>>) target_semaphore(%run_scoped3A : memref<!tpu.dma_semaphore, #tpu.memory_space<semaphore_mem>>)
      tpu.wait_dma2 semaphore(%run_scoped3A : memref<!tpu.dma_semaphore, #tpu.memory_space<semaphore_mem>>) src(%arg4 : memref<128x16xf32, #tpu.memory_space<hbm>>) dst(%arg7 : memref<128x16xf32, #tpu.memory_space<vmem>>)
      tpu.yield
    }) : () -> ()
    "tpu.region"() ({
      %run_scoped3A = tpu.sem_alloc : memref<!tpu.dma_semaphore, #tpu.memory_space<semaphore_mem>>
      %dma_start3A = arith.constant 0 : i32
      %dma_start3A_12 = tpu.memref_slice %arg8[%mul3A_2, %dma_start3A] : memref<10112x16xf32, #tpu.memory_space<vmem_shared>> -> memref<632x16xf32, #tpu.memory_space<vmem_shared>>
      %dma_start3A_13 = arith.constant 0 : i32
      %dma_start3A_14 = tpu.memref_slice %arg3[%mul3A_2, %dma_start3A_13] : memref<10112x16xf32, #tpu.memory_space<hbm>> -> memref<632x16xf32, #tpu.memory_space<hbm>>
      tpu.enqueue_dma source(%dma_start3A_14 : memref<632x16xf32, #tpu.memory_space<hbm>>) target(%dma_start3A_12 : memref<632x16xf32, #tpu.memory_space<vmem_shared>>) target_semaphore(%run_scoped3A : memref<!tpu.dma_semaphore, #tpu.memory_space<semaphore_mem>>)
      %dma_wait3A = arith.constant 0 : i32
      %dma_wait3A_15 = tpu.memref_slice %arg8[%mul3A_2, %dma_wait3A] : memref<10112x16xf32, #tpu.memory_space<vmem_shared>> -> memref<632x16xf32, #tpu.memory_space<vmem_shared>>
      %dma_wait3A_16 = arith.constant 0 : i32
      %dma_wait3A_17 = tpu.memref_slice %arg3[%mul3A_2, %dma_wait3A_16] : memref<10112x16xf32, #tpu.memory_space<hbm>> -> memref<632x16xf32, #tpu.memory_space<hbm>>
      tpu.wait_dma2 semaphore(%run_scoped3A : memref<!tpu.dma_semaphore, #tpu.memory_space<semaphore_mem>>) src(%dma_wait3A_17 : memref<632x16xf32, #tpu.memory_space<hbm>>) dst(%dma_wait3A_15 : memref<632x16xf32, #tpu.memory_space<vmem_shared>>)
      tpu.yield
    }) : () -> ()
    %barrier3A = arith.constant 0 : index
    tpu.barrier barrier_id(%barrier3A)
    %scan3A = arith.constant 0 : i32
    %scan3A_3 = arith.constant 0 : i32
    %scan3A_4 = arith.constant 80 : i32
    %scan3A_5 = arith.addi %scan3A_3, %scan3A_4 : i32
    %scan3A_6 = arith.constant 1 : i32
    scf.for %scan3A_12 = %scan3A_3 to %scan3A_5 step %scan3A_6  : i32 {
      %mul3A_13 = arith.constant 80 : i32
      %mul3A_14 = arith.muli %add3A, %mul3A_13 : i32
      %add3A_15 = arith.addi %mul3A_14, %scan3A_12 : i32
      "tpu.region"() ({
        %run_scoped3A = tpu.sem_alloc : memref<!tpu.dma_semaphore, #tpu.memory_space<semaphore_mem>>
        %dma_start3A = arith.constant 0 : i32
        %dma_start3A_16 = tpu.memref_slice %arg2[%add3A_15, %dma_start3A] : memref<2560x128xi32, #tpu.memory_space<hbm>> -> memref<1x128xi32, #tpu.memory_space<hbm>>
        %dma_start3A_17 = tpu.memref_squeeze %dma_start3A_16 : memref<1x128xi32, #tpu.memory_space<hbm>> -> memref<128xi32, #tpu.memory_space<hbm>>
        %dma_start3A_18 = arith.constant 0 : i32
        %dma_start3A_19 = tpu.memref_slice %arg2[%add3A_15, %dma_start3A_18] : memref<2560x128xi32, #tpu.memory_space<hbm>> -> memref<1x128xi32, #tpu.memory_space<hbm>>
        %dma_start3A_20 = tpu.memref_squeeze %dma_start3A_19 : memref<1x128xi32, #tpu.memory_space<hbm>> -> memref<128xi32, #tpu.memory_space<hbm>>
        tpu.enqueue_dma source(%dma_start3A_20 : memref<128xi32, #tpu.memory_space<hbm>>) target(%arg6 : memref<128xi32, #tpu.memory_space<vmem>>) target_semaphore(%run_scoped3A : memref<!tpu.dma_semaphore, #tpu.memory_space<semaphore_mem>>)
        %dma_wait3A = arith.constant 0 : i32
        %dma_wait3A_21 = tpu.memref_slice %arg2[%add3A_15, %dma_wait3A] : memref<2560x128xi32, #tpu.memory_space<hbm>> -> memref<1x128xi32, #tpu.memory_space<hbm>>
        %dma_wait3A_22 = tpu.memref_squeeze %dma_wait3A_21 : memref<1x128xi32, #tpu.memory_space<hbm>> -> memref<128xi32, #tpu.memory_space<hbm>>
        %dma_wait3A_23 = arith.constant 0 : i32
        %dma_wait3A_24 = tpu.memref_slice %arg2[%add3A_15, %dma_wait3A_23] : memref<2560x128xi32, #tpu.memory_space<hbm>> -> memref<1x128xi32, #tpu.memory_space<hbm>>
        %dma_wait3A_25 = tpu.memref_squeeze %dma_wait3A_24 : memref<1x128xi32, #tpu.memory_space<hbm>> -> memref<128xi32, #tpu.memory_space<hbm>>
        tpu.wait_dma2 semaphore(%run_scoped3A : memref<!tpu.dma_semaphore, #tpu.memory_space<semaphore_mem>>) src(%dma_wait3A_25 : memref<128xi32, #tpu.memory_space<hbm>>) dst(%arg6 : memref<128xi32, #tpu.memory_space<vmem>>)
        tpu.yield
      }) : () -> ()
      "tpu.region"() ({
        %run_scoped3A = tpu.sem_alloc : memref<!tpu.dma_semaphore, #tpu.memory_space<semaphore_mem>>
        %dma_start3A = arith.constant 0 : i32
        %dma_start3A_16 = arith.constant 0 : i32
        %dma_start3A_17 = tpu.memref_slice %arg8[%dma_start3A, %dma_start3A_16] : memref<10112x16xf32, #tpu.memory_space<vmem_shared>> -> memref<10112x16xf32, #tpu.memory_space<vmem_shared>>
        tpu.enqueue_indirect_dma source(%arg7 : memref<128x16xf32, #tpu.memory_space<vmem>>) target(%dma_start3A_17 : memref<10112x16xf32, #tpu.memory_space<vmem_shared>>) offsets(%arg6 : memref<128xi32, #tpu.memory_space<vmem>>) semaphore(%run_scoped3A : memref<!tpu.dma_semaphore, #tpu.memory_space<semaphore_mem>>) {add = true}
        %dma_wait3A = arith.constant 0 : i32
        %dma_wait3A_18 = arith.constant 0 : i32
        %dma_wait3A_19 = tpu.memref_slice %arg8[%dma_wait3A, %dma_wait3A_18] : memref<10112x16xf32, #tpu.memory_space<vmem_shared>> -> memref<10112x16xf32, #tpu.memory_space<vmem_shared>>
        tpu.wait_indirect_dma semaphore(%run_scoped3A : memref<!tpu.dma_semaphore, #tpu.memory_space<semaphore_mem>>) src(%arg7 : memref<128x16xf32, #tpu.memory_space<vmem>>) dst(%dma_wait3A_19 : memref<10112x16xf32, #tpu.memory_space<vmem_shared>>)
        tpu.yield
      }) : () -> ()
    }
    %scan3A_7 = arith.constant 80 : i32
    %barrier3A_8 = arith.constant 0 : index
    tpu.barrier barrier_id(%barrier3A_8)
    %mul3A_9 = arith.constant 10112 : i32
    %mul3A_10 = arith.muli %arg0, %mul3A_9 : i32
    %add3A_11 = arith.addi %mul3A_10, %mul3A_2 : i32
    "tpu.region"() ({
      %run_scoped3A = tpu.sem_alloc : memref<!tpu.dma_semaphore, #tpu.memory_space<semaphore_mem>>
      %dma_start3A = arith.constant 0 : i32
      %dma_start3A_12 = tpu.memref_slice %arg5[%add3A_11, %dma_start3A] : memref<20224x16xf32, #tpu.memory_space<hbm>> -> memref<632x16xf32, #tpu.memory_space<hbm>>
      %dma_start3A_13 = arith.constant 0 : i32
      %dma_start3A_14 = tpu.memref_slice %arg8[%mul3A_2, %dma_start3A_13] : memref<10112x16xf32, #tpu.memory_space<vmem_shared>> -> memref<632x16xf32, #tpu.memory_space<vmem_shared>>
      tpu.enqueue_dma source(%dma_start3A_14 : memref<632x16xf32, #tpu.memory_space<vmem_shared>>) target(%dma_start3A_12 : memref<632x16xf32, #tpu.memory_space<hbm>>) target_semaphore(%run_scoped3A : memref<!tpu.dma_semaphore, #tpu.memory_space<semaphore_mem>>)
      %dma_wait3A = arith.constant 0 : i32
      %dma_wait3A_15 = tpu.memref_slice %arg5[%add3A_11, %dma_wait3A] : memref<20224x16xf32, #tpu.memory_space<hbm>> -> memref<632x16xf32, #tpu.memory_space<hbm>>
      %dma_wait3A_16 = arith.constant 0 : i32
      %dma_wait3A_17 = tpu.memref_slice %arg8[%mul3A_2, %dma_wait3A_16] : memref<10112x16xf32, #tpu.memory_space<vmem_shared>> -> memref<632x16xf32, #tpu.memory_space<vmem_shared>>
      tpu.wait_dma2 semaphore(%run_scoped3A : memref<!tpu.dma_semaphore, #tpu.memory_space<semaphore_mem>>) src(%dma_wait3A_17 : memref<632x16xf32, #tpu.memory_space<vmem_shared>>) dst(%dma_wait3A_15 : memref<632x16xf32, #tpu.memory_space<hbm>>)
      tpu.yield
    }) : () -> ()
    return
  }
}

#map = affine_map<(d0, d1) -> (0, 0)>
module attributes {stable_mosaic.version = 14 : i64} {
  func.func @_sc_prop(%arg0: i32, %arg1: i32, %arg2: memref<10000x128xf32, #tpu.memory_space<hbm>>, %arg3: memref<2560x128xi32, #tpu.memory_space<hbm>>, %arg4: memref<2560x128xi32, #tpu.memory_space<hbm>>, %arg5: memref<10112x128xf32, #tpu.memory_space<hbm>>, %arg6: memref<20224x128xf32, #tpu.memory_space<hbm>>, %arg7: memref<128xi32, #tpu.memory_space<vmem>>, %arg8: memref<128xi32, #tpu.memory_space<vmem>>, %arg9: memref<128x128xf32, #tpu.memory_space<vmem>>, %arg10: memref<10112x128xf32, #tpu.memory_space<vmem_shared>>, %arg11: memref<!tpu.dma_semaphore, #tpu.memory_space<semaphore_mem>>) attributes {dimension_semantics = [#tpu.dimension_semantics<core_parallel>, #tpu.dimension_semantics<subcore_parallel>], iteration_bounds = array<i64: 2, 16>, scalar_prefetch = 0 : i64, scratch_operands = 5 : i64, tpu.core_type = #tpu.core_type<sc_vector_subcore>, window_params = [{transform_indices = #map}, {transform_indices = #map}, {transform_indices = #map}, {transform_indices = #map}, {transform_indices = #map}]} {
    %mul3A = arith.constant 16 : i32
    %mul3A_0 = arith.muli %arg0, %mul3A : i32
    %add3A = arith.addi %mul3A_0, %arg1 : i32
    %mul3A_1 = arith.constant 632 : i32
    %mul3A_2 = arith.muli %arg1, %mul3A_1 : i32
    "tpu.region"() ({
      %run_scoped3A = tpu.sem_alloc : memref<!tpu.dma_semaphore, #tpu.memory_space<semaphore_mem>>
      %dma_start3A = arith.constant 0 : i32
      %dma_start3A_12 = tpu.memref_slice %arg10[%mul3A_2, %dma_start3A] : memref<10112x128xf32, #tpu.memory_space<vmem_shared>> -> memref<632x128xf32, #tpu.memory_space<vmem_shared>>
      %dma_start3A_13 = arith.constant 0 : i32
      %dma_start3A_14 = tpu.memref_slice %arg5[%mul3A_2, %dma_start3A_13] : memref<10112x128xf32, #tpu.memory_space<hbm>> -> memref<632x128xf32, #tpu.memory_space<hbm>>
      tpu.enqueue_dma source(%dma_start3A_14 : memref<632x128xf32, #tpu.memory_space<hbm>>) target(%dma_start3A_12 : memref<632x128xf32, #tpu.memory_space<vmem_shared>>) target_semaphore(%run_scoped3A : memref<!tpu.dma_semaphore, #tpu.memory_space<semaphore_mem>>)
      %dma_wait3A = arith.constant 0 : i32
      %dma_wait3A_15 = tpu.memref_slice %arg10[%mul3A_2, %dma_wait3A] : memref<10112x128xf32, #tpu.memory_space<vmem_shared>> -> memref<632x128xf32, #tpu.memory_space<vmem_shared>>
      %dma_wait3A_16 = arith.constant 0 : i32
      %dma_wait3A_17 = tpu.memref_slice %arg5[%mul3A_2, %dma_wait3A_16] : memref<10112x128xf32, #tpu.memory_space<hbm>> -> memref<632x128xf32, #tpu.memory_space<hbm>>
      tpu.wait_dma2 semaphore(%run_scoped3A : memref<!tpu.dma_semaphore, #tpu.memory_space<semaphore_mem>>) src(%dma_wait3A_17 : memref<632x128xf32, #tpu.memory_space<hbm>>) dst(%dma_wait3A_15 : memref<632x128xf32, #tpu.memory_space<vmem_shared>>)
      tpu.yield
    }) : () -> ()
    %barrier3A = arith.constant 0 : index
    tpu.barrier barrier_id(%barrier3A)
    %scan3A = arith.constant 0 : i32
    %scan3A_3 = arith.constant 0 : i32
    %scan3A_4 = arith.constant 80 : i32
    %scan3A_5 = arith.addi %scan3A_3, %scan3A_4 : i32
    %scan3A_6 = arith.constant 1 : i32
    scf.for %scan3A_12 = %scan3A_3 to %scan3A_5 step %scan3A_6  : i32 {
      %mul3A_13 = arith.constant 80 : i32
      %mul3A_14 = arith.muli %add3A, %mul3A_13 : i32
      %add3A_15 = arith.addi %mul3A_14, %scan3A_12 : i32
      "tpu.region"() ({
        %run_scoped3A = tpu.sem_alloc : memref<!tpu.dma_semaphore, #tpu.memory_space<semaphore_mem>>
        %dma_start3A_20 = arith.constant 0 : i32
        %dma_start3A_21 = tpu.memref_slice %arg3[%add3A_15, %dma_start3A_20] : memref<2560x128xi32, #tpu.memory_space<hbm>> -> memref<1x128xi32, #tpu.memory_space<hbm>>
        %dma_start3A_22 = tpu.memref_squeeze %dma_start3A_21 : memref<1x128xi32, #tpu.memory_space<hbm>> -> memref<128xi32, #tpu.memory_space<hbm>>
        %dma_start3A_23 = arith.constant 0 : i32
        %dma_start3A_24 = tpu.memref_slice %arg3[%add3A_15, %dma_start3A_23] : memref<2560x128xi32, #tpu.memory_space<hbm>> -> memref<1x128xi32, #tpu.memory_space<hbm>>
        %dma_start3A_25 = tpu.memref_squeeze %dma_start3A_24 : memref<1x128xi32, #tpu.memory_space<hbm>> -> memref<128xi32, #tpu.memory_space<hbm>>
        tpu.enqueue_dma source(%dma_start3A_25 : memref<128xi32, #tpu.memory_space<hbm>>) target(%arg7 : memref<128xi32, #tpu.memory_space<vmem>>) target_semaphore(%run_scoped3A : memref<!tpu.dma_semaphore, #tpu.memory_space<semaphore_mem>>)
        %dma_wait3A_26 = arith.constant 0 : i32
        %dma_wait3A_27 = tpu.memref_slice %arg3[%add3A_15, %dma_wait3A_26] : memref<2560x128xi32, #tpu.memory_space<hbm>> -> memref<1x128xi32, #tpu.memory_space<hbm>>
        %dma_wait3A_28 = tpu.memref_squeeze %dma_wait3A_27 : memref<1x128xi32, #tpu.memory_space<hbm>> -> memref<128xi32, #tpu.memory_space<hbm>>
        %dma_wait3A_29 = arith.constant 0 : i32
        %dma_wait3A_30 = tpu.memref_slice %arg3[%add3A_15, %dma_wait3A_29] : memref<2560x128xi32, #tpu.memory_space<hbm>> -> memref<1x128xi32, #tpu.memory_space<hbm>>
        %dma_wait3A_31 = tpu.memref_squeeze %dma_wait3A_30 : memref<1x128xi32, #tpu.memory_space<hbm>> -> memref<128xi32, #tpu.memory_space<hbm>>
        tpu.wait_dma2 semaphore(%run_scoped3A : memref<!tpu.dma_semaphore, #tpu.memory_space<semaphore_mem>>) src(%dma_wait3A_31 : memref<128xi32, #tpu.memory_space<hbm>>) dst(%arg7 : memref<128xi32, #tpu.memory_space<vmem>>)
        tpu.yield
      }) : () -> ()
      "tpu.region"() ({
        %run_scoped3A = tpu.sem_alloc : memref<!tpu.dma_semaphore, #tpu.memory_space<semaphore_mem>>
        %dma_start3A_20 = arith.constant 0 : i32
        %dma_start3A_21 = tpu.memref_slice %arg4[%add3A_15, %dma_start3A_20] : memref<2560x128xi32, #tpu.memory_space<hbm>> -> memref<1x128xi32, #tpu.memory_space<hbm>>
        %dma_start3A_22 = tpu.memref_squeeze %dma_start3A_21 : memref<1x128xi32, #tpu.memory_space<hbm>> -> memref<128xi32, #tpu.memory_space<hbm>>
        %dma_start3A_23 = arith.constant 0 : i32
        %dma_start3A_24 = tpu.memref_slice %arg4[%add3A_15, %dma_start3A_23] : memref<2560x128xi32, #tpu.memory_space<hbm>> -> memref<1x128xi32, #tpu.memory_space<hbm>>
        %dma_start3A_25 = tpu.memref_squeeze %dma_start3A_24 : memref<1x128xi32, #tpu.memory_space<hbm>> -> memref<128xi32, #tpu.memory_space<hbm>>
        tpu.enqueue_dma source(%dma_start3A_25 : memref<128xi32, #tpu.memory_space<hbm>>) target(%arg8 : memref<128xi32, #tpu.memory_space<vmem>>) target_semaphore(%run_scoped3A : memref<!tpu.dma_semaphore, #tpu.memory_space<semaphore_mem>>)
        %dma_wait3A_26 = arith.constant 0 : i32
        %dma_wait3A_27 = tpu.memref_slice %arg4[%add3A_15, %dma_wait3A_26] : memref<2560x128xi32, #tpu.memory_space<hbm>> -> memref<1x128xi32, #tpu.memory_space<hbm>>
        %dma_wait3A_28 = tpu.memref_squeeze %dma_wait3A_27 : memref<1x128xi32, #tpu.memory_space<hbm>> -> memref<128xi32, #tpu.memory_space<hbm>>
        %dma_wait3A_29 = arith.constant 0 : i32
        %dma_wait3A_30 = tpu.memref_slice %arg4[%add3A_15, %dma_wait3A_29] : memref<2560x128xi32, #tpu.memory_space<hbm>> -> memref<1x128xi32, #tpu.memory_space<hbm>>
        %dma_wait3A_31 = tpu.memref_squeeze %dma_wait3A_30 : memref<1x128xi32, #tpu.memory_space<hbm>> -> memref<128xi32, #tpu.memory_space<hbm>>
        tpu.wait_dma2 semaphore(%run_scoped3A : memref<!tpu.dma_semaphore, #tpu.memory_space<semaphore_mem>>) src(%dma_wait3A_31 : memref<128xi32, #tpu.memory_space<hbm>>) dst(%arg8 : memref<128xi32, #tpu.memory_space<vmem>>)
        tpu.yield
      }) : () -> ()
      %dma_start3A = arith.constant 0 : i32
      %dma_start3A_16 = arith.constant 0 : i32
      %dma_start3A_17 = tpu.memref_slice %arg2[%dma_start3A, %dma_start3A_16] : memref<10000x128xf32, #tpu.memory_space<hbm>> -> memref<10000x128xf32, #tpu.memory_space<hbm>>
      tpu.enqueue_indirect_dma source(%dma_start3A_17 : memref<10000x128xf32, #tpu.memory_space<hbm>>) target(%arg9 : memref<128x128xf32, #tpu.memory_space<vmem>>) offsets(%arg7 : memref<128xi32, #tpu.memory_space<vmem>>) semaphore(%arg11 : memref<!tpu.dma_semaphore, #tpu.memory_space<semaphore_mem>>)
      %dma_wait3A = arith.constant 0 : i32
      %dma_wait3A_18 = arith.constant 0 : i32
      %dma_wait3A_19 = tpu.memref_slice %arg2[%dma_wait3A, %dma_wait3A_18] : memref<10000x128xf32, #tpu.memory_space<hbm>> -> memref<10000x128xf32, #tpu.memory_space<hbm>>
      tpu.wait_indirect_dma semaphore(%arg11 : memref<!tpu.dma_semaphore, #tpu.memory_space<semaphore_mem>>) src(%dma_wait3A_19 : memref<10000x128xf32, #tpu.memory_space<hbm>>) dst(%arg9 : memref<128x128xf32, #tpu.memory_space<vmem>>)
      "tpu.region"() ({
        %run_scoped3A = tpu.sem_alloc : memref<!tpu.dma_semaphore, #tpu.memory_space<semaphore_mem>>
        %dma_start3A_20 = arith.constant 0 : i32
        %dma_start3A_21 = arith.constant 0 : i32
        %dma_start3A_22 = tpu.memref_slice %arg10[%dma_start3A_20, %dma_start3A_21] : memref<10112x128xf32, #tpu.memory_space<vmem_shared>> -> memref<10112x128xf32, #tpu.memory_space<vmem_shared>>
        tpu.enqueue_indirect_dma source(%arg9 : memref<128x128xf32, #tpu.memory_space<vmem>>) target(%dma_start3A_22 : memref<10112x128xf32, #tpu.memory_space<vmem_shared>>) offsets(%arg8 : memref<128xi32, #tpu.memory_space<vmem>>) semaphore(%run_scoped3A : memref<!tpu.dma_semaphore, #tpu.memory_space<semaphore_mem>>) {add = true}
        %dma_wait3A_23 = arith.constant 0 : i32
        %dma_wait3A_24 = arith.constant 0 : i32
        %dma_wait3A_25 = tpu.memref_slice %arg10[%dma_wait3A_23, %dma_wait3A_24] : memref<10112x128xf32, #tpu.memory_space<vmem_shared>> -> memref<10112x128xf32, #tpu.memory_space<vmem_shared>>
        tpu.wait_indirect_dma semaphore(%run_scoped3A : memref<!tpu.dma_semaphore, #tpu.memory_space<semaphore_mem>>) src(%arg9 : memref<128x128xf32, #tpu.memory_space<vmem>>) dst(%dma_wait3A_25 : memref<10112x128xf32, #tpu.memory_space<vmem_shared>>)
        tpu.yield
      }) : () -> ()
    }
    %scan3A_7 = arith.constant 80 : i32
    %barrier3A_8 = arith.constant 0 : index
    tpu.barrier barrier_id(%barrier3A_8)
    %mul3A_9 = arith.constant 10112 : i32
    %mul3A_10 = arith.muli %arg0, %mul3A_9 : i32
    %add3A_11 = arith.addi %mul3A_10, %mul3A_2 : i32
    "tpu.region"() ({
      %run_scoped3A = tpu.sem_alloc : memref<!tpu.dma_semaphore, #tpu.memory_space<semaphore_mem>>
      %dma_start3A = arith.constant 0 : i32
      %dma_start3A_12 = tpu.memref_slice %arg6[%add3A_11, %dma_start3A] : memref<20224x128xf32, #tpu.memory_space<hbm>> -> memref<632x128xf32, #tpu.memory_space<hbm>>
      %dma_start3A_13 = arith.constant 0 : i32
      %dma_start3A_14 = tpu.memref_slice %arg10[%mul3A_2, %dma_start3A_13] : memref<10112x128xf32, #tpu.memory_space<vmem_shared>> -> memref<632x128xf32, #tpu.memory_space<vmem_shared>>
      tpu.enqueue_dma source(%dma_start3A_14 : memref<632x128xf32, #tpu.memory_space<vmem_shared>>) target(%dma_start3A_12 : memref<632x128xf32, #tpu.memory_space<hbm>>) target_semaphore(%run_scoped3A : memref<!tpu.dma_semaphore, #tpu.memory_space<semaphore_mem>>)
      %dma_wait3A = arith.constant 0 : i32
      %dma_wait3A_15 = tpu.memref_slice %arg6[%add3A_11, %dma_wait3A] : memref<20224x128xf32, #tpu.memory_space<hbm>> -> memref<632x128xf32, #tpu.memory_space<hbm>>
      %dma_wait3A_16 = arith.constant 0 : i32
      %dma_wait3A_17 = tpu.memref_slice %arg10[%mul3A_2, %dma_wait3A_16] : memref<10112x128xf32, #tpu.memory_space<vmem_shared>> -> memref<632x128xf32, #tpu.memory_space<vmem_shared>>
      tpu.wait_dma2 semaphore(%run_scoped3A : memref<!tpu.dma_semaphore, #tpu.memory_space<semaphore_mem>>) src(%dma_wait3A_17 : memref<632x128xf32, #tpu.memory_space<vmem_shared>>) dst(%dma_wait3A_15 : memref<632x128xf32, #tpu.memory_space<hbm>>)
      tpu.yield
    }) : () -> ()
    return
  }
}

#map = affine_map<(d0, d1) -> (0, 0)>
module attributes {stable_mosaic.version = 14 : i64} {
  func.func @_sc_prop(%arg0: i32, %arg1: i32, %arg2: memref<10000x128xf32, #tpu.memory_space<hbm>>, %arg3: memref<2560x128xi32, #tpu.memory_space<hbm>>, %arg4: memref<2560x128xi32, #tpu.memory_space<hbm>>, %arg5: memref<10112x128xf32, #tpu.memory_space<hbm>>, %arg6: memref<20224x128xf32, #tpu.memory_space<hbm>>, %arg7: memref<128xi32, #tpu.memory_space<vmem>>, %arg8: memref<128xi32, #tpu.memory_space<vmem>>, %arg9: memref<128x128xf32, #tpu.memory_space<vmem>>, %arg10: memref<10112x128xf32, #tpu.memory_space<vmem_shared>>, %arg11: memref<!tpu.dma_semaphore, #tpu.memory_space<semaphore_mem>>) attributes {dimension_semantics = [#tpu.dimension_semantics<core_parallel>, #tpu.dimension_semantics<subcore_parallel>], iteration_bounds = array<i64: 2, 16>, scalar_prefetch = 0 : i64, scratch_operands = 5 : i64, tpu.core_type = #tpu.core_type<sc_vector_subcore>, window_params = [{transform_indices = #map}, {transform_indices = #map}, {transform_indices = #map}, {transform_indices = #map}, {transform_indices = #map}]} {
    %mul3A = arith.constant 16 : i32
    %mul3A_0 = arith.muli %arg0, %mul3A : i32
    %add3A = arith.addi %mul3A_0, %arg1 : i32
    %mul3A_1 = arith.constant 632 : i32
    %mul3A_2 = arith.muli %arg1, %mul3A_1 : i32
    "tpu.region"() ({
      %run_scoped3A = tpu.sem_alloc : memref<!tpu.dma_semaphore, #tpu.memory_space<semaphore_mem>>
      %dma_start3A = arith.constant 0 : i32
      %dma_start3A_12 = tpu.memref_slice %arg10[%mul3A_2, %dma_start3A] : memref<10112x128xf32, #tpu.memory_space<vmem_shared>> -> memref<632x128xf32, #tpu.memory_space<vmem_shared>>
      %dma_start3A_13 = arith.constant 0 : i32
      %dma_start3A_14 = tpu.memref_slice %arg5[%mul3A_2, %dma_start3A_13] : memref<10112x128xf32, #tpu.memory_space<hbm>> -> memref<632x128xf32, #tpu.memory_space<hbm>>
      tpu.enqueue_dma source(%dma_start3A_14 : memref<632x128xf32, #tpu.memory_space<hbm>>) target(%dma_start3A_12 : memref<632x128xf32, #tpu.memory_space<vmem_shared>>) target_semaphore(%run_scoped3A : memref<!tpu.dma_semaphore, #tpu.memory_space<semaphore_mem>>)
      %dma_wait3A = arith.constant 0 : i32
      %dma_wait3A_15 = tpu.memref_slice %arg10[%mul3A_2, %dma_wait3A] : memref<10112x128xf32, #tpu.memory_space<vmem_shared>> -> memref<632x128xf32, #tpu.memory_space<vmem_shared>>
      %dma_wait3A_16 = arith.constant 0 : i32
      %dma_wait3A_17 = tpu.memref_slice %arg5[%mul3A_2, %dma_wait3A_16] : memref<10112x128xf32, #tpu.memory_space<hbm>> -> memref<632x128xf32, #tpu.memory_space<hbm>>
      tpu.wait_dma2 semaphore(%run_scoped3A : memref<!tpu.dma_semaphore, #tpu.memory_space<semaphore_mem>>) src(%dma_wait3A_17 : memref<632x128xf32, #tpu.memory_space<hbm>>) dst(%dma_wait3A_15 : memref<632x128xf32, #tpu.memory_space<vmem_shared>>)
      tpu.yield
    }) : () -> ()
    %barrier3A = arith.constant 0 : index
    tpu.barrier barrier_id(%barrier3A)
    %scan3A = arith.constant 0 : i32
    %scan3A_3 = arith.constant 0 : i32
    %scan3A_4 = arith.constant 80 : i32
    %scan3A_5 = arith.addi %scan3A_3, %scan3A_4 : i32
    %scan3A_6 = arith.constant 1 : i32
    scf.for %scan3A_12 = %scan3A_3 to %scan3A_5 step %scan3A_6  : i32 {
      %mul3A_13 = arith.constant 80 : i32
      %mul3A_14 = arith.muli %add3A, %mul3A_13 : i32
      %add3A_15 = arith.addi %mul3A_14, %scan3A_12 : i32
      "tpu.region"() ({
        %run_scoped3A = tpu.sem_alloc : memref<!tpu.dma_semaphore, #tpu.memory_space<semaphore_mem>>
        %dma_start3A_20 = arith.constant 0 : i32
        %dma_start3A_21 = tpu.memref_slice %arg3[%add3A_15, %dma_start3A_20] : memref<2560x128xi32, #tpu.memory_space<hbm>> -> memref<1x128xi32, #tpu.memory_space<hbm>>
        %dma_start3A_22 = tpu.memref_squeeze %dma_start3A_21 : memref<1x128xi32, #tpu.memory_space<hbm>> -> memref<128xi32, #tpu.memory_space<hbm>>
        %dma_start3A_23 = arith.constant 0 : i32
        %dma_start3A_24 = tpu.memref_slice %arg3[%add3A_15, %dma_start3A_23] : memref<2560x128xi32, #tpu.memory_space<hbm>> -> memref<1x128xi32, #tpu.memory_space<hbm>>
        %dma_start3A_25 = tpu.memref_squeeze %dma_start3A_24 : memref<1x128xi32, #tpu.memory_space<hbm>> -> memref<128xi32, #tpu.memory_space<hbm>>
        tpu.enqueue_dma source(%dma_start3A_25 : memref<128xi32, #tpu.memory_space<hbm>>) target(%arg7 : memref<128xi32, #tpu.memory_space<vmem>>) target_semaphore(%run_scoped3A : memref<!tpu.dma_semaphore, #tpu.memory_space<semaphore_mem>>)
        %dma_wait3A_26 = arith.constant 0 : i32
        %dma_wait3A_27 = tpu.memref_slice %arg3[%add3A_15, %dma_wait3A_26] : memref<2560x128xi32, #tpu.memory_space<hbm>> -> memref<1x128xi32, #tpu.memory_space<hbm>>
        %dma_wait3A_28 = tpu.memref_squeeze %dma_wait3A_27 : memref<1x128xi32, #tpu.memory_space<hbm>> -> memref<128xi32, #tpu.memory_space<hbm>>
        %dma_wait3A_29 = arith.constant 0 : i32
        %dma_wait3A_30 = tpu.memref_slice %arg3[%add3A_15, %dma_wait3A_29] : memref<2560x128xi32, #tpu.memory_space<hbm>> -> memref<1x128xi32, #tpu.memory_space<hbm>>
        %dma_wait3A_31 = tpu.memref_squeeze %dma_wait3A_30 : memref<1x128xi32, #tpu.memory_space<hbm>> -> memref<128xi32, #tpu.memory_space<hbm>>
        tpu.wait_dma2 semaphore(%run_scoped3A : memref<!tpu.dma_semaphore, #tpu.memory_space<semaphore_mem>>) src(%dma_wait3A_31 : memref<128xi32, #tpu.memory_space<hbm>>) dst(%arg7 : memref<128xi32, #tpu.memory_space<vmem>>)
        tpu.yield
      }) : () -> ()
      "tpu.region"() ({
        %run_scoped3A = tpu.sem_alloc : memref<!tpu.dma_semaphore, #tpu.memory_space<semaphore_mem>>
        %dma_start3A_20 = arith.constant 0 : i32
        %dma_start3A_21 = tpu.memref_slice %arg4[%add3A_15, %dma_start3A_20] : memref<2560x128xi32, #tpu.memory_space<hbm>> -> memref<1x128xi32, #tpu.memory_space<hbm>>
        %dma_start3A_22 = tpu.memref_squeeze %dma_start3A_21 : memref<1x128xi32, #tpu.memory_space<hbm>> -> memref<128xi32, #tpu.memory_space<hbm>>
        %dma_start3A_23 = arith.constant 0 : i32
        %dma_start3A_24 = tpu.memref_slice %arg4[%add3A_15, %dma_start3A_23] : memref<2560x128xi32, #tpu.memory_space<hbm>> -> memref<1x128xi32, #tpu.memory_space<hbm>>
        %dma_start3A_25 = tpu.memref_squeeze %dma_start3A_24 : memref<1x128xi32, #tpu.memory_space<hbm>> -> memref<128xi32, #tpu.memory_space<hbm>>
        tpu.enqueue_dma source(%dma_start3A_25 : memref<128xi32, #tpu.memory_space<hbm>>) target(%arg8 : memref<128xi32, #tpu.memory_space<vmem>>) target_semaphore(%run_scoped3A : memref<!tpu.dma_semaphore, #tpu.memory_space<semaphore_mem>>)
        %dma_wait3A_26 = arith.constant 0 : i32
        %dma_wait3A_27 = tpu.memref_slice %arg4[%add3A_15, %dma_wait3A_26] : memref<2560x128xi32, #tpu.memory_space<hbm>> -> memref<1x128xi32, #tpu.memory_space<hbm>>
        %dma_wait3A_28 = tpu.memref_squeeze %dma_wait3A_27 : memref<1x128xi32, #tpu.memory_space<hbm>> -> memref<128xi32, #tpu.memory_space<hbm>>
        %dma_wait3A_29 = arith.constant 0 : i32
        %dma_wait3A_30 = tpu.memref_slice %arg4[%add3A_15, %dma_wait3A_29] : memref<2560x128xi32, #tpu.memory_space<hbm>> -> memref<1x128xi32, #tpu.memory_space<hbm>>
        %dma_wait3A_31 = tpu.memref_squeeze %dma_wait3A_30 : memref<1x128xi32, #tpu.memory_space<hbm>> -> memref<128xi32, #tpu.memory_space<hbm>>
        tpu.wait_dma2 semaphore(%run_scoped3A : memref<!tpu.dma_semaphore, #tpu.memory_space<semaphore_mem>>) src(%dma_wait3A_31 : memref<128xi32, #tpu.memory_space<hbm>>) dst(%arg8 : memref<128xi32, #tpu.memory_space<vmem>>)
        tpu.yield
      }) : () -> ()
      %dma_start3A = arith.constant 0 : i32
      %dma_start3A_16 = arith.constant 0 : i32
      %dma_start3A_17 = tpu.memref_slice %arg2[%dma_start3A, %dma_start3A_16] : memref<10000x128xf32, #tpu.memory_space<hbm>> -> memref<10000x128xf32, #tpu.memory_space<hbm>>
      tpu.enqueue_indirect_dma source(%dma_start3A_17 : memref<10000x128xf32, #tpu.memory_space<hbm>>) target(%arg9 : memref<128x128xf32, #tpu.memory_space<vmem>>) offsets(%arg7 : memref<128xi32, #tpu.memory_space<vmem>>) semaphore(%arg11 : memref<!tpu.dma_semaphore, #tpu.memory_space<semaphore_mem>>)
      %dma_wait3A = arith.constant 0 : i32
      %dma_wait3A_18 = arith.constant 0 : i32
      %dma_wait3A_19 = tpu.memref_slice %arg2[%dma_wait3A, %dma_wait3A_18] : memref<10000x128xf32, #tpu.memory_space<hbm>> -> memref<10000x128xf32, #tpu.memory_space<hbm>>
      tpu.wait_indirect_dma semaphore(%arg11 : memref<!tpu.dma_semaphore, #tpu.memory_space<semaphore_mem>>) src(%dma_wait3A_19 : memref<10000x128xf32, #tpu.memory_space<hbm>>) dst(%arg9 : memref<128x128xf32, #tpu.memory_space<vmem>>)
      "tpu.region"() ({
        %run_scoped3A = tpu.sem_alloc : memref<!tpu.dma_semaphore, #tpu.memory_space<semaphore_mem>>
        %dma_start3A_20 = arith.constant 0 : i32
        %dma_start3A_21 = arith.constant 0 : i32
        %dma_start3A_22 = tpu.memref_slice %arg10[%dma_start3A_20, %dma_start3A_21] : memref<10112x128xf32, #tpu.memory_space<vmem_shared>> -> memref<10112x128xf32, #tpu.memory_space<vmem_shared>>
        tpu.enqueue_indirect_dma source(%arg9 : memref<128x128xf32, #tpu.memory_space<vmem>>) target(%dma_start3A_22 : memref<10112x128xf32, #tpu.memory_space<vmem_shared>>) offsets(%arg8 : memref<128xi32, #tpu.memory_space<vmem>>) semaphore(%run_scoped3A : memref<!tpu.dma_semaphore, #tpu.memory_space<semaphore_mem>>) {add = true}
        %dma_wait3A_23 = arith.constant 0 : i32
        %dma_wait3A_24 = arith.constant 0 : i32
        %dma_wait3A_25 = tpu.memref_slice %arg10[%dma_wait3A_23, %dma_wait3A_24] : memref<10112x128xf32, #tpu.memory_space<vmem_shared>> -> memref<10112x128xf32, #tpu.memory_space<vmem_shared>>
        tpu.wait_indirect_dma semaphore(%run_scoped3A : memref<!tpu.dma_semaphore, #tpu.memory_space<semaphore_mem>>) src(%arg9 : memref<128x128xf32, #tpu.memory_space<vmem>>) dst(%dma_wait3A_25 : memref<10112x128xf32, #tpu.memory_space<vmem_shared>>)
        tpu.yield
      }) : () -> ()
    }
    %scan3A_7 = arith.constant 80 : i32
    %barrier3A_8 = arith.constant 0 : index
    tpu.barrier barrier_id(%barrier3A_8)
    %mul3A_9 = arith.constant 10112 : i32
    %mul3A_10 = arith.muli %arg0, %mul3A_9 : i32
    %add3A_11 = arith.addi %mul3A_10, %mul3A_2 : i32
    "tpu.region"() ({
      %run_scoped3A = tpu.sem_alloc : memref<!tpu.dma_semaphore, #tpu.memory_space<semaphore_mem>>
      %dma_start3A = arith.constant 0 : i32
      %dma_start3A_12 = tpu.memref_slice %arg6[%add3A_11, %dma_start3A] : memref<20224x128xf32, #tpu.memory_space<hbm>> -> memref<632x128xf32, #tpu.memory_space<hbm>>
      %dma_start3A_13 = arith.constant 0 : i32
      %dma_start3A_14 = tpu.memref_slice %arg10[%mul3A_2, %dma_start3A_13] : memref<10112x128xf32, #tpu.memory_space<vmem_shared>> -> memref<632x128xf32, #tpu.memory_space<vmem_shared>>
      tpu.enqueue_dma source(%dma_start3A_14 : memref<632x128xf32, #tpu.memory_space<vmem_shared>>) target(%dma_start3A_12 : memref<632x128xf32, #tpu.memory_space<hbm>>) target_semaphore(%run_scoped3A : memref<!tpu.dma_semaphore, #tpu.memory_space<semaphore_mem>>)
      %dma_wait3A = arith.constant 0 : i32
      %dma_wait3A_15 = tpu.memref_slice %arg6[%add3A_11, %dma_wait3A] : memref<20224x128xf32, #tpu.memory_space<hbm>> -> memref<632x128xf32, #tpu.memory_space<hbm>>
      %dma_wait3A_16 = arith.constant 0 : i32
      %dma_wait3A_17 = tpu.memref_slice %arg10[%mul3A_2, %dma_wait3A_16] : memref<10112x128xf32, #tpu.memory_space<vmem_shared>> -> memref<632x128xf32, #tpu.memory_space<vmem_shared>>
      tpu.wait_dma2 semaphore(%run_scoped3A : memref<!tpu.dma_semaphore, #tpu.memory_space<semaphore_mem>>) src(%dma_wait3A_17 : memref<632x128xf32, #tpu.memory_space<vmem_shared>>) dst(%dma_wait3A_15 : memref<632x128xf32, #tpu.memory_space<hbm>>)
      tpu.yield
    }) : () -> ()
    return
  }
}

#map = affine_map<(d0, d1) -> (0, 0)>
module attributes {stable_mosaic.version = 14 : i64} {
  func.func @_sc_prop(%arg0: i32, %arg1: i32, %arg2: memref<10000x128xf32, #tpu.memory_space<hbm>>, %arg3: memref<2560x128xi32, #tpu.memory_space<hbm>>, %arg4: memref<2560x128xi32, #tpu.memory_space<hbm>>, %arg5: memref<10112x128xf32, #tpu.memory_space<hbm>>, %arg6: memref<20224x128xf32, #tpu.memory_space<hbm>>, %arg7: memref<128xi32, #tpu.memory_space<vmem>>, %arg8: memref<128xi32, #tpu.memory_space<vmem>>, %arg9: memref<128x128xf32, #tpu.memory_space<vmem>>, %arg10: memref<10112x128xf32, #tpu.memory_space<vmem_shared>>, %arg11: memref<!tpu.dma_semaphore, #tpu.memory_space<semaphore_mem>>) attributes {dimension_semantics = [#tpu.dimension_semantics<core_parallel>, #tpu.dimension_semantics<subcore_parallel>], iteration_bounds = array<i64: 2, 16>, scalar_prefetch = 0 : i64, scratch_operands = 5 : i64, tpu.core_type = #tpu.core_type<sc_vector_subcore>, window_params = [{transform_indices = #map}, {transform_indices = #map}, {transform_indices = #map}, {transform_indices = #map}, {transform_indices = #map}]} {
    %mul3A = arith.constant 16 : i32
    %mul3A_0 = arith.muli %arg0, %mul3A : i32
    %add3A = arith.addi %mul3A_0, %arg1 : i32
    %mul3A_1 = arith.constant 632 : i32
    %mul3A_2 = arith.muli %arg1, %mul3A_1 : i32
    "tpu.region"() ({
      %run_scoped3A = tpu.sem_alloc : memref<!tpu.dma_semaphore, #tpu.memory_space<semaphore_mem>>
      %dma_start3A = arith.constant 0 : i32
      %dma_start3A_12 = tpu.memref_slice %arg10[%mul3A_2, %dma_start3A] : memref<10112x128xf32, #tpu.memory_space<vmem_shared>> -> memref<632x128xf32, #tpu.memory_space<vmem_shared>>
      %dma_start3A_13 = arith.constant 0 : i32
      %dma_start3A_14 = tpu.memref_slice %arg5[%mul3A_2, %dma_start3A_13] : memref<10112x128xf32, #tpu.memory_space<hbm>> -> memref<632x128xf32, #tpu.memory_space<hbm>>
      tpu.enqueue_dma source(%dma_start3A_14 : memref<632x128xf32, #tpu.memory_space<hbm>>) target(%dma_start3A_12 : memref<632x128xf32, #tpu.memory_space<vmem_shared>>) target_semaphore(%run_scoped3A : memref<!tpu.dma_semaphore, #tpu.memory_space<semaphore_mem>>)
      %dma_wait3A = arith.constant 0 : i32
      %dma_wait3A_15 = tpu.memref_slice %arg10[%mul3A_2, %dma_wait3A] : memref<10112x128xf32, #tpu.memory_space<vmem_shared>> -> memref<632x128xf32, #tpu.memory_space<vmem_shared>>
      %dma_wait3A_16 = arith.constant 0 : i32
      %dma_wait3A_17 = tpu.memref_slice %arg5[%mul3A_2, %dma_wait3A_16] : memref<10112x128xf32, #tpu.memory_space<hbm>> -> memref<632x128xf32, #tpu.memory_space<hbm>>
      tpu.wait_dma2 semaphore(%run_scoped3A : memref<!tpu.dma_semaphore, #tpu.memory_space<semaphore_mem>>) src(%dma_wait3A_17 : memref<632x128xf32, #tpu.memory_space<hbm>>) dst(%dma_wait3A_15 : memref<632x128xf32, #tpu.memory_space<vmem_shared>>)
      tpu.yield
    }) : () -> ()
    %barrier3A = arith.constant 0 : index
    tpu.barrier barrier_id(%barrier3A)
    %scan3A = arith.constant 0 : i32
    %scan3A_3 = arith.constant 0 : i32
    %scan3A_4 = arith.constant 80 : i32
    %scan3A_5 = arith.addi %scan3A_3, %scan3A_4 : i32
    %scan3A_6 = arith.constant 1 : i32
    scf.for %scan3A_12 = %scan3A_3 to %scan3A_5 step %scan3A_6  : i32 {
      %mul3A_13 = arith.constant 80 : i32
      %mul3A_14 = arith.muli %add3A, %mul3A_13 : i32
      %add3A_15 = arith.addi %mul3A_14, %scan3A_12 : i32
      "tpu.region"() ({
        %run_scoped3A = tpu.sem_alloc : memref<!tpu.dma_semaphore, #tpu.memory_space<semaphore_mem>>
        %dma_start3A_20 = arith.constant 0 : i32
        %dma_start3A_21 = tpu.memref_slice %arg3[%add3A_15, %dma_start3A_20] : memref<2560x128xi32, #tpu.memory_space<hbm>> -> memref<1x128xi32, #tpu.memory_space<hbm>>
        %dma_start3A_22 = tpu.memref_squeeze %dma_start3A_21 : memref<1x128xi32, #tpu.memory_space<hbm>> -> memref<128xi32, #tpu.memory_space<hbm>>
        %dma_start3A_23 = arith.constant 0 : i32
        %dma_start3A_24 = tpu.memref_slice %arg3[%add3A_15, %dma_start3A_23] : memref<2560x128xi32, #tpu.memory_space<hbm>> -> memref<1x128xi32, #tpu.memory_space<hbm>>
        %dma_start3A_25 = tpu.memref_squeeze %dma_start3A_24 : memref<1x128xi32, #tpu.memory_space<hbm>> -> memref<128xi32, #tpu.memory_space<hbm>>
        tpu.enqueue_dma source(%dma_start3A_25 : memref<128xi32, #tpu.memory_space<hbm>>) target(%arg7 : memref<128xi32, #tpu.memory_space<vmem>>) target_semaphore(%run_scoped3A : memref<!tpu.dma_semaphore, #tpu.memory_space<semaphore_mem>>)
        %dma_wait3A_26 = arith.constant 0 : i32
        %dma_wait3A_27 = tpu.memref_slice %arg3[%add3A_15, %dma_wait3A_26] : memref<2560x128xi32, #tpu.memory_space<hbm>> -> memref<1x128xi32, #tpu.memory_space<hbm>>
        %dma_wait3A_28 = tpu.memref_squeeze %dma_wait3A_27 : memref<1x128xi32, #tpu.memory_space<hbm>> -> memref<128xi32, #tpu.memory_space<hbm>>
        %dma_wait3A_29 = arith.constant 0 : i32
        %dma_wait3A_30 = tpu.memref_slice %arg3[%add3A_15, %dma_wait3A_29] : memref<2560x128xi32, #tpu.memory_space<hbm>> -> memref<1x128xi32, #tpu.memory_space<hbm>>
        %dma_wait3A_31 = tpu.memref_squeeze %dma_wait3A_30 : memref<1x128xi32, #tpu.memory_space<hbm>> -> memref<128xi32, #tpu.memory_space<hbm>>
        tpu.wait_dma2 semaphore(%run_scoped3A : memref<!tpu.dma_semaphore, #tpu.memory_space<semaphore_mem>>) src(%dma_wait3A_31 : memref<128xi32, #tpu.memory_space<hbm>>) dst(%arg7 : memref<128xi32, #tpu.memory_space<vmem>>)
        tpu.yield
      }) : () -> ()
      "tpu.region"() ({
        %run_scoped3A = tpu.sem_alloc : memref<!tpu.dma_semaphore, #tpu.memory_space<semaphore_mem>>
        %dma_start3A_20 = arith.constant 0 : i32
        %dma_start3A_21 = tpu.memref_slice %arg4[%add3A_15, %dma_start3A_20] : memref<2560x128xi32, #tpu.memory_space<hbm>> -> memref<1x128xi32, #tpu.memory_space<hbm>>
        %dma_start3A_22 = tpu.memref_squeeze %dma_start3A_21 : memref<1x128xi32, #tpu.memory_space<hbm>> -> memref<128xi32, #tpu.memory_space<hbm>>
        %dma_start3A_23 = arith.constant 0 : i32
        %dma_start3A_24 = tpu.memref_slice %arg4[%add3A_15, %dma_start3A_23] : memref<2560x128xi32, #tpu.memory_space<hbm>> -> memref<1x128xi32, #tpu.memory_space<hbm>>
        %dma_start3A_25 = tpu.memref_squeeze %dma_start3A_24 : memref<1x128xi32, #tpu.memory_space<hbm>> -> memref<128xi32, #tpu.memory_space<hbm>>
        tpu.enqueue_dma source(%dma_start3A_25 : memref<128xi32, #tpu.memory_space<hbm>>) target(%arg8 : memref<128xi32, #tpu.memory_space<vmem>>) target_semaphore(%run_scoped3A : memref<!tpu.dma_semaphore, #tpu.memory_space<semaphore_mem>>)
        %dma_wait3A_26 = arith.constant 0 : i32
        %dma_wait3A_27 = tpu.memref_slice %arg4[%add3A_15, %dma_wait3A_26] : memref<2560x128xi32, #tpu.memory_space<hbm>> -> memref<1x128xi32, #tpu.memory_space<hbm>>
        %dma_wait3A_28 = tpu.memref_squeeze %dma_wait3A_27 : memref<1x128xi32, #tpu.memory_space<hbm>> -> memref<128xi32, #tpu.memory_space<hbm>>
        %dma_wait3A_29 = arith.constant 0 : i32
        %dma_wait3A_30 = tpu.memref_slice %arg4[%add3A_15, %dma_wait3A_29] : memref<2560x128xi32, #tpu.memory_space<hbm>> -> memref<1x128xi32, #tpu.memory_space<hbm>>
        %dma_wait3A_31 = tpu.memref_squeeze %dma_wait3A_30 : memref<1x128xi32, #tpu.memory_space<hbm>> -> memref<128xi32, #tpu.memory_space<hbm>>
        tpu.wait_dma2 semaphore(%run_scoped3A : memref<!tpu.dma_semaphore, #tpu.memory_space<semaphore_mem>>) src(%dma_wait3A_31 : memref<128xi32, #tpu.memory_space<hbm>>) dst(%arg8 : memref<128xi32, #tpu.memory_space<vmem>>)
        tpu.yield
      }) : () -> ()
      %dma_start3A = arith.constant 0 : i32
      %dma_start3A_16 = arith.constant 0 : i32
      %dma_start3A_17 = tpu.memref_slice %arg2[%dma_start3A, %dma_start3A_16] : memref<10000x128xf32, #tpu.memory_space<hbm>> -> memref<10000x128xf32, #tpu.memory_space<hbm>>
      tpu.enqueue_indirect_dma source(%dma_start3A_17 : memref<10000x128xf32, #tpu.memory_space<hbm>>) target(%arg9 : memref<128x128xf32, #tpu.memory_space<vmem>>) offsets(%arg7 : memref<128xi32, #tpu.memory_space<vmem>>) semaphore(%arg11 : memref<!tpu.dma_semaphore, #tpu.memory_space<semaphore_mem>>)
      %dma_wait3A = arith.constant 0 : i32
      %dma_wait3A_18 = arith.constant 0 : i32
      %dma_wait3A_19 = tpu.memref_slice %arg2[%dma_wait3A, %dma_wait3A_18] : memref<10000x128xf32, #tpu.memory_space<hbm>> -> memref<10000x128xf32, #tpu.memory_space<hbm>>
      tpu.wait_indirect_dma semaphore(%arg11 : memref<!tpu.dma_semaphore, #tpu.memory_space<semaphore_mem>>) src(%dma_wait3A_19 : memref<10000x128xf32, #tpu.memory_space<hbm>>) dst(%arg9 : memref<128x128xf32, #tpu.memory_space<vmem>>)
      "tpu.region"() ({
        %run_scoped3A = tpu.sem_alloc : memref<!tpu.dma_semaphore, #tpu.memory_space<semaphore_mem>>
        %dma_start3A_20 = arith.constant 0 : i32
        %dma_start3A_21 = arith.constant 0 : i32
        %dma_start3A_22 = tpu.memref_slice %arg10[%dma_start3A_20, %dma_start3A_21] : memref<10112x128xf32, #tpu.memory_space<vmem_shared>> -> memref<10112x128xf32, #tpu.memory_space<vmem_shared>>
        tpu.enqueue_indirect_dma source(%arg9 : memref<128x128xf32, #tpu.memory_space<vmem>>) target(%dma_start3A_22 : memref<10112x128xf32, #tpu.memory_space<vmem_shared>>) offsets(%arg8 : memref<128xi32, #tpu.memory_space<vmem>>) semaphore(%run_scoped3A : memref<!tpu.dma_semaphore, #tpu.memory_space<semaphore_mem>>) {add = true}
        %dma_wait3A_23 = arith.constant 0 : i32
        %dma_wait3A_24 = arith.constant 0 : i32
        %dma_wait3A_25 = tpu.memref_slice %arg10[%dma_wait3A_23, %dma_wait3A_24] : memref<10112x128xf32, #tpu.memory_space<vmem_shared>> -> memref<10112x128xf32, #tpu.memory_space<vmem_shared>>
        tpu.wait_indirect_dma semaphore(%run_scoped3A : memref<!tpu.dma_semaphore, #tpu.memory_space<semaphore_mem>>) src(%arg9 : memref<128x128xf32, #tpu.memory_space<vmem>>) dst(%dma_wait3A_25 : memref<10112x128xf32, #tpu.memory_space<vmem_shared>>)
        tpu.yield
      }) : () -> ()
    }
    %scan3A_7 = arith.constant 80 : i32
    %barrier3A_8 = arith.constant 0 : index
    tpu.barrier barrier_id(%barrier3A_8)
    %mul3A_9 = arith.constant 10112 : i32
    %mul3A_10 = arith.muli %arg0, %mul3A_9 : i32
    %add3A_11 = arith.addi %mul3A_10, %mul3A_2 : i32
    "tpu.region"() ({
      %run_scoped3A = tpu.sem_alloc : memref<!tpu.dma_semaphore, #tpu.memory_space<semaphore_mem>>
      %dma_start3A = arith.constant 0 : i32
      %dma_start3A_12 = tpu.memref_slice %arg6[%add3A_11, %dma_start3A] : memref<20224x128xf32, #tpu.memory_space<hbm>> -> memref<632x128xf32, #tpu.memory_space<hbm>>
      %dma_start3A_13 = arith.constant 0 : i32
      %dma_start3A_14 = tpu.memref_slice %arg10[%mul3A_2, %dma_start3A_13] : memref<10112x128xf32, #tpu.memory_space<vmem_shared>> -> memref<632x128xf32, #tpu.memory_space<vmem_shared>>
      tpu.enqueue_dma source(%dma_start3A_14 : memref<632x128xf32, #tpu.memory_space<vmem_shared>>) target(%dma_start3A_12 : memref<632x128xf32, #tpu.memory_space<hbm>>) target_semaphore(%run_scoped3A : memref<!tpu.dma_semaphore, #tpu.memory_space<semaphore_mem>>)
      %dma_wait3A = arith.constant 0 : i32
      %dma_wait3A_15 = tpu.memref_slice %arg6[%add3A_11, %dma_wait3A] : memref<20224x128xf32, #tpu.memory_space<hbm>> -> memref<632x128xf32, #tpu.memory_space<hbm>>
      %dma_wait3A_16 = arith.constant 0 : i32
      %dma_wait3A_17 = tpu.memref_slice %arg10[%mul3A_2, %dma_wait3A_16] : memref<10112x128xf32, #tpu.memory_space<vmem_shared>> -> memref<632x128xf32, #tpu.memory_space<vmem_shared>>
      tpu.wait_dma2 semaphore(%run_scoped3A : memref<!tpu.dma_semaphore, #tpu.memory_space<semaphore_mem>>) src(%dma_wait3A_17 : memref<632x128xf32, #tpu.memory_space<vmem_shared>>) dst(%dma_wait3A_15 : memref<632x128xf32, #tpu.memory_space<hbm>>)
      tpu.yield
    }) : () -> ()
    return
  }
}

#map = affine_map<(d0, d1) -> (0, 0)>
module attributes {stable_mosaic.version = 14 : i64} {
  func.func @_sc_prop(%arg0: i32, %arg1: i32, %arg2: memref<10000x128xf32, #tpu.memory_space<hbm>>, %arg3: memref<2560x128xi32, #tpu.memory_space<hbm>>, %arg4: memref<2560x128xi32, #tpu.memory_space<hbm>>, %arg5: memref<10112x128xf32, #tpu.memory_space<hbm>>, %arg6: memref<20224x128xf32, #tpu.memory_space<hbm>>, %arg7: memref<128xi32, #tpu.memory_space<vmem>>, %arg8: memref<128xi32, #tpu.memory_space<vmem>>, %arg9: memref<128x128xf32, #tpu.memory_space<vmem>>, %arg10: memref<10112x128xf32, #tpu.memory_space<vmem_shared>>, %arg11: memref<!tpu.dma_semaphore, #tpu.memory_space<semaphore_mem>>) attributes {dimension_semantics = [#tpu.dimension_semantics<core_parallel>, #tpu.dimension_semantics<subcore_parallel>], iteration_bounds = array<i64: 2, 16>, scalar_prefetch = 0 : i64, scratch_operands = 5 : i64, tpu.core_type = #tpu.core_type<sc_vector_subcore>, window_params = [{transform_indices = #map}, {transform_indices = #map}, {transform_indices = #map}, {transform_indices = #map}, {transform_indices = #map}]} {
    %mul3A = arith.constant 16 : i32
    %mul3A_0 = arith.muli %arg0, %mul3A : i32
    %add3A = arith.addi %mul3A_0, %arg1 : i32
    %mul3A_1 = arith.constant 632 : i32
    %mul3A_2 = arith.muli %arg1, %mul3A_1 : i32
    "tpu.region"() ({
      %run_scoped3A = tpu.sem_alloc : memref<!tpu.dma_semaphore, #tpu.memory_space<semaphore_mem>>
      %dma_start3A = arith.constant 0 : i32
      %dma_start3A_12 = tpu.memref_slice %arg10[%mul3A_2, %dma_start3A] : memref<10112x128xf32, #tpu.memory_space<vmem_shared>> -> memref<632x128xf32, #tpu.memory_space<vmem_shared>>
      %dma_start3A_13 = arith.constant 0 : i32
      %dma_start3A_14 = tpu.memref_slice %arg5[%mul3A_2, %dma_start3A_13] : memref<10112x128xf32, #tpu.memory_space<hbm>> -> memref<632x128xf32, #tpu.memory_space<hbm>>
      tpu.enqueue_dma source(%dma_start3A_14 : memref<632x128xf32, #tpu.memory_space<hbm>>) target(%dma_start3A_12 : memref<632x128xf32, #tpu.memory_space<vmem_shared>>) target_semaphore(%run_scoped3A : memref<!tpu.dma_semaphore, #tpu.memory_space<semaphore_mem>>)
      %dma_wait3A = arith.constant 0 : i32
      %dma_wait3A_15 = tpu.memref_slice %arg10[%mul3A_2, %dma_wait3A] : memref<10112x128xf32, #tpu.memory_space<vmem_shared>> -> memref<632x128xf32, #tpu.memory_space<vmem_shared>>
      %dma_wait3A_16 = arith.constant 0 : i32
      %dma_wait3A_17 = tpu.memref_slice %arg5[%mul3A_2, %dma_wait3A_16] : memref<10112x128xf32, #tpu.memory_space<hbm>> -> memref<632x128xf32, #tpu.memory_space<hbm>>
      tpu.wait_dma2 semaphore(%run_scoped3A : memref<!tpu.dma_semaphore, #tpu.memory_space<semaphore_mem>>) src(%dma_wait3A_17 : memref<632x128xf32, #tpu.memory_space<hbm>>) dst(%dma_wait3A_15 : memref<632x128xf32, #tpu.memory_space<vmem_shared>>)
      tpu.yield
    }) : () -> ()
    %barrier3A = arith.constant 0 : index
    tpu.barrier barrier_id(%barrier3A)
    %scan3A = arith.constant 0 : i32
    %scan3A_3 = arith.constant 0 : i32
    %scan3A_4 = arith.constant 80 : i32
    %scan3A_5 = arith.addi %scan3A_3, %scan3A_4 : i32
    %scan3A_6 = arith.constant 1 : i32
    scf.for %scan3A_12 = %scan3A_3 to %scan3A_5 step %scan3A_6  : i32 {
      %mul3A_13 = arith.constant 80 : i32
      %mul3A_14 = arith.muli %add3A, %mul3A_13 : i32
      %add3A_15 = arith.addi %mul3A_14, %scan3A_12 : i32
      "tpu.region"() ({
        %run_scoped3A = tpu.sem_alloc : memref<!tpu.dma_semaphore, #tpu.memory_space<semaphore_mem>>
        %dma_start3A_20 = arith.constant 0 : i32
        %dma_start3A_21 = tpu.memref_slice %arg3[%add3A_15, %dma_start3A_20] : memref<2560x128xi32, #tpu.memory_space<hbm>> -> memref<1x128xi32, #tpu.memory_space<hbm>>
        %dma_start3A_22 = tpu.memref_squeeze %dma_start3A_21 : memref<1x128xi32, #tpu.memory_space<hbm>> -> memref<128xi32, #tpu.memory_space<hbm>>
        %dma_start3A_23 = arith.constant 0 : i32
        %dma_start3A_24 = tpu.memref_slice %arg3[%add3A_15, %dma_start3A_23] : memref<2560x128xi32, #tpu.memory_space<hbm>> -> memref<1x128xi32, #tpu.memory_space<hbm>>
        %dma_start3A_25 = tpu.memref_squeeze %dma_start3A_24 : memref<1x128xi32, #tpu.memory_space<hbm>> -> memref<128xi32, #tpu.memory_space<hbm>>
        tpu.enqueue_dma source(%dma_start3A_25 : memref<128xi32, #tpu.memory_space<hbm>>) target(%arg7 : memref<128xi32, #tpu.memory_space<vmem>>) target_semaphore(%run_scoped3A : memref<!tpu.dma_semaphore, #tpu.memory_space<semaphore_mem>>)
        %dma_wait3A_26 = arith.constant 0 : i32
        %dma_wait3A_27 = tpu.memref_slice %arg3[%add3A_15, %dma_wait3A_26] : memref<2560x128xi32, #tpu.memory_space<hbm>> -> memref<1x128xi32, #tpu.memory_space<hbm>>
        %dma_wait3A_28 = tpu.memref_squeeze %dma_wait3A_27 : memref<1x128xi32, #tpu.memory_space<hbm>> -> memref<128xi32, #tpu.memory_space<hbm>>
        %dma_wait3A_29 = arith.constant 0 : i32
        %dma_wait3A_30 = tpu.memref_slice %arg3[%add3A_15, %dma_wait3A_29] : memref<2560x128xi32, #tpu.memory_space<hbm>> -> memref<1x128xi32, #tpu.memory_space<hbm>>
        %dma_wait3A_31 = tpu.memref_squeeze %dma_wait3A_30 : memref<1x128xi32, #tpu.memory_space<hbm>> -> memref<128xi32, #tpu.memory_space<hbm>>
        tpu.wait_dma2 semaphore(%run_scoped3A : memref<!tpu.dma_semaphore, #tpu.memory_space<semaphore_mem>>) src(%dma_wait3A_31 : memref<128xi32, #tpu.memory_space<hbm>>) dst(%arg7 : memref<128xi32, #tpu.memory_space<vmem>>)
        tpu.yield
      }) : () -> ()
      "tpu.region"() ({
        %run_scoped3A = tpu.sem_alloc : memref<!tpu.dma_semaphore, #tpu.memory_space<semaphore_mem>>
        %dma_start3A_20 = arith.constant 0 : i32
        %dma_start3A_21 = tpu.memref_slice %arg4[%add3A_15, %dma_start3A_20] : memref<2560x128xi32, #tpu.memory_space<hbm>> -> memref<1x128xi32, #tpu.memory_space<hbm>>
        %dma_start3A_22 = tpu.memref_squeeze %dma_start3A_21 : memref<1x128xi32, #tpu.memory_space<hbm>> -> memref<128xi32, #tpu.memory_space<hbm>>
        %dma_start3A_23 = arith.constant 0 : i32
        %dma_start3A_24 = tpu.memref_slice %arg4[%add3A_15, %dma_start3A_23] : memref<2560x128xi32, #tpu.memory_space<hbm>> -> memref<1x128xi32, #tpu.memory_space<hbm>>
        %dma_start3A_25 = tpu.memref_squeeze %dma_start3A_24 : memref<1x128xi32, #tpu.memory_space<hbm>> -> memref<128xi32, #tpu.memory_space<hbm>>
        tpu.enqueue_dma source(%dma_start3A_25 : memref<128xi32, #tpu.memory_space<hbm>>) target(%arg8 : memref<128xi32, #tpu.memory_space<vmem>>) target_semaphore(%run_scoped3A : memref<!tpu.dma_semaphore, #tpu.memory_space<semaphore_mem>>)
        %dma_wait3A_26 = arith.constant 0 : i32
        %dma_wait3A_27 = tpu.memref_slice %arg4[%add3A_15, %dma_wait3A_26] : memref<2560x128xi32, #tpu.memory_space<hbm>> -> memref<1x128xi32, #tpu.memory_space<hbm>>
        %dma_wait3A_28 = tpu.memref_squeeze %dma_wait3A_27 : memref<1x128xi32, #tpu.memory_space<hbm>> -> memref<128xi32, #tpu.memory_space<hbm>>
        %dma_wait3A_29 = arith.constant 0 : i32
        %dma_wait3A_30 = tpu.memref_slice %arg4[%add3A_15, %dma_wait3A_29] : memref<2560x128xi32, #tpu.memory_space<hbm>> -> memref<1x128xi32, #tpu.memory_space<hbm>>
        %dma_wait3A_31 = tpu.memref_squeeze %dma_wait3A_30 : memref<1x128xi32, #tpu.memory_space<hbm>> -> memref<128xi32, #tpu.memory_space<hbm>>
        tpu.wait_dma2 semaphore(%run_scoped3A : memref<!tpu.dma_semaphore, #tpu.memory_space<semaphore_mem>>) src(%dma_wait3A_31 : memref<128xi32, #tpu.memory_space<hbm>>) dst(%arg8 : memref<128xi32, #tpu.memory_space<vmem>>)
        tpu.yield
      }) : () -> ()
      %dma_start3A = arith.constant 0 : i32
      %dma_start3A_16 = arith.constant 0 : i32
      %dma_start3A_17 = tpu.memref_slice %arg2[%dma_start3A, %dma_start3A_16] : memref<10000x128xf32, #tpu.memory_space<hbm>> -> memref<10000x128xf32, #tpu.memory_space<hbm>>
      tpu.enqueue_indirect_dma source(%dma_start3A_17 : memref<10000x128xf32, #tpu.memory_space<hbm>>) target(%arg9 : memref<128x128xf32, #tpu.memory_space<vmem>>) offsets(%arg7 : memref<128xi32, #tpu.memory_space<vmem>>) semaphore(%arg11 : memref<!tpu.dma_semaphore, #tpu.memory_space<semaphore_mem>>)
      %dma_wait3A = arith.constant 0 : i32
      %dma_wait3A_18 = arith.constant 0 : i32
      %dma_wait3A_19 = tpu.memref_slice %arg2[%dma_wait3A, %dma_wait3A_18] : memref<10000x128xf32, #tpu.memory_space<hbm>> -> memref<10000x128xf32, #tpu.memory_space<hbm>>
      tpu.wait_indirect_dma semaphore(%arg11 : memref<!tpu.dma_semaphore, #tpu.memory_space<semaphore_mem>>) src(%dma_wait3A_19 : memref<10000x128xf32, #tpu.memory_space<hbm>>) dst(%arg9 : memref<128x128xf32, #tpu.memory_space<vmem>>)
      "tpu.region"() ({
        %run_scoped3A = tpu.sem_alloc : memref<!tpu.dma_semaphore, #tpu.memory_space<semaphore_mem>>
        %dma_start3A_20 = arith.constant 0 : i32
        %dma_start3A_21 = arith.constant 0 : i32
        %dma_start3A_22 = tpu.memref_slice %arg10[%dma_start3A_20, %dma_start3A_21] : memref<10112x128xf32, #tpu.memory_space<vmem_shared>> -> memref<10112x128xf32, #tpu.memory_space<vmem_shared>>
        tpu.enqueue_indirect_dma source(%arg9 : memref<128x128xf32, #tpu.memory_space<vmem>>) target(%dma_start3A_22 : memref<10112x128xf32, #tpu.memory_space<vmem_shared>>) offsets(%arg8 : memref<128xi32, #tpu.memory_space<vmem>>) semaphore(%run_scoped3A : memref<!tpu.dma_semaphore, #tpu.memory_space<semaphore_mem>>) {add = true}
        %dma_wait3A_23 = arith.constant 0 : i32
        %dma_wait3A_24 = arith.constant 0 : i32
        %dma_wait3A_25 = tpu.memref_slice %arg10[%dma_wait3A_23, %dma_wait3A_24] : memref<10112x128xf32, #tpu.memory_space<vmem_shared>> -> memref<10112x128xf32, #tpu.memory_space<vmem_shared>>
        tpu.wait_indirect_dma semaphore(%run_scoped3A : memref<!tpu.dma_semaphore, #tpu.memory_space<semaphore_mem>>) src(%arg9 : memref<128x128xf32, #tpu.memory_space<vmem>>) dst(%dma_wait3A_25 : memref<10112x128xf32, #tpu.memory_space<vmem_shared>>)
        tpu.yield
      }) : () -> ()
    }
    %scan3A_7 = arith.constant 80 : i32
    %barrier3A_8 = arith.constant 0 : index
    tpu.barrier barrier_id(%barrier3A_8)
    %mul3A_9 = arith.constant 10112 : i32
    %mul3A_10 = arith.muli %arg0, %mul3A_9 : i32
    %add3A_11 = arith.addi %mul3A_10, %mul3A_2 : i32
    "tpu.region"() ({
      %run_scoped3A = tpu.sem_alloc : memref<!tpu.dma_semaphore, #tpu.memory_space<semaphore_mem>>
      %dma_start3A = arith.constant 0 : i32
      %dma_start3A_12 = tpu.memref_slice %arg6[%add3A_11, %dma_start3A] : memref<20224x128xf32, #tpu.memory_space<hbm>> -> memref<632x128xf32, #tpu.memory_space<hbm>>
      %dma_start3A_13 = arith.constant 0 : i32
      %dma_start3A_14 = tpu.memref_slice %arg10[%mul3A_2, %dma_start3A_13] : memref<10112x128xf32, #tpu.memory_space<vmem_shared>> -> memref<632x128xf32, #tpu.memory_space<vmem_shared>>
      tpu.enqueue_dma source(%dma_start3A_14 : memref<632x128xf32, #tpu.memory_space<vmem_shared>>) target(%dma_start3A_12 : memref<632x128xf32, #tpu.memory_space<hbm>>) target_semaphore(%run_scoped3A : memref<!tpu.dma_semaphore, #tpu.memory_space<semaphore_mem>>)
      %dma_wait3A = arith.constant 0 : i32
      %dma_wait3A_15 = tpu.memref_slice %arg6[%add3A_11, %dma_wait3A] : memref<20224x128xf32, #tpu.memory_space<hbm>> -> memref<632x128xf32, #tpu.memory_space<hbm>>
      %dma_wait3A_16 = arith.constant 0 : i32
      %dma_wait3A_17 = tpu.memref_slice %arg10[%mul3A_2, %dma_wait3A_16] : memref<10112x128xf32, #tpu.memory_space<vmem_shared>> -> memref<632x128xf32, #tpu.memory_space<vmem_shared>>
      tpu.wait_dma2 semaphore(%run_scoped3A : memref<!tpu.dma_semaphore, #tpu.memory_space<semaphore_mem>>) src(%dma_wait3A_17 : memref<632x128xf32, #tpu.memory_space<vmem_shared>>) dst(%dma_wait3A_15 : memref<632x128xf32, #tpu.memory_space<hbm>>)
      tpu.yield
    }) : () -> ()
    return
  }
}

#map = affine_map<(d0, d1) -> (0, 0)>
module attributes {stable_mosaic.version = 14 : i64} {
  func.func @_sc_prop(%arg0: i32, %arg1: i32, %arg2: memref<10000x128xf32, #tpu.memory_space<hbm>>, %arg3: memref<2560x128xi32, #tpu.memory_space<hbm>>, %arg4: memref<2560x128xi32, #tpu.memory_space<hbm>>, %arg5: memref<10112x128xf32, #tpu.memory_space<hbm>>, %arg6: memref<20224x128xf32, #tpu.memory_space<hbm>>, %arg7: memref<128xi32, #tpu.memory_space<vmem>>, %arg8: memref<128xi32, #tpu.memory_space<vmem>>, %arg9: memref<128x128xf32, #tpu.memory_space<vmem>>, %arg10: memref<10112x128xf32, #tpu.memory_space<vmem_shared>>, %arg11: memref<!tpu.dma_semaphore, #tpu.memory_space<semaphore_mem>>) attributes {dimension_semantics = [#tpu.dimension_semantics<core_parallel>, #tpu.dimension_semantics<subcore_parallel>], iteration_bounds = array<i64: 2, 16>, scalar_prefetch = 0 : i64, scratch_operands = 5 : i64, tpu.core_type = #tpu.core_type<sc_vector_subcore>, window_params = [{transform_indices = #map}, {transform_indices = #map}, {transform_indices = #map}, {transform_indices = #map}, {transform_indices = #map}]} {
    %mul3A = arith.constant 16 : i32
    %mul3A_0 = arith.muli %arg0, %mul3A : i32
    %add3A = arith.addi %mul3A_0, %arg1 : i32
    %mul3A_1 = arith.constant 632 : i32
    %mul3A_2 = arith.muli %arg1, %mul3A_1 : i32
    "tpu.region"() ({
      %run_scoped3A = tpu.sem_alloc : memref<!tpu.dma_semaphore, #tpu.memory_space<semaphore_mem>>
      %dma_start3A = arith.constant 0 : i32
      %dma_start3A_12 = tpu.memref_slice %arg10[%mul3A_2, %dma_start3A] : memref<10112x128xf32, #tpu.memory_space<vmem_shared>> -> memref<632x128xf32, #tpu.memory_space<vmem_shared>>
      %dma_start3A_13 = arith.constant 0 : i32
      %dma_start3A_14 = tpu.memref_slice %arg5[%mul3A_2, %dma_start3A_13] : memref<10112x128xf32, #tpu.memory_space<hbm>> -> memref<632x128xf32, #tpu.memory_space<hbm>>
      tpu.enqueue_dma source(%dma_start3A_14 : memref<632x128xf32, #tpu.memory_space<hbm>>) target(%dma_start3A_12 : memref<632x128xf32, #tpu.memory_space<vmem_shared>>) target_semaphore(%run_scoped3A : memref<!tpu.dma_semaphore, #tpu.memory_space<semaphore_mem>>)
      %dma_wait3A = arith.constant 0 : i32
      %dma_wait3A_15 = tpu.memref_slice %arg10[%mul3A_2, %dma_wait3A] : memref<10112x128xf32, #tpu.memory_space<vmem_shared>> -> memref<632x128xf32, #tpu.memory_space<vmem_shared>>
      %dma_wait3A_16 = arith.constant 0 : i32
      %dma_wait3A_17 = tpu.memref_slice %arg5[%mul3A_2, %dma_wait3A_16] : memref<10112x128xf32, #tpu.memory_space<hbm>> -> memref<632x128xf32, #tpu.memory_space<hbm>>
      tpu.wait_dma2 semaphore(%run_scoped3A : memref<!tpu.dma_semaphore, #tpu.memory_space<semaphore_mem>>) src(%dma_wait3A_17 : memref<632x128xf32, #tpu.memory_space<hbm>>) dst(%dma_wait3A_15 : memref<632x128xf32, #tpu.memory_space<vmem_shared>>)
      tpu.yield
    }) : () -> ()
    %barrier3A = arith.constant 0 : index
    tpu.barrier barrier_id(%barrier3A)
    %scan3A = arith.constant 0 : i32
    %scan3A_3 = arith.constant 0 : i32
    %scan3A_4 = arith.constant 80 : i32
    %scan3A_5 = arith.addi %scan3A_3, %scan3A_4 : i32
    %scan3A_6 = arith.constant 1 : i32
    scf.for %scan3A_12 = %scan3A_3 to %scan3A_5 step %scan3A_6  : i32 {
      %mul3A_13 = arith.constant 80 : i32
      %mul3A_14 = arith.muli %add3A, %mul3A_13 : i32
      %add3A_15 = arith.addi %mul3A_14, %scan3A_12 : i32
      "tpu.region"() ({
        %run_scoped3A = tpu.sem_alloc : memref<!tpu.dma_semaphore, #tpu.memory_space<semaphore_mem>>
        %dma_start3A_20 = arith.constant 0 : i32
        %dma_start3A_21 = tpu.memref_slice %arg3[%add3A_15, %dma_start3A_20] : memref<2560x128xi32, #tpu.memory_space<hbm>> -> memref<1x128xi32, #tpu.memory_space<hbm>>
        %dma_start3A_22 = tpu.memref_squeeze %dma_start3A_21 : memref<1x128xi32, #tpu.memory_space<hbm>> -> memref<128xi32, #tpu.memory_space<hbm>>
        %dma_start3A_23 = arith.constant 0 : i32
        %dma_start3A_24 = tpu.memref_slice %arg3[%add3A_15, %dma_start3A_23] : memref<2560x128xi32, #tpu.memory_space<hbm>> -> memref<1x128xi32, #tpu.memory_space<hbm>>
        %dma_start3A_25 = tpu.memref_squeeze %dma_start3A_24 : memref<1x128xi32, #tpu.memory_space<hbm>> -> memref<128xi32, #tpu.memory_space<hbm>>
        tpu.enqueue_dma source(%dma_start3A_25 : memref<128xi32, #tpu.memory_space<hbm>>) target(%arg7 : memref<128xi32, #tpu.memory_space<vmem>>) target_semaphore(%run_scoped3A : memref<!tpu.dma_semaphore, #tpu.memory_space<semaphore_mem>>)
        %dma_wait3A_26 = arith.constant 0 : i32
        %dma_wait3A_27 = tpu.memref_slice %arg3[%add3A_15, %dma_wait3A_26] : memref<2560x128xi32, #tpu.memory_space<hbm>> -> memref<1x128xi32, #tpu.memory_space<hbm>>
        %dma_wait3A_28 = tpu.memref_squeeze %dma_wait3A_27 : memref<1x128xi32, #tpu.memory_space<hbm>> -> memref<128xi32, #tpu.memory_space<hbm>>
        %dma_wait3A_29 = arith.constant 0 : i32
        %dma_wait3A_30 = tpu.memref_slice %arg3[%add3A_15, %dma_wait3A_29] : memref<2560x128xi32, #tpu.memory_space<hbm>> -> memref<1x128xi32, #tpu.memory_space<hbm>>
        %dma_wait3A_31 = tpu.memref_squeeze %dma_wait3A_30 : memref<1x128xi32, #tpu.memory_space<hbm>> -> memref<128xi32, #tpu.memory_space<hbm>>
        tpu.wait_dma2 semaphore(%run_scoped3A : memref<!tpu.dma_semaphore, #tpu.memory_space<semaphore_mem>>) src(%dma_wait3A_31 : memref<128xi32, #tpu.memory_space<hbm>>) dst(%arg7 : memref<128xi32, #tpu.memory_space<vmem>>)
        tpu.yield
      }) : () -> ()
      "tpu.region"() ({
        %run_scoped3A = tpu.sem_alloc : memref<!tpu.dma_semaphore, #tpu.memory_space<semaphore_mem>>
        %dma_start3A_20 = arith.constant 0 : i32
        %dma_start3A_21 = tpu.memref_slice %arg4[%add3A_15, %dma_start3A_20] : memref<2560x128xi32, #tpu.memory_space<hbm>> -> memref<1x128xi32, #tpu.memory_space<hbm>>
        %dma_start3A_22 = tpu.memref_squeeze %dma_start3A_21 : memref<1x128xi32, #tpu.memory_space<hbm>> -> memref<128xi32, #tpu.memory_space<hbm>>
        %dma_start3A_23 = arith.constant 0 : i32
        %dma_start3A_24 = tpu.memref_slice %arg4[%add3A_15, %dma_start3A_23] : memref<2560x128xi32, #tpu.memory_space<hbm>> -> memref<1x128xi32, #tpu.memory_space<hbm>>
        %dma_start3A_25 = tpu.memref_squeeze %dma_start3A_24 : memref<1x128xi32, #tpu.memory_space<hbm>> -> memref<128xi32, #tpu.memory_space<hbm>>
        tpu.enqueue_dma source(%dma_start3A_25 : memref<128xi32, #tpu.memory_space<hbm>>) target(%arg8 : memref<128xi32, #tpu.memory_space<vmem>>) target_semaphore(%run_scoped3A : memref<!tpu.dma_semaphore, #tpu.memory_space<semaphore_mem>>)
        %dma_wait3A_26 = arith.constant 0 : i32
        %dma_wait3A_27 = tpu.memref_slice %arg4[%add3A_15, %dma_wait3A_26] : memref<2560x128xi32, #tpu.memory_space<hbm>> -> memref<1x128xi32, #tpu.memory_space<hbm>>
        %dma_wait3A_28 = tpu.memref_squeeze %dma_wait3A_27 : memref<1x128xi32, #tpu.memory_space<hbm>> -> memref<128xi32, #tpu.memory_space<hbm>>
        %dma_wait3A_29 = arith.constant 0 : i32
        %dma_wait3A_30 = tpu.memref_slice %arg4[%add3A_15, %dma_wait3A_29] : memref<2560x128xi32, #tpu.memory_space<hbm>> -> memref<1x128xi32, #tpu.memory_space<hbm>>
        %dma_wait3A_31 = tpu.memref_squeeze %dma_wait3A_30 : memref<1x128xi32, #tpu.memory_space<hbm>> -> memref<128xi32, #tpu.memory_space<hbm>>
        tpu.wait_dma2 semaphore(%run_scoped3A : memref<!tpu.dma_semaphore, #tpu.memory_space<semaphore_mem>>) src(%dma_wait3A_31 : memref<128xi32, #tpu.memory_space<hbm>>) dst(%arg8 : memref<128xi32, #tpu.memory_space<vmem>>)
        tpu.yield
      }) : () -> ()
      %dma_start3A = arith.constant 0 : i32
      %dma_start3A_16 = arith.constant 0 : i32
      %dma_start3A_17 = tpu.memref_slice %arg2[%dma_start3A, %dma_start3A_16] : memref<10000x128xf32, #tpu.memory_space<hbm>> -> memref<10000x128xf32, #tpu.memory_space<hbm>>
      tpu.enqueue_indirect_dma source(%dma_start3A_17 : memref<10000x128xf32, #tpu.memory_space<hbm>>) target(%arg9 : memref<128x128xf32, #tpu.memory_space<vmem>>) offsets(%arg7 : memref<128xi32, #tpu.memory_space<vmem>>) semaphore(%arg11 : memref<!tpu.dma_semaphore, #tpu.memory_space<semaphore_mem>>)
      %dma_wait3A = arith.constant 0 : i32
      %dma_wait3A_18 = arith.constant 0 : i32
      %dma_wait3A_19 = tpu.memref_slice %arg2[%dma_wait3A, %dma_wait3A_18] : memref<10000x128xf32, #tpu.memory_space<hbm>> -> memref<10000x128xf32, #tpu.memory_space<hbm>>
      tpu.wait_indirect_dma semaphore(%arg11 : memref<!tpu.dma_semaphore, #tpu.memory_space<semaphore_mem>>) src(%dma_wait3A_19 : memref<10000x128xf32, #tpu.memory_space<hbm>>) dst(%arg9 : memref<128x128xf32, #tpu.memory_space<vmem>>)
      "tpu.region"() ({
        %run_scoped3A = tpu.sem_alloc : memref<!tpu.dma_semaphore, #tpu.memory_space<semaphore_mem>>
        %dma_start3A_20 = arith.constant 0 : i32
        %dma_start3A_21 = arith.constant 0 : i32
        %dma_start3A_22 = tpu.memref_slice %arg10[%dma_start3A_20, %dma_start3A_21] : memref<10112x128xf32, #tpu.memory_space<vmem_shared>> -> memref<10112x128xf32, #tpu.memory_space<vmem_shared>>
        tpu.enqueue_indirect_dma source(%arg9 : memref<128x128xf32, #tpu.memory_space<vmem>>) target(%dma_start3A_22 : memref<10112x128xf32, #tpu.memory_space<vmem_shared>>) offsets(%arg8 : memref<128xi32, #tpu.memory_space<vmem>>) semaphore(%run_scoped3A : memref<!tpu.dma_semaphore, #tpu.memory_space<semaphore_mem>>) {add = true}
        %dma_wait3A_23 = arith.constant 0 : i32
        %dma_wait3A_24 = arith.constant 0 : i32
        %dma_wait3A_25 = tpu.memref_slice %arg10[%dma_wait3A_23, %dma_wait3A_24] : memref<10112x128xf32, #tpu.memory_space<vmem_shared>> -> memref<10112x128xf32, #tpu.memory_space<vmem_shared>>
        tpu.wait_indirect_dma semaphore(%run_scoped3A : memref<!tpu.dma_semaphore, #tpu.memory_space<semaphore_mem>>) src(%arg9 : memref<128x128xf32, #tpu.memory_space<vmem>>) dst(%dma_wait3A_25 : memref<10112x128xf32, #tpu.memory_space<vmem_shared>>)
        tpu.yield
      }) : () -> ()
    }
    %scan3A_7 = arith.constant 80 : i32
    %barrier3A_8 = arith.constant 0 : index
    tpu.barrier barrier_id(%barrier3A_8)
    %mul3A_9 = arith.constant 10112 : i32
    %mul3A_10 = arith.muli %arg0, %mul3A_9 : i32
    %add3A_11 = arith.addi %mul3A_10, %mul3A_2 : i32
    "tpu.region"() ({
      %run_scoped3A = tpu.sem_alloc : memref<!tpu.dma_semaphore, #tpu.memory_space<semaphore_mem>>
      %dma_start3A = arith.constant 0 : i32
      %dma_start3A_12 = tpu.memref_slice %arg6[%add3A_11, %dma_start3A] : memref<20224x128xf32, #tpu.memory_space<hbm>> -> memref<632x128xf32, #tpu.memory_space<hbm>>
      %dma_start3A_13 = arith.constant 0 : i32
      %dma_start3A_14 = tpu.memref_slice %arg10[%mul3A_2, %dma_start3A_13] : memref<10112x128xf32, #tpu.memory_space<vmem_shared>> -> memref<632x128xf32, #tpu.memory_space<vmem_shared>>
      tpu.enqueue_dma source(%dma_start3A_14 : memref<632x128xf32, #tpu.memory_space<vmem_shared>>) target(%dma_start3A_12 : memref<632x128xf32, #tpu.memory_space<hbm>>) target_semaphore(%run_scoped3A : memref<!tpu.dma_semaphore, #tpu.memory_space<semaphore_mem>>)
      %dma_wait3A = arith.constant 0 : i32
      %dma_wait3A_15 = tpu.memref_slice %arg6[%add3A_11, %dma_wait3A] : memref<20224x128xf32, #tpu.memory_space<hbm>> -> memref<632x128xf32, #tpu.memory_space<hbm>>
      %dma_wait3A_16 = arith.constant 0 : i32
      %dma_wait3A_17 = tpu.memref_slice %arg10[%mul3A_2, %dma_wait3A_16] : memref<10112x128xf32, #tpu.memory_space<vmem_shared>> -> memref<632x128xf32, #tpu.memory_space<vmem_shared>>
      tpu.wait_dma2 semaphore(%run_scoped3A : memref<!tpu.dma_semaphore, #tpu.memory_space<semaphore_mem>>) src(%dma_wait3A_17 : memref<632x128xf32, #tpu.memory_space<vmem_shared>>) dst(%dma_wait3A_15 : memref<632x128xf32, #tpu.memory_space<hbm>>)
      tpu.yield
    }) : () -> ()
    return
  }
}

#map = affine_map<(d0, d1) -> (0, 0)>
module attributes {stable_mosaic.version = 14 : i64} {
  func.func @_sc_prop(%arg0: i32, %arg1: i32, %arg2: memref<10000x128xf32, #tpu.memory_space<hbm>>, %arg3: memref<2560x128xi32, #tpu.memory_space<hbm>>, %arg4: memref<2560x128xi32, #tpu.memory_space<hbm>>, %arg5: memref<10112x128xf32, #tpu.memory_space<hbm>>, %arg6: memref<20224x128xf32, #tpu.memory_space<hbm>>, %arg7: memref<128xi32, #tpu.memory_space<vmem>>, %arg8: memref<128xi32, #tpu.memory_space<vmem>>, %arg9: memref<128x128xf32, #tpu.memory_space<vmem>>, %arg10: memref<10112x128xf32, #tpu.memory_space<vmem_shared>>, %arg11: memref<!tpu.dma_semaphore, #tpu.memory_space<semaphore_mem>>) attributes {dimension_semantics = [#tpu.dimension_semantics<core_parallel>, #tpu.dimension_semantics<subcore_parallel>], iteration_bounds = array<i64: 2, 16>, scalar_prefetch = 0 : i64, scratch_operands = 5 : i64, tpu.core_type = #tpu.core_type<sc_vector_subcore>, window_params = [{transform_indices = #map}, {transform_indices = #map}, {transform_indices = #map}, {transform_indices = #map}, {transform_indices = #map}]} {
    %mul3A = arith.constant 16 : i32
    %mul3A_0 = arith.muli %arg0, %mul3A : i32
    %add3A = arith.addi %mul3A_0, %arg1 : i32
    %mul3A_1 = arith.constant 632 : i32
    %mul3A_2 = arith.muli %arg1, %mul3A_1 : i32
    "tpu.region"() ({
      %run_scoped3A = tpu.sem_alloc : memref<!tpu.dma_semaphore, #tpu.memory_space<semaphore_mem>>
      %dma_start3A = arith.constant 0 : i32
      %dma_start3A_12 = tpu.memref_slice %arg10[%mul3A_2, %dma_start3A] : memref<10112x128xf32, #tpu.memory_space<vmem_shared>> -> memref<632x128xf32, #tpu.memory_space<vmem_shared>>
      %dma_start3A_13 = arith.constant 0 : i32
      %dma_start3A_14 = tpu.memref_slice %arg5[%mul3A_2, %dma_start3A_13] : memref<10112x128xf32, #tpu.memory_space<hbm>> -> memref<632x128xf32, #tpu.memory_space<hbm>>
      tpu.enqueue_dma source(%dma_start3A_14 : memref<632x128xf32, #tpu.memory_space<hbm>>) target(%dma_start3A_12 : memref<632x128xf32, #tpu.memory_space<vmem_shared>>) target_semaphore(%run_scoped3A : memref<!tpu.dma_semaphore, #tpu.memory_space<semaphore_mem>>)
      %dma_wait3A = arith.constant 0 : i32
      %dma_wait3A_15 = tpu.memref_slice %arg10[%mul3A_2, %dma_wait3A] : memref<10112x128xf32, #tpu.memory_space<vmem_shared>> -> memref<632x128xf32, #tpu.memory_space<vmem_shared>>
      %dma_wait3A_16 = arith.constant 0 : i32
      %dma_wait3A_17 = tpu.memref_slice %arg5[%mul3A_2, %dma_wait3A_16] : memref<10112x128xf32, #tpu.memory_space<hbm>> -> memref<632x128xf32, #tpu.memory_space<hbm>>
      tpu.wait_dma2 semaphore(%run_scoped3A : memref<!tpu.dma_semaphore, #tpu.memory_space<semaphore_mem>>) src(%dma_wait3A_17 : memref<632x128xf32, #tpu.memory_space<hbm>>) dst(%dma_wait3A_15 : memref<632x128xf32, #tpu.memory_space<vmem_shared>>)
      tpu.yield
    }) : () -> ()
    %barrier3A = arith.constant 0 : index
    tpu.barrier barrier_id(%barrier3A)
    %scan3A = arith.constant 0 : i32
    %scan3A_3 = arith.constant 0 : i32
    %scan3A_4 = arith.constant 80 : i32
    %scan3A_5 = arith.addi %scan3A_3, %scan3A_4 : i32
    %scan3A_6 = arith.constant 1 : i32
    scf.for %scan3A_12 = %scan3A_3 to %scan3A_5 step %scan3A_6  : i32 {
      %mul3A_13 = arith.constant 80 : i32
      %mul3A_14 = arith.muli %add3A, %mul3A_13 : i32
      %add3A_15 = arith.addi %mul3A_14, %scan3A_12 : i32
      "tpu.region"() ({
        %run_scoped3A = tpu.sem_alloc : memref<!tpu.dma_semaphore, #tpu.memory_space<semaphore_mem>>
        %dma_start3A_20 = arith.constant 0 : i32
        %dma_start3A_21 = tpu.memref_slice %arg3[%add3A_15, %dma_start3A_20] : memref<2560x128xi32, #tpu.memory_space<hbm>> -> memref<1x128xi32, #tpu.memory_space<hbm>>
        %dma_start3A_22 = tpu.memref_squeeze %dma_start3A_21 : memref<1x128xi32, #tpu.memory_space<hbm>> -> memref<128xi32, #tpu.memory_space<hbm>>
        %dma_start3A_23 = arith.constant 0 : i32
        %dma_start3A_24 = tpu.memref_slice %arg3[%add3A_15, %dma_start3A_23] : memref<2560x128xi32, #tpu.memory_space<hbm>> -> memref<1x128xi32, #tpu.memory_space<hbm>>
        %dma_start3A_25 = tpu.memref_squeeze %dma_start3A_24 : memref<1x128xi32, #tpu.memory_space<hbm>> -> memref<128xi32, #tpu.memory_space<hbm>>
        tpu.enqueue_dma source(%dma_start3A_25 : memref<128xi32, #tpu.memory_space<hbm>>) target(%arg7 : memref<128xi32, #tpu.memory_space<vmem>>) target_semaphore(%run_scoped3A : memref<!tpu.dma_semaphore, #tpu.memory_space<semaphore_mem>>)
        %dma_wait3A_26 = arith.constant 0 : i32
        %dma_wait3A_27 = tpu.memref_slice %arg3[%add3A_15, %dma_wait3A_26] : memref<2560x128xi32, #tpu.memory_space<hbm>> -> memref<1x128xi32, #tpu.memory_space<hbm>>
        %dma_wait3A_28 = tpu.memref_squeeze %dma_wait3A_27 : memref<1x128xi32, #tpu.memory_space<hbm>> -> memref<128xi32, #tpu.memory_space<hbm>>
        %dma_wait3A_29 = arith.constant 0 : i32
        %dma_wait3A_30 = tpu.memref_slice %arg3[%add3A_15, %dma_wait3A_29] : memref<2560x128xi32, #tpu.memory_space<hbm>> -> memref<1x128xi32, #tpu.memory_space<hbm>>
        %dma_wait3A_31 = tpu.memref_squeeze %dma_wait3A_30 : memref<1x128xi32, #tpu.memory_space<hbm>> -> memref<128xi32, #tpu.memory_space<hbm>>
        tpu.wait_dma2 semaphore(%run_scoped3A : memref<!tpu.dma_semaphore, #tpu.memory_space<semaphore_mem>>) src(%dma_wait3A_31 : memref<128xi32, #tpu.memory_space<hbm>>) dst(%arg7 : memref<128xi32, #tpu.memory_space<vmem>>)
        tpu.yield
      }) : () -> ()
      "tpu.region"() ({
        %run_scoped3A = tpu.sem_alloc : memref<!tpu.dma_semaphore, #tpu.memory_space<semaphore_mem>>
        %dma_start3A_20 = arith.constant 0 : i32
        %dma_start3A_21 = tpu.memref_slice %arg4[%add3A_15, %dma_start3A_20] : memref<2560x128xi32, #tpu.memory_space<hbm>> -> memref<1x128xi32, #tpu.memory_space<hbm>>
        %dma_start3A_22 = tpu.memref_squeeze %dma_start3A_21 : memref<1x128xi32, #tpu.memory_space<hbm>> -> memref<128xi32, #tpu.memory_space<hbm>>
        %dma_start3A_23 = arith.constant 0 : i32
        %dma_start3A_24 = tpu.memref_slice %arg4[%add3A_15, %dma_start3A_23] : memref<2560x128xi32, #tpu.memory_space<hbm>> -> memref<1x128xi32, #tpu.memory_space<hbm>>
        %dma_start3A_25 = tpu.memref_squeeze %dma_start3A_24 : memref<1x128xi32, #tpu.memory_space<hbm>> -> memref<128xi32, #tpu.memory_space<hbm>>
        tpu.enqueue_dma source(%dma_start3A_25 : memref<128xi32, #tpu.memory_space<hbm>>) target(%arg8 : memref<128xi32, #tpu.memory_space<vmem>>) target_semaphore(%run_scoped3A : memref<!tpu.dma_semaphore, #tpu.memory_space<semaphore_mem>>)
        %dma_wait3A_26 = arith.constant 0 : i32
        %dma_wait3A_27 = tpu.memref_slice %arg4[%add3A_15, %dma_wait3A_26] : memref<2560x128xi32, #tpu.memory_space<hbm>> -> memref<1x128xi32, #tpu.memory_space<hbm>>
        %dma_wait3A_28 = tpu.memref_squeeze %dma_wait3A_27 : memref<1x128xi32, #tpu.memory_space<hbm>> -> memref<128xi32, #tpu.memory_space<hbm>>
        %dma_wait3A_29 = arith.constant 0 : i32
        %dma_wait3A_30 = tpu.memref_slice %arg4[%add3A_15, %dma_wait3A_29] : memref<2560x128xi32, #tpu.memory_space<hbm>> -> memref<1x128xi32, #tpu.memory_space<hbm>>
        %dma_wait3A_31 = tpu.memref_squeeze %dma_wait3A_30 : memref<1x128xi32, #tpu.memory_space<hbm>> -> memref<128xi32, #tpu.memory_space<hbm>>
        tpu.wait_dma2 semaphore(%run_scoped3A : memref<!tpu.dma_semaphore, #tpu.memory_space<semaphore_mem>>) src(%dma_wait3A_31 : memref<128xi32, #tpu.memory_space<hbm>>) dst(%arg8 : memref<128xi32, #tpu.memory_space<vmem>>)
        tpu.yield
      }) : () -> ()
      %dma_start3A = arith.constant 0 : i32
      %dma_start3A_16 = arith.constant 0 : i32
      %dma_start3A_17 = tpu.memref_slice %arg2[%dma_start3A, %dma_start3A_16] : memref<10000x128xf32, #tpu.memory_space<hbm>> -> memref<10000x128xf32, #tpu.memory_space<hbm>>
      tpu.enqueue_indirect_dma source(%dma_start3A_17 : memref<10000x128xf32, #tpu.memory_space<hbm>>) target(%arg9 : memref<128x128xf32, #tpu.memory_space<vmem>>) offsets(%arg7 : memref<128xi32, #tpu.memory_space<vmem>>) semaphore(%arg11 : memref<!tpu.dma_semaphore, #tpu.memory_space<semaphore_mem>>)
      %dma_wait3A = arith.constant 0 : i32
      %dma_wait3A_18 = arith.constant 0 : i32
      %dma_wait3A_19 = tpu.memref_slice %arg2[%dma_wait3A, %dma_wait3A_18] : memref<10000x128xf32, #tpu.memory_space<hbm>> -> memref<10000x128xf32, #tpu.memory_space<hbm>>
      tpu.wait_indirect_dma semaphore(%arg11 : memref<!tpu.dma_semaphore, #tpu.memory_space<semaphore_mem>>) src(%dma_wait3A_19 : memref<10000x128xf32, #tpu.memory_space<hbm>>) dst(%arg9 : memref<128x128xf32, #tpu.memory_space<vmem>>)
      "tpu.region"() ({
        %run_scoped3A = tpu.sem_alloc : memref<!tpu.dma_semaphore, #tpu.memory_space<semaphore_mem>>
        %dma_start3A_20 = arith.constant 0 : i32
        %dma_start3A_21 = arith.constant 0 : i32
        %dma_start3A_22 = tpu.memref_slice %arg10[%dma_start3A_20, %dma_start3A_21] : memref<10112x128xf32, #tpu.memory_space<vmem_shared>> -> memref<10112x128xf32, #tpu.memory_space<vmem_shared>>
        tpu.enqueue_indirect_dma source(%arg9 : memref<128x128xf32, #tpu.memory_space<vmem>>) target(%dma_start3A_22 : memref<10112x128xf32, #tpu.memory_space<vmem_shared>>) offsets(%arg8 : memref<128xi32, #tpu.memory_space<vmem>>) semaphore(%run_scoped3A : memref<!tpu.dma_semaphore, #tpu.memory_space<semaphore_mem>>) {add = true}
        %dma_wait3A_23 = arith.constant 0 : i32
        %dma_wait3A_24 = arith.constant 0 : i32
        %dma_wait3A_25 = tpu.memref_slice %arg10[%dma_wait3A_23, %dma_wait3A_24] : memref<10112x128xf32, #tpu.memory_space<vmem_shared>> -> memref<10112x128xf32, #tpu.memory_space<vmem_shared>>
        tpu.wait_indirect_dma semaphore(%run_scoped3A : memref<!tpu.dma_semaphore, #tpu.memory_space<semaphore_mem>>) src(%arg9 : memref<128x128xf32, #tpu.memory_space<vmem>>) dst(%dma_wait3A_25 : memref<10112x128xf32, #tpu.memory_space<vmem_shared>>)
        tpu.yield
      }) : () -> ()
    }
    %scan3A_7 = arith.constant 80 : i32
    %barrier3A_8 = arith.constant 0 : index
    tpu.barrier barrier_id(%barrier3A_8)
    %mul3A_9 = arith.constant 10112 : i32
    %mul3A_10 = arith.muli %arg0, %mul3A_9 : i32
    %add3A_11 = arith.addi %mul3A_10, %mul3A_2 : i32
    "tpu.region"() ({
      %run_scoped3A = tpu.sem_alloc : memref<!tpu.dma_semaphore, #tpu.memory_space<semaphore_mem>>
      %dma_start3A = arith.constant 0 : i32
      %dma_start3A_12 = tpu.memref_slice %arg6[%add3A_11, %dma_start3A] : memref<20224x128xf32, #tpu.memory_space<hbm>> -> memref<632x128xf32, #tpu.memory_space<hbm>>
      %dma_start3A_13 = arith.constant 0 : i32
      %dma_start3A_14 = tpu.memref_slice %arg10[%mul3A_2, %dma_start3A_13] : memref<10112x128xf32, #tpu.memory_space<vmem_shared>> -> memref<632x128xf32, #tpu.memory_space<vmem_shared>>
      tpu.enqueue_dma source(%dma_start3A_14 : memref<632x128xf32, #tpu.memory_space<vmem_shared>>) target(%dma_start3A_12 : memref<632x128xf32, #tpu.memory_space<hbm>>) target_semaphore(%run_scoped3A : memref<!tpu.dma_semaphore, #tpu.memory_space<semaphore_mem>>)
      %dma_wait3A = arith.constant 0 : i32
      %dma_wait3A_15 = tpu.memref_slice %arg6[%add3A_11, %dma_wait3A] : memref<20224x128xf32, #tpu.memory_space<hbm>> -> memref<632x128xf32, #tpu.memory_space<hbm>>
      %dma_wait3A_16 = arith.constant 0 : i32
      %dma_wait3A_17 = tpu.memref_slice %arg10[%mul3A_2, %dma_wait3A_16] : memref<10112x128xf32, #tpu.memory_space<vmem_shared>> -> memref<632x128xf32, #tpu.memory_space<vmem_shared>>
      tpu.wait_dma2 semaphore(%run_scoped3A : memref<!tpu.dma_semaphore, #tpu.memory_space<semaphore_mem>>) src(%dma_wait3A_17 : memref<632x128xf32, #tpu.memory_space<vmem_shared>>) dst(%dma_wait3A_15 : memref<632x128xf32, #tpu.memory_space<hbm>>)
      tpu.yield
    }) : () -> ()
    return
  }
}

#map = affine_map<(d0, d1) -> (0, 0)>
module attributes {stable_mosaic.version = 14 : i64} {
  func.func @_sc_prop(%arg0: i32, %arg1: i32, %arg2: memref<10000x128xf32, #tpu.memory_space<hbm>>, %arg3: memref<2560x128xi32, #tpu.memory_space<hbm>>, %arg4: memref<2560x128xi32, #tpu.memory_space<hbm>>, %arg5: memref<10112x128xf32, #tpu.memory_space<hbm>>, %arg6: memref<20224x128xf32, #tpu.memory_space<hbm>>, %arg7: memref<128xi32, #tpu.memory_space<vmem>>, %arg8: memref<128xi32, #tpu.memory_space<vmem>>, %arg9: memref<128x128xf32, #tpu.memory_space<vmem>>, %arg10: memref<10112x128xf32, #tpu.memory_space<vmem_shared>>, %arg11: memref<!tpu.dma_semaphore, #tpu.memory_space<semaphore_mem>>) attributes {dimension_semantics = [#tpu.dimension_semantics<core_parallel>, #tpu.dimension_semantics<subcore_parallel>], iteration_bounds = array<i64: 2, 16>, scalar_prefetch = 0 : i64, scratch_operands = 5 : i64, tpu.core_type = #tpu.core_type<sc_vector_subcore>, window_params = [{transform_indices = #map}, {transform_indices = #map}, {transform_indices = #map}, {transform_indices = #map}, {transform_indices = #map}]} {
    %mul3A = arith.constant 16 : i32
    %mul3A_0 = arith.muli %arg0, %mul3A : i32
    %add3A = arith.addi %mul3A_0, %arg1 : i32
    %mul3A_1 = arith.constant 632 : i32
    %mul3A_2 = arith.muli %arg1, %mul3A_1 : i32
    "tpu.region"() ({
      %run_scoped3A = tpu.sem_alloc : memref<!tpu.dma_semaphore, #tpu.memory_space<semaphore_mem>>
      %dma_start3A = arith.constant 0 : i32
      %dma_start3A_12 = tpu.memref_slice %arg10[%mul3A_2, %dma_start3A] : memref<10112x128xf32, #tpu.memory_space<vmem_shared>> -> memref<632x128xf32, #tpu.memory_space<vmem_shared>>
      %dma_start3A_13 = arith.constant 0 : i32
      %dma_start3A_14 = tpu.memref_slice %arg5[%mul3A_2, %dma_start3A_13] : memref<10112x128xf32, #tpu.memory_space<hbm>> -> memref<632x128xf32, #tpu.memory_space<hbm>>
      tpu.enqueue_dma source(%dma_start3A_14 : memref<632x128xf32, #tpu.memory_space<hbm>>) target(%dma_start3A_12 : memref<632x128xf32, #tpu.memory_space<vmem_shared>>) target_semaphore(%run_scoped3A : memref<!tpu.dma_semaphore, #tpu.memory_space<semaphore_mem>>)
      %dma_wait3A = arith.constant 0 : i32
      %dma_wait3A_15 = tpu.memref_slice %arg10[%mul3A_2, %dma_wait3A] : memref<10112x128xf32, #tpu.memory_space<vmem_shared>> -> memref<632x128xf32, #tpu.memory_space<vmem_shared>>
      %dma_wait3A_16 = arith.constant 0 : i32
      %dma_wait3A_17 = tpu.memref_slice %arg5[%mul3A_2, %dma_wait3A_16] : memref<10112x128xf32, #tpu.memory_space<hbm>> -> memref<632x128xf32, #tpu.memory_space<hbm>>
      tpu.wait_dma2 semaphore(%run_scoped3A : memref<!tpu.dma_semaphore, #tpu.memory_space<semaphore_mem>>) src(%dma_wait3A_17 : memref<632x128xf32, #tpu.memory_space<hbm>>) dst(%dma_wait3A_15 : memref<632x128xf32, #tpu.memory_space<vmem_shared>>)
      tpu.yield
    }) : () -> ()
    %barrier3A = arith.constant 0 : index
    tpu.barrier barrier_id(%barrier3A)
    %scan3A = arith.constant 0 : i32
    %scan3A_3 = arith.constant 0 : i32
    %scan3A_4 = arith.constant 80 : i32
    %scan3A_5 = arith.addi %scan3A_3, %scan3A_4 : i32
    %scan3A_6 = arith.constant 1 : i32
    scf.for %scan3A_12 = %scan3A_3 to %scan3A_5 step %scan3A_6  : i32 {
      %mul3A_13 = arith.constant 80 : i32
      %mul3A_14 = arith.muli %add3A, %mul3A_13 : i32
      %add3A_15 = arith.addi %mul3A_14, %scan3A_12 : i32
      "tpu.region"() ({
        %run_scoped3A = tpu.sem_alloc : memref<!tpu.dma_semaphore, #tpu.memory_space<semaphore_mem>>
        %dma_start3A_20 = arith.constant 0 : i32
        %dma_start3A_21 = tpu.memref_slice %arg3[%add3A_15, %dma_start3A_20] : memref<2560x128xi32, #tpu.memory_space<hbm>> -> memref<1x128xi32, #tpu.memory_space<hbm>>
        %dma_start3A_22 = tpu.memref_squeeze %dma_start3A_21 : memref<1x128xi32, #tpu.memory_space<hbm>> -> memref<128xi32, #tpu.memory_space<hbm>>
        %dma_start3A_23 = arith.constant 0 : i32
        %dma_start3A_24 = tpu.memref_slice %arg3[%add3A_15, %dma_start3A_23] : memref<2560x128xi32, #tpu.memory_space<hbm>> -> memref<1x128xi32, #tpu.memory_space<hbm>>
        %dma_start3A_25 = tpu.memref_squeeze %dma_start3A_24 : memref<1x128xi32, #tpu.memory_space<hbm>> -> memref<128xi32, #tpu.memory_space<hbm>>
        tpu.enqueue_dma source(%dma_start3A_25 : memref<128xi32, #tpu.memory_space<hbm>>) target(%arg7 : memref<128xi32, #tpu.memory_space<vmem>>) target_semaphore(%run_scoped3A : memref<!tpu.dma_semaphore, #tpu.memory_space<semaphore_mem>>)
        %dma_wait3A_26 = arith.constant 0 : i32
        %dma_wait3A_27 = tpu.memref_slice %arg3[%add3A_15, %dma_wait3A_26] : memref<2560x128xi32, #tpu.memory_space<hbm>> -> memref<1x128xi32, #tpu.memory_space<hbm>>
        %dma_wait3A_28 = tpu.memref_squeeze %dma_wait3A_27 : memref<1x128xi32, #tpu.memory_space<hbm>> -> memref<128xi32, #tpu.memory_space<hbm>>
        %dma_wait3A_29 = arith.constant 0 : i32
        %dma_wait3A_30 = tpu.memref_slice %arg3[%add3A_15, %dma_wait3A_29] : memref<2560x128xi32, #tpu.memory_space<hbm>> -> memref<1x128xi32, #tpu.memory_space<hbm>>
        %dma_wait3A_31 = tpu.memref_squeeze %dma_wait3A_30 : memref<1x128xi32, #tpu.memory_space<hbm>> -> memref<128xi32, #tpu.memory_space<hbm>>
        tpu.wait_dma2 semaphore(%run_scoped3A : memref<!tpu.dma_semaphore, #tpu.memory_space<semaphore_mem>>) src(%dma_wait3A_31 : memref<128xi32, #tpu.memory_space<hbm>>) dst(%arg7 : memref<128xi32, #tpu.memory_space<vmem>>)
        tpu.yield
      }) : () -> ()
      "tpu.region"() ({
        %run_scoped3A = tpu.sem_alloc : memref<!tpu.dma_semaphore, #tpu.memory_space<semaphore_mem>>
        %dma_start3A_20 = arith.constant 0 : i32
        %dma_start3A_21 = tpu.memref_slice %arg4[%add3A_15, %dma_start3A_20] : memref<2560x128xi32, #tpu.memory_space<hbm>> -> memref<1x128xi32, #tpu.memory_space<hbm>>
        %dma_start3A_22 = tpu.memref_squeeze %dma_start3A_21 : memref<1x128xi32, #tpu.memory_space<hbm>> -> memref<128xi32, #tpu.memory_space<hbm>>
        %dma_start3A_23 = arith.constant 0 : i32
        %dma_start3A_24 = tpu.memref_slice %arg4[%add3A_15, %dma_start3A_23] : memref<2560x128xi32, #tpu.memory_space<hbm>> -> memref<1x128xi32, #tpu.memory_space<hbm>>
        %dma_start3A_25 = tpu.memref_squeeze %dma_start3A_24 : memref<1x128xi32, #tpu.memory_space<hbm>> -> memref<128xi32, #tpu.memory_space<hbm>>
        tpu.enqueue_dma source(%dma_start3A_25 : memref<128xi32, #tpu.memory_space<hbm>>) target(%arg8 : memref<128xi32, #tpu.memory_space<vmem>>) target_semaphore(%run_scoped3A : memref<!tpu.dma_semaphore, #tpu.memory_space<semaphore_mem>>)
        %dma_wait3A_26 = arith.constant 0 : i32
        %dma_wait3A_27 = tpu.memref_slice %arg4[%add3A_15, %dma_wait3A_26] : memref<2560x128xi32, #tpu.memory_space<hbm>> -> memref<1x128xi32, #tpu.memory_space<hbm>>
        %dma_wait3A_28 = tpu.memref_squeeze %dma_wait3A_27 : memref<1x128xi32, #tpu.memory_space<hbm>> -> memref<128xi32, #tpu.memory_space<hbm>>
        %dma_wait3A_29 = arith.constant 0 : i32
        %dma_wait3A_30 = tpu.memref_slice %arg4[%add3A_15, %dma_wait3A_29] : memref<2560x128xi32, #tpu.memory_space<hbm>> -> memref<1x128xi32, #tpu.memory_space<hbm>>
        %dma_wait3A_31 = tpu.memref_squeeze %dma_wait3A_30 : memref<1x128xi32, #tpu.memory_space<hbm>> -> memref<128xi32, #tpu.memory_space<hbm>>
        tpu.wait_dma2 semaphore(%run_scoped3A : memref<!tpu.dma_semaphore, #tpu.memory_space<semaphore_mem>>) src(%dma_wait3A_31 : memref<128xi32, #tpu.memory_space<hbm>>) dst(%arg8 : memref<128xi32, #tpu.memory_space<vmem>>)
        tpu.yield
      }) : () -> ()
      %dma_start3A = arith.constant 0 : i32
      %dma_start3A_16 = arith.constant 0 : i32
      %dma_start3A_17 = tpu.memref_slice %arg2[%dma_start3A, %dma_start3A_16] : memref<10000x128xf32, #tpu.memory_space<hbm>> -> memref<10000x128xf32, #tpu.memory_space<hbm>>
      tpu.enqueue_indirect_dma source(%dma_start3A_17 : memref<10000x128xf32, #tpu.memory_space<hbm>>) target(%arg9 : memref<128x128xf32, #tpu.memory_space<vmem>>) offsets(%arg7 : memref<128xi32, #tpu.memory_space<vmem>>) semaphore(%arg11 : memref<!tpu.dma_semaphore, #tpu.memory_space<semaphore_mem>>)
      %dma_wait3A = arith.constant 0 : i32
      %dma_wait3A_18 = arith.constant 0 : i32
      %dma_wait3A_19 = tpu.memref_slice %arg2[%dma_wait3A, %dma_wait3A_18] : memref<10000x128xf32, #tpu.memory_space<hbm>> -> memref<10000x128xf32, #tpu.memory_space<hbm>>
      tpu.wait_indirect_dma semaphore(%arg11 : memref<!tpu.dma_semaphore, #tpu.memory_space<semaphore_mem>>) src(%dma_wait3A_19 : memref<10000x128xf32, #tpu.memory_space<hbm>>) dst(%arg9 : memref<128x128xf32, #tpu.memory_space<vmem>>)
      "tpu.region"() ({
        %run_scoped3A = tpu.sem_alloc : memref<!tpu.dma_semaphore, #tpu.memory_space<semaphore_mem>>
        %dma_start3A_20 = arith.constant 0 : i32
        %dma_start3A_21 = arith.constant 0 : i32
        %dma_start3A_22 = tpu.memref_slice %arg10[%dma_start3A_20, %dma_start3A_21] : memref<10112x128xf32, #tpu.memory_space<vmem_shared>> -> memref<10112x128xf32, #tpu.memory_space<vmem_shared>>
        tpu.enqueue_indirect_dma source(%arg9 : memref<128x128xf32, #tpu.memory_space<vmem>>) target(%dma_start3A_22 : memref<10112x128xf32, #tpu.memory_space<vmem_shared>>) offsets(%arg8 : memref<128xi32, #tpu.memory_space<vmem>>) semaphore(%run_scoped3A : memref<!tpu.dma_semaphore, #tpu.memory_space<semaphore_mem>>) {add = true}
        %dma_wait3A_23 = arith.constant 0 : i32
        %dma_wait3A_24 = arith.constant 0 : i32
        %dma_wait3A_25 = tpu.memref_slice %arg10[%dma_wait3A_23, %dma_wait3A_24] : memref<10112x128xf32, #tpu.memory_space<vmem_shared>> -> memref<10112x128xf32, #tpu.memory_space<vmem_shared>>
        tpu.wait_indirect_dma semaphore(%run_scoped3A : memref<!tpu.dma_semaphore, #tpu.memory_space<semaphore_mem>>) src(%arg9 : memref<128x128xf32, #tpu.memory_space<vmem>>) dst(%dma_wait3A_25 : memref<10112x128xf32, #tpu.memory_space<vmem_shared>>)
        tpu.yield
      }) : () -> ()
    }
    %scan3A_7 = arith.constant 80 : i32
    %barrier3A_8 = arith.constant 0 : index
    tpu.barrier barrier_id(%barrier3A_8)
    %mul3A_9 = arith.constant 10112 : i32
    %mul3A_10 = arith.muli %arg0, %mul3A_9 : i32
    %add3A_11 = arith.addi %mul3A_10, %mul3A_2 : i32
    "tpu.region"() ({
      %run_scoped3A = tpu.sem_alloc : memref<!tpu.dma_semaphore, #tpu.memory_space<semaphore_mem>>
      %dma_start3A = arith.constant 0 : i32
      %dma_start3A_12 = tpu.memref_slice %arg6[%add3A_11, %dma_start3A] : memref<20224x128xf32, #tpu.memory_space<hbm>> -> memref<632x128xf32, #tpu.memory_space<hbm>>
      %dma_start3A_13 = arith.constant 0 : i32
      %dma_start3A_14 = tpu.memref_slice %arg10[%mul3A_2, %dma_start3A_13] : memref<10112x128xf32, #tpu.memory_space<vmem_shared>> -> memref<632x128xf32, #tpu.memory_space<vmem_shared>>
      tpu.enqueue_dma source(%dma_start3A_14 : memref<632x128xf32, #tpu.memory_space<vmem_shared>>) target(%dma_start3A_12 : memref<632x128xf32, #tpu.memory_space<hbm>>) target_semaphore(%run_scoped3A : memref<!tpu.dma_semaphore, #tpu.memory_space<semaphore_mem>>)
      %dma_wait3A = arith.constant 0 : i32
      %dma_wait3A_15 = tpu.memref_slice %arg6[%add3A_11, %dma_wait3A] : memref<20224x128xf32, #tpu.memory_space<hbm>> -> memref<632x128xf32, #tpu.memory_space<hbm>>
      %dma_wait3A_16 = arith.constant 0 : i32
      %dma_wait3A_17 = tpu.memref_slice %arg10[%mul3A_2, %dma_wait3A_16] : memref<10112x128xf32, #tpu.memory_space<vmem_shared>> -> memref<632x128xf32, #tpu.memory_space<vmem_shared>>
      tpu.wait_dma2 semaphore(%run_scoped3A : memref<!tpu.dma_semaphore, #tpu.memory_space<semaphore_mem>>) src(%dma_wait3A_17 : memref<632x128xf32, #tpu.memory_space<vmem_shared>>) dst(%dma_wait3A_15 : memref<632x128xf32, #tpu.memory_space<hbm>>)
      tpu.yield
    }) : () -> ()
    return
  }
}

#map = affine_map<(d0, d1) -> (0, 0)>
module attributes {stable_mosaic.version = 14 : i64} {
  func.func @_sc_prop(%arg0: i32, %arg1: i32, %arg2: memref<10000x128xf32, #tpu.memory_space<hbm>>, %arg3: memref<2560x128xi32, #tpu.memory_space<hbm>>, %arg4: memref<2560x128xi32, #tpu.memory_space<hbm>>, %arg5: memref<10112x128xf32, #tpu.memory_space<hbm>>, %arg6: memref<20224x128xf32, #tpu.memory_space<hbm>>, %arg7: memref<128xi32, #tpu.memory_space<vmem>>, %arg8: memref<128xi32, #tpu.memory_space<vmem>>, %arg9: memref<128x128xf32, #tpu.memory_space<vmem>>, %arg10: memref<10112x128xf32, #tpu.memory_space<vmem_shared>>, %arg11: memref<!tpu.dma_semaphore, #tpu.memory_space<semaphore_mem>>) attributes {dimension_semantics = [#tpu.dimension_semantics<core_parallel>, #tpu.dimension_semantics<subcore_parallel>], iteration_bounds = array<i64: 2, 16>, scalar_prefetch = 0 : i64, scratch_operands = 5 : i64, tpu.core_type = #tpu.core_type<sc_vector_subcore>, window_params = [{transform_indices = #map}, {transform_indices = #map}, {transform_indices = #map}, {transform_indices = #map}, {transform_indices = #map}]} {
    %mul3A = arith.constant 16 : i32
    %mul3A_0 = arith.muli %arg0, %mul3A : i32
    %add3A = arith.addi %mul3A_0, %arg1 : i32
    %mul3A_1 = arith.constant 632 : i32
    %mul3A_2 = arith.muli %arg1, %mul3A_1 : i32
    "tpu.region"() ({
      %run_scoped3A = tpu.sem_alloc : memref<!tpu.dma_semaphore, #tpu.memory_space<semaphore_mem>>
      %dma_start3A = arith.constant 0 : i32
      %dma_start3A_12 = tpu.memref_slice %arg10[%mul3A_2, %dma_start3A] : memref<10112x128xf32, #tpu.memory_space<vmem_shared>> -> memref<632x128xf32, #tpu.memory_space<vmem_shared>>
      %dma_start3A_13 = arith.constant 0 : i32
      %dma_start3A_14 = tpu.memref_slice %arg5[%mul3A_2, %dma_start3A_13] : memref<10112x128xf32, #tpu.memory_space<hbm>> -> memref<632x128xf32, #tpu.memory_space<hbm>>
      tpu.enqueue_dma source(%dma_start3A_14 : memref<632x128xf32, #tpu.memory_space<hbm>>) target(%dma_start3A_12 : memref<632x128xf32, #tpu.memory_space<vmem_shared>>) target_semaphore(%run_scoped3A : memref<!tpu.dma_semaphore, #tpu.memory_space<semaphore_mem>>)
      %dma_wait3A = arith.constant 0 : i32
      %dma_wait3A_15 = tpu.memref_slice %arg10[%mul3A_2, %dma_wait3A] : memref<10112x128xf32, #tpu.memory_space<vmem_shared>> -> memref<632x128xf32, #tpu.memory_space<vmem_shared>>
      %dma_wait3A_16 = arith.constant 0 : i32
      %dma_wait3A_17 = tpu.memref_slice %arg5[%mul3A_2, %dma_wait3A_16] : memref<10112x128xf32, #tpu.memory_space<hbm>> -> memref<632x128xf32, #tpu.memory_space<hbm>>
      tpu.wait_dma2 semaphore(%run_scoped3A : memref<!tpu.dma_semaphore, #tpu.memory_space<semaphore_mem>>) src(%dma_wait3A_17 : memref<632x128xf32, #tpu.memory_space<hbm>>) dst(%dma_wait3A_15 : memref<632x128xf32, #tpu.memory_space<vmem_shared>>)
      tpu.yield
    }) : () -> ()
    %barrier3A = arith.constant 0 : index
    tpu.barrier barrier_id(%barrier3A)
    %scan3A = arith.constant 0 : i32
    %scan3A_3 = arith.constant 0 : i32
    %scan3A_4 = arith.constant 80 : i32
    %scan3A_5 = arith.addi %scan3A_3, %scan3A_4 : i32
    %scan3A_6 = arith.constant 1 : i32
    scf.for %scan3A_12 = %scan3A_3 to %scan3A_5 step %scan3A_6  : i32 {
      %mul3A_13 = arith.constant 80 : i32
      %mul3A_14 = arith.muli %add3A, %mul3A_13 : i32
      %add3A_15 = arith.addi %mul3A_14, %scan3A_12 : i32
      "tpu.region"() ({
        %run_scoped3A = tpu.sem_alloc : memref<!tpu.dma_semaphore, #tpu.memory_space<semaphore_mem>>
        %dma_start3A_20 = arith.constant 0 : i32
        %dma_start3A_21 = tpu.memref_slice %arg3[%add3A_15, %dma_start3A_20] : memref<2560x128xi32, #tpu.memory_space<hbm>> -> memref<1x128xi32, #tpu.memory_space<hbm>>
        %dma_start3A_22 = tpu.memref_squeeze %dma_start3A_21 : memref<1x128xi32, #tpu.memory_space<hbm>> -> memref<128xi32, #tpu.memory_space<hbm>>
        %dma_start3A_23 = arith.constant 0 : i32
        %dma_start3A_24 = tpu.memref_slice %arg3[%add3A_15, %dma_start3A_23] : memref<2560x128xi32, #tpu.memory_space<hbm>> -> memref<1x128xi32, #tpu.memory_space<hbm>>
        %dma_start3A_25 = tpu.memref_squeeze %dma_start3A_24 : memref<1x128xi32, #tpu.memory_space<hbm>> -> memref<128xi32, #tpu.memory_space<hbm>>
        tpu.enqueue_dma source(%dma_start3A_25 : memref<128xi32, #tpu.memory_space<hbm>>) target(%arg7 : memref<128xi32, #tpu.memory_space<vmem>>) target_semaphore(%run_scoped3A : memref<!tpu.dma_semaphore, #tpu.memory_space<semaphore_mem>>)
        %dma_wait3A_26 = arith.constant 0 : i32
        %dma_wait3A_27 = tpu.memref_slice %arg3[%add3A_15, %dma_wait3A_26] : memref<2560x128xi32, #tpu.memory_space<hbm>> -> memref<1x128xi32, #tpu.memory_space<hbm>>
        %dma_wait3A_28 = tpu.memref_squeeze %dma_wait3A_27 : memref<1x128xi32, #tpu.memory_space<hbm>> -> memref<128xi32, #tpu.memory_space<hbm>>
        %dma_wait3A_29 = arith.constant 0 : i32
        %dma_wait3A_30 = tpu.memref_slice %arg3[%add3A_15, %dma_wait3A_29] : memref<2560x128xi32, #tpu.memory_space<hbm>> -> memref<1x128xi32, #tpu.memory_space<hbm>>
        %dma_wait3A_31 = tpu.memref_squeeze %dma_wait3A_30 : memref<1x128xi32, #tpu.memory_space<hbm>> -> memref<128xi32, #tpu.memory_space<hbm>>
        tpu.wait_dma2 semaphore(%run_scoped3A : memref<!tpu.dma_semaphore, #tpu.memory_space<semaphore_mem>>) src(%dma_wait3A_31 : memref<128xi32, #tpu.memory_space<hbm>>) dst(%arg7 : memref<128xi32, #tpu.memory_space<vmem>>)
        tpu.yield
      }) : () -> ()
      "tpu.region"() ({
        %run_scoped3A = tpu.sem_alloc : memref<!tpu.dma_semaphore, #tpu.memory_space<semaphore_mem>>
        %dma_start3A_20 = arith.constant 0 : i32
        %dma_start3A_21 = tpu.memref_slice %arg4[%add3A_15, %dma_start3A_20] : memref<2560x128xi32, #tpu.memory_space<hbm>> -> memref<1x128xi32, #tpu.memory_space<hbm>>
        %dma_start3A_22 = tpu.memref_squeeze %dma_start3A_21 : memref<1x128xi32, #tpu.memory_space<hbm>> -> memref<128xi32, #tpu.memory_space<hbm>>
        %dma_start3A_23 = arith.constant 0 : i32
        %dma_start3A_24 = tpu.memref_slice %arg4[%add3A_15, %dma_start3A_23] : memref<2560x128xi32, #tpu.memory_space<hbm>> -> memref<1x128xi32, #tpu.memory_space<hbm>>
        %dma_start3A_25 = tpu.memref_squeeze %dma_start3A_24 : memref<1x128xi32, #tpu.memory_space<hbm>> -> memref<128xi32, #tpu.memory_space<hbm>>
        tpu.enqueue_dma source(%dma_start3A_25 : memref<128xi32, #tpu.memory_space<hbm>>) target(%arg8 : memref<128xi32, #tpu.memory_space<vmem>>) target_semaphore(%run_scoped3A : memref<!tpu.dma_semaphore, #tpu.memory_space<semaphore_mem>>)
        %dma_wait3A_26 = arith.constant 0 : i32
        %dma_wait3A_27 = tpu.memref_slice %arg4[%add3A_15, %dma_wait3A_26] : memref<2560x128xi32, #tpu.memory_space<hbm>> -> memref<1x128xi32, #tpu.memory_space<hbm>>
        %dma_wait3A_28 = tpu.memref_squeeze %dma_wait3A_27 : memref<1x128xi32, #tpu.memory_space<hbm>> -> memref<128xi32, #tpu.memory_space<hbm>>
        %dma_wait3A_29 = arith.constant 0 : i32
        %dma_wait3A_30 = tpu.memref_slice %arg4[%add3A_15, %dma_wait3A_29] : memref<2560x128xi32, #tpu.memory_space<hbm>> -> memref<1x128xi32, #tpu.memory_space<hbm>>
        %dma_wait3A_31 = tpu.memref_squeeze %dma_wait3A_30 : memref<1x128xi32, #tpu.memory_space<hbm>> -> memref<128xi32, #tpu.memory_space<hbm>>
        tpu.wait_dma2 semaphore(%run_scoped3A : memref<!tpu.dma_semaphore, #tpu.memory_space<semaphore_mem>>) src(%dma_wait3A_31 : memref<128xi32, #tpu.memory_space<hbm>>) dst(%arg8 : memref<128xi32, #tpu.memory_space<vmem>>)
        tpu.yield
      }) : () -> ()
      %dma_start3A = arith.constant 0 : i32
      %dma_start3A_16 = arith.constant 0 : i32
      %dma_start3A_17 = tpu.memref_slice %arg2[%dma_start3A, %dma_start3A_16] : memref<10000x128xf32, #tpu.memory_space<hbm>> -> memref<10000x128xf32, #tpu.memory_space<hbm>>
      tpu.enqueue_indirect_dma source(%dma_start3A_17 : memref<10000x128xf32, #tpu.memory_space<hbm>>) target(%arg9 : memref<128x128xf32, #tpu.memory_space<vmem>>) offsets(%arg7 : memref<128xi32, #tpu.memory_space<vmem>>) semaphore(%arg11 : memref<!tpu.dma_semaphore, #tpu.memory_space<semaphore_mem>>)
      %dma_wait3A = arith.constant 0 : i32
      %dma_wait3A_18 = arith.constant 0 : i32
      %dma_wait3A_19 = tpu.memref_slice %arg2[%dma_wait3A, %dma_wait3A_18] : memref<10000x128xf32, #tpu.memory_space<hbm>> -> memref<10000x128xf32, #tpu.memory_space<hbm>>
      tpu.wait_indirect_dma semaphore(%arg11 : memref<!tpu.dma_semaphore, #tpu.memory_space<semaphore_mem>>) src(%dma_wait3A_19 : memref<10000x128xf32, #tpu.memory_space<hbm>>) dst(%arg9 : memref<128x128xf32, #tpu.memory_space<vmem>>)
      "tpu.region"() ({
        %run_scoped3A = tpu.sem_alloc : memref<!tpu.dma_semaphore, #tpu.memory_space<semaphore_mem>>
        %dma_start3A_20 = arith.constant 0 : i32
        %dma_start3A_21 = arith.constant 0 : i32
        %dma_start3A_22 = tpu.memref_slice %arg10[%dma_start3A_20, %dma_start3A_21] : memref<10112x128xf32, #tpu.memory_space<vmem_shared>> -> memref<10112x128xf32, #tpu.memory_space<vmem_shared>>
        tpu.enqueue_indirect_dma source(%arg9 : memref<128x128xf32, #tpu.memory_space<vmem>>) target(%dma_start3A_22 : memref<10112x128xf32, #tpu.memory_space<vmem_shared>>) offsets(%arg8 : memref<128xi32, #tpu.memory_space<vmem>>) semaphore(%run_scoped3A : memref<!tpu.dma_semaphore, #tpu.memory_space<semaphore_mem>>) {add = true}
        %dma_wait3A_23 = arith.constant 0 : i32
        %dma_wait3A_24 = arith.constant 0 : i32
        %dma_wait3A_25 = tpu.memref_slice %arg10[%dma_wait3A_23, %dma_wait3A_24] : memref<10112x128xf32, #tpu.memory_space<vmem_shared>> -> memref<10112x128xf32, #tpu.memory_space<vmem_shared>>
        tpu.wait_indirect_dma semaphore(%run_scoped3A : memref<!tpu.dma_semaphore, #tpu.memory_space<semaphore_mem>>) src(%arg9 : memref<128x128xf32, #tpu.memory_space<vmem>>) dst(%dma_wait3A_25 : memref<10112x128xf32, #tpu.memory_space<vmem_shared>>)
        tpu.yield
      }) : () -> ()
    }
    %scan3A_7 = arith.constant 80 : i32
    %barrier3A_8 = arith.constant 0 : index
    tpu.barrier barrier_id(%barrier3A_8)
    %mul3A_9 = arith.constant 10112 : i32
    %mul3A_10 = arith.muli %arg0, %mul3A_9 : i32
    %add3A_11 = arith.addi %mul3A_10, %mul3A_2 : i32
    "tpu.region"() ({
      %run_scoped3A = tpu.sem_alloc : memref<!tpu.dma_semaphore, #tpu.memory_space<semaphore_mem>>
      %dma_start3A = arith.constant 0 : i32
      %dma_start3A_12 = tpu.memref_slice %arg6[%add3A_11, %dma_start3A] : memref<20224x128xf32, #tpu.memory_space<hbm>> -> memref<632x128xf32, #tpu.memory_space<hbm>>
      %dma_start3A_13 = arith.constant 0 : i32
      %dma_start3A_14 = tpu.memref_slice %arg10[%mul3A_2, %dma_start3A_13] : memref<10112x128xf32, #tpu.memory_space<vmem_shared>> -> memref<632x128xf32, #tpu.memory_space<vmem_shared>>
      tpu.enqueue_dma source(%dma_start3A_14 : memref<632x128xf32, #tpu.memory_space<vmem_shared>>) target(%dma_start3A_12 : memref<632x128xf32, #tpu.memory_space<hbm>>) target_semaphore(%run_scoped3A : memref<!tpu.dma_semaphore, #tpu.memory_space<semaphore_mem>>)
      %dma_wait3A = arith.constant 0 : i32
      %dma_wait3A_15 = tpu.memref_slice %arg6[%add3A_11, %dma_wait3A] : memref<20224x128xf32, #tpu.memory_space<hbm>> -> memref<632x128xf32, #tpu.memory_space<hbm>>
      %dma_wait3A_16 = arith.constant 0 : i32
      %dma_wait3A_17 = tpu.memref_slice %arg10[%mul3A_2, %dma_wait3A_16] : memref<10112x128xf32, #tpu.memory_space<vmem_shared>> -> memref<632x128xf32, #tpu.memory_space<vmem_shared>>
      tpu.wait_dma2 semaphore(%run_scoped3A : memref<!tpu.dma_semaphore, #tpu.memory_space<semaphore_mem>>) src(%dma_wait3A_17 : memref<632x128xf32, #tpu.memory_space<vmem_shared>>) dst(%dma_wait3A_15 : memref<632x128xf32, #tpu.memory_space<hbm>>)
      tpu.yield
    }) : () -> ()
    return
  }
}

#map = affine_map<(d0, d1) -> (0, 0)>
module attributes {stable_mosaic.version = 14 : i64} {
  func.func @_sc_prop(%arg0: i32, %arg1: i32, %arg2: memref<10000x128xf32, #tpu.memory_space<hbm>>, %arg3: memref<2560x128xi32, #tpu.memory_space<hbm>>, %arg4: memref<2560x128xi32, #tpu.memory_space<hbm>>, %arg5: memref<10112x128xf32, #tpu.memory_space<hbm>>, %arg6: memref<20224x128xf32, #tpu.memory_space<hbm>>, %arg7: memref<128xi32, #tpu.memory_space<vmem>>, %arg8: memref<128xi32, #tpu.memory_space<vmem>>, %arg9: memref<128x128xf32, #tpu.memory_space<vmem>>, %arg10: memref<10112x128xf32, #tpu.memory_space<vmem_shared>>, %arg11: memref<!tpu.dma_semaphore, #tpu.memory_space<semaphore_mem>>) attributes {dimension_semantics = [#tpu.dimension_semantics<core_parallel>, #tpu.dimension_semantics<subcore_parallel>], iteration_bounds = array<i64: 2, 16>, scalar_prefetch = 0 : i64, scratch_operands = 5 : i64, tpu.core_type = #tpu.core_type<sc_vector_subcore>, window_params = [{transform_indices = #map}, {transform_indices = #map}, {transform_indices = #map}, {transform_indices = #map}, {transform_indices = #map}]} {
    %mul3A = arith.constant 16 : i32
    %mul3A_0 = arith.muli %arg0, %mul3A : i32
    %add3A = arith.addi %mul3A_0, %arg1 : i32
    %mul3A_1 = arith.constant 632 : i32
    %mul3A_2 = arith.muli %arg1, %mul3A_1 : i32
    "tpu.region"() ({
      %run_scoped3A = tpu.sem_alloc : memref<!tpu.dma_semaphore, #tpu.memory_space<semaphore_mem>>
      %dma_start3A = arith.constant 0 : i32
      %dma_start3A_12 = tpu.memref_slice %arg10[%mul3A_2, %dma_start3A] : memref<10112x128xf32, #tpu.memory_space<vmem_shared>> -> memref<632x128xf32, #tpu.memory_space<vmem_shared>>
      %dma_start3A_13 = arith.constant 0 : i32
      %dma_start3A_14 = tpu.memref_slice %arg5[%mul3A_2, %dma_start3A_13] : memref<10112x128xf32, #tpu.memory_space<hbm>> -> memref<632x128xf32, #tpu.memory_space<hbm>>
      tpu.enqueue_dma source(%dma_start3A_14 : memref<632x128xf32, #tpu.memory_space<hbm>>) target(%dma_start3A_12 : memref<632x128xf32, #tpu.memory_space<vmem_shared>>) target_semaphore(%run_scoped3A : memref<!tpu.dma_semaphore, #tpu.memory_space<semaphore_mem>>)
      %dma_wait3A = arith.constant 0 : i32
      %dma_wait3A_15 = tpu.memref_slice %arg10[%mul3A_2, %dma_wait3A] : memref<10112x128xf32, #tpu.memory_space<vmem_shared>> -> memref<632x128xf32, #tpu.memory_space<vmem_shared>>
      %dma_wait3A_16 = arith.constant 0 : i32
      %dma_wait3A_17 = tpu.memref_slice %arg5[%mul3A_2, %dma_wait3A_16] : memref<10112x128xf32, #tpu.memory_space<hbm>> -> memref<632x128xf32, #tpu.memory_space<hbm>>
      tpu.wait_dma2 semaphore(%run_scoped3A : memref<!tpu.dma_semaphore, #tpu.memory_space<semaphore_mem>>) src(%dma_wait3A_17 : memref<632x128xf32, #tpu.memory_space<hbm>>) dst(%dma_wait3A_15 : memref<632x128xf32, #tpu.memory_space<vmem_shared>>)
      tpu.yield
    }) : () -> ()
    %barrier3A = arith.constant 0 : index
    tpu.barrier barrier_id(%barrier3A)
    %scan3A = arith.constant 0 : i32
    %scan3A_3 = arith.constant 0 : i32
    %scan3A_4 = arith.constant 80 : i32
    %scan3A_5 = arith.addi %scan3A_3, %scan3A_4 : i32
    %scan3A_6 = arith.constant 1 : i32
    scf.for %scan3A_12 = %scan3A_3 to %scan3A_5 step %scan3A_6  : i32 {
      %mul3A_13 = arith.constant 80 : i32
      %mul3A_14 = arith.muli %add3A, %mul3A_13 : i32
      %add3A_15 = arith.addi %mul3A_14, %scan3A_12 : i32
      "tpu.region"() ({
        %run_scoped3A = tpu.sem_alloc : memref<!tpu.dma_semaphore, #tpu.memory_space<semaphore_mem>>
        %dma_start3A_20 = arith.constant 0 : i32
        %dma_start3A_21 = tpu.memref_slice %arg3[%add3A_15, %dma_start3A_20] : memref<2560x128xi32, #tpu.memory_space<hbm>> -> memref<1x128xi32, #tpu.memory_space<hbm>>
        %dma_start3A_22 = tpu.memref_squeeze %dma_start3A_21 : memref<1x128xi32, #tpu.memory_space<hbm>> -> memref<128xi32, #tpu.memory_space<hbm>>
        %dma_start3A_23 = arith.constant 0 : i32
        %dma_start3A_24 = tpu.memref_slice %arg3[%add3A_15, %dma_start3A_23] : memref<2560x128xi32, #tpu.memory_space<hbm>> -> memref<1x128xi32, #tpu.memory_space<hbm>>
        %dma_start3A_25 = tpu.memref_squeeze %dma_start3A_24 : memref<1x128xi32, #tpu.memory_space<hbm>> -> memref<128xi32, #tpu.memory_space<hbm>>
        tpu.enqueue_dma source(%dma_start3A_25 : memref<128xi32, #tpu.memory_space<hbm>>) target(%arg7 : memref<128xi32, #tpu.memory_space<vmem>>) target_semaphore(%run_scoped3A : memref<!tpu.dma_semaphore, #tpu.memory_space<semaphore_mem>>)
        %dma_wait3A_26 = arith.constant 0 : i32
        %dma_wait3A_27 = tpu.memref_slice %arg3[%add3A_15, %dma_wait3A_26] : memref<2560x128xi32, #tpu.memory_space<hbm>> -> memref<1x128xi32, #tpu.memory_space<hbm>>
        %dma_wait3A_28 = tpu.memref_squeeze %dma_wait3A_27 : memref<1x128xi32, #tpu.memory_space<hbm>> -> memref<128xi32, #tpu.memory_space<hbm>>
        %dma_wait3A_29 = arith.constant 0 : i32
        %dma_wait3A_30 = tpu.memref_slice %arg3[%add3A_15, %dma_wait3A_29] : memref<2560x128xi32, #tpu.memory_space<hbm>> -> memref<1x128xi32, #tpu.memory_space<hbm>>
        %dma_wait3A_31 = tpu.memref_squeeze %dma_wait3A_30 : memref<1x128xi32, #tpu.memory_space<hbm>> -> memref<128xi32, #tpu.memory_space<hbm>>
        tpu.wait_dma2 semaphore(%run_scoped3A : memref<!tpu.dma_semaphore, #tpu.memory_space<semaphore_mem>>) src(%dma_wait3A_31 : memref<128xi32, #tpu.memory_space<hbm>>) dst(%arg7 : memref<128xi32, #tpu.memory_space<vmem>>)
        tpu.yield
      }) : () -> ()
      "tpu.region"() ({
        %run_scoped3A = tpu.sem_alloc : memref<!tpu.dma_semaphore, #tpu.memory_space<semaphore_mem>>
        %dma_start3A_20 = arith.constant 0 : i32
        %dma_start3A_21 = tpu.memref_slice %arg4[%add3A_15, %dma_start3A_20] : memref<2560x128xi32, #tpu.memory_space<hbm>> -> memref<1x128xi32, #tpu.memory_space<hbm>>
        %dma_start3A_22 = tpu.memref_squeeze %dma_start3A_21 : memref<1x128xi32, #tpu.memory_space<hbm>> -> memref<128xi32, #tpu.memory_space<hbm>>
        %dma_start3A_23 = arith.constant 0 : i32
        %dma_start3A_24 = tpu.memref_slice %arg4[%add3A_15, %dma_start3A_23] : memref<2560x128xi32, #tpu.memory_space<hbm>> -> memref<1x128xi32, #tpu.memory_space<hbm>>
        %dma_start3A_25 = tpu.memref_squeeze %dma_start3A_24 : memref<1x128xi32, #tpu.memory_space<hbm>> -> memref<128xi32, #tpu.memory_space<hbm>>
        tpu.enqueue_dma source(%dma_start3A_25 : memref<128xi32, #tpu.memory_space<hbm>>) target(%arg8 : memref<128xi32, #tpu.memory_space<vmem>>) target_semaphore(%run_scoped3A : memref<!tpu.dma_semaphore, #tpu.memory_space<semaphore_mem>>)
        %dma_wait3A_26 = arith.constant 0 : i32
        %dma_wait3A_27 = tpu.memref_slice %arg4[%add3A_15, %dma_wait3A_26] : memref<2560x128xi32, #tpu.memory_space<hbm>> -> memref<1x128xi32, #tpu.memory_space<hbm>>
        %dma_wait3A_28 = tpu.memref_squeeze %dma_wait3A_27 : memref<1x128xi32, #tpu.memory_space<hbm>> -> memref<128xi32, #tpu.memory_space<hbm>>
        %dma_wait3A_29 = arith.constant 0 : i32
        %dma_wait3A_30 = tpu.memref_slice %arg4[%add3A_15, %dma_wait3A_29] : memref<2560x128xi32, #tpu.memory_space<hbm>> -> memref<1x128xi32, #tpu.memory_space<hbm>>
        %dma_wait3A_31 = tpu.memref_squeeze %dma_wait3A_30 : memref<1x128xi32, #tpu.memory_space<hbm>> -> memref<128xi32, #tpu.memory_space<hbm>>
        tpu.wait_dma2 semaphore(%run_scoped3A : memref<!tpu.dma_semaphore, #tpu.memory_space<semaphore_mem>>) src(%dma_wait3A_31 : memref<128xi32, #tpu.memory_space<hbm>>) dst(%arg8 : memref<128xi32, #tpu.memory_space<vmem>>)
        tpu.yield
      }) : () -> ()
      %dma_start3A = arith.constant 0 : i32
      %dma_start3A_16 = arith.constant 0 : i32
      %dma_start3A_17 = tpu.memref_slice %arg2[%dma_start3A, %dma_start3A_16] : memref<10000x128xf32, #tpu.memory_space<hbm>> -> memref<10000x128xf32, #tpu.memory_space<hbm>>
      tpu.enqueue_indirect_dma source(%dma_start3A_17 : memref<10000x128xf32, #tpu.memory_space<hbm>>) target(%arg9 : memref<128x128xf32, #tpu.memory_space<vmem>>) offsets(%arg7 : memref<128xi32, #tpu.memory_space<vmem>>) semaphore(%arg11 : memref<!tpu.dma_semaphore, #tpu.memory_space<semaphore_mem>>)
      %dma_wait3A = arith.constant 0 : i32
      %dma_wait3A_18 = arith.constant 0 : i32
      %dma_wait3A_19 = tpu.memref_slice %arg2[%dma_wait3A, %dma_wait3A_18] : memref<10000x128xf32, #tpu.memory_space<hbm>> -> memref<10000x128xf32, #tpu.memory_space<hbm>>
      tpu.wait_indirect_dma semaphore(%arg11 : memref<!tpu.dma_semaphore, #tpu.memory_space<semaphore_mem>>) src(%dma_wait3A_19 : memref<10000x128xf32, #tpu.memory_space<hbm>>) dst(%arg9 : memref<128x128xf32, #tpu.memory_space<vmem>>)
      "tpu.region"() ({
        %run_scoped3A = tpu.sem_alloc : memref<!tpu.dma_semaphore, #tpu.memory_space<semaphore_mem>>
        %dma_start3A_20 = arith.constant 0 : i32
        %dma_start3A_21 = arith.constant 0 : i32
        %dma_start3A_22 = tpu.memref_slice %arg10[%dma_start3A_20, %dma_start3A_21] : memref<10112x128xf32, #tpu.memory_space<vmem_shared>> -> memref<10112x128xf32, #tpu.memory_space<vmem_shared>>
        tpu.enqueue_indirect_dma source(%arg9 : memref<128x128xf32, #tpu.memory_space<vmem>>) target(%dma_start3A_22 : memref<10112x128xf32, #tpu.memory_space<vmem_shared>>) offsets(%arg8 : memref<128xi32, #tpu.memory_space<vmem>>) semaphore(%run_scoped3A : memref<!tpu.dma_semaphore, #tpu.memory_space<semaphore_mem>>) {add = true}
        %dma_wait3A_23 = arith.constant 0 : i32
        %dma_wait3A_24 = arith.constant 0 : i32
        %dma_wait3A_25 = tpu.memref_slice %arg10[%dma_wait3A_23, %dma_wait3A_24] : memref<10112x128xf32, #tpu.memory_space<vmem_shared>> -> memref<10112x128xf32, #tpu.memory_space<vmem_shared>>
        tpu.wait_indirect_dma semaphore(%run_scoped3A : memref<!tpu.dma_semaphore, #tpu.memory_space<semaphore_mem>>) src(%arg9 : memref<128x128xf32, #tpu.memory_space<vmem>>) dst(%dma_wait3A_25 : memref<10112x128xf32, #tpu.memory_space<vmem_shared>>)
        tpu.yield
      }) : () -> ()
    }
    %scan3A_7 = arith.constant 80 : i32
    %barrier3A_8 = arith.constant 0 : index
    tpu.barrier barrier_id(%barrier3A_8)
    %mul3A_9 = arith.constant 10112 : i32
    %mul3A_10 = arith.muli %arg0, %mul3A_9 : i32
    %add3A_11 = arith.addi %mul3A_10, %mul3A_2 : i32
    "tpu.region"() ({
      %run_scoped3A = tpu.sem_alloc : memref<!tpu.dma_semaphore, #tpu.memory_space<semaphore_mem>>
      %dma_start3A = arith.constant 0 : i32
      %dma_start3A_12 = tpu.memref_slice %arg6[%add3A_11, %dma_start3A] : memref<20224x128xf32, #tpu.memory_space<hbm>> -> memref<632x128xf32, #tpu.memory_space<hbm>>
      %dma_start3A_13 = arith.constant 0 : i32
      %dma_start3A_14 = tpu.memref_slice %arg10[%mul3A_2, %dma_start3A_13] : memref<10112x128xf32, #tpu.memory_space<vmem_shared>> -> memref<632x128xf32, #tpu.memory_space<vmem_shared>>
      tpu.enqueue_dma source(%dma_start3A_14 : memref<632x128xf32, #tpu.memory_space<vmem_shared>>) target(%dma_start3A_12 : memref<632x128xf32, #tpu.memory_space<hbm>>) target_semaphore(%run_scoped3A : memref<!tpu.dma_semaphore, #tpu.memory_space<semaphore_mem>>)
      %dma_wait3A = arith.constant 0 : i32
      %dma_wait3A_15 = tpu.memref_slice %arg6[%add3A_11, %dma_wait3A] : memref<20224x128xf32, #tpu.memory_space<hbm>> -> memref<632x128xf32, #tpu.memory_space<hbm>>
      %dma_wait3A_16 = arith.constant 0 : i32
      %dma_wait3A_17 = tpu.memref_slice %arg10[%mul3A_2, %dma_wait3A_16] : memref<10112x128xf32, #tpu.memory_space<vmem_shared>> -> memref<632x128xf32, #tpu.memory_space<vmem_shared>>
      tpu.wait_dma2 semaphore(%run_scoped3A : memref<!tpu.dma_semaphore, #tpu.memory_space<semaphore_mem>>) src(%dma_wait3A_17 : memref<632x128xf32, #tpu.memory_space<vmem_shared>>) dst(%dma_wait3A_15 : memref<632x128xf32, #tpu.memory_space<hbm>>)
      tpu.yield
    }) : () -> ()
    return
  }
}

#map = affine_map<(d0, d1) -> (0, 0)>
module attributes {stable_mosaic.version = 14 : i64} {
  func.func @_sc_prop(%arg0: i32, %arg1: i32, %arg2: memref<10000x128xf32, #tpu.memory_space<hbm>>, %arg3: memref<2560x128xi32, #tpu.memory_space<hbm>>, %arg4: memref<2560x128xi32, #tpu.memory_space<hbm>>, %arg5: memref<10112x128xf32, #tpu.memory_space<hbm>>, %arg6: memref<20224x128xf32, #tpu.memory_space<hbm>>, %arg7: memref<128xi32, #tpu.memory_space<vmem>>, %arg8: memref<128xi32, #tpu.memory_space<vmem>>, %arg9: memref<128x128xf32, #tpu.memory_space<vmem>>, %arg10: memref<10112x128xf32, #tpu.memory_space<vmem_shared>>, %arg11: memref<!tpu.dma_semaphore, #tpu.memory_space<semaphore_mem>>) attributes {dimension_semantics = [#tpu.dimension_semantics<core_parallel>, #tpu.dimension_semantics<subcore_parallel>], iteration_bounds = array<i64: 2, 16>, scalar_prefetch = 0 : i64, scratch_operands = 5 : i64, tpu.core_type = #tpu.core_type<sc_vector_subcore>, window_params = [{transform_indices = #map}, {transform_indices = #map}, {transform_indices = #map}, {transform_indices = #map}, {transform_indices = #map}]} {
    %mul3A = arith.constant 16 : i32
    %mul3A_0 = arith.muli %arg0, %mul3A : i32
    %add3A = arith.addi %mul3A_0, %arg1 : i32
    %mul3A_1 = arith.constant 632 : i32
    %mul3A_2 = arith.muli %arg1, %mul3A_1 : i32
    "tpu.region"() ({
      %run_scoped3A = tpu.sem_alloc : memref<!tpu.dma_semaphore, #tpu.memory_space<semaphore_mem>>
      %dma_start3A = arith.constant 0 : i32
      %dma_start3A_12 = tpu.memref_slice %arg10[%mul3A_2, %dma_start3A] : memref<10112x128xf32, #tpu.memory_space<vmem_shared>> -> memref<632x128xf32, #tpu.memory_space<vmem_shared>>
      %dma_start3A_13 = arith.constant 0 : i32
      %dma_start3A_14 = tpu.memref_slice %arg5[%mul3A_2, %dma_start3A_13] : memref<10112x128xf32, #tpu.memory_space<hbm>> -> memref<632x128xf32, #tpu.memory_space<hbm>>
      tpu.enqueue_dma source(%dma_start3A_14 : memref<632x128xf32, #tpu.memory_space<hbm>>) target(%dma_start3A_12 : memref<632x128xf32, #tpu.memory_space<vmem_shared>>) target_semaphore(%run_scoped3A : memref<!tpu.dma_semaphore, #tpu.memory_space<semaphore_mem>>)
      %dma_wait3A = arith.constant 0 : i32
      %dma_wait3A_15 = tpu.memref_slice %arg10[%mul3A_2, %dma_wait3A] : memref<10112x128xf32, #tpu.memory_space<vmem_shared>> -> memref<632x128xf32, #tpu.memory_space<vmem_shared>>
      %dma_wait3A_16 = arith.constant 0 : i32
      %dma_wait3A_17 = tpu.memref_slice %arg5[%mul3A_2, %dma_wait3A_16] : memref<10112x128xf32, #tpu.memory_space<hbm>> -> memref<632x128xf32, #tpu.memory_space<hbm>>
      tpu.wait_dma2 semaphore(%run_scoped3A : memref<!tpu.dma_semaphore, #tpu.memory_space<semaphore_mem>>) src(%dma_wait3A_17 : memref<632x128xf32, #tpu.memory_space<hbm>>) dst(%dma_wait3A_15 : memref<632x128xf32, #tpu.memory_space<vmem_shared>>)
      tpu.yield
    }) : () -> ()
    %barrier3A = arith.constant 0 : index
    tpu.barrier barrier_id(%barrier3A)
    %scan3A = arith.constant 0 : i32
    %scan3A_3 = arith.constant 0 : i32
    %scan3A_4 = arith.constant 80 : i32
    %scan3A_5 = arith.addi %scan3A_3, %scan3A_4 : i32
    %scan3A_6 = arith.constant 1 : i32
    scf.for %scan3A_12 = %scan3A_3 to %scan3A_5 step %scan3A_6  : i32 {
      %mul3A_13 = arith.constant 80 : i32
      %mul3A_14 = arith.muli %add3A, %mul3A_13 : i32
      %add3A_15 = arith.addi %mul3A_14, %scan3A_12 : i32
      "tpu.region"() ({
        %run_scoped3A = tpu.sem_alloc : memref<!tpu.dma_semaphore, #tpu.memory_space<semaphore_mem>>
        %dma_start3A_20 = arith.constant 0 : i32
        %dma_start3A_21 = tpu.memref_slice %arg3[%add3A_15, %dma_start3A_20] : memref<2560x128xi32, #tpu.memory_space<hbm>> -> memref<1x128xi32, #tpu.memory_space<hbm>>
        %dma_start3A_22 = tpu.memref_squeeze %dma_start3A_21 : memref<1x128xi32, #tpu.memory_space<hbm>> -> memref<128xi32, #tpu.memory_space<hbm>>
        %dma_start3A_23 = arith.constant 0 : i32
        %dma_start3A_24 = tpu.memref_slice %arg3[%add3A_15, %dma_start3A_23] : memref<2560x128xi32, #tpu.memory_space<hbm>> -> memref<1x128xi32, #tpu.memory_space<hbm>>
        %dma_start3A_25 = tpu.memref_squeeze %dma_start3A_24 : memref<1x128xi32, #tpu.memory_space<hbm>> -> memref<128xi32, #tpu.memory_space<hbm>>
        tpu.enqueue_dma source(%dma_start3A_25 : memref<128xi32, #tpu.memory_space<hbm>>) target(%arg7 : memref<128xi32, #tpu.memory_space<vmem>>) target_semaphore(%run_scoped3A : memref<!tpu.dma_semaphore, #tpu.memory_space<semaphore_mem>>)
        %dma_wait3A_26 = arith.constant 0 : i32
        %dma_wait3A_27 = tpu.memref_slice %arg3[%add3A_15, %dma_wait3A_26] : memref<2560x128xi32, #tpu.memory_space<hbm>> -> memref<1x128xi32, #tpu.memory_space<hbm>>
        %dma_wait3A_28 = tpu.memref_squeeze %dma_wait3A_27 : memref<1x128xi32, #tpu.memory_space<hbm>> -> memref<128xi32, #tpu.memory_space<hbm>>
        %dma_wait3A_29 = arith.constant 0 : i32
        %dma_wait3A_30 = tpu.memref_slice %arg3[%add3A_15, %dma_wait3A_29] : memref<2560x128xi32, #tpu.memory_space<hbm>> -> memref<1x128xi32, #tpu.memory_space<hbm>>
        %dma_wait3A_31 = tpu.memref_squeeze %dma_wait3A_30 : memref<1x128xi32, #tpu.memory_space<hbm>> -> memref<128xi32, #tpu.memory_space<hbm>>
        tpu.wait_dma2 semaphore(%run_scoped3A : memref<!tpu.dma_semaphore, #tpu.memory_space<semaphore_mem>>) src(%dma_wait3A_31 : memref<128xi32, #tpu.memory_space<hbm>>) dst(%arg7 : memref<128xi32, #tpu.memory_space<vmem>>)
        tpu.yield
      }) : () -> ()
      "tpu.region"() ({
        %run_scoped3A = tpu.sem_alloc : memref<!tpu.dma_semaphore, #tpu.memory_space<semaphore_mem>>
        %dma_start3A_20 = arith.constant 0 : i32
        %dma_start3A_21 = tpu.memref_slice %arg4[%add3A_15, %dma_start3A_20] : memref<2560x128xi32, #tpu.memory_space<hbm>> -> memref<1x128xi32, #tpu.memory_space<hbm>>
        %dma_start3A_22 = tpu.memref_squeeze %dma_start3A_21 : memref<1x128xi32, #tpu.memory_space<hbm>> -> memref<128xi32, #tpu.memory_space<hbm>>
        %dma_start3A_23 = arith.constant 0 : i32
        %dma_start3A_24 = tpu.memref_slice %arg4[%add3A_15, %dma_start3A_23] : memref<2560x128xi32, #tpu.memory_space<hbm>> -> memref<1x128xi32, #tpu.memory_space<hbm>>
        %dma_start3A_25 = tpu.memref_squeeze %dma_start3A_24 : memref<1x128xi32, #tpu.memory_space<hbm>> -> memref<128xi32, #tpu.memory_space<hbm>>
        tpu.enqueue_dma source(%dma_start3A_25 : memref<128xi32, #tpu.memory_space<hbm>>) target(%arg8 : memref<128xi32, #tpu.memory_space<vmem>>) target_semaphore(%run_scoped3A : memref<!tpu.dma_semaphore, #tpu.memory_space<semaphore_mem>>)
        %dma_wait3A_26 = arith.constant 0 : i32
        %dma_wait3A_27 = tpu.memref_slice %arg4[%add3A_15, %dma_wait3A_26] : memref<2560x128xi32, #tpu.memory_space<hbm>> -> memref<1x128xi32, #tpu.memory_space<hbm>>
        %dma_wait3A_28 = tpu.memref_squeeze %dma_wait3A_27 : memref<1x128xi32, #tpu.memory_space<hbm>> -> memref<128xi32, #tpu.memory_space<hbm>>
        %dma_wait3A_29 = arith.constant 0 : i32
        %dma_wait3A_30 = tpu.memref_slice %arg4[%add3A_15, %dma_wait3A_29] : memref<2560x128xi32, #tpu.memory_space<hbm>> -> memref<1x128xi32, #tpu.memory_space<hbm>>
        %dma_wait3A_31 = tpu.memref_squeeze %dma_wait3A_30 : memref<1x128xi32, #tpu.memory_space<hbm>> -> memref<128xi32, #tpu.memory_space<hbm>>
        tpu.wait_dma2 semaphore(%run_scoped3A : memref<!tpu.dma_semaphore, #tpu.memory_space<semaphore_mem>>) src(%dma_wait3A_31 : memref<128xi32, #tpu.memory_space<hbm>>) dst(%arg8 : memref<128xi32, #tpu.memory_space<vmem>>)
        tpu.yield
      }) : () -> ()
      %dma_start3A = arith.constant 0 : i32
      %dma_start3A_16 = arith.constant 0 : i32
      %dma_start3A_17 = tpu.memref_slice %arg2[%dma_start3A, %dma_start3A_16] : memref<10000x128xf32, #tpu.memory_space<hbm>> -> memref<10000x128xf32, #tpu.memory_space<hbm>>
      tpu.enqueue_indirect_dma source(%dma_start3A_17 : memref<10000x128xf32, #tpu.memory_space<hbm>>) target(%arg9 : memref<128x128xf32, #tpu.memory_space<vmem>>) offsets(%arg7 : memref<128xi32, #tpu.memory_space<vmem>>) semaphore(%arg11 : memref<!tpu.dma_semaphore, #tpu.memory_space<semaphore_mem>>)
      %dma_wait3A = arith.constant 0 : i32
      %dma_wait3A_18 = arith.constant 0 : i32
      %dma_wait3A_19 = tpu.memref_slice %arg2[%dma_wait3A, %dma_wait3A_18] : memref<10000x128xf32, #tpu.memory_space<hbm>> -> memref<10000x128xf32, #tpu.memory_space<hbm>>
      tpu.wait_indirect_dma semaphore(%arg11 : memref<!tpu.dma_semaphore, #tpu.memory_space<semaphore_mem>>) src(%dma_wait3A_19 : memref<10000x128xf32, #tpu.memory_space<hbm>>) dst(%arg9 : memref<128x128xf32, #tpu.memory_space<vmem>>)
      "tpu.region"() ({
        %run_scoped3A = tpu.sem_alloc : memref<!tpu.dma_semaphore, #tpu.memory_space<semaphore_mem>>
        %dma_start3A_20 = arith.constant 0 : i32
        %dma_start3A_21 = arith.constant 0 : i32
        %dma_start3A_22 = tpu.memref_slice %arg10[%dma_start3A_20, %dma_start3A_21] : memref<10112x128xf32, #tpu.memory_space<vmem_shared>> -> memref<10112x128xf32, #tpu.memory_space<vmem_shared>>
        tpu.enqueue_indirect_dma source(%arg9 : memref<128x128xf32, #tpu.memory_space<vmem>>) target(%dma_start3A_22 : memref<10112x128xf32, #tpu.memory_space<vmem_shared>>) offsets(%arg8 : memref<128xi32, #tpu.memory_space<vmem>>) semaphore(%run_scoped3A : memref<!tpu.dma_semaphore, #tpu.memory_space<semaphore_mem>>) {add = true}
        %dma_wait3A_23 = arith.constant 0 : i32
        %dma_wait3A_24 = arith.constant 0 : i32
        %dma_wait3A_25 = tpu.memref_slice %arg10[%dma_wait3A_23, %dma_wait3A_24] : memref<10112x128xf32, #tpu.memory_space<vmem_shared>> -> memref<10112x128xf32, #tpu.memory_space<vmem_shared>>
        tpu.wait_indirect_dma semaphore(%run_scoped3A : memref<!tpu.dma_semaphore, #tpu.memory_space<semaphore_mem>>) src(%arg9 : memref<128x128xf32, #tpu.memory_space<vmem>>) dst(%dma_wait3A_25 : memref<10112x128xf32, #tpu.memory_space<vmem_shared>>)
        tpu.yield
      }) : () -> ()
    }
    %scan3A_7 = arith.constant 80 : i32
    %barrier3A_8 = arith.constant 0 : index
    tpu.barrier barrier_id(%barrier3A_8)
    %mul3A_9 = arith.constant 10112 : i32
    %mul3A_10 = arith.muli %arg0, %mul3A_9 : i32
    %add3A_11 = arith.addi %mul3A_10, %mul3A_2 : i32
    "tpu.region"() ({
      %run_scoped3A = tpu.sem_alloc : memref<!tpu.dma_semaphore, #tpu.memory_space<semaphore_mem>>
      %dma_start3A = arith.constant 0 : i32
      %dma_start3A_12 = tpu.memref_slice %arg6[%add3A_11, %dma_start3A] : memref<20224x128xf32, #tpu.memory_space<hbm>> -> memref<632x128xf32, #tpu.memory_space<hbm>>
      %dma_start3A_13 = arith.constant 0 : i32
      %dma_start3A_14 = tpu.memref_slice %arg10[%mul3A_2, %dma_start3A_13] : memref<10112x128xf32, #tpu.memory_space<vmem_shared>> -> memref<632x128xf32, #tpu.memory_space<vmem_shared>>
      tpu.enqueue_dma source(%dma_start3A_14 : memref<632x128xf32, #tpu.memory_space<vmem_shared>>) target(%dma_start3A_12 : memref<632x128xf32, #tpu.memory_space<hbm>>) target_semaphore(%run_scoped3A : memref<!tpu.dma_semaphore, #tpu.memory_space<semaphore_mem>>)
      %dma_wait3A = arith.constant 0 : i32
      %dma_wait3A_15 = tpu.memref_slice %arg6[%add3A_11, %dma_wait3A] : memref<20224x128xf32, #tpu.memory_space<hbm>> -> memref<632x128xf32, #tpu.memory_space<hbm>>
      %dma_wait3A_16 = arith.constant 0 : i32
      %dma_wait3A_17 = tpu.memref_slice %arg10[%mul3A_2, %dma_wait3A_16] : memref<10112x128xf32, #tpu.memory_space<vmem_shared>> -> memref<632x128xf32, #tpu.memory_space<vmem_shared>>
      tpu.wait_dma2 semaphore(%run_scoped3A : memref<!tpu.dma_semaphore, #tpu.memory_space<semaphore_mem>>) src(%dma_wait3A_17 : memref<632x128xf32, #tpu.memory_space<vmem_shared>>) dst(%dma_wait3A_15 : memref<632x128xf32, #tpu.memory_space<hbm>>)
      tpu.yield
    }) : () -> ()
    return
  }
}

#map = affine_map<(d0, d1) -> (0, 0)>
module attributes {stable_mosaic.version = 14 : i64} {
  func.func @_sc_prop(%arg0: i32, %arg1: i32, %arg2: memref<10000x128xf32, #tpu.memory_space<hbm>>, %arg3: memref<2560x128xi32, #tpu.memory_space<hbm>>, %arg4: memref<2560x128xi32, #tpu.memory_space<hbm>>, %arg5: memref<10112x128xf32, #tpu.memory_space<hbm>>, %arg6: memref<20224x128xf32, #tpu.memory_space<hbm>>, %arg7: memref<128xi32, #tpu.memory_space<vmem>>, %arg8: memref<128xi32, #tpu.memory_space<vmem>>, %arg9: memref<128x128xf32, #tpu.memory_space<vmem>>, %arg10: memref<10112x128xf32, #tpu.memory_space<vmem_shared>>, %arg11: memref<!tpu.dma_semaphore, #tpu.memory_space<semaphore_mem>>) attributes {dimension_semantics = [#tpu.dimension_semantics<core_parallel>, #tpu.dimension_semantics<subcore_parallel>], iteration_bounds = array<i64: 2, 16>, scalar_prefetch = 0 : i64, scratch_operands = 5 : i64, tpu.core_type = #tpu.core_type<sc_vector_subcore>, window_params = [{transform_indices = #map}, {transform_indices = #map}, {transform_indices = #map}, {transform_indices = #map}, {transform_indices = #map}]} {
    %mul3A = arith.constant 16 : i32
    %mul3A_0 = arith.muli %arg0, %mul3A : i32
    %add3A = arith.addi %mul3A_0, %arg1 : i32
    %mul3A_1 = arith.constant 632 : i32
    %mul3A_2 = arith.muli %arg1, %mul3A_1 : i32
    "tpu.region"() ({
      %run_scoped3A = tpu.sem_alloc : memref<!tpu.dma_semaphore, #tpu.memory_space<semaphore_mem>>
      %dma_start3A = arith.constant 0 : i32
      %dma_start3A_12 = tpu.memref_slice %arg10[%mul3A_2, %dma_start3A] : memref<10112x128xf32, #tpu.memory_space<vmem_shared>> -> memref<632x128xf32, #tpu.memory_space<vmem_shared>>
      %dma_start3A_13 = arith.constant 0 : i32
      %dma_start3A_14 = tpu.memref_slice %arg5[%mul3A_2, %dma_start3A_13] : memref<10112x128xf32, #tpu.memory_space<hbm>> -> memref<632x128xf32, #tpu.memory_space<hbm>>
      tpu.enqueue_dma source(%dma_start3A_14 : memref<632x128xf32, #tpu.memory_space<hbm>>) target(%dma_start3A_12 : memref<632x128xf32, #tpu.memory_space<vmem_shared>>) target_semaphore(%run_scoped3A : memref<!tpu.dma_semaphore, #tpu.memory_space<semaphore_mem>>)
      %dma_wait3A = arith.constant 0 : i32
      %dma_wait3A_15 = tpu.memref_slice %arg10[%mul3A_2, %dma_wait3A] : memref<10112x128xf32, #tpu.memory_space<vmem_shared>> -> memref<632x128xf32, #tpu.memory_space<vmem_shared>>
      %dma_wait3A_16 = arith.constant 0 : i32
      %dma_wait3A_17 = tpu.memref_slice %arg5[%mul3A_2, %dma_wait3A_16] : memref<10112x128xf32, #tpu.memory_space<hbm>> -> memref<632x128xf32, #tpu.memory_space<hbm>>
      tpu.wait_dma2 semaphore(%run_scoped3A : memref<!tpu.dma_semaphore, #tpu.memory_space<semaphore_mem>>) src(%dma_wait3A_17 : memref<632x128xf32, #tpu.memory_space<hbm>>) dst(%dma_wait3A_15 : memref<632x128xf32, #tpu.memory_space<vmem_shared>>)
      tpu.yield
    }) : () -> ()
    %barrier3A = arith.constant 0 : index
    tpu.barrier barrier_id(%barrier3A)
    %scan3A = arith.constant 0 : i32
    %scan3A_3 = arith.constant 0 : i32
    %scan3A_4 = arith.constant 80 : i32
    %scan3A_5 = arith.addi %scan3A_3, %scan3A_4 : i32
    %scan3A_6 = arith.constant 1 : i32
    scf.for %scan3A_12 = %scan3A_3 to %scan3A_5 step %scan3A_6  : i32 {
      %mul3A_13 = arith.constant 80 : i32
      %mul3A_14 = arith.muli %add3A, %mul3A_13 : i32
      %add3A_15 = arith.addi %mul3A_14, %scan3A_12 : i32
      "tpu.region"() ({
        %run_scoped3A = tpu.sem_alloc : memref<!tpu.dma_semaphore, #tpu.memory_space<semaphore_mem>>
        %dma_start3A_20 = arith.constant 0 : i32
        %dma_start3A_21 = tpu.memref_slice %arg3[%add3A_15, %dma_start3A_20] : memref<2560x128xi32, #tpu.memory_space<hbm>> -> memref<1x128xi32, #tpu.memory_space<hbm>>
        %dma_start3A_22 = tpu.memref_squeeze %dma_start3A_21 : memref<1x128xi32, #tpu.memory_space<hbm>> -> memref<128xi32, #tpu.memory_space<hbm>>
        %dma_start3A_23 = arith.constant 0 : i32
        %dma_start3A_24 = tpu.memref_slice %arg3[%add3A_15, %dma_start3A_23] : memref<2560x128xi32, #tpu.memory_space<hbm>> -> memref<1x128xi32, #tpu.memory_space<hbm>>
        %dma_start3A_25 = tpu.memref_squeeze %dma_start3A_24 : memref<1x128xi32, #tpu.memory_space<hbm>> -> memref<128xi32, #tpu.memory_space<hbm>>
        tpu.enqueue_dma source(%dma_start3A_25 : memref<128xi32, #tpu.memory_space<hbm>>) target(%arg7 : memref<128xi32, #tpu.memory_space<vmem>>) target_semaphore(%run_scoped3A : memref<!tpu.dma_semaphore, #tpu.memory_space<semaphore_mem>>)
        %dma_wait3A_26 = arith.constant 0 : i32
        %dma_wait3A_27 = tpu.memref_slice %arg3[%add3A_15, %dma_wait3A_26] : memref<2560x128xi32, #tpu.memory_space<hbm>> -> memref<1x128xi32, #tpu.memory_space<hbm>>
        %dma_wait3A_28 = tpu.memref_squeeze %dma_wait3A_27 : memref<1x128xi32, #tpu.memory_space<hbm>> -> memref<128xi32, #tpu.memory_space<hbm>>
        %dma_wait3A_29 = arith.constant 0 : i32
        %dma_wait3A_30 = tpu.memref_slice %arg3[%add3A_15, %dma_wait3A_29] : memref<2560x128xi32, #tpu.memory_space<hbm>> -> memref<1x128xi32, #tpu.memory_space<hbm>>
        %dma_wait3A_31 = tpu.memref_squeeze %dma_wait3A_30 : memref<1x128xi32, #tpu.memory_space<hbm>> -> memref<128xi32, #tpu.memory_space<hbm>>
        tpu.wait_dma2 semaphore(%run_scoped3A : memref<!tpu.dma_semaphore, #tpu.memory_space<semaphore_mem>>) src(%dma_wait3A_31 : memref<128xi32, #tpu.memory_space<hbm>>) dst(%arg7 : memref<128xi32, #tpu.memory_space<vmem>>)
        tpu.yield
      }) : () -> ()
      "tpu.region"() ({
        %run_scoped3A = tpu.sem_alloc : memref<!tpu.dma_semaphore, #tpu.memory_space<semaphore_mem>>
        %dma_start3A_20 = arith.constant 0 : i32
        %dma_start3A_21 = tpu.memref_slice %arg4[%add3A_15, %dma_start3A_20] : memref<2560x128xi32, #tpu.memory_space<hbm>> -> memref<1x128xi32, #tpu.memory_space<hbm>>
        %dma_start3A_22 = tpu.memref_squeeze %dma_start3A_21 : memref<1x128xi32, #tpu.memory_space<hbm>> -> memref<128xi32, #tpu.memory_space<hbm>>
        %dma_start3A_23 = arith.constant 0 : i32
        %dma_start3A_24 = tpu.memref_slice %arg4[%add3A_15, %dma_start3A_23] : memref<2560x128xi32, #tpu.memory_space<hbm>> -> memref<1x128xi32, #tpu.memory_space<hbm>>
        %dma_start3A_25 = tpu.memref_squeeze %dma_start3A_24 : memref<1x128xi32, #tpu.memory_space<hbm>> -> memref<128xi32, #tpu.memory_space<hbm>>
        tpu.enqueue_dma source(%dma_start3A_25 : memref<128xi32, #tpu.memory_space<hbm>>) target(%arg8 : memref<128xi32, #tpu.memory_space<vmem>>) target_semaphore(%run_scoped3A : memref<!tpu.dma_semaphore, #tpu.memory_space<semaphore_mem>>)
        %dma_wait3A_26 = arith.constant 0 : i32
        %dma_wait3A_27 = tpu.memref_slice %arg4[%add3A_15, %dma_wait3A_26] : memref<2560x128xi32, #tpu.memory_space<hbm>> -> memref<1x128xi32, #tpu.memory_space<hbm>>
        %dma_wait3A_28 = tpu.memref_squeeze %dma_wait3A_27 : memref<1x128xi32, #tpu.memory_space<hbm>> -> memref<128xi32, #tpu.memory_space<hbm>>
        %dma_wait3A_29 = arith.constant 0 : i32
        %dma_wait3A_30 = tpu.memref_slice %arg4[%add3A_15, %dma_wait3A_29] : memref<2560x128xi32, #tpu.memory_space<hbm>> -> memref<1x128xi32, #tpu.memory_space<hbm>>
        %dma_wait3A_31 = tpu.memref_squeeze %dma_wait3A_30 : memref<1x128xi32, #tpu.memory_space<hbm>> -> memref<128xi32, #tpu.memory_space<hbm>>
        tpu.wait_dma2 semaphore(%run_scoped3A : memref<!tpu.dma_semaphore, #tpu.memory_space<semaphore_mem>>) src(%dma_wait3A_31 : memref<128xi32, #tpu.memory_space<hbm>>) dst(%arg8 : memref<128xi32, #tpu.memory_space<vmem>>)
        tpu.yield
      }) : () -> ()
      %dma_start3A = arith.constant 0 : i32
      %dma_start3A_16 = arith.constant 0 : i32
      %dma_start3A_17 = tpu.memref_slice %arg2[%dma_start3A, %dma_start3A_16] : memref<10000x128xf32, #tpu.memory_space<hbm>> -> memref<10000x128xf32, #tpu.memory_space<hbm>>
      tpu.enqueue_indirect_dma source(%dma_start3A_17 : memref<10000x128xf32, #tpu.memory_space<hbm>>) target(%arg9 : memref<128x128xf32, #tpu.memory_space<vmem>>) offsets(%arg7 : memref<128xi32, #tpu.memory_space<vmem>>) semaphore(%arg11 : memref<!tpu.dma_semaphore, #tpu.memory_space<semaphore_mem>>)
      %dma_wait3A = arith.constant 0 : i32
      %dma_wait3A_18 = arith.constant 0 : i32
      %dma_wait3A_19 = tpu.memref_slice %arg2[%dma_wait3A, %dma_wait3A_18] : memref<10000x128xf32, #tpu.memory_space<hbm>> -> memref<10000x128xf32, #tpu.memory_space<hbm>>
      tpu.wait_indirect_dma semaphore(%arg11 : memref<!tpu.dma_semaphore, #tpu.memory_space<semaphore_mem>>) src(%dma_wait3A_19 : memref<10000x128xf32, #tpu.memory_space<hbm>>) dst(%arg9 : memref<128x128xf32, #tpu.memory_space<vmem>>)
      "tpu.region"() ({
        %run_scoped3A = tpu.sem_alloc : memref<!tpu.dma_semaphore, #tpu.memory_space<semaphore_mem>>
        %dma_start3A_20 = arith.constant 0 : i32
        %dma_start3A_21 = arith.constant 0 : i32
        %dma_start3A_22 = tpu.memref_slice %arg10[%dma_start3A_20, %dma_start3A_21] : memref<10112x128xf32, #tpu.memory_space<vmem_shared>> -> memref<10112x128xf32, #tpu.memory_space<vmem_shared>>
        tpu.enqueue_indirect_dma source(%arg9 : memref<128x128xf32, #tpu.memory_space<vmem>>) target(%dma_start3A_22 : memref<10112x128xf32, #tpu.memory_space<vmem_shared>>) offsets(%arg8 : memref<128xi32, #tpu.memory_space<vmem>>) semaphore(%run_scoped3A : memref<!tpu.dma_semaphore, #tpu.memory_space<semaphore_mem>>) {add = true}
        %dma_wait3A_23 = arith.constant 0 : i32
        %dma_wait3A_24 = arith.constant 0 : i32
        %dma_wait3A_25 = tpu.memref_slice %arg10[%dma_wait3A_23, %dma_wait3A_24] : memref<10112x128xf32, #tpu.memory_space<vmem_shared>> -> memref<10112x128xf32, #tpu.memory_space<vmem_shared>>
        tpu.wait_indirect_dma semaphore(%run_scoped3A : memref<!tpu.dma_semaphore, #tpu.memory_space<semaphore_mem>>) src(%arg9 : memref<128x128xf32, #tpu.memory_space<vmem>>) dst(%dma_wait3A_25 : memref<10112x128xf32, #tpu.memory_space<vmem_shared>>)
        tpu.yield
      }) : () -> ()
    }
    %scan3A_7 = arith.constant 80 : i32
    %barrier3A_8 = arith.constant 0 : index
    tpu.barrier barrier_id(%barrier3A_8)
    %mul3A_9 = arith.constant 10112 : i32
    %mul3A_10 = arith.muli %arg0, %mul3A_9 : i32
    %add3A_11 = arith.addi %mul3A_10, %mul3A_2 : i32
    "tpu.region"() ({
      %run_scoped3A = tpu.sem_alloc : memref<!tpu.dma_semaphore, #tpu.memory_space<semaphore_mem>>
      %dma_start3A = arith.constant 0 : i32
      %dma_start3A_12 = tpu.memref_slice %arg6[%add3A_11, %dma_start3A] : memref<20224x128xf32, #tpu.memory_space<hbm>> -> memref<632x128xf32, #tpu.memory_space<hbm>>
      %dma_start3A_13 = arith.constant 0 : i32
      %dma_start3A_14 = tpu.memref_slice %arg10[%mul3A_2, %dma_start3A_13] : memref<10112x128xf32, #tpu.memory_space<vmem_shared>> -> memref<632x128xf32, #tpu.memory_space<vmem_shared>>
      tpu.enqueue_dma source(%dma_start3A_14 : memref<632x128xf32, #tpu.memory_space<vmem_shared>>) target(%dma_start3A_12 : memref<632x128xf32, #tpu.memory_space<hbm>>) target_semaphore(%run_scoped3A : memref<!tpu.dma_semaphore, #tpu.memory_space<semaphore_mem>>)
      %dma_wait3A = arith.constant 0 : i32
      %dma_wait3A_15 = tpu.memref_slice %arg6[%add3A_11, %dma_wait3A] : memref<20224x128xf32, #tpu.memory_space<hbm>> -> memref<632x128xf32, #tpu.memory_space<hbm>>
      %dma_wait3A_16 = arith.constant 0 : i32
      %dma_wait3A_17 = tpu.memref_slice %arg10[%mul3A_2, %dma_wait3A_16] : memref<10112x128xf32, #tpu.memory_space<vmem_shared>> -> memref<632x128xf32, #tpu.memory_space<vmem_shared>>
      tpu.wait_dma2 semaphore(%run_scoped3A : memref<!tpu.dma_semaphore, #tpu.memory_space<semaphore_mem>>) src(%dma_wait3A_17 : memref<632x128xf32, #tpu.memory_space<vmem_shared>>) dst(%dma_wait3A_15 : memref<632x128xf32, #tpu.memory_space<hbm>>)
      tpu.yield
    }) : () -> ()
    return
  }
}

module attributes {stable_mosaic.version = 14 : i64} {
  func.func @_prep_body(%arg0: i32, %arg1: memref<2x2000x16xf32, #tpu.memory_space<vmem>>, %arg2: memref<2000x128xf32, #tpu.memory_space<vmem>>, %arg3: memref<2000x128xf32, #tpu.memory_space<vmem>>, %arg4: memref<2000x1xf32, #tpu.memory_space<vmem>>, %arg5: memref<2000x1xf32, #tpu.memory_space<vmem>>) attributes {dimension_semantics = [#tpu.dimension_semantics<arbitrary>], iteration_bounds = array<i64: 5>, scalar_prefetch = 0 : i64, scratch_operands = 0 : i64, tpu.core_type = #tpu.core_type<tc>, window_params = [{transform_indices = @transform_0, window_bounds = array<i64: 2, 2000, 16>}, {transform_indices = @transform_1, window_bounds = array<i64: 2000, 128>}, {transform_indices = @transform_2, window_bounds = array<i64: 2000, 128>}, {transform_indices = @transform_3, window_bounds = array<i64: 2000, 1>}, {transform_indices = @transform_4, window_bounds = array<i64: 2000, 1>}]} {
    %get3A = arith.constant 0 : index
    %get3A_0 = arith.constant 0 : index
    %get3A_1 = arith.constant 0 : index
    %get3A_2 = vector.load %arg1[%get3A, %get3A_0, %get3A_1] : memref<2x2000x16xf32, #tpu.memory_space<vmem>>, vector<1x2000x1xf32>
    %get3A_3 = vector.shape_cast %get3A_2 : vector<1x2000x1xf32> to vector<2000x1xf32>
    %get3A_4 = arith.constant 1 : index
    %get3A_5 = arith.constant 0 : index
    %get3A_6 = arith.constant 0 : index
    %get3A_7 = vector.load %arg1[%get3A_4, %get3A_5, %get3A_6] : memref<2x2000x16xf32, #tpu.memory_space<vmem>>, vector<1x2000x1xf32>
    %get3A_8 = vector.shape_cast %get3A_7 : vector<1x2000x1xf32> to vector<2000x1xf32>
    %add3A = arith.addf %get3A_3, %get3A_8 : vector<2000x1xf32>
    %gt3A = arith.constant 0.000000e+00 : f32
    %gt3A_9 = vector.broadcast %gt3A : f32 to vector<2000x1xf32>
    %gt3A_10 = arith.cmpf ogt, %add3A, %gt3A_9 : vector<2000x1xf32>
    %max3A = arith.constant 9.99999996E-13 : f32
    %max3A_11 = vector.broadcast %max3A : f32 to vector<2000x1xf32>
    %max3A_12 = arith.maximumf %add3A, %max3A_11 : vector<2000x1xf32>
    %rsqrt3A = math.rsqrt %max3A_12 : vector<2000x1xf32>
    %jit3A = arith.constant 0.000000e+00 : f32
    %broadcast_in_dim3A = vector.broadcast %jit3A : f32 to vector<2000x1xf32>
    %select_n3A = arith.select %gt3A_10, %rsqrt3A, %broadcast_in_dim3A : vector<2000x1xi1>, vector<2000x1xf32>
    %get3A_13 = arith.constant 0 : index
    %get3A_14 = arith.constant 0 : index
    %get3A_15 = vector.load %arg2[%get3A_13, %get3A_14] : memref<2000x128xf32, #tpu.memory_space<vmem>>, vector<2000x128xf32>
    %mul3A = vector.broadcast %select_n3A : vector<2000x1xf32> to vector<2000x128xf32>
    %mul3A_16 = arith.mulf %mul3A, %get3A_15 : vector<2000x128xf32>
    %swap3A = arith.constant 0 : index
    %swap3A_17 = arith.constant 0 : index
    %swap3A_18 = vector.load %arg3[%swap3A, %swap3A_17] : memref<2000x128xf32, #tpu.memory_space<vmem>>, vector<2000x128xf32>
    tpu.vector_store %arg3[%swap3A, %swap3A_17], %mul3A_16 {strides = array<i32>} : memref<2000x128xf32, #tpu.memory_space<vmem>>, vector<2000x128xf32>,
    %swap3A_19 = arith.constant 0 : index
    %swap3A_20 = arith.constant 0 : index
    %swap3A_21 = vector.load %arg4[%swap3A_19, %swap3A_20] : memref<2000x1xf32, #tpu.memory_space<vmem>>, vector<2000x1xf32>
    tpu.vector_store %arg4[%swap3A_19, %swap3A_20], %select_n3A {strides = array<i32>} : memref<2000x1xf32, #tpu.memory_space<vmem>>, vector<2000x1xf32>,
    %mul3A_22 = arith.mulf %select_n3A, %select_n3A : vector<2000x1xf32>
    %swap3A_23 = arith.constant 0 : index
    %swap3A_24 = arith.constant 0 : index
    %swap3A_25 = vector.load %arg5[%swap3A_23, %swap3A_24] : memref<2000x1xf32, #tpu.memory_space<vmem>>, vector<2000x1xf32>
    tpu.vector_store %arg5[%swap3A_23, %swap3A_24], %mul3A_22 {strides = array<i32>} : memref<2000x1xf32, #tpu.memory_space<vmem>>, vector<2000x1xf32>,
    return
  }
  func.func @transform_0(%arg0: i32) -> (i32, i32, i32) {
    %c0_i32 = arith.constant 0 : i32
    %c0_i32_0 = arith.constant 0 : i32
    %c0_i32_1 = arith.constant 0 : i32
    return %c0_i32, %arg0, %c0_i32_0 : i32, i32, i32
  }
  func.func @transform_1(%arg0: i32) -> (i32, i32) {
    %c0_i32 = arith.constant 0 : i32
    %c0_i32_0 = arith.constant 0 : i32
    return %arg0, %c0_i32 : i32, i32
  }
  func.func @transform_2(%arg0: i32) -> (i32, i32) {
    %c0_i32 = arith.constant 0 : i32
    %c0_i32_0 = arith.constant 0 : i32
    return %arg0, %c0_i32 : i32, i32
  }
  func.func @transform_3(%arg0: i32) -> (i32, i32) {
    %c0_i32 = arith.constant 0 : i32
    %c0_i32_0 = arith.constant 0 : i32
    return %arg0, %c0_i32 : i32, i32
  }
  func.func @transform_4(%arg0: i32) -> (i32, i32) {
    %c0_i32 = arith.constant 0 : i32
    %c0_i32_0 = arith.constant 0 : i32
    return %arg0, %c0_i32 : i32, i32
  }
}

module attributes {stable_mosaic.version = 14 : i64} {
  func.func @_scale1_body(%arg0: i32, %arg1: memref<2x2000x128xf32, #tpu.memory_space<vmem>>, %arg2: memref<2000x1xf32, #tpu.memory_space<vmem>>, %arg3: memref<2000x128xf32, #tpu.memory_space<vmem>>) attributes {dimension_semantics = [#tpu.dimension_semantics<arbitrary>], iteration_bounds = array<i64: 5>, scalar_prefetch = 0 : i64, scratch_operands = 0 : i64, tpu.core_type = #tpu.core_type<tc>, window_params = [{transform_indices = @transform_0, window_bounds = array<i64: 2, 2000, 128>}, {transform_indices = @transform_1, window_bounds = array<i64: 2000, 1>}, {transform_indices = @transform_2, window_bounds = array<i64: 2000, 128>}]} {
    %get3A = arith.constant 0 : index
    %get3A_0 = arith.constant 0 : index
    %get3A_1 = vector.load %arg2[%get3A, %get3A_0] : memref<2000x1xf32, #tpu.memory_space<vmem>>, vector<2000x1xf32>
    %neg3A = arith.constant 0.000000e+00 : f32
    %neg3A_2 = vector.broadcast %neg3A : f32 to vector<2000x1xf32>
    %neg3A_3 = arith.subf %neg3A_2, %get3A_1 : vector<2000x1xf32>
    %get3A_4 = arith.constant 0 : index
    %get3A_5 = arith.constant 0 : index
    %get3A_6 = arith.constant 0 : index
    %get3A_7 = vector.load %arg1[%get3A_4, %get3A_5, %get3A_6] : memref<2x2000x128xf32, #tpu.memory_space<vmem>>, vector<1x2000x128xf32>
    %get3A_8 = vector.shape_cast %get3A_7 : vector<1x2000x128xf32> to vector<2000x128xf32>
    %get3A_9 = arith.constant 1 : index
    %get3A_10 = arith.constant 0 : index
    %get3A_11 = arith.constant 0 : index
    %get3A_12 = vector.load %arg1[%get3A_9, %get3A_10, %get3A_11] : memref<2x2000x128xf32, #tpu.memory_space<vmem>>, vector<1x2000x128xf32>
    %get3A_13 = vector.shape_cast %get3A_12 : vector<1x2000x128xf32> to vector<2000x128xf32>
    %add3A = arith.addf %get3A_8, %get3A_13 : vector<2000x128xf32>
    %mul3A = vector.broadcast %neg3A_3 : vector<2000x1xf32> to vector<2000x128xf32>
    %mul3A_14 = arith.mulf %mul3A, %add3A : vector<2000x128xf32>
    %swap3A = arith.constant 0 : index
    %swap3A_15 = arith.constant 0 : index
    %swap3A_16 = vector.load %arg3[%swap3A, %swap3A_15] : memref<2000x128xf32, #tpu.memory_space<vmem>>, vector<2000x128xf32>
    tpu.vector_store %arg3[%swap3A, %swap3A_15], %mul3A_14 {strides = array<i32>} : memref<2000x128xf32, #tpu.memory_space<vmem>>, vector<2000x128xf32>,
    return
  }
  func.func @transform_0(%arg0: i32) -> (i32, i32, i32) {
    %c0_i32 = arith.constant 0 : i32
    %c0_i32_0 = arith.constant 0 : i32
    %c0_i32_1 = arith.constant 0 : i32
    return %c0_i32, %arg0, %c0_i32_0 : i32, i32, i32
  }
  func.func @transform_1(%arg0: i32) -> (i32, i32) {
    %c0_i32 = arith.constant 0 : i32
    %c0_i32_0 = arith.constant 0 : i32
    return %arg0, %c0_i32 : i32, i32
  }
  func.func @transform_2(%arg0: i32) -> (i32, i32) {
    %c0_i32 = arith.constant 0 : i32
    %c0_i32_0 = arith.constant 0 : i32
    return %arg0, %c0_i32 : i32, i32
  }
}

module attributes {stable_mosaic.version = 14 : i64} {
  func.func @_scale2_body(%arg0: i32, %arg1: memref<2x2000x128xf32, #tpu.memory_space<vmem>>, %arg2: memref<2000x1xf32, #tpu.memory_space<vmem>>, %arg3: memref<2000x128xf32, #tpu.memory_space<vmem>>, %arg4: memref<2000x128xf32, #tpu.memory_space<vmem>>) attributes {dimension_semantics = [#tpu.dimension_semantics<arbitrary>], iteration_bounds = array<i64: 5>, scalar_prefetch = 0 : i64, scratch_operands = 0 : i64, tpu.core_type = #tpu.core_type<tc>, window_params = [{transform_indices = @transform_0, window_bounds = array<i64: 2, 2000, 128>}, {transform_indices = @transform_1, window_bounds = array<i64: 2000, 1>}, {transform_indices = @transform_2, window_bounds = array<i64: 2000, 128>}, {transform_indices = @transform_3, window_bounds = array<i64: 2000, 128>}]} {
    %get3A = arith.constant 0 : index
    %get3A_0 = arith.constant 0 : index
    %get3A_1 = vector.load %arg2[%get3A, %get3A_0] : memref<2000x1xf32, #tpu.memory_space<vmem>>, vector<2000x1xf32>
    %mul3A = arith.constant -2.000000e+00 : f32
    %mul3A_2 = vector.broadcast %mul3A : f32 to vector<2000x1xf32>
    %mul3A_3 = arith.mulf %mul3A_2, %get3A_1 : vector<2000x1xf32>
    %get3A_4 = arith.constant 0 : index
    %get3A_5 = arith.constant 0 : index
    %get3A_6 = arith.constant 0 : index
    %get3A_7 = vector.load %arg1[%get3A_4, %get3A_5, %get3A_6] : memref<2x2000x128xf32, #tpu.memory_space<vmem>>, vector<1x2000x128xf32>
    %get3A_8 = vector.shape_cast %get3A_7 : vector<1x2000x128xf32> to vector<2000x128xf32>
    %get3A_9 = arith.constant 1 : index
    %get3A_10 = arith.constant 0 : index
    %get3A_11 = arith.constant 0 : index
    %get3A_12 = vector.load %arg1[%get3A_9, %get3A_10, %get3A_11] : memref<2x2000x128xf32, #tpu.memory_space<vmem>>, vector<1x2000x128xf32>
    %get3A_13 = vector.shape_cast %get3A_12 : vector<1x2000x128xf32> to vector<2000x128xf32>
    %add3A = arith.addf %get3A_8, %get3A_13 : vector<2000x128xf32>
    %mul3A_14 = vector.broadcast %mul3A_3 : vector<2000x1xf32> to vector<2000x128xf32>
    %mul3A_15 = arith.mulf %mul3A_14, %add3A : vector<2000x128xf32>
    %get3A_16 = arith.constant 0 : index
    %get3A_17 = arith.constant 0 : index
    %get3A_18 = vector.load %arg3[%get3A_16, %get3A_17] : memref<2000x128xf32, #tpu.memory_space<vmem>>, vector<2000x128xf32>
    %sub3A = arith.subf %mul3A_15, %get3A_18 : vector<2000x128xf32>
    %swap3A = arith.constant 0 : index
    %swap3A_19 = arith.constant 0 : index
    %swap3A_20 = vector.load %arg4[%swap3A, %swap3A_19] : memref<2000x128xf32, #tpu.memory_space<vmem>>, vector<2000x128xf32>
    tpu.vector_store %arg4[%swap3A, %swap3A_19], %sub3A {strides = array<i32>} : memref<2000x128xf32, #tpu.memory_space<vmem>>, vector<2000x128xf32>,
    return
  }
  func.func @transform_0(%arg0: i32) -> (i32, i32, i32) {
    %c0_i32 = arith.constant 0 : i32
    %c0_i32_0 = arith.constant 0 : i32
    %c0_i32_1 = arith.constant 0 : i32
    return %c0_i32, %arg0, %c0_i32_0 : i32, i32, i32
  }
  func.func @transform_1(%arg0: i32) -> (i32, i32) {
    %c0_i32 = arith.constant 0 : i32
    %c0_i32_0 = arith.constant 0 : i32
    return %arg0, %c0_i32 : i32, i32
  }
  func.func @transform_2(%arg0: i32) -> (i32, i32) {
    %c0_i32 = arith.constant 0 : i32
    %c0_i32_0 = arith.constant 0 : i32
    return %arg0, %c0_i32 : i32, i32
  }
  func.func @transform_3(%arg0: i32) -> (i32, i32) {
    %c0_i32 = arith.constant 0 : i32
    %c0_i32_0 = arith.constant 0 : i32
    return %arg0, %c0_i32 : i32, i32
  }
}

module attributes {stable_mosaic.version = 14 : i64} {
  func.func @_mm_body(%arg0: i32, %arg1: memref<2000x128xf32, #tpu.memory_space<vmem>>, %arg2: memref<2x2000x128xf32, #tpu.memory_space<vmem>>, %arg3: memref<2x2000x128xf32, #tpu.memory_space<vmem>>, %arg4: memref<2x2000x128xf32, #tpu.memory_space<vmem>>, %arg5: memref<2000x1xf32, #tpu.memory_space<vmem>>, %arg6: memref<4x128x128xf32, #tpu.memory_space<vmem>>, %arg7: memref<1x128xf32, #tpu.memory_space<vmem>>, %arg8: memref<2000x128xf32, #tpu.memory_space<vmem>>, %arg9: memref<2x128xf32, #tpu.memory_space<vmem>>, %arg10: memref<2x128xf32, #tpu.memory_space<vmem>>) attributes {dimension_semantics = [#tpu.dimension_semantics<arbitrary>], iteration_bounds = array<i64: 5>, scalar_prefetch = 0 : i64, scratch_operands = 1 : i64, tpu.core_type = #tpu.core_type<tc>, window_params = [{transform_indices = @transform_0, window_bounds = array<i64: 2000, 128>}, {transform_indices = @transform_1, window_bounds = array<i64: 2, 2000, 128>}, {transform_indices = @transform_2, window_bounds = array<i64: 2, 2000, 128>}, {transform_indices = @transform_3, window_bounds = array<i64: 2, 2000, 128>}, {transform_indices = @transform_4, window_bounds = array<i64: 2000, 1>}, {pipeline_mode = #tpu.pipeline_mode<synchronous>, transform_indices = @transform_5, window_bounds = array<i64: 4, 128, 128>}, {pipeline_mode = #tpu.pipeline_mode<synchronous>, transform_indices = @transform_6, window_bounds = array<i64: 1, 128>}, {transform_indices = @transform_7, window_bounds = array<i64: 2000, 128>}, {pipeline_mode = #tpu.pipeline_mode<synchronous>, transform_indices = @transform_8, window_bounds = array<i64: 2, 128>}]} {
    %get3A = arith.constant 0 : index
    %get3A_0 = arith.constant 0 : index
    %get3A_1 = vector.load %arg5[%get3A, %get3A_0] : memref<2000x1xf32, #tpu.memory_space<vmem>>, vector<2000x1xf32>
    %get3A_2 = arith.constant 0 : index
    %get3A_3 = arith.constant 0 : index
    %get3A_4 = vector.load %arg1[%get3A_2, %get3A_3] : memref<2000x128xf32, #tpu.memory_space<vmem>>, vector<2000x128xf32>
    %get3A_5 = arith.constant 0 : index
    %get3A_6 = arith.constant 0 : index
    %get3A_7 = arith.constant 0 : index
    %get3A_8 = vector.load %arg2[%get3A_5, %get3A_6, %get3A_7] : memref<2x2000x128xf32, #tpu.memory_space<vmem>>, vector<1x2000x128xf32>
    %get3A_9 = vector.shape_cast %get3A_8 : vector<1x2000x128xf32> to vector<2000x128xf32>
    %get3A_10 = arith.constant 1 : index
    %get3A_11 = arith.constant 0 : index
    %get3A_12 = arith.constant 0 : index
    %get3A_13 = vector.load %arg2[%get3A_10, %get3A_11, %get3A_12] : memref<2x2000x128xf32, #tpu.memory_space<vmem>>, vector<1x2000x128xf32>
    %get3A_14 = vector.shape_cast %get3A_13 : vector<1x2000x128xf32> to vector<2000x128xf32>
    %add3A = arith.addf %get3A_9, %get3A_14 : vector<2000x128xf32>
    %mul3A = vector.broadcast %get3A_1 : vector<2000x1xf32> to vector<2000x128xf32>
    %mul3A_15 = arith.mulf %mul3A, %add3A : vector<2000x128xf32>
    %get3A_16 = arith.constant 0 : index
    %get3A_17 = arith.constant 0 : index
    %get3A_18 = arith.constant 0 : index
    %get3A_19 = vector.load %arg3[%get3A_16, %get3A_17, %get3A_18] : memref<2x2000x128xf32, #tpu.memory_space<vmem>>, vector<1x2000x128xf32>
    %get3A_20 = vector.shape_cast %get3A_19 : vector<1x2000x128xf32> to vector<2000x128xf32>
    %get3A_21 = arith.constant 1 : index
    %get3A_22 = arith.constant 0 : index
    %get3A_23 = arith.constant 0 : index
    %get3A_24 = vector.load %arg3[%get3A_21, %get3A_22, %get3A_23] : memref<2x2000x128xf32, #tpu.memory_space<vmem>>, vector<1x2000x128xf32>
    %get3A_25 = vector.shape_cast %get3A_24 : vector<1x2000x128xf32> to vector<2000x128xf32>
    %add3A_26 = arith.addf %get3A_20, %get3A_25 : vector<2000x128xf32>
    %mul3A_27 = vector.broadcast %get3A_1 : vector<2000x1xf32> to vector<2000x128xf32>
    %mul3A_28 = arith.mulf %mul3A_27, %add3A_26 : vector<2000x128xf32>
    %get3A_29 = arith.constant 0 : index
    %get3A_30 = arith.constant 0 : index
    %get3A_31 = arith.constant 0 : index
    %get3A_32 = vector.load %arg4[%get3A_29, %get3A_30, %get3A_31] : memref<2x2000x128xf32, #tpu.memory_space<vmem>>, vector<1x2000x128xf32>
    %get3A_33 = vector.shape_cast %get3A_32 : vector<1x2000x128xf32> to vector<2000x128xf32>
    %get3A_34 = arith.constant 1 : index
    %get3A_35 = arith.constant 0 : index
    %get3A_36 = arith.constant 0 : index
    %get3A_37 = vector.load %arg4[%get3A_34, %get3A_35, %get3A_36] : memref<2x2000x128xf32, #tpu.memory_space<vmem>>, vector<1x2000x128xf32>
    %get3A_38 = vector.shape_cast %get3A_37 : vector<1x2000x128xf32> to vector<2000x128xf32>
    %add3A_39 = arith.addf %get3A_33, %get3A_38 : vector<2000x128xf32>
    %mul3A_40 = vector.broadcast %get3A_1 : vector<2000x1xf32> to vector<2000x128xf32>
    %mul3A_41 = arith.mulf %mul3A_40, %add3A_39 : vector<2000x128xf32>
    %get3A_42 = arith.constant 0 : index
    %get3A_43 = arith.constant 0 : index
    %get3A_44 = arith.constant 0 : index
    %get3A_45 = vector.load %arg6[%get3A_42, %get3A_43, %get3A_44] : memref<4x128x128xf32, #tpu.memory_space<vmem>>, vector<1x128x128xf32>
    %get3A_46 = vector.shape_cast %get3A_45 : vector<1x128x128xf32> to vector<128x128xf32>
    %dot_general3A = arith.constant dense<0.000000e+00> : vector<2000x128xf32>
    %dot_general3A_47 = tpu.matmul %get3A_4, %get3A_46, %dot_general3A {dimension_numbers = #tpu.dot_dimension_numbers<[1], [0], [0], [1], [0, 0, 1, 1], [], []>, transpose_lhs_hint = false} : vector<2000x128xf32>, vector<128x128xf32>, vector<2000x128xf32> -> vector<2000x128xf32>
    %get3A_48 = arith.constant 1 : index
    %get3A_49 = arith.constant 0 : index
    %get3A_50 = arith.constant 0 : index
    %get3A_51 = vector.load %arg6[%get3A_48, %get3A_49, %get3A_50] : memref<4x128x128xf32, #tpu.memory_space<vmem>>, vector<1x128x128xf32>
    %get3A_52 = vector.shape_cast %get3A_51 : vector<1x128x128xf32> to vector<128x128xf32>
    %dot_general3A_53 = arith.constant dense<0.000000e+00> : vector<2000x128xf32>
    %dot_general3A_54 = tpu.matmul %mul3A_15, %get3A_52, %dot_general3A_53 {dimension_numbers = #tpu.dot_dimension_numbers<[1], [0], [0], [1], [0, 0, 1, 1], [], []>, transpose_lhs_hint = false} : vector<2000x128xf32>, vector<128x128xf32>, vector<2000x128xf32> -> vector<2000x128xf32>
    %add3A_55 = arith.addf %dot_general3A_47, %dot_general3A_54 : vector<2000x128xf32>
    %get3A_56 = arith.constant 2 : index
    %get3A_57 = arith.constant 0 : index
    %get3A_58 = arith.constant 0 : index
    %get3A_59 = vector.load %arg6[%get3A_56, %get3A_57, %get3A_58] : memref<4x128x128xf32, #tpu.memory_space<vmem>>, vector<1x128x128xf32>
    %get3A_60 = vector.shape_cast %get3A_59 : vector<1x128x128xf32> to vector<128x128xf32>
    %dot_general3A_61 = arith.constant dense<0.000000e+00> : vector<2000x128xf32>
    %dot_general3A_62 = tpu.matmul %mul3A_28, %get3A_60, %dot_general3A_61 {dimension_numbers = #tpu.dot_dimension_numbers<[1], [0], [0], [1], [0, 0, 1, 1], [], []>, transpose_lhs_hint = false} : vector<2000x128xf32>, vector<128x128xf32>, vector<2000x128xf32> -> vector<2000x128xf32>
    %add3A_63 = arith.addf %add3A_55, %dot_general3A_62 : vector<2000x128xf32>
    %get3A_64 = arith.constant 3 : index
    %get3A_65 = arith.constant 0 : index
    %get3A_66 = arith.constant 0 : index
    %get3A_67 = vector.load %arg6[%get3A_64, %get3A_65, %get3A_66] : memref<4x128x128xf32, #tpu.memory_space<vmem>>, vector<1x128x128xf32>
    %get3A_68 = vector.shape_cast %get3A_67 : vector<1x128x128xf32> to vector<128x128xf32>
    %dot_general3A_69 = arith.constant dense<0.000000e+00> : vector<2000x128xf32>
    %dot_general3A_70 = tpu.matmul %mul3A_41, %get3A_68, %dot_general3A_69 {dimension_numbers = #tpu.dot_dimension_numbers<[1], [0], [0], [1], [0, 0, 1, 1], [], []>, transpose_lhs_hint = false} : vector<2000x128xf32>, vector<128x128xf32>, vector<2000x128xf32> -> vector<2000x128xf32>
    %add3A_71 = arith.addf %add3A_63, %dot_general3A_70 : vector<2000x128xf32>
    %get3A_72 = arith.constant 0 : index
    %get3A_73 = arith.constant 0 : index
    %get3A_74 = vector.load %arg7[%get3A_72, %get3A_73] : memref<1x128xf32, #tpu.memory_space<vmem>>, vector<1x128xf32>
    %add3A_75 = vector.broadcast %get3A_74 : vector<1x128xf32> to vector<2000x128xf32>
    %add3A_76 = arith.addf %add3A_71, %add3A_75 : vector<2000x128xf32>
    %swap3A = arith.constant 0 : index
    %swap3A_77 = arith.constant 0 : index
    %swap3A_78 = vector.load %arg8[%swap3A, %swap3A_77] : memref<2000x128xf32, #tpu.memory_space<vmem>>, vector<2000x128xf32>
    tpu.vector_store %arg8[%swap3A, %swap3A_77], %add3A_76 {strides = array<i32>} : memref<2000x128xf32, #tpu.memory_space<vmem>>, vector<2000x128xf32>,
    %eq3A = arith.constant 0 : i32
    %eq3A_79 = arith.cmpi eq, %arg0, %eq3A : i32
    %convert_element_type3A = arith.extui %eq3A_79 : i1 to i32
    %cond3A = arith.constant 0 : i32
    %cond3A_80 = arith.cmpi ne, %convert_element_type3A, %cond3A : i32
    scf.if %cond3A_80 {
      %broadcast_in_dim3A_105 = arith.constant 0.000000e+00 : f32
      %broadcast_in_dim3A_106 = vector.broadcast %broadcast_in_dim3A_105 : f32 to vector<2x128xf32>
      %swap3A_107 = arith.constant 0 : index
      %swap3A_108 = arith.constant 0 : index
      %swap3A_109 = vector.load %arg10[%swap3A_107, %swap3A_108] : memref<2x128xf32, #tpu.memory_space<vmem>>, vector<2x128xf32>
      tpu.vector_store %arg10[%swap3A_107, %swap3A_108], %broadcast_in_dim3A_106 {strides = array<i32>} : memref<2x128xf32, #tpu.memory_space<vmem>>, vector<2x128xf32>,
    } else {
    }
    %get3A_81 = arith.constant 0 : index
    %get3A_82 = arith.constant 0 : index
    %get3A_83 = vector.load %arg10[%get3A_81, %get3A_82] : memref<2x128xf32, #tpu.memory_space<vmem>>, vector<1x128xf32>
    %reduce_sum3A = arith.constant dense<0.000000e+00> : vector<128xf32>
    %reduce_sum3A_84 = vector.multi_reduction <add>, %add3A_76, %reduce_sum3A [0] : vector<2000x128xf32> to vector<128xf32>
    %broadcast_in_dim3A = vector.shape_cast %reduce_sum3A_84 : vector<128xf32> to vector<1x128xf32>
    %add3A_85 = arith.addf %get3A_83, %broadcast_in_dim3A : vector<1x128xf32>
    %swap3A_86 = arith.constant 0 : index
    %swap3A_87 = arith.constant 0 : index
    %swap3A_88 = vector.load %arg10[%swap3A_86, %swap3A_87] : memref<2x128xf32, #tpu.memory_space<vmem>>, vector<1x128xf32>
    tpu.vector_store %arg10[%swap3A_86, %swap3A_87], %add3A_85 {strides = array<i32>} : memref<2x128xf32, #tpu.memory_space<vmem>>, vector<1x128xf32>,
    %get3A_89 = arith.constant 1 : index
    %get3A_90 = arith.constant 0 : index
    %get3A_91 = vector.load %arg10[%get3A_89, %get3A_90] : memref<2x128xf32, #tpu.memory_space<vmem>>, vector<1x128xf32>
    %mul3A_92 = arith.mulf %add3A_76, %add3A_76 : vector<2000x128xf32>
    %reduce_sum3A_93 = arith.constant dense<0.000000e+00> : vector<128xf32>
    %reduce_sum3A_94 = vector.multi_reduction <add>, %mul3A_92, %reduce_sum3A_93 [0] : vector<2000x128xf32> to vector<128xf32>
    %broadcast_in_dim3A_95 = vector.shape_cast %reduce_sum3A_94 : vector<128xf32> to vector<1x128xf32>
    %add3A_96 = arith.addf %get3A_91, %broadcast_in_dim3A_95 : vector<1x128xf32>
    %swap3A_97 = arith.constant 1 : index
    %swap3A_98 = arith.constant 0 : index
    %swap3A_99 = vector.load %arg10[%swap3A_97, %swap3A_98] : memref<2x128xf32, #tpu.memory_space<vmem>>, vector<1x128xf32>
    tpu.vector_store %arg10[%swap3A_97, %swap3A_98], %add3A_96 {strides = array<i32>} : memref<2x128xf32, #tpu.memory_space<vmem>>, vector<1x128xf32>,
    %eq3A_100 = arith.constant 4 : i32
    %eq3A_101 = arith.cmpi eq, %arg0, %eq3A_100 : i32
    %convert_element_type3A_102 = arith.extui %eq3A_101 : i1 to i32
    %cond3A_103 = arith.constant 0 : i32
    %cond3A_104 = arith.cmpi ne, %convert_element_type3A_102, %cond3A_103 : i32
    scf.if %cond3A_104 {
      %get3A_105 = arith.constant 0 : index
      %get3A_106 = arith.constant 0 : index
      %get3A_107 = vector.load %arg10[%get3A_105, %get3A_106] : memref<2x128xf32, #tpu.memory_space<vmem>>, vector<2x128xf32>
      %swap3A_108 = arith.constant 0 : index
      %swap3A_109 = arith.constant 0 : index
      %swap3A_110 = vector.load %arg9[%swap3A_108, %swap3A_109] : memref<2x128xf32, #tpu.memory_space<vmem>>, vector<2x128xf32>
      tpu.vector_store %arg9[%swap3A_108, %swap3A_109], %get3A_107 {strides = array<i32>} : memref<2x128xf32, #tpu.memory_space<vmem>>, vector<2x128xf32>,
    } else {
    }
    return
  }
  func.func @transform_0(%arg0: i32) -> (i32, i32) {
    %c0_i32 = arith.constant 0 : i32
    %c0_i32_0 = arith.constant 0 : i32
    return %arg0, %c0_i32 : i32, i32
  }
  func.func @transform_1(%arg0: i32) -> (i32, i32, i32) {
    %c0_i32 = arith.constant 0 : i32
    %c0_i32_0 = arith.constant 0 : i32
    %c0_i32_1 = arith.constant 0 : i32
    return %c0_i32, %arg0, %c0_i32_0 : i32, i32, i32
  }
  func.func @transform_2(%arg0: i32) -> (i32, i32, i32) {
    %c0_i32 = arith.constant 0 : i32
    %c0_i32_0 = arith.constant 0 : i32
    %c0_i32_1 = arith.constant 0 : i32
    return %c0_i32, %arg0, %c0_i32_0 : i32, i32, i32
  }
  func.func @transform_3(%arg0: i32) -> (i32, i32, i32) {
    %c0_i32 = arith.constant 0 : i32
    %c0_i32_0 = arith.constant 0 : i32
    %c0_i32_1 = arith.constant 0 : i32
    return %c0_i32, %arg0, %c0_i32_0 : i32, i32, i32
  }
  func.func @transform_4(%arg0: i32) -> (i32, i32) {
    %c0_i32 = arith.constant 0 : i32
    %c0_i32_0 = arith.constant 0 : i32
    return %arg0, %c0_i32 : i32, i32
  }
  func.func @transform_5(%arg0: i32) -> (i32, i32, i32) {
    %c0_i32 = arith.constant 0 : i32
    %c0_i32_0 = arith.constant 0 : i32
    %c0_i32_1 = arith.constant 0 : i32
    %c0_i32_2 = arith.constant 0 : i32
    return %c0_i32, %c0_i32_0, %c0_i32_1 : i32, i32, i32
  }
  func.func @transform_6(%arg0: i32) -> (i32, i32) {
    %c0_i32 = arith.constant 0 : i32
    %c0_i32_0 = arith.constant 0 : i32
    %c0_i32_1 = arith.constant 0 : i32
    return %c0_i32, %c0_i32_0 : i32, i32
  }
  func.func @transform_7(%arg0: i32) -> (i32, i32) {
    %c0_i32 = arith.constant 0 : i32
    %c0_i32_0 = arith.constant 0 : i32
    return %arg0, %c0_i32 : i32, i32
  }
  func.func @transform_8(%arg0: i32) -> (i32, i32) {
    %c0_i32 = arith.constant 0 : i32
    %c0_i32_0 = arith.constant 0 : i32
    %c0_i32_1 = arith.constant 0 : i32
    return %c0_i32, %c0_i32_0 : i32, i32
  }
}

module attributes {stable_mosaic.version = 14 : i64} {
  func.func @_norm_body(%arg0: i32, %arg1: memref<2000x128xf32, #tpu.memory_space<vmem>>, %arg2: memref<2x128xf32, #tpu.memory_space<vmem>>, %arg3: memref<1x128xf32, #tpu.memory_space<vmem>>, %arg4: memref<1x128xf32, #tpu.memory_space<vmem>>, %arg5: memref<1x128xf32, #tpu.memory_space<vmem>>, %arg6: memref<2000x1xf32, #tpu.memory_space<vmem>>, %arg7: memref<2000x128xf32, #tpu.memory_space<vmem>>, %arg8: memref<2000x128xf32, #tpu.memory_space<vmem>>) attributes {dimension_semantics = [#tpu.dimension_semantics<arbitrary>], iteration_bounds = array<i64: 5>, scalar_prefetch = 0 : i64, scratch_operands = 0 : i64, tpu.core_type = #tpu.core_type<tc>, window_params = [{transform_indices = @transform_0, window_bounds = array<i64: 2000, 128>}, {pipeline_mode = #tpu.pipeline_mode<synchronous>, transform_indices = @transform_1, window_bounds = array<i64: 2, 128>}, {pipeline_mode = #tpu.pipeline_mode<synchronous>, transform_indices = @transform_2, window_bounds = array<i64: 1, 128>}, {pipeline_mode = #tpu.pipeline_mode<synchronous>, transform_indices = @transform_3, window_bounds = array<i64: 1, 128>}, {pipeline_mode = #tpu.pipeline_mode<synchronous>, transform_indices = @transform_4, window_bounds = array<i64: 1, 128>}, {transform_indices = @transform_5, window_bounds = array<i64: 2000, 1>}, {transform_indices = @transform_6, window_bounds = array<i64: 2000, 128>}, {transform_indices = @transform_7, window_bounds = array<i64: 2000, 128>}]} {
    %get3A = arith.constant 0 : index
    %get3A_0 = arith.constant 0 : index
    %get3A_1 = vector.load %arg1[%get3A, %get3A_0] : memref<2000x128xf32, #tpu.memory_space<vmem>>, vector<2000x128xf32>
    %get3A_2 = arith.constant 0 : index
    %get3A_3 = arith.constant 0 : index
    %get3A_4 = vector.load %arg2[%get3A_2, %get3A_3] : memref<2x128xf32, #tpu.memory_space<vmem>>, vector<2x128xf32>
    %get3A_5 = arith.constant 0 : index
    %get3A_6 = arith.constant 0 : index
    %get3A_7 = vector.load %arg3[%get3A_5, %get3A_6] : memref<1x128xf32, #tpu.memory_space<vmem>>, vector<1x128xf32>
    %get3A_8 = arith.constant 0 : index
    %get3A_9 = arith.constant 0 : index
    %get3A_10 = vector.load %arg4[%get3A_8, %get3A_9] : memref<1x128xf32, #tpu.memory_space<vmem>>, vector<1x128xf32>
    %get3A_11 = arith.constant 0 : index
    %get3A_12 = arith.constant 0 : index
    %get3A_13 = vector.load %arg5[%get3A_11, %get3A_12] : memref<1x128xf32, #tpu.memory_space<vmem>>, vector<1x128xf32>
    %slice3A = vector.extract_strided_slice %get3A_4 {offsets = [0, 0], sizes = [1, 128], strides = [1, 1]} : vector<2x128xf32> to vector<1x128xf32>
    %mul3A = arith.constant 9.99999974E-5 : f32
    %mul3A_14 = vector.broadcast %mul3A : f32 to vector<1x128xf32>
    %mul3A_15 = arith.mulf %slice3A, %mul3A_14 : vector<1x128xf32>
    %slice3A_16 = vector.extract_strided_slice %get3A_4 {offsets = [1, 0], sizes = [1, 128], strides = [1, 1]} : vector<2x128xf32> to vector<1x128xf32>
    %mul3A_17 = arith.constant 9.99999974E-5 : f32
    %mul3A_18 = vector.broadcast %mul3A_17 : f32 to vector<1x128xf32>
    %mul3A_19 = arith.mulf %slice3A_16, %mul3A_18 : vector<1x128xf32>
    %mul3A_20 = arith.constant 2.000000e+00 : f32
    %mul3A_21 = vector.broadcast %mul3A_20 : f32 to vector<1x128xf32>
    %mul3A_22 = arith.mulf %mul3A_21, %get3A_13 : vector<1x128xf32>
    %mul3A_23 = arith.mulf %get3A_13, %get3A_13 : vector<1x128xf32>
    %sub3A = arith.subf %mul3A_22, %mul3A_23 : vector<1x128xf32>
    %mul3A_24 = arith.mulf %sub3A, %mul3A_15 : vector<1x128xf32>
    %mul3A_25 = arith.mulf %mul3A_24, %mul3A_15 : vector<1x128xf32>
    %sub3A_26 = arith.subf %mul3A_19, %mul3A_25 : vector<1x128xf32>
    %mul3A_27 = arith.mulf %get3A_13, %mul3A_15 : vector<1x128xf32>
    %sub3A_28 = vector.broadcast %mul3A_27 : vector<1x128xf32> to vector<2000x128xf32>
    %sub3A_29 = arith.subf %get3A_1, %sub3A_28 : vector<2000x128xf32>
    %mul3A_30 = vector.broadcast %get3A_7 : vector<1x128xf32> to vector<2000x128xf32>
    %mul3A_31 = arith.mulf %mul3A_30, %sub3A_29 : vector<2000x128xf32>
    %add3A = arith.constant 9.99999974E-6 : f32
    %add3A_32 = vector.broadcast %add3A : f32 to vector<1x128xf32>
    %add3A_33 = arith.addf %sub3A_26, %add3A_32 : vector<1x128xf32>
    %rsqrt3A = math.rsqrt %add3A_33 : vector<1x128xf32>
    %mul3A_34 = vector.broadcast %rsqrt3A : vector<1x128xf32> to vector<2000x128xf32>
    %mul3A_35 = arith.mulf %mul3A_31, %mul3A_34 : vector<2000x128xf32>
    %add3A_36 = vector.broadcast %get3A_10 : vector<1x128xf32> to vector<2000x128xf32>
    %add3A_37 = arith.addf %mul3A_35, %add3A_36 : vector<2000x128xf32>
    %gt3A = arith.constant 0.000000e+00 : f32
    %gt3A_38 = vector.broadcast %gt3A : f32 to vector<2000x128xf32>
    %gt3A_39 = arith.cmpf ogt, %add3A_37, %gt3A_38 : vector<2000x128xf32>
    %mul3A_40 = arith.constant 1.000000e-01 : f32
    %mul3A_41 = vector.broadcast %mul3A_40 : f32 to vector<2000x128xf32>
    %mul3A_42 = arith.mulf %mul3A_41, %add3A_37 : vector<2000x128xf32>
    %select_n3A = arith.select %gt3A_39, %add3A_37, %mul3A_42 : vector<2000x128xi1>, vector<2000x128xf32>
    %swap3A = arith.constant 0 : index
    %swap3A_43 = arith.constant 0 : index
    %swap3A_44 = vector.load %arg7[%swap3A, %swap3A_43] : memref<2000x128xf32, #tpu.memory_space<vmem>>, vector<2000x128xf32>
    tpu.vector_store %arg7[%swap3A, %swap3A_43], %select_n3A {strides = array<i32>} : memref<2000x128xf32, #tpu.memory_space<vmem>>, vector<2000x128xf32>,
    %get3A_45 = arith.constant 0 : index
    %get3A_46 = arith.constant 0 : index
    %get3A_47 = vector.load %arg6[%get3A_45, %get3A_46] : memref<2000x1xf32, #tpu.memory_space<vmem>>, vector<2000x1xf32>
    %mul3A_48 = vector.broadcast %get3A_47 : vector<2000x1xf32> to vector<2000x128xf32>
    %mul3A_49 = arith.mulf %mul3A_48, %select_n3A : vector<2000x128xf32>
    %swap3A_50 = arith.constant 0 : index
    %swap3A_51 = arith.constant 0 : index
    %swap3A_52 = vector.load %arg8[%swap3A_50, %swap3A_51] : memref<2000x128xf32, #tpu.memory_space<vmem>>, vector<2000x128xf32>
    tpu.vector_store %arg8[%swap3A_50, %swap3A_51], %mul3A_49 {strides = array<i32>} : memref<2000x128xf32, #tpu.memory_space<vmem>>, vector<2000x128xf32>,
    return
  }
  func.func @transform_0(%arg0: i32) -> (i32, i32) {
    %c0_i32 = arith.constant 0 : i32
    %c0_i32_0 = arith.constant 0 : i32
    return %arg0, %c0_i32 : i32, i32
  }
  func.func @transform_1(%arg0: i32) -> (i32, i32) {
    %c0_i32 = arith.constant 0 : i32
    %c0_i32_0 = arith.constant 0 : i32
    %c0_i32_1 = arith.constant 0 : i32
    return %c0_i32, %c0_i32_0 : i32, i32
  }
  func.func @transform_2(%arg0: i32) -> (i32, i32) {
    %c0_i32 = arith.constant 0 : i32
    %c0_i32_0 = arith.constant 0 : i32
    %c0_i32_1 = arith.constant 0 : i32
    return %c0_i32, %c0_i32_0 : i32, i32
  }
  func.func @transform_3(%arg0: i32) -> (i32, i32) {
    %c0_i32 = arith.constant 0 : i32
    %c0_i32_0 = arith.constant 0 : i32
    %c0_i32_1 = arith.constant 0 : i32
    return %c0_i32, %c0_i32_0 : i32, i32
  }
  func.func @transform_4(%arg0: i32) -> (i32, i32) {
    %c0_i32 = arith.constant 0 : i32
    %c0_i32_0 = arith.constant 0 : i32
    %c0_i32_1 = arith.constant 0 : i32
    return %c0_i32, %c0_i32_0 : i32, i32
  }
  func.func @transform_5(%arg0: i32) -> (i32, i32) {
    %c0_i32 = arith.constant 0 : i32
    %c0_i32_0 = arith.constant 0 : i32
    return %arg0, %c0_i32 : i32, i32
  }
  func.func @transform_6(%arg0: i32) -> (i32, i32) {
    %c0_i32 = arith.constant 0 : i32
    %c0_i32_0 = arith.constant 0 : i32
    return %arg0, %c0_i32 : i32, i32
  }
  func.func @transform_7(%arg0: i32) -> (i32, i32) {
    %c0_i32 = arith.constant 0 : i32
    %c0_i32_0 = arith.constant 0 : i32
    return %arg0, %c0_i32 : i32, i32
  }
}

module attributes {stable_mosaic.version = 14 : i64} {
  func.func @_norm3_body(%arg0: i32, %arg1: memref<2000x128xf32, #tpu.memory_space<vmem>>, %arg2: memref<2x128xf32, #tpu.memory_space<vmem>>, %arg3: memref<1x128xf32, #tpu.memory_space<vmem>>, %arg4: memref<1x128xf32, #tpu.memory_space<vmem>>, %arg5: memref<1x128xf32, #tpu.memory_space<vmem>>, %arg6: memref<2000x128xf32, #tpu.memory_space<vmem>>, %arg7: memref<1x128xf32, #tpu.memory_space<vmem>>, %arg8: memref<1x128xf32, #tpu.memory_space<vmem>>) attributes {dimension_semantics = [#tpu.dimension_semantics<arbitrary>], iteration_bounds = array<i64: 5>, scalar_prefetch = 0 : i64, scratch_operands = 1 : i64, tpu.core_type = #tpu.core_type<tc>, window_params = [{transform_indices = @transform_0, window_bounds = array<i64: 2000, 128>}, {pipeline_mode = #tpu.pipeline_mode<synchronous>, transform_indices = @transform_1, window_bounds = array<i64: 2, 128>}, {pipeline_mode = #tpu.pipeline_mode<synchronous>, transform_indices = @transform_2, window_bounds = array<i64: 1, 128>}, {pipeline_mode = #tpu.pipeline_mode<synchronous>, transform_indices = @transform_3, window_bounds = array<i64: 1, 128>}, {pipeline_mode = #tpu.pipeline_mode<synchronous>, transform_indices = @transform_4, window_bounds = array<i64: 1, 128>}, {transform_indices = @transform_5, window_bounds = array<i64: 2000, 128>}, {pipeline_mode = #tpu.pipeline_mode<synchronous>, transform_indices = @transform_6, window_bounds = array<i64: 1, 128>}]} {
    %get3A = arith.constant 0 : index
    %get3A_0 = arith.constant 0 : index
    %get3A_1 = vector.load %arg1[%get3A, %get3A_0] : memref<2000x128xf32, #tpu.memory_space<vmem>>, vector<2000x128xf32>
    %get3A_2 = arith.constant 0 : index
    %get3A_3 = arith.constant 0 : index
    %get3A_4 = vector.load %arg2[%get3A_2, %get3A_3] : memref<2x128xf32, #tpu.memory_space<vmem>>, vector<2x128xf32>
    %get3A_5 = arith.constant 0 : index
    %get3A_6 = arith.constant 0 : index
    %get3A_7 = vector.load %arg3[%get3A_5, %get3A_6] : memref<1x128xf32, #tpu.memory_space<vmem>>, vector<1x128xf32>
    %get3A_8 = arith.constant 0 : index
    %get3A_9 = arith.constant 0 : index
    %get3A_10 = vector.load %arg4[%get3A_8, %get3A_9] : memref<1x128xf32, #tpu.memory_space<vmem>>, vector<1x128xf32>
    %get3A_11 = arith.constant 0 : index
    %get3A_12 = arith.constant 0 : index
    %get3A_13 = vector.load %arg5[%get3A_11, %get3A_12] : memref<1x128xf32, #tpu.memory_space<vmem>>, vector<1x128xf32>
    %slice3A = vector.extract_strided_slice %get3A_4 {offsets = [0, 0], sizes = [1, 128], strides = [1, 1]} : vector<2x128xf32> to vector<1x128xf32>
    %mul3A = arith.constant 9.99999974E-5 : f32
    %mul3A_14 = vector.broadcast %mul3A : f32 to vector<1x128xf32>
    %mul3A_15 = arith.mulf %slice3A, %mul3A_14 : vector<1x128xf32>
    %slice3A_16 = vector.extract_strided_slice %get3A_4 {offsets = [1, 0], sizes = [1, 128], strides = [1, 1]} : vector<2x128xf32> to vector<1x128xf32>
    %mul3A_17 = arith.constant 9.99999974E-5 : f32
    %mul3A_18 = vector.broadcast %mul3A_17 : f32 to vector<1x128xf32>
    %mul3A_19 = arith.mulf %slice3A_16, %mul3A_18 : vector<1x128xf32>
    %mul3A_20 = arith.constant 2.000000e+00 : f32
    %mul3A_21 = vector.broadcast %mul3A_20 : f32 to vector<1x128xf32>
    %mul3A_22 = arith.mulf %mul3A_21, %get3A_13 : vector<1x128xf32>
    %mul3A_23 = arith.mulf %get3A_13, %get3A_13 : vector<1x128xf32>
    %sub3A = arith.subf %mul3A_22, %mul3A_23 : vector<1x128xf32>
    %mul3A_24 = arith.mulf %sub3A, %mul3A_15 : vector<1x128xf32>
    %mul3A_25 = arith.mulf %mul3A_24, %mul3A_15 : vector<1x128xf32>
    %sub3A_26 = arith.subf %mul3A_19, %mul3A_25 : vector<1x128xf32>
    %mul3A_27 = arith.mulf %get3A_13, %mul3A_15 : vector<1x128xf32>
    %sub3A_28 = vector.broadcast %mul3A_27 : vector<1x128xf32> to vector<2000x128xf32>
    %sub3A_29 = arith.subf %get3A_1, %sub3A_28 : vector<2000x128xf32>
    %mul3A_30 = vector.broadcast %get3A_7 : vector<1x128xf32> to vector<2000x128xf32>
    %mul3A_31 = arith.mulf %mul3A_30, %sub3A_29 : vector<2000x128xf32>
    %add3A = arith.constant 9.99999974E-6 : f32
    %add3A_32 = vector.broadcast %add3A : f32 to vector<1x128xf32>
    %add3A_33 = arith.addf %sub3A_26, %add3A_32 : vector<1x128xf32>
    %rsqrt3A = math.rsqrt %add3A_33 : vector<1x128xf32>
    %mul3A_34 = vector.broadcast %rsqrt3A : vector<1x128xf32> to vector<2000x128xf32>
    %mul3A_35 = arith.mulf %mul3A_31, %mul3A_34 : vector<2000x128xf32>
    %add3A_36 = vector.broadcast %get3A_10 : vector<1x128xf32> to vector<2000x128xf32>
    %add3A_37 = arith.addf %mul3A_35, %add3A_36 : vector<2000x128xf32>
    %get3A_38 = arith.constant 0 : index
    %get3A_39 = arith.constant 0 : index
    %get3A_40 = vector.load %arg6[%get3A_38, %get3A_39] : memref<2000x128xf32, #tpu.memory_space<vmem>>, vector<2000x128xf32>
    %add3A_41 = arith.addf %get3A_40, %add3A_37 : vector<2000x128xf32>
    %max3A = arith.constant 0.000000e+00 : f32
    %max3A_42 = vector.broadcast %max3A : f32 to vector<2000x128xf32>
    %max3A_43 = arith.maximumf %add3A_41, %max3A_42 : vector<2000x128xf32>
    %eq3A = arith.constant 0 : i32
    %eq3A_44 = arith.cmpi eq, %arg0, %eq3A : i32
    %convert_element_type3A = arith.extui %eq3A_44 : i1 to i32
    %cond3A = arith.constant 0 : i32
    %cond3A_45 = arith.cmpi ne, %convert_element_type3A, %cond3A : i32
    scf.if %cond3A_45 {
      %broadcast_in_dim3A_58 = arith.constant 0.000000e+00 : f32
      %broadcast_in_dim3A_59 = vector.broadcast %broadcast_in_dim3A_58 : f32 to vector<1x128xf32>
      %swap3A_60 = arith.constant 0 : index
      %swap3A_61 = arith.constant 0 : index
      %swap3A_62 = vector.load %arg8[%swap3A_60, %swap3A_61] : memref<1x128xf32, #tpu.memory_space<vmem>>, vector<1x128xf32>
      tpu.vector_store %arg8[%swap3A_60, %swap3A_61], %broadcast_in_dim3A_59 {strides = array<i32>} : memref<1x128xf32, #tpu.memory_space<vmem>>, vector<1x128xf32>,
    } else {
    }
    %get3A_46 = arith.constant 0 : index
    %get3A_47 = arith.constant 0 : index
    %get3A_48 = vector.load %arg8[%get3A_46, %get3A_47] : memref<1x128xf32, #tpu.memory_space<vmem>>, vector<1x128xf32>
    %reduce_sum3A = arith.constant dense<0.000000e+00> : vector<128xf32>
    %reduce_sum3A_49 = vector.multi_reduction <add>, %max3A_43, %reduce_sum3A [0] : vector<2000x128xf32> to vector<128xf32>
    %broadcast_in_dim3A = vector.shape_cast %reduce_sum3A_49 : vector<128xf32> to vector<1x128xf32>
    %add3A_50 = arith.addf %get3A_48, %broadcast_in_dim3A : vector<1x128xf32>
    %swap3A = arith.constant 0 : index
    %swap3A_51 = arith.constant 0 : index
    %swap3A_52 = vector.load %arg8[%swap3A, %swap3A_51] : memref<1x128xf32, #tpu.memory_space<vmem>>, vector<1x128xf32>
    tpu.vector_store %arg8[%swap3A, %swap3A_51], %add3A_50 {strides = array<i32>} : memref<1x128xf32, #tpu.memory_space<vmem>>, vector<1x128xf32>,
    %eq3A_53 = arith.constant 4 : i32
    %eq3A_54 = arith.cmpi eq, %arg0, %eq3A_53 : i32
    %convert_element_type3A_55 = arith.extui %eq3A_54 : i1 to i32
    %cond3A_56 = arith.constant 0 : i32
    %cond3A_57 = arith.cmpi ne, %convert_element_type3A_55, %cond3A_56 : i32
    scf.if %cond3A_57 {
      %get3A_58 = arith.constant 0 : index
      %get3A_59 = arith.constant 0 : index
      %get3A_60 = vector.load %arg8[%get3A_58, %get3A_59] : memref<1x128xf32, #tpu.memory_space<vmem>>, vector<1x128xf32>
      %swap3A_61 = arith.constant 0 : index
      %swap3A_62 = arith.constant 0 : index
      %swap3A_63 = vector.load %arg7[%swap3A_61, %swap3A_62] : memref<1x128xf32, #tpu.memory_space<vmem>>, vector<1x128xf32>
      tpu.vector_store %arg7[%swap3A_61, %swap3A_62], %get3A_60 {strides = array<i32>} : memref<1x128xf32, #tpu.memory_space<vmem>>, vector<1x128xf32>,
    } else {
    }
    return
  }
  func.func @transform_0(%arg0: i32) -> (i32, i32) {
    %c0_i32 = arith.constant 0 : i32
    %c0_i32_0 = arith.constant 0 : i32
    return %arg0, %c0_i32 : i32, i32
  }
  func.func @transform_1(%arg0: i32) -> (i32, i32) {
    %c0_i32 = arith.constant 0 : i32
    %c0_i32_0 = arith.constant 0 : i32
    %c0_i32_1 = arith.constant 0 : i32
    return %c0_i32, %c0_i32_0 : i32, i32
  }
  func.func @transform_2(%arg0: i32) -> (i32, i32) {
    %c0_i32 = arith.constant 0 : i32
    %c0_i32_0 = arith.constant 0 : i32
    %c0_i32_1 = arith.constant 0 : i32
    return %c0_i32, %c0_i32_0 : i32, i32
  }
  func.func @transform_3(%arg0: i32) -> (i32, i32) {
    %c0_i32 = arith.constant 0 : i32
    %c0_i32_0 = arith.constant 0 : i32
    %c0_i32_1 = arith.constant 0 : i32
    return %c0_i32, %c0_i32_0 : i32, i32
  }
  func.func @transform_4(%arg0: i32) -> (i32, i32) {
    %c0_i32 = arith.constant 0 : i32
    %c0_i32_0 = arith.constant 0 : i32
    %c0_i32_1 = arith.constant 0 : i32
    return %c0_i32, %c0_i32_0 : i32, i32
  }
  func.func @transform_5(%arg0: i32) -> (i32, i32) {
    %c0_i32 = arith.constant 0 : i32
    %c0_i32_0 = arith.constant 0 : i32
    return %arg0, %c0_i32 : i32, i32
  }
  func.func @transform_6(%arg0: i32) -> (i32, i32) {
    %c0_i32 = arith.constant 0 : i32
    %c0_i32_0 = arith.constant 0 : i32
    %c0_i32_1 = arith.constant 0 : i32
    return %c0_i32, %c0_i32_0 : i32, i32
  }
}

module attributes {stable_mosaic.version = 14 : i64} {
  func.func @_final_body(%arg0: memref<1x128xf32, #tpu.memory_space<vmem>>, %arg1: memref<10x128xf32, #tpu.memory_space<vmem>>, %arg2: memref<1x10xf32, #tpu.memory_space<vmem>>, %arg3: memref<1x10xf32, #tpu.memory_space<vmem>>) attributes {dimension_semantics = [], scalar_prefetch = 0 : i64, scratch_operands = 0 : i64, tpu.core_type = #tpu.core_type<tc>} {
    %get3A = arith.constant 0 : index
    %get3A_0 = arith.constant 0 : index
    %get3A_1 = vector.load %arg0[%get3A, %get3A_0] : memref<1x128xf32, #tpu.memory_space<vmem>>, vector<1x128xf32>
    %mul3A = arith.constant 9.99999974E-5 : f32
    %mul3A_2 = vector.broadcast %mul3A : f32 to vector<1x128xf32>
    %mul3A_3 = arith.mulf %get3A_1, %mul3A_2 : vector<1x128xf32>
    %get3A_4 = arith.constant 0 : index
    %get3A_5 = arith.constant 0 : index
    %get3A_6 = vector.load %arg1[%get3A_4, %get3A_5] : memref<10x128xf32, #tpu.memory_space<vmem>>, vector<10x128xf32>
    %dot_general3A = arith.constant dense<0.000000e+00> : vector<1x10xf32>
    %dot_general3A_7 = tpu.matmul %mul3A_3, %get3A_6, %dot_general3A {dimension_numbers = #tpu.dot_dimension_numbers<[1], [1], [0], [0], [0, 0, 1, 0], [], []>, transpose_lhs_hint = false} : vector<1x128xf32>, vector<10x128xf32>, vector<1x10xf32> -> vector<1x10xf32>
    %get3A_8 = arith.constant 0 : index
    %get3A_9 = arith.constant 0 : index
    %get3A_10 = vector.load %arg2[%get3A_8, %get3A_9] : memref<1x10xf32, #tpu.memory_space<vmem>>, vector<1x10xf32>
    %add3A = arith.addf %dot_general3A_7, %get3A_10 : vector<1x10xf32>
    %max3A = arith.constant 0.000000e+00 : f32
    %max3A_11 = vector.broadcast %max3A : f32 to vector<1x10xf32>
    %max3A_12 = arith.maximumf %add3A, %max3A_11 : vector<1x10xf32>
    %abs3A = math.absf %add3A : vector<1x10xf32>
    %neg3A = arith.constant 0.000000e+00 : f32
    %neg3A_13 = vector.broadcast %neg3A : f32 to vector<1x10xf32>
    %neg3A_14 = arith.subf %neg3A_13, %abs3A : vector<1x10xf32>
    %exp3A = math.exp %neg3A_14 : vector<1x10xf32>
    %add3A_15 = arith.constant 1.000000e+00 : f32
    %add3A_16 = vector.broadcast %add3A_15 : f32 to vector<1x10xf32>
    %add3A_17 = arith.addf %add3A_16, %exp3A : vector<1x10xf32>
    %log3A = math.log %add3A_17 : vector<1x10xf32>
    %add3A_18 = arith.addf %max3A_12, %log3A : vector<1x10xf32>
    %swap3A = arith.constant 0 : index
    %swap3A_19 = arith.constant 0 : index
    %swap3A_20 = vector.load %arg3[%swap3A, %swap3A_19] : memref<1x10xf32, #tpu.memory_space<vmem>>, vector<1x10xf32>
    tpu.vector_store %arg3[%swap3A, %swap3A_19], %add3A_18 {strides = array<i32>} : memref<1x10xf32, #tpu.memory_space<vmem>>, vector<1x10xf32>,
    return
  }
}

</mosaic_0001>

<sc_bundles>
// kernel: kernel.33.cloned.1.call-start
scs
__scs_entry_jumppad:
0x0: {  	(pc) =	sbr.rel $0x88, $3  }
0x1: {  	(tag) =	ssettag $0x0;
	lr =	simm.s32 $0x1  }
0x2: {  	[smem:$0x3F98] =	sst lr;
	_ =	strace $0xD0000000  }
0x3: {  	_ = 	snop  }
0x4: {  	_ = 	snop  }
0x5: {  	_ = 	snop  }
0x6: {  	_ = 	snop  }
0x7: {  	_ = 	snop  }
__scs_overlays_trampoline_lowered:
0x8: {  	[smem:$0x3FA7] =	sst s0  }
0x9: {  	[smem:$0x3FA8] =	sst s1  }
0xa: {  	[smem:$0x3FA9] =	sst s2  }
0xb: {  	[smem:$0x3FAA] =	sst s3  }
0xc: {  	[smem:$0x3FAB] =	sst s4  }
0xd: {  	[smem:$0x3FAC] =	sst s5  }
0xe: {  	[smem:$0x3FAD] =	sst s6  }
0xf: {  	[smem:$0x3FAE] =	sst s7  }
0x10: {  	[smem:$0x3FAF] =	sst s8  }
0x11: {  	[smem:$0x3FB0] =	sst s9;
	s0 =	simm.s32 @!p0 $0x0  }
0x12: {  	s1 =	sld [smem:$0x3F96];
	s0 =	simm.s32 @p0 $0x1  }
0x13: {  	[smem:$0x3FB1] =	sst s0;
	s0 =	simm.s32 @!p1 $0x0  }
0x14: {  	s2 =	sld [smem:$0x3F95];
	s0 =	simm.s32 @p1 $0x1  }
0x15: {  	[smem:$0x3FB2] =	sst s0;
	s0 =	simm.s32 @!p2 $0x0  }
0x16: {  	s3 =	sld [smem:$0x3FDB];
	s0 =	simm.s32 @p2 $0x1  }
0x17: {  	s4 =	simm.s32 $0x1BF5;
	[smem:$0x3FB4] =	sst s0  }
0x18: {  	s0 =	sld [smem:$0x3F97];
	_ =	swait.ge [sflag:s4], $0x0  }
0x19: {  	s7 =	sld [smem:$0x3F98]  }
0x1a: {  	s8 =	sadd.s32 $0xFFFFE003, lr  }
0x1b: {  	s9 =	sadd.s32 $0xFFFFFEF7, lr;
	s5 =	simm.s32 $0xFFFFFFFF;
	p2 =	slt.u32 s8, $0xFFFFF086  }
0x1c: {  	p1 =	slt.u32 s9, $0xF7A;
	s5 =	simm.s32 @!p2 $0x0  }
0x1d: {  	s5 =	simm.s32 @p1 $0x1;
	p0 =	seq.s32 s7, s2  }
0x1e: {  	s7 =	smul.u32 @!p0 $0xF7A, s2;
	p2 =	seq.s32 @!p0 s5, $0x0  }
0x1f: {  	s9 =	smul.u32 $0xF7A, s1;
	s8 =	simm.s32 @!p0 $0x1BF5;
	p2 =	por !p2, p0  }
0x20: {  	[sflag:s8] =	ssyncset.s32 @!p0 $0xFFFFF086;
	s6 =	sadd.s32 @!p0 s3, s7;
	s7 =	simm.s32 @!p0 $0x108  }
0x21: {  	s3 =	sadd.s32 s3, s9;
	s6 =	sadd.s32 @!p0 $0x88, s6;
	s7 =	simm.s32 @p2 $0x1082  }
0x22: {  	[simem:s7], [sflag:s8] =	dma.local @!p0 [hbm:s6], $0xF7A  }
0x23: {  	s9 =	sor.u32 $0xD0000000, s2;
	s6 =	simm.s32 $0x108;
	_ =	swait.ge @!p0 [sflag:s8], $0x0  }
0x24: {  	s3 =	sadd.s32 $0x88, s3;
	s6 =	simm.s32 @!p1 $0x1082;
	[sflag:s4] =	ssyncset.s32 $0xFFFFF086  }
0x25: {  	[simem:s6], [sflag:s4] =	dma.local [hbm:s3], $0xF7A  }
0x26: {  	[smem:$0x3F98] =	sst s1;
	(tag) =	ssettag s2;
	_ =	strace s9  }
0x27: {  	s1 =	sld [smem:$0x3FA8]  }
0x28: {  	s2 =	sld [smem:$0x3FA9]  }
0x29: {  	s4 =	sld [smem:$0x3FAB]  }
0x2a: {  	p0 =	seq.s32 s5, $0x0;
	s5 =	sld [smem:$0x3FAC]  }
0x2b: {  	s6 =	sld [smem:$0x3FAD]  }
0x2c: {  	s7 =	sld [smem:$0x3FAE]  }
0x2d: {  	s3 =	simm.s32 $0x108;
	s8 =	sld [smem:$0x3FAF]  }
0x2e: {  	s3 =	simm.s32 @!p0 $0x1082;
	s9 =	sld [smem:$0x3FB0]  }
0x2f: {  	lr =	sadd.s32 s0, s3;
	s0 =	sld [smem:$0x3FA7]  }
0x30: {  	s3 =	sld [smem:$0x3FAA]  }
0x31: {  	[smem:$0x3FB3] =	sst s10  }
0x32: {  	s10 =	sld [smem:$0x3FB1];
	_ =	sdelay $0x3  }
0x33: {  	p0 =	seq.s32 s10, $0x1;
	s10 =	sld [smem:$0x3FB3];
	_ =	sdelay $0x3  }
0x34: {  	[smem:$0x3FB3] =	sst s10  }
0x35: {  	s10 =	sld [smem:$0x3FB2];
	_ =	sdelay $0x3  }
0x36: {  	p1 =	seq.s32 s10, $0x1;
	s10 =	sld [smem:$0x3FB3];
	_ =	sdelay $0x3  }
0x37: {  	[smem:$0x3FB3] =	sst s10  }
0x38: {  	s10 =	sld [smem:$0x3FB4]  }
0x39: {  	_ = 	snop;
	(pc) =	sbr.ind lr, $3  }
0x3a: {  	_ = 	snop  }
0x3b: {  	_ = 	snop  }
0x3c: {  	p2 =	seq.s32 s10, $0x1;
	s10 =	sld [smem:$0x3FB3]  }
0x3d: {  	_ =	shalt  }
0x3e: {  	_ =	shalt  }
0x3f: {  	_ =	shalt  }
0x40: {  	_ =	shalt  }
0x41: {  	_ =	shalt  }
0x42: {  	_ =	shalt  }
0x43: {  	_ =	shalt  }
0x44: {  	_ =	shalt  }
0x45: {  	_ =	shalt  }
0x46: {  	_ =	shalt  }
0x47: {  	_ =	shalt  }
0x48: {  	_ =	shalt  }
0x49: {  	_ =	shalt  }
0x4a: {  	_ =	shalt  }
0x4b: {  	_ =	shalt  }
0x4c: {  	_ =	shalt  }
0x4d: {  	_ =	shalt  }
0x4e: {  	_ =	shalt  }
0x4f: {  	_ =	shalt  }
0x50: {  	_ =	shalt  }
0x51: {  	_ =	shalt  }
0x52: {  	_ =	shalt  }
0x53: {  	_ =	shalt  }
0x54: {  	_ =	shalt  }
0x55: {  	_ =	shalt  }
0x56: {  	_ =	shalt  }
0x57: {  	_ =	shalt  }
0x58: {  	_ =	shalt  }
0x59: {  	_ =	shalt  }
0x5a: {  	_ =	shalt  }
0x5b: {  	_ =	shalt  }
0x5c: {  	_ =	shalt  }
0x5d: {  	_ =	shalt  }
0x5e: {  	_ =	shalt  }
0x5f: {  	_ =	shalt  }
0x60: {  	_ =	shalt  }
0x61: {  	_ =	shalt  }
0x62: {  	_ =	shalt  }
0x63: {  	_ =	shalt  }
0x64: {  	_ =	shalt  }
0x65: {  	_ =	shalt  }
0x66: {  	_ =	shalt  }
0x67: {  	_ =	shalt  }
0x68: {  	_ =	shalt  }
0x69: {  	_ =	shalt  }
0x6a: {  	_ =	shalt  }
0x6b: {  	_ =	shalt  }
0x6c: {  	_ =	shalt  }
0x6d: {  	_ =	shalt  }
0x6e: {  	_ =	shalt  }
0x6f: {  	_ =	shalt  }
0x70: {  	_ =	shalt  }
0x71: {  	_ =	shalt  }
0x72: {  	_ =	shalt  }
0x73: {  	_ =	shalt  }
0x74: {  	_ =	shalt  }
0x75: {  	_ =	shalt  }
0x76: {  	_ =	shalt  }
0x77: {  	_ =	shalt  }
0x78: {  	_ =	shalt  }
0x79: {  	_ =	shalt  }
0x7a: {  	_ =	shalt  }
0x7b: {  	_ =	shalt  }
0x7c: {  	_ =	shalt  }
0x7d: {  	_ =	shalt  }
0x7e: {  	_ =	shalt  }
0x7f: {  	_ =	shalt  }
0x80: {  	_ =	shalt  }
0x81: {  	_ =	shalt  }
0x82: {  	_ =	shalt  }
0x83: {  	_ =	shalt  }
0x84: {  	_ =	shalt  }
0x85: {  	_ =	shalt  }
0x86: {  	_ =	shalt  }
0x87: {  	_ =	shalt  }
.Lfunc_end0:
.L_simem_size_0:
called_computation_lowered:
.L_overlay_start_0:
0x88: {  	s2 =	sld [smem:$0x3FD9]  }
0x89: {  	s3 =	sld [smem:$0x3FFE];
	_ =	sdelay $0x1  }
0x8a: {  	s1 =	srdreg.scid  }
0x8b: {  	s0 =	sand.u32 $0x1, s1  }
0x8c: {  	s16 =	sshll.u32 s0, $0xA;
	s2 =	sadd.s32 s3, s2  }
0x8d: {  	s2 =	sadd.s32 s2, s16  }
0x8e: {  	[smem:$0x3FBF] =	sst s2  }
0x8f: {  	_ = 	snop  }
0x90: {  	(tm) =	ssettm $0x1  }
0x91: {  	s17 =	sld [smem:$0x3FFB];
	_ =	sdelay $0x3  }
0x92: {  	_ =	strace s17  }
0x93: {  	s2 =	sld [smem:$0x3FFC];
	_ =	sdelay $0x3  }
0x94: {  	_ =	strace s2  }
0x95: {  	s2 =	sld [smem:$0x3FFD];
	_ =	sdelay $0x3  }
0x96: {  	_ =	strace s2  }
0x97: {  	_ =	strace $0x8FFFFFFF  }
0x98: {  	s18 =	sld [smem:$0x3FDB];
	_ =	sdelay $0x1  }
0x99: {  	s19 =	simm.s32 $_scs_section_size  }
0x9a: {  	s4 =	simm.s32 $_size__tile_overlayer_lowered;
	s5 =	simm.s32 $_tile_overlayer_lowered  }
0x9b: {  	s22 =	simm.s32 $0x1BFF;
	s21 =	sshll.u32 s5, $0x1;
	s2 =	sadd.s32 s19, s18  }
0x9c: {  	s6 =	simm.s32 $0x0;
	s20 =	sshll.u32 s4, $0x1;
	s4 =	sadd.s32 s21, s2  }
0x9d: {  	[timem:s6], [sflag:s22] =	dma.local [hbm:s4], s20  }
0x9e: {  	_ =	swait.ge [sflag:s22], s20  }
0x9f: {  	s3 =	ssub.s32 $0x0, s20;
	[sflag:s22] =	ssyncset.done $0x0  }
0xa0: {  	[sflag:s22] =	ssyncadd.s32 s3;
	_ =	sdelay $0x1  }
0xa1: {  	s23 =	simm.s32 $0x1B8B  }
0xa2: {  	_ =	swait.ge [sflag:s23], $0x1  }
0xa3: {  	[sflag:s23] =	ssyncset.done $0x0  }
0xa4: {  	s25 =	simm.s32 $0x1B8E;
	s24 =	sld [smem:$0x3FFE];
	[sflag:s23] =	ssyncadd.s32 $0xFFFFFFFF  }
0xa5: {  	s26 =	simm.s32 $execute0_lowered;
	[smem:$0x3FD2] =	sst s25  }
0xa6: {  	s4 =	sshll.u32 s26, $0x1;
	_ =	strace $0x80000046;
	[dreg:$0x1] =	wrdreg $0xFFFFFFFF  }
0xa7: {  	s28 =	simm.s32 $_size_execute0_lowered;
	s2 =	sadd.s32 s2, s4;
	[dreg:$0x0] =	wrdreg $0x0  }
0xa8: {  	s4 =	sshll.u32 s28, $0x1;
	[dreg:$0x2] =	wrdreg s2  }
0xa9: {  	[dreg:$0x3] =	wrdreg s4  }
0xaa: {  	[dreg:$0x4] =	wrdreg $0xC0  }
0xab: {  	_ =	task [dreg:s6], $0x5FFFF  }
0xac: {  	[dreg:$0x1] =	wrdreg $0xFFFFFFFF  }
0xad: {  	[dreg:$0x0] =	wrdreg $0x60  }
0xae: {  	[dreg:$0x2] =	wrdreg s24  }
0xaf: {  	[dreg:$0x3] =	wrdreg $0x40800  }
0xb0: {  	[dreg:$0x4] =	wrdreg $0x9  }
0xb1: {  	_ =	task.clear_ibuf [dreg:s6], $0x5FFFF;
	_ =	strace $0x90000046  }
0xb2: {  	s29 =	simm.s32 $0x9;
	_ =	strace $0x80000048  }
0xb3: {  	_ =	swait.ge [sflag:s29], $0x1  }
0xb4: {  	[sflag:s29] =	ssyncadd.s32 $0xFFFFFFFF  }
0xb5: {  	_ =	strace $0x90000048  }
0xb6: {  	_ =	sfence  }
0xb7: {  	s30 =	sld [smem:$0x0];
	_ =	sdelay $0x2  }
0xb8: {  	s31 =	sshll.u32 s1, $0xD;
	s1 =	sshrl.u32 s1, $0x2  }
0xb9: {  	s3 =	sand.u32 $0x4000, s31;
	s1 =	sadd.s32 s1, s30  }
0xba: {  	s0 =	sor.u32 s3, s0;
	s1 =	sshll.u32 s1, $0x11  }
0xbb: {  	s0 =	sor.u32 s1, s0  }
0xbc: {  	s0 =	sadd.s32 $0x8F2B, s0  }
0xbd: {  	[sflag:s0] =	ssyncadd.remote.s32 $0x1  }
0xbe: {  	_ =	sfence.sel $0xFFFF  }
0xbf: {  	[dreg:$0x0] =	wrdreg $0xFFFFFFFF;
	(pc) =	sbr.abs _section_cstart, $3  }
0xc0: {  	[dreg:$0x1] =	wrdreg $0xFFFFFFFF  }
0xc1: {  	_ =	task.clear_ibuf [dreg:s6], $0x2FFFF;
	_ =	strace $0x9FFFFFFF  }
0xc2: {  	(tm) =	ssettm $0x7FFFFFFF  }
0xc3: {  	_ =	shalt  }
tec
execute0_lowered:
.L_overlay_start_1:
0x0: {  	(tag) =	ssettag $0x1  }
0x1: {  	s6 =	rddreg [dreg:$0x0]  }
0x2: {  	s2 =	rddreg [dreg:$0x1]  }
0x3: {  	s0 =	rddreg [dreg:$0x2];
	s1 =	stileid.u32  }
0x4: {  	s4 =	srdreg.scid;
	s3 =	simm.s32 $0x0;
	s7 =	smul.u32 $0x2780, s1  }
0x5: {  	s14 =	simm.s32 $0x0;
	s8 =	sand.u32 $0x1, s4;
	s28 =	smul.u32 $0x4F000, s1  }
0x6: {  	[smem:$0x7FF] =	sst s3;
	s4 =	sadd.s32 $0xEC00, s6;
	s12 =	smul.u32 $0x500, s1  }
0x7: {  	s5 =	sadd.s32 $0x2CC00, s6;
	s31 =	sshll.u32 s1, $0x6;
	s9 =	smul.u32 $0x27800, s8  }
0x8: {  	_ =	strace $0x80000047;
	s29 =	ssub.s32 $0x2, s8;
	s11 =	smul.u32 $0x5000, s8  }
0x9: {  	s10 =	sadd.s32 s7, s6;
	s30 =	sshrl.u32 s29, $0x1;
	s7 =	sadd.s32 s7, s9  }
0xa: {  	s9 =	sshrl.u32 s28, $0x2;
	s8 =	ssub.s32 s29, s30;
	s7 =	sadd.s32 s7, s6  }
0xb: {  	s13 =	sadd.s32 s9, s2;
	s6 =	sadd.s32 $0x2D400, s10;
	s8 =	smax.u32 s8, $0x1  }
0xc: {  	s9 =	sadd.s32 s12, s11;
	s10 =	simm.s32 $0x80;
	s11 =	simm.s32 $0x1  }
0xd: {  	s12 =	sor.u32 $0x1C01, s31;
	s7 =	sadd.s32 $0x54C00, s7;
	s13 =	sshrl.u32 s13, $0x3  }
.LBB2_1:
0xe: {  	[tilespmem:s10], [sflag:$0x1] =	stream.linear.gather [hbm4b:s5+s3], $0x4000, $0x38;
	[tilespmem:$0x6800] =	vst v63  }
0xf: {  	_ =	swait.ge [sflag:s11], $0x4000  }
0x10: {  	[sflag:s11] =	ssyncset.done $0x0  }
0x11: {  	[sflag:s11] =	ssyncadd.s32 $0xFFFFC000  }
0x12: {  	[spmem:s13], [sflag:s12] =	dma.local [hbm:s6], $0x2780  }
0x13: {  	_ =	swait.ge [sflag:s11], $0x2780  }
0x14: {  	s15 =	sadd.s32 $0x0, s9;
	s16 =	sand.u32 $0x70, s3;
	[sflag:s11] =	ssyncset.done $0x0  }
0x15: {  	s15 =	sand.u32 $0xFFFFF80, s15;
	s16 =	sadd.s32 s4, s16;
	[sflag:s11] =	ssyncadd.s32 $0xFFFFD880  }
0x16: {  	s15 =	sadd.s32 s15, s16;
	[bflag:$0x0] =	sbarrier.arrive $0xFFFF  }
0x17: {  	[tilespmem:s3], [sflag:$0x1] =	stream.linear.gather [hbm4b:s15+s3], $0x80, $0x38;
	[tilespmem:$0x6800] =	vst v63  }
0x18: {  	_ =	swait.ge [sflag:s11], $0x80  }
0x19: {  	[sflag:s11] =	ssyncset.done $0x0  }
0x1a: {  	s31 =	simm.s32 $0x10;
	s17 =	sadd.s32 $0x10, s9;
	[sflag:s11] =	ssyncadd.s32 $0xFFFFFF80  }
0x1b: {  	[spmem:s2] =	stream.indirect.scatter.add.f32 [tilespmem:s10], [sflag:$0x1], $0x10, s3, s10, $0xb8;
	[tilespmem:$0x6800] =	vst v63  }
0x1c: {  	s18 =	sand.u32 $0x70, s31;
	s16 =	sand.u32 $0xFFFFF80, s17;
	_ =	swait.ge [sflag:s11], $0x800  }
0x1d: {  	s17 =	sadd.s32 s4, s18;
	s15 =	simm.s32 $0x20;
	[sflag:s11] =	ssyncset.done $0x0  }
.LBB2_2:
0x1e: {  	s16 =	sadd.s32 s16, s17  }
0x1f: {  	[sflag:s11] =	ssyncadd.s32 $0xFFFFF800;
	s17 =	smov.u32 s15;
	s18 =	sadd.s32 $0x10, s15  }
0x20: {  	[tilespmem:s3], [sflag:$0x1] =	stream.linear.gather [hbm4b:s16+s3], $0x80, $0x38;
	[tilespmem:$0x6800] =	vst v63  }
0x21: {  	p0 =	sne.s32 s15, $0x4F0;
	_ =	swait.ge [sflag:s11], $0x80  }
.Ltmp0:
0x22: {  	[sflag:s11] =	ssyncset.done $0x0;
	(pc) =	sbr.rel @p0 .LBB2_2-.Ltmp0, $4  }
0x23: {  	s15 =	sadd.s32 s17, s9;
	[sflag:s11] =	ssyncadd.s32 $0xFFFFFF80  }
0x24: {  	[spmem:s2] =	stream.indirect.scatter.add.f32 [tilespmem:s10], [sflag:$0x1], $0x10, s3, s10, $0xb8;
	[tilespmem:$0x6800] =	vst v63  }
0x25: {  	s17 =	sand.u32 $0x70, s17;
	s16 =	sand.u32 $0xFFFFF80, s15;
	_ =	swait.ge [sflag:s11], $0x800  }
0x26: {  	s17 =	sadd.s32 s4, s17;
	s15 =	smov.u32 s18;
	[sflag:s11] =	ssyncset.done $0x0  }
0x27: {  	s15 =	sadd.s32 s16, s17;
	[sflag:s11] =	ssyncadd.s32 $0xFFFFF800  }
0x28: {  	[tilespmem:s3], [sflag:$0x1] =	stream.linear.gather [hbm4b:s15+s3], $0x80, $0x38;
	[tilespmem:$0x6800] =	vst v63  }
0x29: {  	_ =	swait.ge [sflag:s11], $0x80  }
0x2a: {  	[sflag:s11] =	ssyncset.done $0x0  }
0x2b: {  	[sflag:s11] =	ssyncadd.s32 $0xFFFFFF80  }
0x2c: {  	[spmem:s2] =	stream.indirect.scatter.add.f32 [tilespmem:s10], [sflag:$0x1], $0x10, s3, s10, $0xb8;
	[tilespmem:$0x6800] =	vst v63  }
0x2d: {  	_ =	swait.ge [sflag:s11], $0x800  }
0x2e: {  	s14 =	sadd.s32 $0x1, s14;
	[sflag:s11] =	ssyncset.done $0x0  }
0x2f: {  	p0 =	sne.s32 s14, s8;
	[sflag:s11] =	ssyncadd.s32 $0xFFFFF800  }
.Ltmp1:
0x30: {  	[bflag:$0x0] =	sbarrier.arrive $0xFFFF;
	(pc) =	sbr.rel @p0 .LBB2_1-.Ltmp1, $4  }
0x31: {  	[hbm:s7], [sflag:s12] =	dma.local [spmem:s13], $0x2780  }
0x32: {  	_ =	swait.ge [sflag:s11], $0x2780  }
0x33: {  	[sflag:s11] =	ssyncset.done $0x0  }
0x34: {  	[sflag:s11] =	ssyncadd.s32 $0xFFFFD880  }
0x35: {  	_ =	sfence.sel $0x180000  }
0x36: {  	[bflag:$0x0] =	sbarrier.arrive $0xFFFF  }
0x37: {  	p0 =	sne.s32 s1, $0x0;
	_ =	strace $0x90000047  }
0x38: {  	s0 =	sadd.s32 @!p0 $0x100000, s0;
	[bflag:$0x2] =	sbarrier.arrive $0xFFFF  }
0x39: {  	[sflag:s0] =	ssyncadd.tile.s32 @!p0 $0x1;
	_ =	shalt  }
.Lfunc_end2:
_tile_overlayer_lowered:
.L_overlay_start_2:
0x3a: {  	(tag) =	ssettag $0x2  }
0x3b: {  	s0 =	rddreg [dreg:$0x0];
	s2 =	stileid.u32  }
0x3c: {  	s1 =	rddreg [dreg:$0x1];
	p0 =	sne.s32 s2, $0x0  }
0x3d: {  	s3 =	rddreg [dreg:$0x2];
	[bflag:$0x3] =	sbarrier.arrive $0xFFFF;
	s2 =	simm.s32 @!p0 $0x1C01  }
0x3e: {  	[timem:s3], [sflag:s2] =	dma.local @!p0 [hbm:s0], s1  }
0x3f: {  	s0 =	simm.s32 @!p0 $0x1  }
0x40: {  	_ =	swait.ge @!p0 [sflag:s0], s1  }
0x41: {  	s1 =	ssub.s32 @!p0 $0x0, s1;
	[sflag:s0] =	ssyncset.done @!p0 $0x0  }
0x42: {  	[sflag:s0] =	ssyncadd.s32 @!p0 s1  }
0x43: {  	[bflag:$0x3] =	sbarrier.arrive $0xFFFF  }
0x44: {  	_ =	shalt  }

// kernel: kernel.36.cloned.1.call-start
scs
__scs_entry_jumppad:
0x0: {  	(pc) =	sbr.rel $0x88, $3  }
0x1: {  	(tag) =	ssettag $0x0;
	lr =	simm.s32 $0x1  }
0x2: {  	[smem:$0x3F98] =	sst lr;
	_ =	strace $0xD0000000  }
0x3: {  	_ = 	snop  }
0x4: {  	_ = 	snop  }
0x5: {  	_ = 	snop  }
0x6: {  	_ = 	snop  }
0x7: {  	_ = 	snop  }
__scs_overlays_trampoline_lowered:
0x8: {  	[smem:$0x3FA7] =	sst s0  }
0x9: {  	[smem:$0x3FA8] =	sst s1  }
0xa: {  	[smem:$0x3FA9] =	sst s2  }
0xb: {  	[smem:$0x3FAA] =	sst s3  }
0xc: {  	[smem:$0x3FAB] =	sst s4  }
0xd: {  	[smem:$0x3FAC] =	sst s5  }
0xe: {  	[smem:$0x3FAD] =	sst s6  }
0xf: {  	[smem:$0x3FAE] =	sst s7  }
0x10: {  	[smem:$0x3FAF] =	sst s8  }
0x11: {  	[smem:$0x3FB0] =	sst s9;
	s0 =	simm.s32 @!p0 $0x0  }
0x12: {  	s1 =	sld [smem:$0x3F96];
	s0 =	simm.s32 @p0 $0x1  }
0x13: {  	[smem:$0x3FB1] =	sst s0;
	s0 =	simm.s32 @!p1 $0x0  }
0x14: {  	s2 =	sld [smem:$0x3F95];
	s0 =	simm.s32 @p1 $0x1  }
0x15: {  	[smem:$0x3FB2] =	sst s0;
	s0 =	simm.s32 @!p2 $0x0  }
0x16: {  	s3 =	sld [smem:$0x3FDB];
	s0 =	simm.s32 @p2 $0x1  }
0x17: {  	s4 =	simm.s32 $0x1BF5;
	[smem:$0x3FB4] =	sst s0  }
0x18: {  	s0 =	sld [smem:$0x3F97];
	_ =	swait.ge [sflag:s4], $0x0  }
0x19: {  	s7 =	sld [smem:$0x3F98]  }
0x1a: {  	s8 =	sadd.s32 $0xFFFFE003, lr  }
0x1b: {  	s9 =	sadd.s32 $0xFFFFFEF7, lr;
	s5 =	simm.s32 $0xFFFFFFFF;
	p2 =	slt.u32 s8, $0xFFFFF086  }
0x1c: {  	p1 =	slt.u32 s9, $0xF7A;
	s5 =	simm.s32 @!p2 $0x0  }
0x1d: {  	s5 =	simm.s32 @p1 $0x1;
	p0 =	seq.s32 s7, s2  }
0x1e: {  	s7 =	smul.u32 @!p0 $0xF7A, s2;
	p2 =	seq.s32 @!p0 s5, $0x0  }
0x1f: {  	s9 =	smul.u32 $0xF7A, s1;
	s8 =	simm.s32 @!p0 $0x1BF5;
	p2 =	por !p2, p0  }
0x20: {  	[sflag:s8] =	ssyncset.s32 @!p0 $0xFFFFF086;
	s6 =	sadd.s32 @!p0 s3, s7;
	s7 =	simm.s32 @!p0 $0x108  }
0x21: {  	s3 =	sadd.s32 s3, s9;
	s6 =	sadd.s32 @!p0 $0x88, s6;
	s7 =	simm.s32 @p2 $0x1082  }
0x22: {  	[simem:s7], [sflag:s8] =	dma.local @!p0 [hbm:s6], $0xF7A  }
0x23: {  	s9 =	sor.u32 $0xD0000000, s2;
	s6 =	simm.s32 $0x108;
	_ =	swait.ge @!p0 [sflag:s8], $0x0  }
0x24: {  	s3 =	sadd.s32 $0x88, s3;
	s6 =	simm.s32 @!p1 $0x1082;
	[sflag:s4] =	ssyncset.s32 $0xFFFFF086  }
0x25: {  	[simem:s6], [sflag:s4] =	dma.local [hbm:s3], $0xF7A  }
0x26: {  	[smem:$0x3F98] =	sst s1;
	(tag) =	ssettag s2;
	_ =	strace s9  }
0x27: {  	s1 =	sld [smem:$0x3FA8]  }
0x28: {  	s2 =	sld [smem:$0x3FA9]  }
0x29: {  	s4 =	sld [smem:$0x3FAB]  }
0x2a: {  	p0 =	seq.s32 s5, $0x0;
	s5 =	sld [smem:$0x3FAC]  }
0x2b: {  	s6 =	sld [smem:$0x3FAD]  }
0x2c: {  	s7 =	sld [smem:$0x3FAE]  }
0x2d: {  	s3 =	simm.s32 $0x108;
	s8 =	sld [smem:$0x3FAF]  }
0x2e: {  	s3 =	simm.s32 @!p0 $0x1082;
	s9 =	sld [smem:$0x3FB0]  }
0x2f: {  	lr =	sadd.s32 s0, s3;
	s0 =	sld [smem:$0x3FA7]  }
0x30: {  	s3 =	sld [smem:$0x3FAA]  }
0x31: {  	[smem:$0x3FB3] =	sst s10  }
0x32: {  	s10 =	sld [smem:$0x3FB1];
	_ =	sdelay $0x3  }
0x33: {  	p0 =	seq.s32 s10, $0x1;
	s10 =	sld [smem:$0x3FB3];
	_ =	sdelay $0x3  }
0x34: {  	[smem:$0x3FB3] =	sst s10  }
0x35: {  	s10 =	sld [smem:$0x3FB2];
	_ =	sdelay $0x3  }
0x36: {  	p1 =	seq.s32 s10, $0x1;
	s10 =	sld [smem:$0x3FB3];
	_ =	sdelay $0x3  }
0x37: {  	[smem:$0x3FB3] =	sst s10  }
0x38: {  	s10 =	sld [smem:$0x3FB4]  }
0x39: {  	_ = 	snop;
	(pc) =	sbr.ind lr, $3  }
0x3a: {  	_ = 	snop  }
0x3b: {  	_ = 	snop  }
0x3c: {  	p2 =	seq.s32 s10, $0x1;
	s10 =	sld [smem:$0x3FB3]  }
0x3d: {  	_ =	shalt  }
0x3e: {  	_ =	shalt  }
0x3f: {  	_ =	shalt  }
0x40: {  	_ =	shalt  }
0x41: {  	_ =	shalt  }
0x42: {  	_ =	shalt  }
0x43: {  	_ =	shalt  }
0x44: {  	_ =	shalt  }
0x45: {  	_ =	shalt  }
0x46: {  	_ =	shalt  }
0x47: {  	_ =	shalt  }
0x48: {  	_ =	shalt  }
0x49: {  	_ =	shalt  }
0x4a: {  	_ =	shalt  }
0x4b: {  	_ =	shalt  }
0x4c: {  	_ =	shalt  }
0x4d: {  	_ =	shalt  }
0x4e: {  	_ =	shalt  }
0x4f: {  	_ =	shalt  }
0x50: {  	_ =	shalt  }
0x51: {  	_ =	shalt  }
0x52: {  	_ =	shalt  }
0x53: {  	_ =	shalt  }
0x54: {  	_ =	shalt  }
0x55: {  	_ =	shalt  }
0x56: {  	_ =	shalt  }
0x57: {  	_ =	shalt  }
0x58: {  	_ =	shalt  }
0x59: {  	_ =	shalt  }
0x5a: {  	_ =	shalt  }
0x5b: {  	_ =	shalt  }
0x5c: {  	_ =	shalt  }
0x5d: {  	_ =	shalt  }
0x5e: {  	_ =	shalt  }
0x5f: {  	_ =	shalt  }
0x60: {  	_ =	shalt  }
0x61: {  	_ =	shalt  }
0x62: {  	_ =	shalt  }
0x63: {  	_ =	shalt  }
0x64: {  	_ =	shalt  }
0x65: {  	_ =	shalt  }
0x66: {  	_ =	shalt  }
0x67: {  	_ =	shalt  }
0x68: {  	_ =	shalt  }
0x69: {  	_ =	shalt  }
0x6a: {  	_ =	shalt  }
0x6b: {  	_ =	shalt  }
0x6c: {  	_ =	shalt  }
0x6d: {  	_ =	shalt  }
0x6e: {  	_ =	shalt  }
0x6f: {  	_ =	shalt  }
0x70: {  	_ =	shalt  }
0x71: {  	_ =	shalt  }
0x72: {  	_ =	shalt  }
0x73: {  	_ =	shalt  }
0x74: {  	_ =	shalt  }
0x75: {  	_ =	shalt  }
0x76: {  	_ =	shalt  }
0x77: {  	_ =	shalt  }
0x78: {  	_ =	shalt  }
0x79: {  	_ =	shalt  }
0x7a: {  	_ =	shalt  }
0x7b: {  	_ =	shalt  }
0x7c: {  	_ =	shalt  }
0x7d: {  	_ =	shalt  }
0x7e: {  	_ =	shalt  }
0x7f: {  	_ =	shalt  }
0x80: {  	_ =	shalt  }
0x81: {  	_ =	shalt  }
0x82: {  	_ =	shalt  }
0x83: {  	_ =	shalt  }
0x84: {  	_ =	shalt  }
0x85: {  	_ =	shalt  }
0x86: {  	_ =	shalt  }
0x87: {  	_ =	shalt  }
.Lfunc_end0:
.L_simem_size_0:
called_computation.1_lowered:
.L_overlay_start_0:
0x88: {  	s2 =	sld [smem:$0x3FD9]  }
0x89: {  	s3 =	sld [smem:$0x3FFE];
	_ =	sdelay $0x1  }
0x8a: {  	s1 =	srdreg.scid  }
0x8b: {  	s0 =	sand.u32 $0x1, s1  }
0x8c: {  	s16 =	sshll.u32 s0, $0xA;
	s2 =	sadd.s32 s3, s2  }
0x8d: {  	s2 =	sadd.s32 s2, s16  }
0x8e: {  	[smem:$0x3FBF] =	sst s2  }
0x8f: {  	_ = 	snop  }
0x90: {  	(tm) =	ssettm $0x1  }
0x91: {  	s17 =	sld [smem:$0x3FFB];
	_ =	sdelay $0x3  }
0x92: {  	_ =	strace s17  }
0x93: {  	s2 =	sld [smem:$0x3FFC];
	_ =	sdelay $0x3  }
0x94: {  	_ =	strace s2  }
0x95: {  	s2 =	sld [smem:$0x3FFD];
	_ =	sdelay $0x3  }
0x96: {  	_ =	strace s2  }
0x97: {  	_ =	strace $0x8FFFFFFF  }
0x98: {  	s18 =	sld [smem:$0x3FDB];
	_ =	sdelay $0x1  }
0x99: {  	s19 =	simm.s32 $_scs_section_size  }
0x9a: {  	s4 =	simm.s32 $_size__tile_overlayer_lowered;
	s5 =	simm.s32 $_tile_overlayer_lowered  }
0x9b: {  	s22 =	simm.s32 $0x1BFF;
	s21 =	sshll.u32 s5, $0x1;
	s2 =	sadd.s32 s19, s18  }
0x9c: {  	s6 =	simm.s32 $0x0;
	s20 =	sshll.u32 s4, $0x1;
	s4 =	sadd.s32 s21, s2  }
0x9d: {  	[timem:s6], [sflag:s22] =	dma.local [hbm:s4], s20  }
0x9e: {  	_ =	swait.ge [sflag:s22], s20  }
0x9f: {  	s3 =	ssub.s32 $0x0, s20;
	[sflag:s22] =	ssyncset.done $0x0  }
0xa0: {  	[sflag:s22] =	ssyncadd.s32 s3;
	_ =	sdelay $0x1  }
0xa1: {  	s23 =	simm.s32 $0x1B8B  }
0xa2: {  	_ =	swait.ge [sflag:s23], $0x1  }
0xa3: {  	[sflag:s23] =	ssyncset.done $0x0  }
0xa4: {  	s25 =	simm.s32 $0x1B8E;
	s24 =	sld [smem:$0x3FFE];
	[sflag:s23] =	ssyncadd.s32 $0xFFFFFFFF  }
0xa5: {  	s26 =	simm.s32 $execute0_lowered;
	[smem:$0x3FD2] =	sst s25  }
0xa6: {  	s4 =	sshll.u32 s26, $0x1;
	_ =	strace $0x80000049;
	[dreg:$0x1] =	wrdreg $0xFFFFFFFF  }
0xa7: {  	s28 =	simm.s32 $_size_execute0_lowered;
	s2 =	sadd.s32 s2, s4;
	[dreg:$0x0] =	wrdreg $0x0  }
0xa8: {  	s4 =	sshll.u32 s28, $0x1;
	[dreg:$0x2] =	wrdreg s2  }
0xa9: {  	[dreg:$0x3] =	wrdreg s4  }
0xaa: {  	[dreg:$0x4] =	wrdreg $0xC0  }
0xab: {  	_ =	task [dreg:s6], $0x5FFFF  }
0xac: {  	[dreg:$0x1] =	wrdreg $0xFFFFFFFF  }
0xad: {  	[dreg:$0x0] =	wrdreg $0x60  }
0xae: {  	[dreg:$0x2] =	wrdreg s24  }
0xaf: {  	[dreg:$0x3] =	wrdreg $0x41000  }
0xb0: {  	[dreg:$0x4] =	wrdreg $0x9  }
0xb1: {  	_ =	task.clear_ibuf [dreg:s6], $0x5FFFF;
	_ =	strace $0x90000049  }
0xb2: {  	s29 =	simm.s32 $0x9;
	_ =	strace $0x8000004B  }
0xb3: {  	_ =	swait.ge [sflag:s29], $0x1  }
0xb4: {  	[sflag:s29] =	ssyncadd.s32 $0xFFFFFFFF  }
0xb5: {  	_ =	strace $0x9000004B  }
0xb6: {  	_ =	sfence  }
0xb7: {  	s30 =	sld [smem:$0x0];
	_ =	sdelay $0x2  }
0xb8: {  	s31 =	sshll.u32 s1, $0xD;
	s1 =	sshrl.u32 s1, $0x2  }
0xb9: {  	s3 =	sand.u32 $0x4000, s31;
	s1 =	sadd.s32 s1, s30  }
0xba: {  	s0 =	sor.u32 s3, s0;
	s1 =	sshll.u32 s1, $0x11  }
0xbb: {  	s0 =	sor.u32 s1, s0  }
0xbc: {  	s0 =	sadd.s32 $0x8F2B, s0  }
0xbd: {  	[sflag:s0] =	ssyncadd.remote.s32 $0x1  }
0xbe: {  	_ =	sfence.sel $0xFFFF  }
0xbf: {  	[dreg:$0x0] =	wrdreg $0xFFFFFFFF;
	(pc) =	sbr.abs _section_cstart, $3  }
0xc0: {  	[dreg:$0x1] =	wrdreg $0xFFFFFFFF  }
0xc1: {  	_ =	task.clear_ibuf [dreg:s6], $0x2FFFF;
	_ =	strace $0x9FFFFFFF  }
0xc2: {  	(tm) =	ssettm $0x7FFFFFFF  }
0xc3: {  	_ =	shalt  }
tec
execute0_lowered:
.L_overlay_start_1:
0x0: {  	(tag) =	ssettag $0x1  }
0x1: {  	s7 =	rddreg [dreg:$0x0]  }
0x2: {  	s2 =	rddreg [dreg:$0x1]  }
0x3: {  	s0 =	rddreg [dreg:$0x2];
	s3 =	simm.s32 $0x0  }
0x4: {  	s1 =	stileid.u32;
	s4 =	srdreg.scid;
	s16 =	simm.s32 $0x1  }
0x5: {  	s17 =	simm.s32 $0x0;
	[smem:$0x7FF] =	sst s3;
	s8 =	smul.u32 $0x2780, s1  }
0x6: {  	s9 =	sand.u32 $0x1, s4;
	s4 =	sadd.s32 $0x2CC00, s7;
	s13 =	smul.u32 $0x4F000, s1  }
0x7: {  	s5 =	sadd.s32 $0x18C00, s7;
	s6 =	sadd.s32 $0x22C00, s7;
	s31 =	smul.u32 $0x500, s1  }
0x8: {  	s30 =	sshll.u32 s1, $0x6;
	_ =	strace $0x8000004A;
	s10 =	smul.u32 $0x27800, s9  }
0x9: {  	s12 =	ssub.s32 $0x2, s9;
	s28 =	smul.u32 $0x5000, s9;
	s11 =	sadd.s32 s8, s7  }
0xa: {  	s26 =	sshrl.u32 s12, $0x1;
	s29 =	sshrl.u32 s13, $0x2;
	s13 =	simm.s32 $0x2  }
0xb: {  	s8 =	sadd.s32 s8, s10;
	s10 =	ssub.s32 s12, s26;
	s15 =	sadd.s32 s29, s2  }
0xc: {  	s14 =	sadd.s32 s8, s7;
	s7 =	sadd.s32 $0x53E00, s11;
	s8 =	sor.u32 $0x1C02, s30  }
0xd: {  	s10 =	smax.u32 s10, $0x1;
	s11 =	sadd.s32 s31, s28;
	s12 =	sshrl.u32 s15, $0x3  }
0xe: {  	s15 =	simm.s32 $0x100;
	s9 =	sadd.s32 $0x7B600, s14;
	s14 =	simm.s32 $0x80  }
.LBB2_1:
0xf: {  	[spmem:s12], [sflag:s8] =	dma.local [hbm:s7], $0x2780  }
0x10: {  	s18 =	sadd.s32 $0x0, s11;
	_ =	swait.ge [sflag:s13], $0x2780  }
0x11: {  	s19 =	sand.u32 $0x70, s3;
	s18 =	sand.u32 $0xFFFFF80, s18;
	[sflag:s13] =	ssyncset.done $0x0  }
0x12: {  	s18 =	sor.u32 s19, s18;
	[sflag:s13] =	ssyncadd.s32 $0xFFFFD880  }
0x13: {  	s19 =	sadd.s32 s5, s18;
	[bflag:$0x0] =	sbarrier.arrive $0xFFFF  }
0x14: {  	[tilespmem:s3], [sflag:$0x2] =	stream.linear.gather [hbm4b:s19+s3], $0x80, $0x38;
	[tilespmem:$0x17D00] =	vst v63  }
0x15: {  	_ =	swait.ge [sflag:s13], $0x80  }
0x16: {  	[sflag:s13] =	ssyncset.done $0x0  }
0x17: {  	s18 =	sadd.s32 s6, s18;
	[sflag:s13] =	ssyncadd.s32 $0xFFFFFF80  }
0x18: {  	[tilespmem:s14], [sflag:$0x2] =	stream.linear.gather [hbm4b:s18+s3], $0x80, $0x38;
	[tilespmem:$0x17D00] =	vst v63  }
0x19: {  	_ =	swait.ge [sflag:s13], $0x80  }
0x1a: {  	[sflag:s13] =	ssyncset.done $0x0  }
0x1b: {  	[sflag:s13] =	ssyncadd.s32 $0xFFFFFF80  }
0x1c: {  	[tilespmem:s15], [sflag:$0x1] =	stream.indirect.gather [hbm4b:s4+s14], $0x80, s3, s14, $0xb8;
	[tilespmem:$0x17D00] =	vst v63  }
0x1d: {  	_ =	swait.ge [sflag:s16], $0x4000  }
0x1e: {  	[sflag:s16] =	ssyncset.done $0x0  }
0x1f: {  	s30 =	simm.s32 $0x10;
	s31 =	sadd.s32 $0x10, s11;
	[sflag:s16] =	ssyncadd.s32 $0xFFFFC000  }
0x20: {  	[spmem:s2] =	stream.indirect.scatter.add.f32 [tilespmem:s15], [sflag:$0x2], $0x80, s14, s14, $0xb8;
	[tilespmem:$0x17D00] =	vst v63  }
0x21: {  	s20 =	sand.u32 $0xFFFFF80, s31;
	s18 =	sand.u32 $0x70, s30;
	_ =	swait.ge [sflag:s13], $0x4000  }
0x22: {  	s19 =	simm.s32 $0x20;
	s18 =	sor.u32 s18, s20;
	[sflag:s13] =	ssyncset.done $0x0  }
.LBB2_2:
0x23: {  	s20 =	sadd.s32 s5, s18  }
0x24: {  	[sflag:s13] =	ssyncadd.s32 $0xFFFFC000;
	s21 =	smov.u32 s19;
	s22 =	sadd.s32 $0x10, s19  }
0x25: {  	[tilespmem:s3], [sflag:$0x2] =	stream.linear.gather [hbm4b:s20+s3], $0x80, $0x38;
	[tilespmem:$0x17D00] =	vst v63  }
0x26: {  	p0 =	sne.s32 s19, $0x4F0;
	_ =	swait.ge [sflag:s13], $0x80  }
0x27: {  	[sflag:s13] =	ssyncset.done $0x0  }
0x28: {  	s18 =	sadd.s32 s6, s18;
	[sflag:s13] =	ssyncadd.s32 $0xFFFFFF80  }
0x29: {  	[tilespmem:s14], [sflag:$0x2] =	stream.linear.gather [hbm4b:s18+s3], $0x80, $0x38;
	[tilespmem:$0x17D00] =	vst v63  }
0x2a: {  	_ =	swait.ge [sflag:s13], $0x80  }
0x2b: {  	[sflag:s13] =	ssyncset.done $0x0  }
0x2c: {  	[sflag:s13] =	ssyncadd.s32 $0xFFFFFF80  }
0x2d: {  	[tilespmem:s15], [sflag:$0x1] =	stream.indirect.gather [hbm4b:s4+s14], $0x80, s3, s14, $0xb8;
	[tilespmem:$0x17D00] =	vst v63  }
0x2e: {  	_ =	swait.ge [sflag:s16], $0x4000  }
.Ltmp0:
0x2f: {  	[sflag:s16] =	ssyncset.done $0x0;
	(pc) =	sbr.rel @p0 .LBB2_2-.Ltmp0, $4  }
0x30: {  	s18 =	sadd.s32 s21, s11;
	[sflag:s16] =	ssyncadd.s32 $0xFFFFC000  }
0x31: {  	[spmem:s2] =	stream.indirect.scatter.add.f32 [tilespmem:s15], [sflag:$0x2], $0x80, s14, s14, $0xb8;
	[tilespmem:$0x17D00] =	vst v63  }
0x32: {  	s19 =	sand.u32 $0x70, s21;
	s18 =	sand.u32 $0xFFFFF80, s18;
	_ =	swait.ge [sflag:s13], $0x4000  }
0x33: {  	s18 =	sor.u32 s19, s18;
	s19 =	smov.u32 s22;
	[sflag:s13] =	ssyncset.done $0x0  }
0x34: {  	s19 =	sadd.s32 s5, s18;
	[sflag:s13] =	ssyncadd.s32 $0xFFFFC000  }
0x35: {  	[tilespmem:s3], [sflag:$0x2] =	stream.linear.gather [hbm4b:s19+s3], $0x80, $0x38;
	[tilespmem:$0x17D00] =	vst v63  }
0x36: {  	_ =	swait.ge [sflag:s13], $0x80  }
0x37: {  	[sflag:s13] =	ssyncset.done $0x0  }
0x38: {  	s31 =	sadd.s32 s6, s18;
	[sflag:s13] =	ssyncadd.s32 $0xFFFFFF80  }
0x39: {  	[tilespmem:s14], [sflag:$0x2] =	stream.linear.gather [hbm4b:s31+s3], $0x80, $0x38;
	[tilespmem:$0x17D00] =	vst v63  }
0x3a: {  	_ =	swait.ge [sflag:s13], $0x80  }
0x3b: {  	[sflag:s13] =	ssyncset.done $0x0  }
0x3c: {  	[sflag:s13] =	ssyncadd.s32 $0xFFFFFF80  }
0x3d: {  	[tilespmem:s15], [sflag:$0x1] =	stream.indirect.gather [hbm4b:s4+s14], $0x80, s3, s14, $0xb8;
	[tilespmem:$0x17D00] =	vst v63  }
0x3e: {  	_ =	swait.ge [sflag:s16], $0x4000  }
0x3f: {  	[sflag:s16] =	ssyncset.done $0x0  }
0x40: {  	[sflag:s16] =	ssyncadd.s32 $0xFFFFC000  }
0x41: {  	[spmem:s2] =	stream.indirect.scatter.add.f32 [tilespmem:s15], [sflag:$0x2], $0x80, s14, s14, $0xb8;
	[tilespmem:$0x17D00] =	vst v63  }
0x42: {  	_ =	swait.ge [sflag:s13], $0x4000  }
0x43: {  	s17 =	sadd.s32 $0x1, s17;
	[sflag:s13] =	ssyncset.done $0x0  }
0x44: {  	p0 =	sne.s32 s17, s10;
	[sflag:s13] =	ssyncadd.s32 $0xFFFFC000  }
.Ltmp1:
0x45: {  	[bflag:$0x0] =	sbarrier.arrive $0xFFFF;
	(pc) =	sbr.rel @p0 .LBB2_1-.Ltmp1, $4  }
0x46: {  	[hbm:s9], [sflag:s8] =	dma.local [spmem:s12], $0x2780  }
0x47: {  	_ =	swait.ge [sflag:s13], $0x2780  }
0x48: {  	[sflag:s13] =	ssyncset.done $0x0  }
0x49: {  	[sflag:s13] =	ssyncadd.s32 $0xFFFFD880  }
0x4a: {  	_ =	sfence.sel $0x180000  }
0x4b: {  	[bflag:$0x0] =	sbarrier.arrive $0xFFFF  }
0x4c: {  	p0 =	sne.s32 s1, $0x0;
	_ =	strace $0x9000004A  }
0x4d: {  	s0 =	sadd.s32 @!p0 $0x100000, s0;
	[bflag:$0x2] =	sbarrier.arrive $0xFFFF  }
0x4e: {  	[sflag:s0] =	ssyncadd.tile.s32 @!p0 $0x1;
	_ =	shalt  }
.Lfunc_end2:
_tile_overlayer_lowered:
.L_overlay_start_2:
0x4f: {  	(tag) =	ssettag $0x2  }
0x50: {  	s0 =	rddreg [dreg:$0x0];
	s2 =	stileid.u32  }
0x51: {  	s1 =	rddreg [dreg:$0x1];
	p0 =	sne.s32 s2, $0x0  }
0x52: {  	s3 =	rddreg [dreg:$0x2];
	[bflag:$0x3] =	sbarrier.arrive $0xFFFF;
	s2 =	simm.s32 @!p0 $0x1C02  }
0x53: {  	[timem:s3], [sflag:s2] =	dma.local @!p0 [hbm:s0], s1  }
0x54: {  	s0 =	simm.s32 @!p0 $0x2  }
0x55: {  	_ =	swait.ge @!p0 [sflag:s0], s1  }
0x56: {  	s1 =	ssub.s32 @!p0 $0x0, s1;
	[sflag:s0] =	ssyncset.done @!p0 $0x0  }
0x57: {  	[sflag:s0] =	ssyncadd.s32 @!p0 s1  }
0x58: {  	[bflag:$0x3] =	sbarrier.arrive $0xFFFF  }
0x59: {  	_ =	shalt  }

// kernel: kernel.39.cloned.1.call-start
scs
__scs_entry_jumppad:
0x0: {  	(pc) =	sbr.rel $0x88, $3  }
0x1: {  	(tag) =	ssettag $0x0;
	lr =	simm.s32 $0x1  }
0x2: {  	[smem:$0x3F98] =	sst lr;
	_ =	strace $0xD0000000  }
0x3: {  	_ = 	snop  }
0x4: {  	_ = 	snop  }
0x5: {  	_ = 	snop  }
0x6: {  	_ = 	snop  }
0x7: {  	_ = 	snop  }
__scs_overlays_trampoline_lowered:
0x8: {  	[smem:$0x3FA7] =	sst s0  }
0x9: {  	[smem:$0x3FA8] =	sst s1  }
0xa: {  	[smem:$0x3FA9] =	sst s2  }
0xb: {  	[smem:$0x3FAA] =	sst s3  }
0xc: {  	[smem:$0x3FAB] =	sst s4  }
0xd: {  	[smem:$0x3FAC] =	sst s5  }
0xe: {  	[smem:$0x3FAD] =	sst s6  }
0xf: {  	[smem:$0x3FAE] =	sst s7  }
0x10: {  	[smem:$0x3FAF] =	sst s8  }
0x11: {  	[smem:$0x3FB0] =	sst s9;
	s0 =	simm.s32 @!p0 $0x0  }
0x12: {  	s1 =	sld [smem:$0x3F96];
	s0 =	simm.s32 @p0 $0x1  }
0x13: {  	[smem:$0x3FB1] =	sst s0;
	s0 =	simm.s32 @!p1 $0x0  }
0x14: {  	s2 =	sld [smem:$0x3F95];
	s0 =	simm.s32 @p1 $0x1  }
0x15: {  	[smem:$0x3FB2] =	sst s0;
	s0 =	simm.s32 @!p2 $0x0  }
0x16: {  	s3 =	sld [smem:$0x3FDB];
	s0 =	simm.s32 @p2 $0x1  }
0x17: {  	s4 =	simm.s32 $0x1BF5;
	[smem:$0x3FB4] =	sst s0  }
0x18: {  	s0 =	sld [smem:$0x3F97];
	_ =	swait.ge [sflag:s4], $0x0  }
0x19: {  	s7 =	sld [smem:$0x3F98]  }
0x1a: {  	s8 =	sadd.s32 $0xFFFFE003, lr  }
0x1b: {  	s9 =	sadd.s32 $0xFFFFFEF7, lr;
	s5 =	simm.s32 $0xFFFFFFFF;
	p2 =	slt.u32 s8, $0xFFFFF086  }
0x1c: {  	p1 =	slt.u32 s9, $0xF7A;
	s5 =	simm.s32 @!p2 $0x0  }
0x1d: {  	s5 =	simm.s32 @p1 $0x1;
	p0 =	seq.s32 s7, s2  }
0x1e: {  	s7 =	smul.u32 @!p0 $0xF7A, s2;
	p2 =	seq.s32 @!p0 s5, $0x0  }
0x1f: {  	s9 =	smul.u32 $0xF7A, s1;
	s8 =	simm.s32 @!p0 $0x1BF5;
	p2 =	por !p2, p0  }
0x20: {  	[sflag:s8] =	ssyncset.s32 @!p0 $0xFFFFF086;
	s6 =	sadd.s32 @!p0 s3, s7;
	s7 =	simm.s32 @!p0 $0x108  }
0x21: {  	s3 =	sadd.s32 s3, s9;
	s6 =	sadd.s32 @!p0 $0x88, s6;
	s7 =	simm.s32 @p2 $0x1082  }
0x22: {  	[simem:s7], [sflag:s8] =	dma.local @!p0 [hbm:s6], $0xF7A  }
0x23: {  	s9 =	sor.u32 $0xD0000000, s2;
	s6 =	simm.s32 $0x108;
	_ =	swait.ge @!p0 [sflag:s8], $0x0  }
0x24: {  	s3 =	sadd.s32 $0x88, s3;
	s6 =	simm.s32 @!p1 $0x1082;
	[sflag:s4] =	ssyncset.s32 $0xFFFFF086  }
0x25: {  	[simem:s6], [sflag:s4] =	dma.local [hbm:s3], $0xF7A  }
0x26: {  	[smem:$0x3F98] =	sst s1;
	(tag) =	ssettag s2;
	_ =	strace s9  }
0x27: {  	s1 =	sld [smem:$0x3FA8]  }
0x28: {  	s2 =	sld [smem:$0x3FA9]  }
0x29: {  	s4 =	sld [smem:$0x3FAB]  }
0x2a: {  	p0 =	seq.s32 s5, $0x0;
	s5 =	sld [smem:$0x3FAC]  }
0x2b: {  	s6 =	sld [smem:$0x3FAD]  }
0x2c: {  	s7 =	sld [smem:$0x3FAE]  }
0x2d: {  	s3 =	simm.s32 $0x108;
	s8 =	sld [smem:$0x3FAF]  }
0x2e: {  	s3 =	simm.s32 @!p0 $0x1082;
	s9 =	sld [smem:$0x3FB0]  }
0x2f: {  	lr =	sadd.s32 s0, s3;
	s0 =	sld [smem:$0x3FA7]  }
0x30: {  	s3 =	sld [smem:$0x3FAA]  }
0x31: {  	[smem:$0x3FB3] =	sst s10  }
0x32: {  	s10 =	sld [smem:$0x3FB1];
	_ =	sdelay $0x3  }
0x33: {  	p0 =	seq.s32 s10, $0x1;
	s10 =	sld [smem:$0x3FB3];
	_ =	sdelay $0x3  }
0x34: {  	[smem:$0x3FB3] =	sst s10  }
0x35: {  	s10 =	sld [smem:$0x3FB2];
	_ =	sdelay $0x3  }
0x36: {  	p1 =	seq.s32 s10, $0x1;
	s10 =	sld [smem:$0x3FB3];
	_ =	sdelay $0x3  }
0x37: {  	[smem:$0x3FB3] =	sst s10  }
0x38: {  	s10 =	sld [smem:$0x3FB4]  }
0x39: {  	_ = 	snop;
	(pc) =	sbr.ind lr, $3  }
0x3a: {  	_ = 	snop  }
0x3b: {  	_ = 	snop  }
0x3c: {  	p2 =	seq.s32 s10, $0x1;
	s10 =	sld [smem:$0x3FB3]  }
0x3d: {  	_ =	shalt  }
0x3e: {  	_ =	shalt  }
0x3f: {  	_ =	shalt  }
0x40: {  	_ =	shalt  }
0x41: {  	_ =	shalt  }
0x42: {  	_ =	shalt  }
0x43: {  	_ =	shalt  }
0x44: {  	_ =	shalt  }
0x45: {  	_ =	shalt  }
0x46: {  	_ =	shalt  }
0x47: {  	_ =	shalt  }
0x48: {  	_ =	shalt  }
0x49: {  	_ =	shalt  }
0x4a: {  	_ =	shalt  }
0x4b: {  	_ =	shalt  }
0x4c: {  	_ =	shalt  }
0x4d: {  	_ =	shalt  }
0x4e: {  	_ =	shalt  }
0x4f: {  	_ =	shalt  }
0x50: {  	_ =	shalt  }
0x51: {  	_ =	shalt  }
0x52: {  	_ =	shalt  }
0x53: {  	_ =	shalt  }
0x54: {  	_ =	shalt  }
0x55: {  	_ =	shalt  }
0x56: {  	_ =	shalt  }
0x57: {  	_ =	shalt  }
0x58: {  	_ =	shalt  }
0x59: {  	_ =	shalt  }
0x5a: {  	_ =	shalt  }
0x5b: {  	_ =	shalt  }
0x5c: {  	_ =	shalt  }
0x5d: {  	_ =	shalt  }
0x5e: {  	_ =	shalt  }
0x5f: {  	_ =	shalt  }
0x60: {  	_ =	shalt  }
0x61: {  	_ =	shalt  }
0x62: {  	_ =	shalt  }
0x63: {  	_ =	shalt  }
0x64: {  	_ =	shalt  }
0x65: {  	_ =	shalt  }
0x66: {  	_ =	shalt  }
0x67: {  	_ =	shalt  }
0x68: {  	_ =	shalt  }
0x69: {  	_ =	shalt  }
0x6a: {  	_ =	shalt  }
0x6b: {  	_ =	shalt  }
0x6c: {  	_ =	shalt  }
0x6d: {  	_ =	shalt  }
0x6e: {  	_ =	shalt  }
0x6f: {  	_ =	shalt  }
0x70: {  	_ =	shalt  }
0x71: {  	_ =	shalt  }
0x72: {  	_ =	shalt  }
0x73: {  	_ =	shalt  }
0x74: {  	_ =	shalt  }
0x75: {  	_ =	shalt  }
0x76: {  	_ =	shalt  }
0x77: {  	_ =	shalt  }
0x78: {  	_ =	shalt  }
0x79: {  	_ =	shalt  }
0x7a: {  	_ =	shalt  }
0x7b: {  	_ =	shalt  }
0x7c: {  	_ =	shalt  }
0x7d: {  	_ =	shalt  }
0x7e: {  	_ =	shalt  }
0x7f: {  	_ =	shalt  }
0x80: {  	_ =	shalt  }
0x81: {  	_ =	shalt  }
0x82: {  	_ =	shalt  }
0x83: {  	_ =	shalt  }
0x84: {  	_ =	shalt  }
0x85: {  	_ =	shalt  }
0x86: {  	_ =	shalt  }
0x87: {  	_ =	shalt  }
.Lfunc_end0:
.L_simem_size_0:
called_computation.2_lowered:
.L_overlay_start_0:
0x88: {  	s2 =	sld [smem:$0x3FD9]  }
0x89: {  	s3 =	sld [smem:$0x3FFE];
	_ =	sdelay $0x1  }
0x8a: {  	s1 =	srdreg.scid  }
0x8b: {  	s0 =	sand.u32 $0x1, s1  }
0x8c: {  	s16 =	sshll.u32 s0, $0xA;
	s2 =	sadd.s32 s3, s2  }
0x8d: {  	s2 =	sadd.s32 s2, s16  }
0x8e: {  	[smem:$0x3FBF] =	sst s2  }
0x8f: {  	_ = 	snop  }
0x90: {  	(tm) =	ssettm $0x1  }
0x91: {  	s17 =	sld [smem:$0x3FFB];
	_ =	sdelay $0x3  }
0x92: {  	_ =	strace s17  }
0x93: {  	s2 =	sld [smem:$0x3FFC];
	_ =	sdelay $0x3  }
0x94: {  	_ =	strace s2  }
0x95: {  	s2 =	sld [smem:$0x3FFD];
	_ =	sdelay $0x3  }
0x96: {  	_ =	strace s2  }
0x97: {  	_ =	strace $0x8FFFFFFF  }
0x98: {  	s18 =	sld [smem:$0x3FDB];
	_ =	sdelay $0x1  }
0x99: {  	s19 =	simm.s32 $_scs_section_size  }
0x9a: {  	s4 =	simm.s32 $_size__tile_overlayer_lowered;
	s5 =	simm.s32 $_tile_overlayer_lowered  }
0x9b: {  	s22 =	simm.s32 $0x1BFF;
	s21 =	sshll.u32 s5, $0x1;
	s2 =	sadd.s32 s19, s18  }
0x9c: {  	s6 =	simm.s32 $0x0;
	s20 =	sshll.u32 s4, $0x1;
	s4 =	sadd.s32 s21, s2  }
0x9d: {  	[timem:s6], [sflag:s22] =	dma.local [hbm:s4], s20  }
0x9e: {  	_ =	swait.ge [sflag:s22], s20  }
0x9f: {  	s3 =	ssub.s32 $0x0, s20;
	[sflag:s22] =	ssyncset.done $0x0  }
0xa0: {  	[sflag:s22] =	ssyncadd.s32 s3;
	_ =	sdelay $0x1  }
0xa1: {  	s23 =	simm.s32 $0x1B8B  }
0xa2: {  	_ =	swait.ge [sflag:s23], $0x1  }
0xa3: {  	[sflag:s23] =	ssyncset.done $0x0  }
0xa4: {  	s25 =	simm.s32 $0x1B8E;
	s24 =	sld [smem:$0x3FFE];
	[sflag:s23] =	ssyncadd.s32 $0xFFFFFFFF  }
0xa5: {  	s26 =	simm.s32 $execute0_lowered;
	[smem:$0x3FD2] =	sst s25  }
0xa6: {  	s4 =	sshll.u32 s26, $0x1;
	_ =	strace $0x8000004C;
	[dreg:$0x1] =	wrdreg $0xFFFFFFFF  }
0xa7: {  	s28 =	simm.s32 $_size_execute0_lowered;
	s2 =	sadd.s32 s2, s4;
	[dreg:$0x0] =	wrdreg $0x0  }
0xa8: {  	s4 =	sshll.u32 s28, $0x1;
	[dreg:$0x2] =	wrdreg s2  }
0xa9: {  	[dreg:$0x3] =	wrdreg s4  }
0xaa: {  	[dreg:$0x4] =	wrdreg $0xC0  }
0xab: {  	_ =	task [dreg:s6], $0x5FFFF  }
0xac: {  	[dreg:$0x1] =	wrdreg $0xFFFFFFFF  }
0xad: {  	[dreg:$0x0] =	wrdreg $0x60  }
0xae: {  	[dreg:$0x2] =	wrdreg s24  }
0xaf: {  	[dreg:$0x3] =	wrdreg $0x41000  }
0xb0: {  	[dreg:$0x4] =	wrdreg $0x9  }
0xb1: {  	_ =	task.clear_ibuf [dreg:s6], $0x5FFFF;
	_ =	strace $0x9000004C  }
0xb2: {  	s29 =	simm.s32 $0x9;
	_ =	strace $0x8000004E  }
0xb3: {  	_ =	swait.ge [sflag:s29], $0x1  }
0xb4: {  	[sflag:s29] =	ssyncadd.s32 $0xFFFFFFFF  }
0xb5: {  	_ =	strace $0x9000004E  }
0xb6: {  	_ =	sfence  }
0xb7: {  	s30 =	sld [smem:$0x0];
	_ =	sdelay $0x2  }
0xb8: {  	s31 =	sshll.u32 s1, $0xD;
	s1 =	sshrl.u32 s1, $0x2  }
0xb9: {  	s3 =	sand.u32 $0x4000, s31;
	s1 =	sadd.s32 s1, s30  }
0xba: {  	s0 =	sor.u32 s3, s0;
	s1 =	sshll.u32 s1, $0x11  }
0xbb: {  	s0 =	sor.u32 s1, s0  }
0xbc: {  	s0 =	sadd.s32 $0x8F2B, s0  }
0xbd: {  	[sflag:s0] =	ssyncadd.remote.s32 $0x1  }
0xbe: {  	_ =	sfence.sel $0xFFFF  }
0xbf: {  	[dreg:$0x0] =	wrdreg $0xFFFFFFFF;
	(pc) =	sbr.abs _section_cstart, $3  }
0xc0: {  	[dreg:$0x1] =	wrdreg $0xFFFFFFFF  }
0xc1: {  	_ =	task.clear_ibuf [dreg:s6], $0x2FFFF;
	_ =	strace $0x9FFFFFFF  }
0xc2: {  	(tm) =	ssettm $0x7FFFFFFF  }
0xc3: {  	_ =	shalt  }
tec
execute0_lowered:
.L_overlay_start_1:
0x0: {  	(tag) =	ssettag $0x1  }
0x1: {  	s7 =	rddreg [dreg:$0x0]  }
0x2: {  	s2 =	rddreg [dreg:$0x1]  }
0x3: {  	s0 =	rddreg [dreg:$0x2];
	s3 =	simm.s32 $0x0  }
0x4: {  	s1 =	stileid.u32;
	s4 =	srdreg.scid;
	s16 =	simm.s32 $0x1  }
0x5: {  	s17 =	simm.s32 $0x0;
	[smem:$0x7FF] =	sst s3;
	s8 =	smul.u32 $0x2780, s1  }
0x6: {  	s9 =	sand.u32 $0x1, s4;
	s4 =	sadd.s32 $0xCA600, s7;
	s13 =	smul.u32 $0x4F000, s1  }
0x7: {  	s5 =	sadd.s32 $0x18C00, s7;
	s6 =	sadd.s32 $0x22C00, s7;
	s31 =	smul.u32 $0x500, s1  }
0x8: {  	s30 =	sshll.u32 s1, $0x6;
	_ =	strace $0x8000004D;
	s10 =	smul.u32 $0x27800, s9  }
0x9: {  	s12 =	ssub.s32 $0x2, s9;
	s28 =	smul.u32 $0x5000, s9;
	s11 =	sadd.s32 s8, s7  }
0xa: {  	s26 =	sshrl.u32 s12, $0x1;
	s29 =	sshrl.u32 s13, $0x2;
	s13 =	simm.s32 $0x2  }
0xb: {  	s8 =	sadd.s32 s8, s10;
	s10 =	ssub.s32 s12, s26;
	s15 =	sadd.s32 s29, s2  }
0xc: {  	s14 =	sadd.s32 s8, s7;
	s7 =	sadd.s32 $0x53E00, s11;
	s8 =	sor.u32 $0x1C02, s30  }
0xd: {  	s10 =	smax.u32 s10, $0x1;
	s11 =	sadd.s32 s31, s28;
	s12 =	sshrl.u32 s15, $0x3  }
0xe: {  	s15 =	simm.s32 $0x100;
	s9 =	sadd.s32 $0xF1800, s14;
	s14 =	simm.s32 $0x80  }
.LBB2_1:
0xf: {  	[spmem:s12], [sflag:s8] =	dma.local [hbm:s7], $0x2780  }
0x10: {  	s18 =	sadd.s32 $0x0, s11;
	_ =	swait.ge [sflag:s13], $0x2780  }
0x11: {  	s19 =	sand.u32 $0x70, s3;
	s18 =	sand.u32 $0xFFFFF80, s18;
	[sflag:s13] =	ssyncset.done $0x0  }
0x12: {  	s18 =	sor.u32 s19, s18;
	[sflag:s13] =	ssyncadd.s32 $0xFFFFD880  }
0x13: {  	s19 =	sadd.s32 s5, s18;
	[bflag:$0x0] =	sbarrier.arrive $0xFFFF  }
0x14: {  	[tilespmem:s3], [sflag:$0x2] =	stream.linear.gather [hbm4b:s19+s3], $0x80, $0x38;
	[tilespmem:$0x17D00] =	vst v63  }
0x15: {  	_ =	swait.ge [sflag:s13], $0x80  }
0x16: {  	[sflag:s13] =	ssyncset.done $0x0  }
0x17: {  	s18 =	sadd.s32 s6, s18;
	[sflag:s13] =	ssyncadd.s32 $0xFFFFFF80  }
0x18: {  	[tilespmem:s14], [sflag:$0x2] =	stream.linear.gather [hbm4b:s18+s3], $0x80, $0x38;
	[tilespmem:$0x17D00] =	vst v63  }
0x19: {  	_ =	swait.ge [sflag:s13], $0x80  }
0x1a: {  	[sflag:s13] =	ssyncset.done $0x0  }
0x1b: {  	[sflag:s13] =	ssyncadd.s32 $0xFFFFFF80  }
0x1c: {  	[tilespmem:s15], [sflag:$0x1] =	stream.indirect.gather [hbm4b:s4+s14], $0x80, s3, s14, $0xb8;
	[tilespmem:$0x17D00] =	vst v63  }
0x1d: {  	_ =	swait.ge [sflag:s16], $0x4000  }
0x1e: {  	[sflag:s16] =	ssyncset.done $0x0  }
0x1f: {  	s30 =	simm.s32 $0x10;
	s31 =	sadd.s32 $0x10, s11;
	[sflag:s16] =	ssyncadd.s32 $0xFFFFC000  }
0x20: {  	[spmem:s2] =	stream.indirect.scatter.add.f32 [tilespmem:s15], [sflag:$0x2], $0x80, s14, s14, $0xb8;
	[tilespmem:$0x17D00] =	vst v63  }
0x21: {  	s20 =	sand.u32 $0xFFFFF80, s31;
	s18 =	sand.u32 $0x70, s30;
	_ =	swait.ge [sflag:s13], $0x4000  }
0x22: {  	s19 =	simm.s32 $0x20;
	s18 =	sor.u32 s18, s20;
	[sflag:s13] =	ssyncset.done $0x0  }
.LBB2_2:
0x23: {  	s20 =	sadd.s32 s5, s18  }
0x24: {  	[sflag:s13] =	ssyncadd.s32 $0xFFFFC000;
	s21 =	smov.u32 s19;
	s22 =	sadd.s32 $0x10, s19  }
0x25: {  	[tilespmem:s3], [sflag:$0x2] =	stream.linear.gather [hbm4b:s20+s3], $0x80, $0x38;
	[tilespmem:$0x17D00] =	vst v63  }
0x26: {  	p0 =	sne.s32 s19, $0x4F0;
	_ =	swait.ge [sflag:s13], $0x80  }
0x27: {  	[sflag:s13] =	ssyncset.done $0x0  }
0x28: {  	s18 =	sadd.s32 s6, s18;
	[sflag:s13] =	ssyncadd.s32 $0xFFFFFF80  }
0x29: {  	[tilespmem:s14], [sflag:$0x2] =	stream.linear.gather [hbm4b:s18+s3], $0x80, $0x38;
	[tilespmem:$0x17D00] =	vst v63  }
0x2a: {  	_ =	swait.ge [sflag:s13], $0x80  }
0x2b: {  	[sflag:s13] =	ssyncset.done $0x0  }
0x2c: {  	[sflag:s13] =	ssyncadd.s32 $0xFFFFFF80  }
0x2d: {  	[tilespmem:s15], [sflag:$0x1] =	stream.indirect.gather [hbm4b:s4+s14], $0x80, s3, s14, $0xb8;
	[tilespmem:$0x17D00] =	vst v63  }
0x2e: {  	_ =	swait.ge [sflag:s16], $0x4000  }
.Ltmp0:
0x2f: {  	[sflag:s16] =	ssyncset.done $0x0;
	(pc) =	sbr.rel @p0 .LBB2_2-.Ltmp0, $4  }
0x30: {  	s18 =	sadd.s32 s21, s11;
	[sflag:s16] =	ssyncadd.s32 $0xFFFFC000  }
0x31: {  	[spmem:s2] =	stream.indirect.scatter.add.f32 [tilespmem:s15], [sflag:$0x2], $0x80, s14, s14, $0xb8;
	[tilespmem:$0x17D00] =	vst v63  }
0x32: {  	s19 =	sand.u32 $0x70, s21;
	s18 =	sand.u32 $0xFFFFF80, s18;
	_ =	swait.ge [sflag:s13], $0x4000  }
0x33: {  	s18 =	sor.u32 s19, s18;
	s19 =	smov.u32 s22;
	[sflag:s13] =	ssyncset.done $0x0  }
0x34: {  	s19 =	sadd.s32 s5, s18;
	[sflag:s13] =	ssyncadd.s32 $0xFFFFC000  }
0x35: {  	[tilespmem:s3], [sflag:$0x2] =	stream.linear.gather [hbm4b:s19+s3], $0x80, $0x38;
	[tilespmem:$0x17D00] =	vst v63  }
0x36: {  	_ =	swait.ge [sflag:s13], $0x80  }
0x37: {  	[sflag:s13] =	ssyncset.done $0x0  }
0x38: {  	s31 =	sadd.s32 s6, s18;
	[sflag:s13] =	ssyncadd.s32 $0xFFFFFF80  }
0x39: {  	[tilespmem:s14], [sflag:$0x2] =	stream.linear.gather [hbm4b:s31+s3], $0x80, $0x38;
	[tilespmem:$0x17D00] =	vst v63  }
0x3a: {  	_ =	swait.ge [sflag:s13], $0x80  }
0x3b: {  	[sflag:s13] =	ssyncset.done $0x0  }
0x3c: {  	[sflag:s13] =	ssyncadd.s32 $0xFFFFFF80  }
0x3d: {  	[tilespmem:s15], [sflag:$0x1] =	stream.indirect.gather [hbm4b:s4+s14], $0x80, s3, s14, $0xb8;
	[tilespmem:$0x17D00] =	vst v63  }
0x3e: {  	_ =	swait.ge [sflag:s16], $0x4000  }
0x3f: {  	[sflag:s16] =	ssyncset.done $0x0  }
0x40: {  	[sflag:s16] =	ssyncadd.s32 $0xFFFFC000  }
0x41: {  	[spmem:s2] =	stream.indirect.scatter.add.f32 [tilespmem:s15], [sflag:$0x2], $0x80, s14, s14, $0xb8;
	[tilespmem:$0x17D00] =	vst v63  }
0x42: {  	_ =	swait.ge [sflag:s13], $0x4000  }
0x43: {  	s17 =	sadd.s32 $0x1, s17;
	[sflag:s13] =	ssyncset.done $0x0  }
0x44: {  	p0 =	sne.s32 s17, s10;
	[sflag:s13] =	ssyncadd.s32 $0xFFFFC000  }
.Ltmp1:
0x45: {  	[bflag:$0x0] =	sbarrier.arrive $0xFFFF;
	(pc) =	sbr.rel @p0 .LBB2_1-.Ltmp1, $4  }
0x46: {  	[hbm:s9], [sflag:s8] =	dma.local [spmem:s12], $0x2780  }
0x47: {  	_ =	swait.ge [sflag:s13], $0x2780  }
0x48: {  	[sflag:s13] =	ssyncset.done $0x0  }
0x49: {  	[sflag:s13] =	ssyncadd.s32 $0xFFFFD880  }
0x4a: {  	_ =	sfence.sel $0x180000  }
0x4b: {  	[bflag:$0x0] =	sbarrier.arrive $0xFFFF  }
0x4c: {  	p0 =	sne.s32 s1, $0x0;
	_ =	strace $0x9000004D  }
0x4d: {  	s0 =	sadd.s32 @!p0 $0x100000, s0;
	[bflag:$0x2] =	sbarrier.arrive $0xFFFF  }
0x4e: {  	[sflag:s0] =	ssyncadd.tile.s32 @!p0 $0x1;
	_ =	shalt  }
.Lfunc_end2:
_tile_overlayer_lowered:
.L_overlay_start_2:
0x4f: {  	(tag) =	ssettag $0x2  }
0x50: {  	s0 =	rddreg [dreg:$0x0];
	s2 =	stileid.u32  }
0x51: {  	s1 =	rddreg [dreg:$0x1];
	p0 =	sne.s32 s2, $0x0  }
0x52: {  	s3 =	rddreg [dreg:$0x2];
	[bflag:$0x3] =	sbarrier.arrive $0xFFFF;
	s2 =	simm.s32 @!p0 $0x1C02  }
0x53: {  	[timem:s3], [sflag:s2] =	dma.local @!p0 [hbm:s0], s1  }
0x54: {  	s0 =	simm.s32 @!p0 $0x2  }
0x55: {  	_ =	swait.ge @!p0 [sflag:s0], s1  }
0x56: {  	s1 =	ssub.s32 @!p0 $0x0, s1;
	[sflag:s0] =	ssyncset.done @!p0 $0x0  }
0x57: {  	[sflag:s0] =	ssyncadd.s32 @!p0 s1  }
0x58: {  	[bflag:$0x3] =	sbarrier.arrive $0xFFFF  }
0x59: {  	_ =	shalt  }

// kernel: kernel.42.cloned.1.call-start
scs
__scs_entry_jumppad:
0x0: {  	(pc) =	sbr.rel $0x88, $3  }
0x1: {  	(tag) =	ssettag $0x0;
	lr =	simm.s32 $0x1  }
0x2: {  	[smem:$0x3F98] =	sst lr;
	_ =	strace $0xD0000000  }
0x3: {  	_ = 	snop  }
0x4: {  	_ = 	snop  }
0x5: {  	_ = 	snop  }
0x6: {  	_ = 	snop  }
0x7: {  	_ = 	snop  }
__scs_overlays_trampoline_lowered:
0x8: {  	[smem:$0x3FA7] =	sst s0  }
0x9: {  	[smem:$0x3FA8] =	sst s1  }
0xa: {  	[smem:$0x3FA9] =	sst s2  }
0xb: {  	[smem:$0x3FAA] =	sst s3  }
0xc: {  	[smem:$0x3FAB] =	sst s4  }
0xd: {  	[smem:$0x3FAC] =	sst s5  }
0xe: {  	[smem:$0x3FAD] =	sst s6  }
0xf: {  	[smem:$0x3FAE] =	sst s7  }
0x10: {  	[smem:$0x3FAF] =	sst s8  }
0x11: {  	[smem:$0x3FB0] =	sst s9;
	s0 =	simm.s32 @!p0 $0x0  }
0x12: {  	s1 =	sld [smem:$0x3F96];
	s0 =	simm.s32 @p0 $0x1  }
0x13: {  	[smem:$0x3FB1] =	sst s0;
	s0 =	simm.s32 @!p1 $0x0  }
0x14: {  	s2 =	sld [smem:$0x3F95];
	s0 =	simm.s32 @p1 $0x1  }
0x15: {  	[smem:$0x3FB2] =	sst s0;
	s0 =	simm.s32 @!p2 $0x0  }
0x16: {  	s3 =	sld [smem:$0x3FDB];
	s0 =	simm.s32 @p2 $0x1  }
0x17: {  	s4 =	simm.s32 $0x1BF5;
	[smem:$0x3FB4] =	sst s0  }
0x18: {  	s0 =	sld [smem:$0x3F97];
	_ =	swait.ge [sflag:s4], $0x0  }
0x19: {  	s7 =	sld [smem:$0x3F98]  }
0x1a: {  	s8 =	sadd.s32 $0xFFFFE003, lr  }
0x1b: {  	s9 =	sadd.s32 $0xFFFFFEF7, lr;
	s5 =	simm.s32 $0xFFFFFFFF;
	p2 =	slt.u32 s8, $0xFFFFF086  }
0x1c: {  	p1 =	slt.u32 s9, $0xF7A;
	s5 =	simm.s32 @!p2 $0x0  }
0x1d: {  	s5 =	simm.s32 @p1 $0x1;
	p0 =	seq.s32 s7, s2  }
0x1e: {  	s7 =	smul.u32 @!p0 $0xF7A, s2;
	p2 =	seq.s32 @!p0 s5, $0x0  }
0x1f: {  	s9 =	smul.u32 $0xF7A, s1;
	s8 =	simm.s32 @!p0 $0x1BF5;
	p2 =	por !p2, p0  }
0x20: {  	[sflag:s8] =	ssyncset.s32 @!p0 $0xFFFFF086;
	s6 =	sadd.s32 @!p0 s3, s7;
	s7 =	simm.s32 @!p0 $0x108  }
0x21: {  	s3 =	sadd.s32 s3, s9;
	s6 =	sadd.s32 @!p0 $0x88, s6;
	s7 =	simm.s32 @p2 $0x1082  }
0x22: {  	[simem:s7], [sflag:s8] =	dma.local @!p0 [hbm:s6], $0xF7A  }
0x23: {  	s9 =	sor.u32 $0xD0000000, s2;
	s6 =	simm.s32 $0x108;
	_ =	swait.ge @!p0 [sflag:s8], $0x0  }
0x24: {  	s3 =	sadd.s32 $0x88, s3;
	s6 =	simm.s32 @!p1 $0x1082;
	[sflag:s4] =	ssyncset.s32 $0xFFFFF086  }
0x25: {  	[simem:s6], [sflag:s4] =	dma.local [hbm:s3], $0xF7A  }
0x26: {  	[smem:$0x3F98] =	sst s1;
	(tag) =	ssettag s2;
	_ =	strace s9  }
0x27: {  	s1 =	sld [smem:$0x3FA8]  }
0x28: {  	s2 =	sld [smem:$0x3FA9]  }
0x29: {  	s4 =	sld [smem:$0x3FAB]  }
0x2a: {  	p0 =	seq.s32 s5, $0x0;
	s5 =	sld [smem:$0x3FAC]  }
0x2b: {  	s6 =	sld [smem:$0x3FAD]  }
0x2c: {  	s7 =	sld [smem:$0x3FAE]  }
0x2d: {  	s3 =	simm.s32 $0x108;
	s8 =	sld [smem:$0x3FAF]  }
0x2e: {  	s3 =	simm.s32 @!p0 $0x1082;
	s9 =	sld [smem:$0x3FB0]  }
0x2f: {  	lr =	sadd.s32 s0, s3;
	s0 =	sld [smem:$0x3FA7]  }
0x30: {  	s3 =	sld [smem:$0x3FAA]  }
0x31: {  	[smem:$0x3FB3] =	sst s10  }
0x32: {  	s10 =	sld [smem:$0x3FB1];
	_ =	sdelay $0x3  }
0x33: {  	p0 =	seq.s32 s10, $0x1;
	s10 =	sld [smem:$0x3FB3];
	_ =	sdelay $0x3  }
0x34: {  	[smem:$0x3FB3] =	sst s10  }
0x35: {  	s10 =	sld [smem:$0x3FB2];
	_ =	sdelay $0x3  }
0x36: {  	p1 =	seq.s32 s10, $0x1;
	s10 =	sld [smem:$0x3FB3];
	_ =	sdelay $0x3  }
0x37: {  	[smem:$0x3FB3] =	sst s10  }
0x38: {  	s10 =	sld [smem:$0x3FB4]  }
0x39: {  	_ = 	snop;
	(pc) =	sbr.ind lr, $3  }
0x3a: {  	_ = 	snop  }
0x3b: {  	_ = 	snop  }
0x3c: {  	p2 =	seq.s32 s10, $0x1;
	s10 =	sld [smem:$0x3FB3]  }
0x3d: {  	_ =	shalt  }
0x3e: {  	_ =	shalt  }
0x3f: {  	_ =	shalt  }
0x40: {  	_ =	shalt  }
0x41: {  	_ =	shalt  }
0x42: {  	_ =	shalt  }
0x43: {  	_ =	shalt  }
0x44: {  	_ =	shalt  }
0x45: {  	_ =	shalt  }
0x46: {  	_ =	shalt  }
0x47: {  	_ =	shalt  }
0x48: {  	_ =	shalt  }
0x49: {  	_ =	shalt  }
0x4a: {  	_ =	shalt  }
0x4b: {  	_ =	shalt  }
0x4c: {  	_ =	shalt  }
0x4d: {  	_ =	shalt  }
0x4e: {  	_ =	shalt  }
0x4f: {  	_ =	shalt  }
0x50: {  	_ =	shalt  }
0x51: {  	_ =	shalt  }
0x52: {  	_ =	shalt  }
0x53: {  	_ =	shalt  }
0x54: {  	_ =	shalt  }
0x55: {  	_ =	shalt  }
0x56: {  	_ =	shalt  }
0x57: {  	_ =	shalt  }
0x58: {  	_ =	shalt  }
0x59: {  	_ =	shalt  }
0x5a: {  	_ =	shalt  }
0x5b: {  	_ =	shalt  }
0x5c: {  	_ =	shalt  }
0x5d: {  	_ =	shalt  }
0x5e: {  	_ =	shalt  }
0x5f: {  	_ =	shalt  }
0x60: {  	_ =	shalt  }
0x61: {  	_ =	shalt  }
0x62: {  	_ =	shalt  }
0x63: {  	_ =	shalt  }
0x64: {  	_ =	shalt  }
0x65: {  	_ =	shalt  }
0x66: {  	_ =	shalt  }
0x67: {  	_ =	shalt  }
0x68: {  	_ =	shalt  }
0x69: {  	_ =	shalt  }
0x6a: {  	_ =	shalt  }
0x6b: {  	_ =	shalt  }
0x6c: {  	_ =	shalt  }
0x6d: {  	_ =	shalt  }
0x6e: {  	_ =	shalt  }
0x6f: {  	_ =	shalt  }
0x70: {  	_ =	shalt  }
0x71: {  	_ =	shalt  }
0x72: {  	_ =	shalt  }
0x73: {  	_ =	shalt  }
0x74: {  	_ =	shalt  }
0x75: {  	_ =	shalt  }
0x76: {  	_ =	shalt  }
0x77: {  	_ =	shalt  }
0x78: {  	_ =	shalt  }
0x79: {  	_ =	shalt  }
0x7a: {  	_ =	shalt  }
0x7b: {  	_ =	shalt  }
0x7c: {  	_ =	shalt  }
0x7d: {  	_ =	shalt  }
0x7e: {  	_ =	shalt  }
0x7f: {  	_ =	shalt  }
0x80: {  	_ =	shalt  }
0x81: {  	_ =	shalt  }
0x82: {  	_ =	shalt  }
0x83: {  	_ =	shalt  }
0x84: {  	_ =	shalt  }
0x85: {  	_ =	shalt  }
0x86: {  	_ =	shalt  }
0x87: {  	_ =	shalt  }
.Lfunc_end0:
.L_simem_size_0:
called_computation.3_lowered:
.L_overlay_start_0:
0x88: {  	s2 =	sld [smem:$0x3FD9]  }
0x89: {  	s3 =	sld [smem:$0x3FFE];
	_ =	sdelay $0x1  }
0x8a: {  	s1 =	srdreg.scid  }
0x8b: {  	s0 =	sand.u32 $0x1, s1  }
0x8c: {  	s16 =	sshll.u32 s0, $0xA;
	s2 =	sadd.s32 s3, s2  }
0x8d: {  	s2 =	sadd.s32 s2, s16  }
0x8e: {  	[smem:$0x3FBF] =	sst s2  }
0x8f: {  	_ = 	snop  }
0x90: {  	(tm) =	ssettm $0x1  }
0x91: {  	s17 =	sld [smem:$0x3FFB];
	_ =	sdelay $0x3  }
0x92: {  	_ =	strace s17  }
0x93: {  	s2 =	sld [smem:$0x3FFC];
	_ =	sdelay $0x3  }
0x94: {  	_ =	strace s2  }
0x95: {  	s2 =	sld [smem:$0x3FFD];
	_ =	sdelay $0x3  }
0x96: {  	_ =	strace s2  }
0x97: {  	_ =	strace $0x8FFFFFFF  }
0x98: {  	s18 =	sld [smem:$0x3FDB];
	_ =	sdelay $0x1  }
0x99: {  	s19 =	simm.s32 $_scs_section_size  }
0x9a: {  	s4 =	simm.s32 $_size__tile_overlayer_lowered;
	s5 =	simm.s32 $_tile_overlayer_lowered  }
0x9b: {  	s22 =	simm.s32 $0x1BFF;
	s21 =	sshll.u32 s5, $0x1;
	s2 =	sadd.s32 s19, s18  }
0x9c: {  	s6 =	simm.s32 $0x0;
	s20 =	sshll.u32 s4, $0x1;
	s4 =	sadd.s32 s21, s2  }
0x9d: {  	[timem:s6], [sflag:s22] =	dma.local [hbm:s4], s20  }
0x9e: {  	_ =	swait.ge [sflag:s22], s20  }
0x9f: {  	s3 =	ssub.s32 $0x0, s20;
	[sflag:s22] =	ssyncset.done $0x0  }
0xa0: {  	[sflag:s22] =	ssyncadd.s32 s3;
	_ =	sdelay $0x1  }
0xa1: {  	s23 =	simm.s32 $0x1B8B  }
0xa2: {  	_ =	swait.ge [sflag:s23], $0x1  }
0xa3: {  	[sflag:s23] =	ssyncset.done $0x0  }
0xa4: {  	s25 =	simm.s32 $0x1B8E;
	s24 =	sld [smem:$0x3FFE];
	[sflag:s23] =	ssyncadd.s32 $0xFFFFFFFF  }
0xa5: {  	s26 =	simm.s32 $execute0_lowered;
	[smem:$0x3FD2] =	sst s25  }
0xa6: {  	s4 =	sshll.u32 s26, $0x1;
	_ =	strace $0x8000004F;
	[dreg:$0x1] =	wrdreg $0xFFFFFFFF  }
0xa7: {  	s28 =	simm.s32 $_size_execute0_lowered;
	s2 =	sadd.s32 s2, s4;
	[dreg:$0x0] =	wrdreg $0x0  }
0xa8: {  	s4 =	sshll.u32 s28, $0x1;
	[dreg:$0x2] =	wrdreg s2  }
0xa9: {  	[dreg:$0x3] =	wrdreg s4  }
0xaa: {  	[dreg:$0x4] =	wrdreg $0xC0  }
0xab: {  	_ =	task [dreg:s6], $0x5FFFF  }
0xac: {  	[dreg:$0x1] =	wrdreg $0xFFFFFFFF  }
0xad: {  	[dreg:$0x0] =	wrdreg $0x60  }
0xae: {  	[dreg:$0x2] =	wrdreg s24  }
0xaf: {  	[dreg:$0x3] =	wrdreg $0x41000  }
0xb0: {  	[dreg:$0x4] =	wrdreg $0x9  }
0xb1: {  	_ =	task.clear_ibuf [dreg:s6], $0x5FFFF;
	_ =	strace $0x9000004F  }
0xb2: {  	s29 =	simm.s32 $0x9;
	_ =	strace $0x80000051  }
0xb3: {  	_ =	swait.ge [sflag:s29], $0x1  }
0xb4: {  	[sflag:s29] =	ssyncadd.s32 $0xFFFFFFFF  }
0xb5: {  	_ =	strace $0x90000051  }
0xb6: {  	_ =	sfence  }
0xb7: {  	s30 =	sld [smem:$0x0];
	_ =	sdelay $0x2  }
0xb8: {  	s31 =	sshll.u32 s1, $0xD;
	s1 =	sshrl.u32 s1, $0x2  }
0xb9: {  	s3 =	sand.u32 $0x4000, s31;
	s1 =	sadd.s32 s1, s30  }
0xba: {  	s0 =	sor.u32 s3, s0;
	s1 =	sshll.u32 s1, $0x11  }
0xbb: {  	s0 =	sor.u32 s1, s0  }
0xbc: {  	s0 =	sadd.s32 $0x8F2B, s0  }
0xbd: {  	[sflag:s0] =	ssyncadd.remote.s32 $0x1  }
0xbe: {  	_ =	sfence.sel $0xFFFF  }
0xbf: {  	[dreg:$0x0] =	wrdreg $0xFFFFFFFF;
	(pc) =	sbr.abs _section_cstart, $3  }
0xc0: {  	[dreg:$0x1] =	wrdreg $0xFFFFFFFF  }
0xc1: {  	_ =	task.clear_ibuf [dreg:s6], $0x2FFFF;
	_ =	strace $0x9FFFFFFF  }
0xc2: {  	(tm) =	ssettm $0x7FFFFFFF  }
0xc3: {  	_ =	shalt  }
tec
execute0_lowered:
.L_overlay_start_1:
0x0: {  	(tag) =	ssettag $0x1  }
0x1: {  	s7 =	rddreg [dreg:$0x0]  }
0x2: {  	s2 =	rddreg [dreg:$0x1]  }
0x3: {  	s0 =	rddreg [dreg:$0x2];
	s3 =	simm.s32 $0x0  }
0x4: {  	s1 =	stileid.u32;
	s4 =	srdreg.scid;
	s16 =	simm.s32 $0x1  }
0x5: {  	s17 =	simm.s32 $0x0;
	[smem:$0x7FF] =	sst s3;
	s8 =	smul.u32 $0x2780, s1  }
0x6: {  	s9 =	sand.u32 $0x1, s4;
	s4 =	sadd.s32 $0x2CC00, s7;
	s13 =	smul.u32 $0x4F000, s1  }
0x7: {  	s5 =	sadd.s32 $0x18C00, s7;
	s6 =	sadd.s32 $0x22C00, s7;
	s31 =	smul.u32 $0x500, s1  }
0x8: {  	s30 =	sshll.u32 s1, $0x6;
	_ =	strace $0x80000050;
	s10 =	smul.u32 $0x27800, s9  }
0x9: {  	s12 =	ssub.s32 $0x2, s9;
	s28 =	smul.u32 $0x5000, s9;
	s11 =	sadd.s32 s8, s7  }
0xa: {  	s26 =	sshrl.u32 s12, $0x1;
	s29 =	sshrl.u32 s13, $0x2;
	s13 =	simm.s32 $0x2  }
0xb: {  	s8 =	sadd.s32 s8, s10;
	s10 =	ssub.s32 s12, s26;
	s15 =	sadd.s32 s29, s2  }
0xc: {  	s14 =	sadd.s32 s8, s7;
	s7 =	sadd.s32 $0x53E00, s11;
	s8 =	sor.u32 $0x1C02, s30  }
0xd: {  	s10 =	smax.u32 s10, $0x1;
	s11 =	sadd.s32 s31, s28;
	s12 =	sshrl.u32 s15, $0x3  }
0xe: {  	s15 =	simm.s32 $0x100;
	s9 =	sadd.s32 $0x140800, s14;
	s14 =	simm.s32 $0x80  }
.LBB2_1:
0xf: {  	[spmem:s12], [sflag:s8] =	dma.local [hbm:s7], $0x2780  }
0x10: {  	s18 =	sadd.s32 $0x0, s11;
	_ =	swait.ge [sflag:s13], $0x2780  }
0x11: {  	s19 =	sand.u32 $0x70, s3;
	s18 =	sand.u32 $0xFFFFF80, s18;
	[sflag:s13] =	ssyncset.done $0x0  }
0x12: {  	s18 =	sor.u32 s19, s18;
	[sflag:s13] =	ssyncadd.s32 $0xFFFFD880  }
0x13: {  	s19 =	sadd.s32 s5, s18;
	[bflag:$0x0] =	sbarrier.arrive $0xFFFF  }
0x14: {  	[tilespmem:s3], [sflag:$0x2] =	stream.linear.gather [hbm4b:s19+s3], $0x80, $0x38;
	[tilespmem:$0x17D00] =	vst v63  }
0x15: {  	_ =	swait.ge [sflag:s13], $0x80  }
0x16: {  	[sflag:s13] =	ssyncset.done $0x0  }
0x17: {  	s18 =	sadd.s32 s6, s18;
	[sflag:s13] =	ssyncadd.s32 $0xFFFFFF80  }
0x18: {  	[tilespmem:s14], [sflag:$0x2] =	stream.linear.gather [hbm4b:s18+s3], $0x80, $0x38;
	[tilespmem:$0x17D00] =	vst v63  }
0x19: {  	_ =	swait.ge [sflag:s13], $0x80  }
0x1a: {  	[sflag:s13] =	ssyncset.done $0x0  }
0x1b: {  	[sflag:s13] =	ssyncadd.s32 $0xFFFFFF80  }
0x1c: {  	[tilespmem:s15], [sflag:$0x1] =	stream.indirect.gather [hbm4b:s4+s14], $0x80, s3, s14, $0xb8;
	[tilespmem:$0x17D00] =	vst v63  }
0x1d: {  	_ =	swait.ge [sflag:s16], $0x4000  }
0x1e: {  	[sflag:s16] =	ssyncset.done $0x0  }
0x1f: {  	s30 =	simm.s32 $0x10;
	s31 =	sadd.s32 $0x10, s11;
	[sflag:s16] =	ssyncadd.s32 $0xFFFFC000  }
0x20: {  	[spmem:s2] =	stream.indirect.scatter.add.f32 [tilespmem:s15], [sflag:$0x2], $0x80, s14, s14, $0xb8;
	[tilespmem:$0x17D00] =	vst v63  }
0x21: {  	s20 =	sand.u32 $0xFFFFF80, s31;
	s18 =	sand.u32 $0x70, s30;
	_ =	swait.ge [sflag:s13], $0x4000  }
0x22: {  	s19 =	simm.s32 $0x20;
	s18 =	sor.u32 s18, s20;
	[sflag:s13] =	ssyncset.done $0x0  }
.LBB2_2:
0x23: {  	s20 =	sadd.s32 s5, s18  }
0x24: {  	[sflag:s13] =	ssyncadd.s32 $0xFFFFC000;
	s21 =	smov.u32 s19;
	s22 =	sadd.s32 $0x10, s19  }
0x25: {  	[tilespmem:s3], [sflag:$0x2] =	stream.linear.gather [hbm4b:s20+s3], $0x80, $0x38;
	[tilespmem:$0x17D00] =	vst v63  }
0x26: {  	p0 =	sne.s32 s19, $0x4F0;
	_ =	swait.ge [sflag:s13], $0x80  }
0x27: {  	[sflag:s13] =	ssyncset.done $0x0  }
0x28: {  	s18 =	sadd.s32 s6, s18;
	[sflag:s13] =	ssyncadd.s32 $0xFFFFFF80  }
0x29: {  	[tilespmem:s14], [sflag:$0x2] =	stream.linear.gather [hbm4b:s18+s3], $0x80, $0x38;
	[tilespmem:$0x17D00] =	vst v63  }
0x2a: {  	_ =	swait.ge [sflag:s13], $0x80  }
0x2b: {  	[sflag:s13] =	ssyncset.done $0x0  }
0x2c: {  	[sflag:s13] =	ssyncadd.s32 $0xFFFFFF80  }
0x2d: {  	[tilespmem:s15], [sflag:$0x1] =	stream.indirect.gather [hbm4b:s4+s14], $0x80, s3, s14, $0xb8;
	[tilespmem:$0x17D00] =	vst v63  }
0x2e: {  	_ =	swait.ge [sflag:s16], $0x4000  }
.Ltmp0:
0x2f: {  	[sflag:s16] =	ssyncset.done $0x0;
	(pc) =	sbr.rel @p0 .LBB2_2-.Ltmp0, $4  }
0x30: {  	s18 =	sadd.s32 s21, s11;
	[sflag:s16] =	ssyncadd.s32 $0xFFFFC000  }
0x31: {  	[spmem:s2] =	stream.indirect.scatter.add.f32 [tilespmem:s15], [sflag:$0x2], $0x80, s14, s14, $0xb8;
	[tilespmem:$0x17D00] =	vst v63  }
0x32: {  	s19 =	sand.u32 $0x70, s21;
	s18 =	sand.u32 $0xFFFFF80, s18;
	_ =	swait.ge [sflag:s13], $0x4000  }
0x33: {  	s18 =	sor.u32 s19, s18;
	s19 =	smov.u32 s22;
	[sflag:s13] =	ssyncset.done $0x0  }
0x34: {  	s19 =	sadd.s32 s5, s18;
	[sflag:s13] =	ssyncadd.s32 $0xFFFFC000  }
0x35: {  	[tilespmem:s3], [sflag:$0x2] =	stream.linear.gather [hbm4b:s19+s3], $0x80, $0x38;
	[tilespmem:$0x17D00] =	vst v63  }
0x36: {  	_ =	swait.ge [sflag:s13], $0x80  }
0x37: {  	[sflag:s13] =	ssyncset.done $0x0  }
0x38: {  	s31 =	sadd.s32 s6, s18;
	[sflag:s13] =	ssyncadd.s32 $0xFFFFFF80  }
0x39: {  	[tilespmem:s14], [sflag:$0x2] =	stream.linear.gather [hbm4b:s31+s3], $0x80, $0x38;
	[tilespmem:$0x17D00] =	vst v63  }
0x3a: {  	_ =	swait.ge [sflag:s13], $0x80  }
0x3b: {  	[sflag:s13] =	ssyncset.done $0x0  }
0x3c: {  	[sflag:s13] =	ssyncadd.s32 $0xFFFFFF80  }
0x3d: {  	[tilespmem:s15], [sflag:$0x1] =	stream.indirect.gather [hbm4b:s4+s14], $0x80, s3, s14, $0xb8;
	[tilespmem:$0x17D00] =	vst v63  }
0x3e: {  	_ =	swait.ge [sflag:s16], $0x4000  }
0x3f: {  	[sflag:s16] =	ssyncset.done $0x0  }
0x40: {  	[sflag:s16] =	ssyncadd.s32 $0xFFFFC000  }
0x41: {  	[spmem:s2] =	stream.indirect.scatter.add.f32 [tilespmem:s15], [sflag:$0x2], $0x80, s14, s14, $0xb8;
	[tilespmem:$0x17D00] =	vst v63  }
0x42: {  	_ =	swait.ge [sflag:s13], $0x4000  }
0x43: {  	s17 =	sadd.s32 $0x1, s17;
	[sflag:s13] =	ssyncset.done $0x0  }
0x44: {  	p0 =	sne.s32 s17, s10;
	[sflag:s13] =	ssyncadd.s32 $0xFFFFC000  }
.Ltmp1:
0x45: {  	[bflag:$0x0] =	sbarrier.arrive $0xFFFF;
	(pc) =	sbr.rel @p0 .LBB2_1-.Ltmp1, $4  }
0x46: {  	[hbm:s9], [sflag:s8] =	dma.local [spmem:s12], $0x2780  }
0x47: {  	_ =	swait.ge [sflag:s13], $0x2780  }
0x48: {  	[sflag:s13] =	ssyncset.done $0x0  }
0x49: {  	[sflag:s13] =	ssyncadd.s32 $0xFFFFD880  }
0x4a: {  	_ =	sfence.sel $0x180000  }
0x4b: {  	[bflag:$0x0] =	sbarrier.arrive $0xFFFF  }
0x4c: {  	p0 =	sne.s32 s1, $0x0;
	_ =	strace $0x90000050  }
0x4d: {  	s0 =	sadd.s32 @!p0 $0x100000, s0;
	[bflag:$0x2] =	sbarrier.arrive $0xFFFF  }
0x4e: {  	[sflag:s0] =	ssyncadd.tile.s32 @!p0 $0x1;
	_ =	shalt  }
.Lfunc_end2:
_tile_overlayer_lowered:
.L_overlay_start_2:
0x4f: {  	(tag) =	ssettag $0x2  }
0x50: {  	s0 =	rddreg [dreg:$0x0];
	s2 =	stileid.u32  }
0x51: {  	s1 =	rddreg [dreg:$0x1];
	p0 =	sne.s32 s2, $0x0  }
0x52: {  	s3 =	rddreg [dreg:$0x2];
	[bflag:$0x3] =	sbarrier.arrive $0xFFFF;
	s2 =	simm.s32 @!p0 $0x1C02  }
0x53: {  	[timem:s3], [sflag:s2] =	dma.local @!p0 [hbm:s0], s1  }
0x54: {  	s0 =	simm.s32 @!p0 $0x2  }
0x55: {  	_ =	swait.ge @!p0 [sflag:s0], s1  }
0x56: {  	s1 =	ssub.s32 @!p0 $0x0, s1;
	[sflag:s0] =	ssyncset.done @!p0 $0x0  }
0x57: {  	[sflag:s0] =	ssyncadd.s32 @!p0 s1  }
0x58: {  	[bflag:$0x3] =	sbarrier.arrive $0xFFFF  }
0x59: {  	_ =	shalt  }

// kernel: kernel.45.cloned.1.call-start
scs
__scs_entry_jumppad:
0x0: {  	(pc) =	sbr.rel $0x88, $3  }
0x1: {  	(tag) =	ssettag $0x0;
	lr =	simm.s32 $0x1  }
0x2: {  	[smem:$0x3F98] =	sst lr;
	_ =	strace $0xD0000000  }
0x3: {  	_ = 	snop  }
0x4: {  	_ = 	snop  }
0x5: {  	_ = 	snop  }
0x6: {  	_ = 	snop  }
0x7: {  	_ = 	snop  }
__scs_overlays_trampoline_lowered:
0x8: {  	[smem:$0x3FA7] =	sst s0  }
0x9: {  	[smem:$0x3FA8] =	sst s1  }
0xa: {  	[smem:$0x3FA9] =	sst s2  }
0xb: {  	[smem:$0x3FAA] =	sst s3  }
0xc: {  	[smem:$0x3FAB] =	sst s4  }
0xd: {  	[smem:$0x3FAC] =	sst s5  }
0xe: {  	[smem:$0x3FAD] =	sst s6  }
0xf: {  	[smem:$0x3FAE] =	sst s7  }
0x10: {  	[smem:$0x3FAF] =	sst s8  }
0x11: {  	[smem:$0x3FB0] =	sst s9;
	s0 =	simm.s32 @!p0 $0x0  }
0x12: {  	s1 =	sld [smem:$0x3F96];
	s0 =	simm.s32 @p0 $0x1  }
0x13: {  	[smem:$0x3FB1] =	sst s0;
	s0 =	simm.s32 @!p1 $0x0  }
0x14: {  	s2 =	sld [smem:$0x3F95];
	s0 =	simm.s32 @p1 $0x1  }
0x15: {  	[smem:$0x3FB2] =	sst s0;
	s0 =	simm.s32 @!p2 $0x0  }
0x16: {  	s3 =	sld [smem:$0x3FDB];
	s0 =	simm.s32 @p2 $0x1  }
0x17: {  	s4 =	simm.s32 $0x1BF5;
	[smem:$0x3FB4] =	sst s0  }
0x18: {  	s0 =	sld [smem:$0x3F97];
	_ =	swait.ge [sflag:s4], $0x0  }
0x19: {  	s7 =	sld [smem:$0x3F98]  }
0x1a: {  	s8 =	sadd.s32 $0xFFFFE003, lr  }
0x1b: {  	s9 =	sadd.s32 $0xFFFFFEF7, lr;
	s5 =	simm.s32 $0xFFFFFFFF;
	p2 =	slt.u32 s8, $0xFFFFF086  }
0x1c: {  	p1 =	slt.u32 s9, $0xF7A;
	s5 =	simm.s32 @!p2 $0x0  }
0x1d: {  	s5 =	simm.s32 @p1 $0x1;
	p0 =	seq.s32 s7, s2  }
0x1e: {  	s7 =	smul.u32 @!p0 $0xF7A, s2;
	p2 =	seq.s32 @!p0 s5, $0x0  }
0x1f: {  	s9 =	smul.u32 $0xF7A, s1;
	s8 =	simm.s32 @!p0 $0x1BF5;
	p2 =	por !p2, p0  }
0x20: {  	[sflag:s8] =	ssyncset.s32 @!p0 $0xFFFFF086;
	s6 =	sadd.s32 @!p0 s3, s7;
	s7 =	simm.s32 @!p0 $0x108  }
0x21: {  	s3 =	sadd.s32 s3, s9;
	s6 =	sadd.s32 @!p0 $0x88, s6;
	s7 =	simm.s32 @p2 $0x1082  }
0x22: {  	[simem:s7], [sflag:s8] =	dma.local @!p0 [hbm:s6], $0xF7A  }
0x23: {  	s9 =	sor.u32 $0xD0000000, s2;
	s6 =	simm.s32 $0x108;
	_ =	swait.ge @!p0 [sflag:s8], $0x0  }
0x24: {  	s3 =	sadd.s32 $0x88, s3;
	s6 =	simm.s32 @!p1 $0x1082;
	[sflag:s4] =	ssyncset.s32 $0xFFFFF086  }
0x25: {  	[simem:s6], [sflag:s4] =	dma.local [hbm:s3], $0xF7A  }
0x26: {  	[smem:$0x3F98] =	sst s1;
	(tag) =	ssettag s2;
	_ =	strace s9  }
0x27: {  	s1 =	sld [smem:$0x3FA8]  }
0x28: {  	s2 =	sld [smem:$0x3FA9]  }
0x29: {  	s4 =	sld [smem:$0x3FAB]  }
0x2a: {  	p0 =	seq.s32 s5, $0x0;
	s5 =	sld [smem:$0x3FAC]  }
0x2b: {  	s6 =	sld [smem:$0x3FAD]  }
0x2c: {  	s7 =	sld [smem:$0x3FAE]  }
0x2d: {  	s3 =	simm.s32 $0x108;
	s8 =	sld [smem:$0x3FAF]  }
0x2e: {  	s3 =	simm.s32 @!p0 $0x1082;
	s9 =	sld [smem:$0x3FB0]  }
0x2f: {  	lr =	sadd.s32 s0, s3;
	s0 =	sld [smem:$0x3FA7]  }
0x30: {  	s3 =	sld [smem:$0x3FAA]  }
0x31: {  	[smem:$0x3FB3] =	sst s10  }
0x32: {  	s10 =	sld [smem:$0x3FB1];
	_ =	sdelay $0x3  }
0x33: {  	p0 =	seq.s32 s10, $0x1;
	s10 =	sld [smem:$0x3FB3];
	_ =	sdelay $0x3  }
0x34: {  	[smem:$0x3FB3] =	sst s10  }
0x35: {  	s10 =	sld [smem:$0x3FB2];
	_ =	sdelay $0x3  }
0x36: {  	p1 =	seq.s32 s10, $0x1;
	s10 =	sld [smem:$0x3FB3];
	_ =	sdelay $0x3  }
0x37: {  	[smem:$0x3FB3] =	sst s10  }
0x38: {  	s10 =	sld [smem:$0x3FB4]  }
0x39: {  	_ = 	snop;
	(pc) =	sbr.ind lr, $3  }
0x3a: {  	_ = 	snop  }
0x3b: {  	_ = 	snop  }
0x3c: {  	p2 =	seq.s32 s10, $0x1;
	s10 =	sld [smem:$0x3FB3]  }
0x3d: {  	_ =	shalt  }
0x3e: {  	_ =	shalt  }
0x3f: {  	_ =	shalt  }
0x40: {  	_ =	shalt  }
0x41: {  	_ =	shalt  }
0x42: {  	_ =	shalt  }
0x43: {  	_ =	shalt  }
0x44: {  	_ =	shalt  }
0x45: {  	_ =	shalt  }
0x46: {  	_ =	shalt  }
0x47: {  	_ =	shalt  }
0x48: {  	_ =	shalt  }
0x49: {  	_ =	shalt  }
0x4a: {  	_ =	shalt  }
0x4b: {  	_ =	shalt  }
0x4c: {  	_ =	shalt  }
0x4d: {  	_ =	shalt  }
0x4e: {  	_ =	shalt  }
0x4f: {  	_ =	shalt  }
0x50: {  	_ =	shalt  }
0x51: {  	_ =	shalt  }
0x52: {  	_ =	shalt  }
0x53: {  	_ =	shalt  }
0x54: {  	_ =	shalt  }
0x55: {  	_ =	shalt  }
0x56: {  	_ =	shalt  }
0x57: {  	_ =	shalt  }
0x58: {  	_ =	shalt  }
0x59: {  	_ =	shalt  }
0x5a: {  	_ =	shalt  }
0x5b: {  	_ =	shalt  }
0x5c: {  	_ =	shalt  }
0x5d: {  	_ =	shalt  }
0x5e: {  	_ =	shalt  }
0x5f: {  	_ =	shalt  }
0x60: {  	_ =	shalt  }
0x61: {  	_ =	shalt  }
0x62: {  	_ =	shalt  }
0x63: {  	_ =	shalt  }
0x64: {  	_ =	shalt  }
0x65: {  	_ =	shalt  }
0x66: {  	_ =	shalt  }
0x67: {  	_ =	shalt  }
0x68: {  	_ =	shalt  }
0x69: {  	_ =	shalt  }
0x6a: {  	_ =	shalt  }
0x6b: {  	_ =	shalt  }
0x6c: {  	_ =	shalt  }
0x6d: {  	_ =	shalt  }
0x6e: {  	_ =	shalt  }
0x6f: {  	_ =	shalt  }
0x70: {  	_ =	shalt  }
0x71: {  	_ =	shalt  }
0x72: {  	_ =	shalt  }
0x73: {  	_ =	shalt  }
0x74: {  	_ =	shalt  }
0x75: {  	_ =	shalt  }
0x76: {  	_ =	shalt  }
0x77: {  	_ =	shalt  }
0x78: {  	_ =	shalt  }
0x79: {  	_ =	shalt  }
0x7a: {  	_ =	shalt  }
0x7b: {  	_ =	shalt  }
0x7c: {  	_ =	shalt  }
0x7d: {  	_ =	shalt  }
0x7e: {  	_ =	shalt  }
0x7f: {  	_ =	shalt  }
0x80: {  	_ =	shalt  }
0x81: {  	_ =	shalt  }
0x82: {  	_ =	shalt  }
0x83: {  	_ =	shalt  }
0x84: {  	_ =	shalt  }
0x85: {  	_ =	shalt  }
0x86: {  	_ =	shalt  }
0x87: {  	_ =	shalt  }
.Lfunc_end0:
.L_simem_size_0:
called_computation.4_lowered:
.L_overlay_start_0:
0x88: {  	s2 =	sld [smem:$0x3FD9]  }
0x89: {  	s3 =	sld [smem:$0x3FFE];
	_ =	sdelay $0x1  }
0x8a: {  	s1 =	srdreg.scid  }
0x8b: {  	s0 =	sand.u32 $0x1, s1  }
0x8c: {  	s16 =	sshll.u32 s0, $0xA;
	s2 =	sadd.s32 s3, s2  }
0x8d: {  	s2 =	sadd.s32 s2, s16  }
0x8e: {  	[smem:$0x3FBF] =	sst s2  }
0x8f: {  	_ = 	snop  }
0x90: {  	(tm) =	ssettm $0x1  }
0x91: {  	s17 =	sld [smem:$0x3FFB];
	_ =	sdelay $0x3  }
0x92: {  	_ =	strace s17  }
0x93: {  	s2 =	sld [smem:$0x3FFC];
	_ =	sdelay $0x3  }
0x94: {  	_ =	strace s2  }
0x95: {  	s2 =	sld [smem:$0x3FFD];
	_ =	sdelay $0x3  }
0x96: {  	_ =	strace s2  }
0x97: {  	_ =	strace $0x8FFFFFFF  }
0x98: {  	s18 =	sld [smem:$0x3FDB];
	_ =	sdelay $0x1  }
0x99: {  	s19 =	simm.s32 $_scs_section_size  }
0x9a: {  	s4 =	simm.s32 $_size__tile_overlayer_lowered;
	s5 =	simm.s32 $_tile_overlayer_lowered  }
0x9b: {  	s22 =	simm.s32 $0x1BFF;
	s21 =	sshll.u32 s5, $0x1;
	s2 =	sadd.s32 s19, s18  }
0x9c: {  	s6 =	simm.s32 $0x0;
	s20 =	sshll.u32 s4, $0x1;
	s4 =	sadd.s32 s21, s2  }
0x9d: {  	[timem:s6], [sflag:s22] =	dma.local [hbm:s4], s20  }
0x9e: {  	_ =	swait.ge [sflag:s22], s20  }
0x9f: {  	s3 =	ssub.s32 $0x0, s20;
	[sflag:s22] =	ssyncset.done $0x0  }
0xa0: {  	[sflag:s22] =	ssyncadd.s32 s3;
	_ =	sdelay $0x1  }
0xa1: {  	s23 =	simm.s32 $0x1B8B  }
0xa2: {  	_ =	swait.ge [sflag:s23], $0x1  }
0xa3: {  	[sflag:s23] =	ssyncset.done $0x0  }
0xa4: {  	s25 =	simm.s32 $0x1B8E;
	s24 =	sld [smem:$0x3FFE];
	[sflag:s23] =	ssyncadd.s32 $0xFFFFFFFF  }
0xa5: {  	s26 =	simm.s32 $execute0_lowered;
	[smem:$0x3FD2] =	sst s25  }
0xa6: {  	s4 =	sshll.u32 s26, $0x1;
	_ =	strace $0x80000052;
	[dreg:$0x1] =	wrdreg $0xFFFFFFFF  }
0xa7: {  	s28 =	simm.s32 $_size_execute0_lowered;
	s2 =	sadd.s32 s2, s4;
	[dreg:$0x0] =	wrdreg $0x0  }
0xa8: {  	s4 =	sshll.u32 s28, $0x1;
	[dreg:$0x2] =	wrdreg s2  }
0xa9: {  	[dreg:$0x3] =	wrdreg s4  }
0xaa: {  	[dreg:$0x4] =	wrdreg $0xC0  }
0xab: {  	_ =	task [dreg:s6], $0x5FFFF  }
0xac: {  	[dreg:$0x1] =	wrdreg $0xFFFFFFFF  }
0xad: {  	[dreg:$0x0] =	wrdreg $0x60  }
0xae: {  	[dreg:$0x2] =	wrdreg s24  }
0xaf: {  	[dreg:$0x3] =	wrdreg $0x41000  }
0xb0: {  	[dreg:$0x4] =	wrdreg $0x9  }
0xb1: {  	_ =	task.clear_ibuf [dreg:s6], $0x5FFFF;
	_ =	strace $0x90000052  }
0xb2: {  	s29 =	simm.s32 $0x9;
	_ =	strace $0x80000054  }
0xb3: {  	_ =	swait.ge [sflag:s29], $0x1  }
0xb4: {  	[sflag:s29] =	ssyncadd.s32 $0xFFFFFFFF  }
0xb5: {  	_ =	strace $0x90000054  }
0xb6: {  	_ =	sfence  }
0xb7: {  	s30 =	sld [smem:$0x0];
	_ =	sdelay $0x2  }
0xb8: {  	s31 =	sshll.u32 s1, $0xD;
	s1 =	sshrl.u32 s1, $0x2  }
0xb9: {  	s3 =	sand.u32 $0x4000, s31;
	s1 =	sadd.s32 s1, s30  }
0xba: {  	s0 =	sor.u32 s3, s0;
	s1 =	sshll.u32 s1, $0x11  }
0xbb: {  	s0 =	sor.u32 s1, s0  }
0xbc: {  	s0 =	sadd.s32 $0x8F2B, s0  }
0xbd: {  	[sflag:s0] =	ssyncadd.remote.s32 $0x1  }
0xbe: {  	_ =	sfence.sel $0xFFFF  }
0xbf: {  	[dreg:$0x0] =	wrdreg $0xFFFFFFFF;
	(pc) =	sbr.abs _section_cstart, $3  }
0xc0: {  	[dreg:$0x1] =	wrdreg $0xFFFFFFFF  }
0xc1: {  	_ =	task.clear_ibuf [dreg:s6], $0x2FFFF;
	_ =	strace $0x9FFFFFFF  }
0xc2: {  	(tm) =	ssettm $0x7FFFFFFF  }
0xc3: {  	_ =	shalt  }
tec
execute0_lowered:
.L_overlay_start_1:
0x0: {  	(tag) =	ssettag $0x1  }
0x1: {  	s7 =	rddreg [dreg:$0x0]  }
0x2: {  	s2 =	rddreg [dreg:$0x1]  }
0x3: {  	s0 =	rddreg [dreg:$0x2];
	s3 =	simm.s32 $0x0  }
0x4: {  	s1 =	stileid.u32;
	s4 =	srdreg.scid;
	s16 =	simm.s32 $0x1  }
0x5: {  	s17 =	simm.s32 $0x0;
	[smem:$0x7FF] =	sst s3;
	s8 =	smul.u32 $0x2780, s1  }
0x6: {  	s9 =	sand.u32 $0x1, s4;
	s4 =	sadd.s32 $0x2CC00, s7;
	s13 =	smul.u32 $0x4F000, s1  }
0x7: {  	s5 =	sadd.s32 $0x18C00, s7;
	s6 =	sadd.s32 $0x22C00, s7;
	s31 =	smul.u32 $0x500, s1  }
0x8: {  	s30 =	sshll.u32 s1, $0x6;
	_ =	strace $0x80000053;
	s10 =	smul.u32 $0x27800, s9  }
0x9: {  	s12 =	ssub.s32 $0x2, s9;
	s28 =	smul.u32 $0x5000, s9;
	s11 =	sadd.s32 s8, s7  }
0xa: {  	s26 =	sshrl.u32 s12, $0x1;
	s29 =	sshrl.u32 s13, $0x2;
	s13 =	simm.s32 $0x2  }
0xb: {  	s8 =	sadd.s32 s8, s10;
	s10 =	ssub.s32 s12, s26;
	s15 =	sadd.s32 s29, s2  }
0xc: {  	s14 =	sadd.s32 s8, s7;
	s7 =	sadd.s32 $0x53E00, s11;
	s8 =	sor.u32 $0x1C02, s30  }
0xd: {  	s10 =	smax.u32 s10, $0x1;
	s11 =	sadd.s32 s31, s28;
	s12 =	sshrl.u32 s15, $0x3  }
0xe: {  	s15 =	simm.s32 $0x100;
	s9 =	sadd.s32 $0xA2800, s14;
	s14 =	simm.s32 $0x80  }
.LBB2_1:
0xf: {  	[spmem:s12], [sflag:s8] =	dma.local [hbm:s7], $0x2780  }
0x10: {  	s18 =	sadd.s32 $0x0, s11;
	_ =	swait.ge [sflag:s13], $0x2780  }
0x11: {  	s19 =	sand.u32 $0x70, s3;
	s18 =	sand.u32 $0xFFFFF80, s18;
	[sflag:s13] =	ssyncset.done $0x0  }
0x12: {  	s18 =	sor.u32 s19, s18;
	[sflag:s13] =	ssyncadd.s32 $0xFFFFD880  }
0x13: {  	s19 =	sadd.s32 s5, s18;
	[bflag:$0x0] =	sbarrier.arrive $0xFFFF  }
0x14: {  	[tilespmem:s3], [sflag:$0x2] =	stream.linear.gather [hbm4b:s19+s3], $0x80, $0x38;
	[tilespmem:$0x17D00] =	vst v63  }
0x15: {  	_ =	swait.ge [sflag:s13], $0x80  }
0x16: {  	[sflag:s13] =	ssyncset.done $0x0  }
0x17: {  	s18 =	sadd.s32 s6, s18;
	[sflag:s13] =	ssyncadd.s32 $0xFFFFFF80  }
0x18: {  	[tilespmem:s14], [sflag:$0x2] =	stream.linear.gather [hbm4b:s18+s3], $0x80, $0x38;
	[tilespmem:$0x17D00] =	vst v63  }
0x19: {  	_ =	swait.ge [sflag:s13], $0x80  }
0x1a: {  	[sflag:s13] =	ssyncset.done $0x0  }
0x1b: {  	[sflag:s13] =	ssyncadd.s32 $0xFFFFFF80  }
0x1c: {  	[tilespmem:s15], [sflag:$0x1] =	stream.indirect.gather [hbm4b:s4+s14], $0x80, s3, s14, $0xb8;
	[tilespmem:$0x17D00] =	vst v63  }
0x1d: {  	_ =	swait.ge [sflag:s16], $0x4000  }
0x1e: {  	[sflag:s16] =	ssyncset.done $0x0  }
0x1f: {  	s30 =	simm.s32 $0x10;
	s31 =	sadd.s32 $0x10, s11;
	[sflag:s16] =	ssyncadd.s32 $0xFFFFC000  }
0x20: {  	[spmem:s2] =	stream.indirect.scatter.add.f32 [tilespmem:s15], [sflag:$0x2], $0x80, s14, s14, $0xb8;
	[tilespmem:$0x17D00] =	vst v63  }
0x21: {  	s20 =	sand.u32 $0xFFFFF80, s31;
	s18 =	sand.u32 $0x70, s30;
	_ =	swait.ge [sflag:s13], $0x4000  }
0x22: {  	s19 =	simm.s32 $0x20;
	s18 =	sor.u32 s18, s20;
	[sflag:s13] =	ssyncset.done $0x0  }
.LBB2_2:
0x23: {  	s20 =	sadd.s32 s5, s18  }
0x24: {  	[sflag:s13] =	ssyncadd.s32 $0xFFFFC000;
	s21 =	smov.u32 s19;
	s22 =	sadd.s32 $0x10, s19  }
0x25: {  	[tilespmem:s3], [sflag:$0x2] =	stream.linear.gather [hbm4b:s20+s3], $0x80, $0x38;
	[tilespmem:$0x17D00] =	vst v63  }
0x26: {  	p0 =	sne.s32 s19, $0x4F0;
	_ =	swait.ge [sflag:s13], $0x80  }
0x27: {  	[sflag:s13] =	ssyncset.done $0x0  }
0x28: {  	s18 =	sadd.s32 s6, s18;
	[sflag:s13] =	ssyncadd.s32 $0xFFFFFF80  }
0x29: {  	[tilespmem:s14], [sflag:$0x2] =	stream.linear.gather [hbm4b:s18+s3], $0x80, $0x38;
	[tilespmem:$0x17D00] =	vst v63  }
0x2a: {  	_ =	swait.ge [sflag:s13], $0x80  }
0x2b: {  	[sflag:s13] =	ssyncset.done $0x0  }
0x2c: {  	[sflag:s13] =	ssyncadd.s32 $0xFFFFFF80  }
0x2d: {  	[tilespmem:s15], [sflag:$0x1] =	stream.indirect.gather [hbm4b:s4+s14], $0x80, s3, s14, $0xb8;
	[tilespmem:$0x17D00] =	vst v63  }
0x2e: {  	_ =	swait.ge [sflag:s16], $0x4000  }
.Ltmp0:
0x2f: {  	[sflag:s16] =	ssyncset.done $0x0;
	(pc) =	sbr.rel @p0 .LBB2_2-.Ltmp0, $4  }
0x30: {  	s18 =	sadd.s32 s21, s11;
	[sflag:s16] =	ssyncadd.s32 $0xFFFFC000  }
0x31: {  	[spmem:s2] =	stream.indirect.scatter.add.f32 [tilespmem:s15], [sflag:$0x2], $0x80, s14, s14, $0xb8;
	[tilespmem:$0x17D00] =	vst v63  }
0x32: {  	s19 =	sand.u32 $0x70, s21;
	s18 =	sand.u32 $0xFFFFF80, s18;
	_ =	swait.ge [sflag:s13], $0x4000  }
0x33: {  	s18 =	sor.u32 s19, s18;
	s19 =	smov.u32 s22;
	[sflag:s13] =	ssyncset.done $0x0  }
0x34: {  	s19 =	sadd.s32 s5, s18;
	[sflag:s13] =	ssyncadd.s32 $0xFFFFC000  }
0x35: {  	[tilespmem:s3], [sflag:$0x2] =	stream.linear.gather [hbm4b:s19+s3], $0x80, $0x38;
	[tilespmem:$0x17D00] =	vst v63  }
0x36: {  	_ =	swait.ge [sflag:s13], $0x80  }
0x37: {  	[sflag:s13] =	ssyncset.done $0x0  }
0x38: {  	s31 =	sadd.s32 s6, s18;
	[sflag:s13] =	ssyncadd.s32 $0xFFFFFF80  }
0x39: {  	[tilespmem:s14], [sflag:$0x2] =	stream.linear.gather [hbm4b:s31+s3], $0x80, $0x38;
	[tilespmem:$0x17D00] =	vst v63  }
0x3a: {  	_ =	swait.ge [sflag:s13], $0x80  }
0x3b: {  	[sflag:s13] =	ssyncset.done $0x0  }
0x3c: {  	[sflag:s13] =	ssyncadd.s32 $0xFFFFFF80  }
0x3d: {  	[tilespmem:s15], [sflag:$0x1] =	stream.indirect.gather [hbm4b:s4+s14], $0x80, s3, s14, $0xb8;
	[tilespmem:$0x17D00] =	vst v63  }
0x3e: {  	_ =	swait.ge [sflag:s16], $0x4000  }
0x3f: {  	[sflag:s16] =	ssyncset.done $0x0  }
0x40: {  	[sflag:s16] =	ssyncadd.s32 $0xFFFFC000  }
0x41: {  	[spmem:s2] =	stream.indirect.scatter.add.f32 [tilespmem:s15], [sflag:$0x2], $0x80, s14, s14, $0xb8;
	[tilespmem:$0x17D00] =	vst v63  }
0x42: {  	_ =	swait.ge [sflag:s13], $0x4000  }
0x43: {  	s17 =	sadd.s32 $0x1, s17;
	[sflag:s13] =	ssyncset.done $0x0  }
0x44: {  	p0 =	sne.s32 s17, s10;
	[sflag:s13] =	ssyncadd.s32 $0xFFFFC000  }
.Ltmp1:
0x45: {  	[bflag:$0x0] =	sbarrier.arrive $0xFFFF;
	(pc) =	sbr.rel @p0 .LBB2_1-.Ltmp1, $4  }
0x46: {  	[hbm:s9], [sflag:s8] =	dma.local [spmem:s12], $0x2780  }
0x47: {  	_ =	swait.ge [sflag:s13], $0x2780  }
0x48: {  	[sflag:s13] =	ssyncset.done $0x0  }
0x49: {  	[sflag:s13] =	ssyncadd.s32 $0xFFFFD880  }
0x4a: {  	_ =	sfence.sel $0x180000  }
0x4b: {  	[bflag:$0x0] =	sbarrier.arrive $0xFFFF  }
0x4c: {  	p0 =	sne.s32 s1, $0x0;
	_ =	strace $0x90000053  }
0x4d: {  	s0 =	sadd.s32 @!p0 $0x100000, s0;
	[bflag:$0x2] =	sbarrier.arrive $0xFFFF  }
0x4e: {  	[sflag:s0] =	ssyncadd.tile.s32 @!p0 $0x1;
	_ =	shalt  }
.Lfunc_end2:
_tile_overlayer_lowered:
.L_overlay_start_2:
0x4f: {  	(tag) =	ssettag $0x2  }
0x50: {  	s0 =	rddreg [dreg:$0x0];
	s2 =	stileid.u32  }
0x51: {  	s1 =	rddreg [dreg:$0x1];
	p0 =	sne.s32 s2, $0x0  }
0x52: {  	s3 =	rddreg [dreg:$0x2];
	[bflag:$0x3] =	sbarrier.arrive $0xFFFF;
	s2 =	simm.s32 @!p0 $0x1C02  }
0x53: {  	[timem:s3], [sflag:s2] =	dma.local @!p0 [hbm:s0], s1  }
0x54: {  	s0 =	simm.s32 @!p0 $0x2  }
0x55: {  	_ =	swait.ge @!p0 [sflag:s0], s1  }
0x56: {  	s1 =	ssub.s32 @!p0 $0x0, s1;
	[sflag:s0] =	ssyncset.done @!p0 $0x0  }
0x57: {  	[sflag:s0] =	ssyncadd.s32 @!p0 s1  }
0x58: {  	[bflag:$0x3] =	sbarrier.arrive $0xFFFF  }
0x59: {  	_ =	shalt  }

// kernel: kernel.48.cloned.1.call-start
scs
__scs_entry_jumppad:
0x0: {  	(pc) =	sbr.rel $0x88, $3  }
0x1: {  	(tag) =	ssettag $0x0;
	lr =	simm.s32 $0x1  }
0x2: {  	[smem:$0x3F98] =	sst lr;
	_ =	strace $0xD0000000  }
0x3: {  	_ = 	snop  }
0x4: {  	_ = 	snop  }
0x5: {  	_ = 	snop  }
0x6: {  	_ = 	snop  }
0x7: {  	_ = 	snop  }
__scs_overlays_trampoline_lowered:
0x8: {  	[smem:$0x3FA7] =	sst s0  }
0x9: {  	[smem:$0x3FA8] =	sst s1  }
0xa: {  	[smem:$0x3FA9] =	sst s2  }
0xb: {  	[smem:$0x3FAA] =	sst s3  }
0xc: {  	[smem:$0x3FAB] =	sst s4  }
0xd: {  	[smem:$0x3FAC] =	sst s5  }
0xe: {  	[smem:$0x3FAD] =	sst s6  }
0xf: {  	[smem:$0x3FAE] =	sst s7  }
0x10: {  	[smem:$0x3FAF] =	sst s8  }
0x11: {  	[smem:$0x3FB0] =	sst s9;
	s0 =	simm.s32 @!p0 $0x0  }
0x12: {  	s1 =	sld [smem:$0x3F96];
	s0 =	simm.s32 @p0 $0x1  }
0x13: {  	[smem:$0x3FB1] =	sst s0;
	s0 =	simm.s32 @!p1 $0x0  }
0x14: {  	s2 =	sld [smem:$0x3F95];
	s0 =	simm.s32 @p1 $0x1  }
0x15: {  	[smem:$0x3FB2] =	sst s0;
	s0 =	simm.s32 @!p2 $0x0  }
0x16: {  	s3 =	sld [smem:$0x3FDB];
	s0 =	simm.s32 @p2 $0x1  }
0x17: {  	s4 =	simm.s32 $0x1BF5;
	[smem:$0x3FB4] =	sst s0  }
0x18: {  	s0 =	sld [smem:$0x3F97];
	_ =	swait.ge [sflag:s4], $0x0  }
0x19: {  	s7 =	sld [smem:$0x3F98]  }
0x1a: {  	s8 =	sadd.s32 $0xFFFFE003, lr  }
0x1b: {  	s9 =	sadd.s32 $0xFFFFFEF7, lr;
	s5 =	simm.s32 $0xFFFFFFFF;
	p2 =	slt.u32 s8, $0xFFFFF086  }
0x1c: {  	p1 =	slt.u32 s9, $0xF7A;
	s5 =	simm.s32 @!p2 $0x0  }
0x1d: {  	s5 =	simm.s32 @p1 $0x1;
	p0 =	seq.s32 s7, s2  }
0x1e: {  	s7 =	smul.u32 @!p0 $0xF7A, s2;
	p2 =	seq.s32 @!p0 s5, $0x0  }
0x1f: {  	s9 =	smul.u32 $0xF7A, s1;
	s8 =	simm.s32 @!p0 $0x1BF5;
	p2 =	por !p2, p0  }
0x20: {  	[sflag:s8] =	ssyncset.s32 @!p0 $0xFFFFF086;
	s6 =	sadd.s32 @!p0 s3, s7;
	s7 =	simm.s32 @!p0 $0x108  }
0x21: {  	s3 =	sadd.s32 s3, s9;
	s6 =	sadd.s32 @!p0 $0x88, s6;
	s7 =	simm.s32 @p2 $0x1082  }
0x22: {  	[simem:s7], [sflag:s8] =	dma.local @!p0 [hbm:s6], $0xF7A  }
0x23: {  	s9 =	sor.u32 $0xD0000000, s2;
	s6 =	simm.s32 $0x108;
	_ =	swait.ge @!p0 [sflag:s8], $0x0  }
0x24: {  	s3 =	sadd.s32 $0x88, s3;
	s6 =	simm.s32 @!p1 $0x1082;
	[sflag:s4] =	ssyncset.s32 $0xFFFFF086  }
0x25: {  	[simem:s6], [sflag:s4] =	dma.local [hbm:s3], $0xF7A  }
0x26: {  	[smem:$0x3F98] =	sst s1;
	(tag) =	ssettag s2;
	_ =	strace s9  }
0x27: {  	s1 =	sld [smem:$0x3FA8]  }
0x28: {  	s2 =	sld [smem:$0x3FA9]  }
0x29: {  	s4 =	sld [smem:$0x3FAB]  }
0x2a: {  	p0 =	seq.s32 s5, $0x0;
	s5 =	sld [smem:$0x3FAC]  }
0x2b: {  	s6 =	sld [smem:$0x3FAD]  }
0x2c: {  	s7 =	sld [smem:$0x3FAE]  }
0x2d: {  	s3 =	simm.s32 $0x108;
	s8 =	sld [smem:$0x3FAF]  }
0x2e: {  	s3 =	simm.s32 @!p0 $0x1082;
	s9 =	sld [smem:$0x3FB0]  }
0x2f: {  	lr =	sadd.s32 s0, s3;
	s0 =	sld [smem:$0x3FA7]  }
0x30: {  	s3 =	sld [smem:$0x3FAA]  }
0x31: {  	[smem:$0x3FB3] =	sst s10  }
0x32: {  	s10 =	sld [smem:$0x3FB1];
	_ =	sdelay $0x3  }
0x33: {  	p0 =	seq.s32 s10, $0x1;
	s10 =	sld [smem:$0x3FB3];
	_ =	sdelay $0x3  }
0x34: {  	[smem:$0x3FB3] =	sst s10  }
0x35: {  	s10 =	sld [smem:$0x3FB2];
	_ =	sdelay $0x3  }
0x36: {  	p1 =	seq.s32 s10, $0x1;
	s10 =	sld [smem:$0x3FB3];
	_ =	sdelay $0x3  }
0x37: {  	[smem:$0x3FB3] =	sst s10  }
0x38: {  	s10 =	sld [smem:$0x3FB4]  }
0x39: {  	_ = 	snop;
	(pc) =	sbr.ind lr, $3  }
0x3a: {  	_ = 	snop  }
0x3b: {  	_ = 	snop  }
0x3c: {  	p2 =	seq.s32 s10, $0x1;
	s10 =	sld [smem:$0x3FB3]  }
0x3d: {  	_ =	shalt  }
0x3e: {  	_ =	shalt  }
0x3f: {  	_ =	shalt  }
0x40: {  	_ =	shalt  }
0x41: {  	_ =	shalt  }
0x42: {  	_ =	shalt  }
0x43: {  	_ =	shalt  }
0x44: {  	_ =	shalt  }
0x45: {  	_ =	shalt  }
0x46: {  	_ =	shalt  }
0x47: {  	_ =	shalt  }
0x48: {  	_ =	shalt  }
0x49: {  	_ =	shalt  }
0x4a: {  	_ =	shalt  }
0x4b: {  	_ =	shalt  }
0x4c: {  	_ =	shalt  }
0x4d: {  	_ =	shalt  }
0x4e: {  	_ =	shalt  }
0x4f: {  	_ =	shalt  }
0x50: {  	_ =	shalt  }
0x51: {  	_ =	shalt  }
0x52: {  	_ =	shalt  }
0x53: {  	_ =	shalt  }
0x54: {  	_ =	shalt  }
0x55: {  	_ =	shalt  }
0x56: {  	_ =	shalt  }
0x57: {  	_ =	shalt  }
0x58: {  	_ =	shalt  }
0x59: {  	_ =	shalt  }
0x5a: {  	_ =	shalt  }
0x5b: {  	_ =	shalt  }
0x5c: {  	_ =	shalt  }
0x5d: {  	_ =	shalt  }
0x5e: {  	_ =	shalt  }
0x5f: {  	_ =	shalt  }
0x60: {  	_ =	shalt  }
0x61: {  	_ =	shalt  }
0x62: {  	_ =	shalt  }
0x63: {  	_ =	shalt  }
0x64: {  	_ =	shalt  }
0x65: {  	_ =	shalt  }
0x66: {  	_ =	shalt  }
0x67: {  	_ =	shalt  }
0x68: {  	_ =	shalt  }
0x69: {  	_ =	shalt  }
0x6a: {  	_ =	shalt  }
0x6b: {  	_ =	shalt  }
0x6c: {  	_ =	shalt  }
0x6d: {  	_ =	shalt  }
0x6e: {  	_ =	shalt  }
0x6f: {  	_ =	shalt  }
0x70: {  	_ =	shalt  }
0x71: {  	_ =	shalt  }
0x72: {  	_ =	shalt  }
0x73: {  	_ =	shalt  }
0x74: {  	_ =	shalt  }
0x75: {  	_ =	shalt  }
0x76: {  	_ =	shalt  }
0x77: {  	_ =	shalt  }
0x78: {  	_ =	shalt  }
0x79: {  	_ =	shalt  }
0x7a: {  	_ =	shalt  }
0x7b: {  	_ =	shalt  }
0x7c: {  	_ =	shalt  }
0x7d: {  	_ =	shalt  }
0x7e: {  	_ =	shalt  }
0x7f: {  	_ =	shalt  }
0x80: {  	_ =	shalt  }
0x81: {  	_ =	shalt  }
0x82: {  	_ =	shalt  }
0x83: {  	_ =	shalt  }
0x84: {  	_ =	shalt  }
0x85: {  	_ =	shalt  }
0x86: {  	_ =	shalt  }
0x87: {  	_ =	shalt  }
.Lfunc_end0:
.L_simem_size_0:
called_computation.5_lowered:
.L_overlay_start_0:
0x88: {  	s2 =	sld [smem:$0x3FD9]  }
0x89: {  	s3 =	sld [smem:$0x3FFE];
	_ =	sdelay $0x1  }
0x8a: {  	s1 =	srdreg.scid  }
0x8b: {  	s0 =	sand.u32 $0x1, s1  }
0x8c: {  	s16 =	sshll.u32 s0, $0xA;
	s2 =	sadd.s32 s3, s2  }
0x8d: {  	s2 =	sadd.s32 s2, s16  }
0x8e: {  	[smem:$0x3FBF] =	sst s2  }
0x8f: {  	_ = 	snop  }
0x90: {  	(tm) =	ssettm $0x1  }
0x91: {  	s17 =	sld [smem:$0x3FFB];
	_ =	sdelay $0x3  }
0x92: {  	_ =	strace s17  }
0x93: {  	s2 =	sld [smem:$0x3FFC];
	_ =	sdelay $0x3  }
0x94: {  	_ =	strace s2  }
0x95: {  	s2 =	sld [smem:$0x3FFD];
	_ =	sdelay $0x3  }
0x96: {  	_ =	strace s2  }
0x97: {  	_ =	strace $0x8FFFFFFF  }
0x98: {  	s18 =	sld [smem:$0x3FDB];
	_ =	sdelay $0x1  }
0x99: {  	s19 =	simm.s32 $_scs_section_size  }
0x9a: {  	s4 =	simm.s32 $_size__tile_overlayer_lowered;
	s5 =	simm.s32 $_tile_overlayer_lowered  }
0x9b: {  	s22 =	simm.s32 $0x1BFF;
	s21 =	sshll.u32 s5, $0x1;
	s2 =	sadd.s32 s19, s18  }
0x9c: {  	s6 =	simm.s32 $0x0;
	s20 =	sshll.u32 s4, $0x1;
	s4 =	sadd.s32 s21, s2  }
0x9d: {  	[timem:s6], [sflag:s22] =	dma.local [hbm:s4], s20  }
0x9e: {  	_ =	swait.ge [sflag:s22], s20  }
0x9f: {  	s3 =	ssub.s32 $0x0, s20;
	[sflag:s22] =	ssyncset.done $0x0  }
0xa0: {  	[sflag:s22] =	ssyncadd.s32 s3;
	_ =	sdelay $0x1  }
0xa1: {  	s23 =	simm.s32 $0x1B8B  }
0xa2: {  	_ =	swait.ge [sflag:s23], $0x1  }
0xa3: {  	[sflag:s23] =	ssyncset.done $0x0  }
0xa4: {  	s25 =	simm.s32 $0x1B8E;
	s24 =	sld [smem:$0x3FFE];
	[sflag:s23] =	ssyncadd.s32 $0xFFFFFFFF  }
0xa5: {  	s26 =	simm.s32 $execute0_lowered;
	[smem:$0x3FD2] =	sst s25  }
0xa6: {  	s4 =	sshll.u32 s26, $0x1;
	_ =	strace $0x80000055;
	[dreg:$0x1] =	wrdreg $0xFFFFFFFF  }
0xa7: {  	s28 =	simm.s32 $_size_execute0_lowered;
	s2 =	sadd.s32 s2, s4;
	[dreg:$0x0] =	wrdreg $0x0  }
0xa8: {  	s4 =	sshll.u32 s28, $0x1;
	[dreg:$0x2] =	wrdreg s2  }
0xa9: {  	[dreg:$0x3] =	wrdreg s4  }
0xaa: {  	[dreg:$0x4] =	wrdreg $0xC0  }
0xab: {  	_ =	task [dreg:s6], $0x5FFFF  }
0xac: {  	[dreg:$0x1] =	wrdreg $0xFFFFFFFF  }
0xad: {  	[dreg:$0x0] =	wrdreg $0x60  }
0xae: {  	[dreg:$0x2] =	wrdreg s24  }
0xaf: {  	[dreg:$0x3] =	wrdreg $0x41000  }
0xb0: {  	[dreg:$0x4] =	wrdreg $0x9  }
0xb1: {  	_ =	task.clear_ibuf [dreg:s6], $0x5FFFF;
	_ =	strace $0x90000055  }
0xb2: {  	s29 =	simm.s32 $0x9;
	_ =	strace $0x80000057  }
0xb3: {  	_ =	swait.ge [sflag:s29], $0x1  }
0xb4: {  	[sflag:s29] =	ssyncadd.s32 $0xFFFFFFFF  }
0xb5: {  	_ =	strace $0x90000057  }
0xb6: {  	_ =	sfence  }
0xb7: {  	s30 =	sld [smem:$0x0];
	_ =	sdelay $0x2  }
0xb8: {  	s31 =	sshll.u32 s1, $0xD;
	s1 =	sshrl.u32 s1, $0x2  }
0xb9: {  	s3 =	sand.u32 $0x4000, s31;
	s1 =	sadd.s32 s1, s30  }
0xba: {  	s0 =	sor.u32 s3, s0;
	s1 =	sshll.u32 s1, $0x11  }
0xbb: {  	s0 =	sor.u32 s1, s0  }
0xbc: {  	s0 =	sadd.s32 $0x8F2B, s0  }
0xbd: {  	[sflag:s0] =	ssyncadd.remote.s32 $0x1  }
0xbe: {  	_ =	sfence.sel $0xFFFF  }
0xbf: {  	[dreg:$0x0] =	wrdreg $0xFFFFFFFF;
	(pc) =	sbr.abs _section_cstart, $3  }
0xc0: {  	[dreg:$0x1] =	wrdreg $0xFFFFFFFF  }
0xc1: {  	_ =	task.clear_ibuf [dreg:s6], $0x2FFFF;
	_ =	strace $0x9FFFFFFF  }
0xc2: {  	(tm) =	ssettm $0x7FFFFFFF  }
0xc3: {  	_ =	shalt  }
tec
execute0_lowered:
.L_overlay_start_1:
0x0: {  	(tag) =	ssettag $0x1  }
0x1: {  	s7 =	rddreg [dreg:$0x0]  }
0x2: {  	s2 =	rddreg [dreg:$0x1]  }
0x3: {  	s0 =	rddreg [dreg:$0x2];
	s3 =	simm.s32 $0x0  }
0x4: {  	s1 =	stileid.u32;
	s4 =	srdreg.scid;
	s16 =	simm.s32 $0x1  }
0x5: {  	s17 =	simm.s32 $0x0;
	[smem:$0x7FF] =	sst s3;
	s8 =	smul.u32 $0x2780, s1  }
0x6: {  	s9 =	sand.u32 $0x1, s4;
	s4 =	sadd.s32 $0xF1800, s7;
	s13 =	smul.u32 $0x4F000, s1  }
0x7: {  	s5 =	sadd.s32 $0x18C00, s7;
	s6 =	sadd.s32 $0x22C00, s7;
	s31 =	smul.u32 $0x500, s1  }
0x8: {  	s30 =	sshll.u32 s1, $0x6;
	_ =	strace $0x80000056;
	s10 =	smul.u32 $0x27800, s9  }
0x9: {  	s12 =	ssub.s32 $0x2, s9;
	s28 =	smul.u32 $0x5000, s9;
	s11 =	sadd.s32 s8, s7  }
0xa: {  	s26 =	sshrl.u32 s12, $0x1;
	s29 =	sshrl.u32 s13, $0x2;
	s13 =	simm.s32 $0x2  }
0xb: {  	s8 =	sadd.s32 s8, s10;
	s10 =	ssub.s32 s12, s26;
	s15 =	sadd.s32 s29, s2  }
0xc: {  	s14 =	sadd.s32 s8, s7;
	s7 =	sadd.s32 $0x53E00, s11;
	s8 =	sor.u32 $0x1C02, s30  }
0xd: {  	s10 =	smax.u32 s10, $0x1;
	s11 =	sadd.s32 s31, s28;
	s12 =	sshrl.u32 s15, $0x3  }
0xe: {  	s15 =	simm.s32 $0x100;
	s9 =	sadd.s32 $0x118A00, s14;
	s14 =	simm.s32 $0x80  }
.LBB2_1:
0xf: {  	[spmem:s12], [sflag:s8] =	dma.local [hbm:s7], $0x2780  }
0x10: {  	s18 =	sadd.s32 $0x0, s11;
	_ =	swait.ge [sflag:s13], $0x2780  }
0x11: {  	s19 =	sand.u32 $0x70, s3;
	s18 =	sand.u32 $0xFFFFF80, s18;
	[sflag:s13] =	ssyncset.done $0x0  }
0x12: {  	s18 =	sor.u32 s19, s18;
	[sflag:s13] =	ssyncadd.s32 $0xFFFFD880  }
0x13: {  	s19 =	sadd.s32 s5, s18;
	[bflag:$0x0] =	sbarrier.arrive $0xFFFF  }
0x14: {  	[tilespmem:s3], [sflag:$0x2] =	stream.linear.gather [hbm4b:s19+s3], $0x80, $0x38;
	[tilespmem:$0x17D00] =	vst v63  }
0x15: {  	_ =	swait.ge [sflag:s13], $0x80  }
0x16: {  	[sflag:s13] =	ssyncset.done $0x0  }
0x17: {  	s18 =	sadd.s32 s6, s18;
	[sflag:s13] =	ssyncadd.s32 $0xFFFFFF80  }
0x18: {  	[tilespmem:s14], [sflag:$0x2] =	stream.linear.gather [hbm4b:s18+s3], $0x80, $0x38;
	[tilespmem:$0x17D00] =	vst v63  }
0x19: {  	_ =	swait.ge [sflag:s13], $0x80  }
0x1a: {  	[sflag:s13] =	ssyncset.done $0x0  }
0x1b: {  	[sflag:s13] =	ssyncadd.s32 $0xFFFFFF80  }
0x1c: {  	[tilespmem:s15], [sflag:$0x1] =	stream.indirect.gather [hbm4b:s4+s14], $0x80, s3, s14, $0xb8;
	[tilespmem:$0x17D00] =	vst v63  }
0x1d: {  	_ =	swait.ge [sflag:s16], $0x4000  }
0x1e: {  	[sflag:s16] =	ssyncset.done $0x0  }
0x1f: {  	s30 =	simm.s32 $0x10;
	s31 =	sadd.s32 $0x10, s11;
	[sflag:s16] =	ssyncadd.s32 $0xFFFFC000  }
0x20: {  	[spmem:s2] =	stream.indirect.scatter.add.f32 [tilespmem:s15], [sflag:$0x2], $0x80, s14, s14, $0xb8;
	[tilespmem:$0x17D00] =	vst v63  }
0x21: {  	s20 =	sand.u32 $0xFFFFF80, s31;
	s18 =	sand.u32 $0x70, s30;
	_ =	swait.ge [sflag:s13], $0x4000  }
0x22: {  	s19 =	simm.s32 $0x20;
	s18 =	sor.u32 s18, s20;
	[sflag:s13] =	ssyncset.done $0x0  }
.LBB2_2:
0x23: {  	s20 =	sadd.s32 s5, s18  }
0x24: {  	[sflag:s13] =	ssyncadd.s32 $0xFFFFC000;
	s21 =	smov.u32 s19;
	s22 =	sadd.s32 $0x10, s19  }
0x25: {  	[tilespmem:s3], [sflag:$0x2] =	stream.linear.gather [hbm4b:s20+s3], $0x80, $0x38;
	[tilespmem:$0x17D00] =	vst v63  }
0x26: {  	p0 =	sne.s32 s19, $0x4F0;
	_ =	swait.ge [sflag:s13], $0x80  }
0x27: {  	[sflag:s13] =	ssyncset.done $0x0  }
0x28: {  	s18 =	sadd.s32 s6, s18;
	[sflag:s13] =	ssyncadd.s32 $0xFFFFFF80  }
0x29: {  	[tilespmem:s14], [sflag:$0x2] =	stream.linear.gather [hbm4b:s18+s3], $0x80, $0x38;
	[tilespmem:$0x17D00] =	vst v63  }
0x2a: {  	_ =	swait.ge [sflag:s13], $0x80  }
0x2b: {  	[sflag:s13] =	ssyncset.done $0x0  }
0x2c: {  	[sflag:s13] =	ssyncadd.s32 $0xFFFFFF80  }
0x2d: {  	[tilespmem:s15], [sflag:$0x1] =	stream.indirect.gather [hbm4b:s4+s14], $0x80, s3, s14, $0xb8;
	[tilespmem:$0x17D00] =	vst v63  }
0x2e: {  	_ =	swait.ge [sflag:s16], $0x4000  }
.Ltmp0:
0x2f: {  	[sflag:s16] =	ssyncset.done $0x0;
	(pc) =	sbr.rel @p0 .LBB2_2-.Ltmp0, $4  }
0x30: {  	s18 =	sadd.s32 s21, s11;
	[sflag:s16] =	ssyncadd.s32 $0xFFFFC000  }
0x31: {  	[spmem:s2] =	stream.indirect.scatter.add.f32 [tilespmem:s15], [sflag:$0x2], $0x80, s14, s14, $0xb8;
	[tilespmem:$0x17D00] =	vst v63  }
0x32: {  	s19 =	sand.u32 $0x70, s21;
	s18 =	sand.u32 $0xFFFFF80, s18;
	_ =	swait.ge [sflag:s13], $0x4000  }
0x33: {  	s18 =	sor.u32 s19, s18;
	s19 =	smov.u32 s22;
	[sflag:s13] =	ssyncset.done $0x0  }
0x34: {  	s19 =	sadd.s32 s5, s18;
	[sflag:s13] =	ssyncadd.s32 $0xFFFFC000  }
0x35: {  	[tilespmem:s3], [sflag:$0x2] =	stream.linear.gather [hbm4b:s19+s3], $0x80, $0x38;
	[tilespmem:$0x17D00] =	vst v63  }
0x36: {  	_ =	swait.ge [sflag:s13], $0x80  }
0x37: {  	[sflag:s13] =	ssyncset.done $0x0  }
0x38: {  	s31 =	sadd.s32 s6, s18;
	[sflag:s13] =	ssyncadd.s32 $0xFFFFFF80  }
0x39: {  	[tilespmem:s14], [sflag:$0x2] =	stream.linear.gather [hbm4b:s31+s3], $0x80, $0x38;
	[tilespmem:$0x17D00] =	vst v63  }
0x3a: {  	_ =	swait.ge [sflag:s13], $0x80  }
0x3b: {  	[sflag:s13] =	ssyncset.done $0x0  }
0x3c: {  	[sflag:s13] =	ssyncadd.s32 $0xFFFFFF80  }
0x3d: {  	[tilespmem:s15], [sflag:$0x1] =	stream.indirect.gather [hbm4b:s4+s14], $0x80, s3, s14, $0xb8;
	[tilespmem:$0x17D00] =	vst v63  }
0x3e: {  	_ =	swait.ge [sflag:s16], $0x4000  }
0x3f: {  	[sflag:s16] =	ssyncset.done $0x0  }
0x40: {  	[sflag:s16] =	ssyncadd.s32 $0xFFFFC000  }
0x41: {  	[spmem:s2] =	stream.indirect.scatter.add.f32 [tilespmem:s15], [sflag:$0x2], $0x80, s14, s14, $0xb8;
	[tilespmem:$0x17D00] =	vst v63  }
0x42: {  	_ =	swait.ge [sflag:s13], $0x4000  }
0x43: {  	s17 =	sadd.s32 $0x1, s17;
	[sflag:s13] =	ssyncset.done $0x0  }
0x44: {  	p0 =	sne.s32 s17, s10;
	[sflag:s13] =	ssyncadd.s32 $0xFFFFC000  }
.Ltmp1:
0x45: {  	[bflag:$0x0] =	sbarrier.arrive $0xFFFF;
	(pc) =	sbr.rel @p0 .LBB2_1-.Ltmp1, $4  }
0x46: {  	[hbm:s9], [sflag:s8] =	dma.local [spmem:s12], $0x2780  }
0x47: {  	_ =	swait.ge [sflag:s13], $0x2780  }
0x48: {  	[sflag:s13] =	ssyncset.done $0x0  }
0x49: {  	[sflag:s13] =	ssyncadd.s32 $0xFFFFD880  }
0x4a: {  	_ =	sfence.sel $0x180000  }
0x4b: {  	[bflag:$0x0] =	sbarrier.arrive $0xFFFF  }
0x4c: {  	p0 =	sne.s32 s1, $0x0;
	_ =	strace $0x90000056  }
0x4d: {  	s0 =	sadd.s32 @!p0 $0x100000, s0;
	[bflag:$0x2] =	sbarrier.arrive $0xFFFF  }
0x4e: {  	[sflag:s0] =	ssyncadd.tile.s32 @!p0 $0x1;
	_ =	shalt  }
.Lfunc_end2:
_tile_overlayer_lowered:
.L_overlay_start_2:
0x4f: {  	(tag) =	ssettag $0x2  }
0x50: {  	s0 =	rddreg [dreg:$0x0];
	s2 =	stileid.u32  }
0x51: {  	s1 =	rddreg [dreg:$0x1];
	p0 =	sne.s32 s2, $0x0  }
0x52: {  	s3 =	rddreg [dreg:$0x2];
	[bflag:$0x3] =	sbarrier.arrive $0xFFFF;
	s2 =	simm.s32 @!p0 $0x1C02  }
0x53: {  	[timem:s3], [sflag:s2] =	dma.local @!p0 [hbm:s0], s1  }
0x54: {  	s0 =	simm.s32 @!p0 $0x2  }
0x55: {  	_ =	swait.ge @!p0 [sflag:s0], s1  }
0x56: {  	s1 =	ssub.s32 @!p0 $0x0, s1;
	[sflag:s0] =	ssyncset.done @!p0 $0x0  }
0x57: {  	[sflag:s0] =	ssyncadd.s32 @!p0 s1  }
0x58: {  	[bflag:$0x3] =	sbarrier.arrive $0xFFFF  }
0x59: {  	_ =	shalt  }

// kernel: kernel.51.cloned.1.call-start
scs
__scs_entry_jumppad:
0x0: {  	(pc) =	sbr.rel $0x88, $3  }
0x1: {  	(tag) =	ssettag $0x0;
	lr =	simm.s32 $0x1  }
0x2: {  	[smem:$0x3F98] =	sst lr;
	_ =	strace $0xD0000000  }
0x3: {  	_ = 	snop  }
0x4: {  	_ = 	snop  }
0x5: {  	_ = 	snop  }
0x6: {  	_ = 	snop  }
0x7: {  	_ = 	snop  }
__scs_overlays_trampoline_lowered:
0x8: {  	[smem:$0x3FA7] =	sst s0  }
0x9: {  	[smem:$0x3FA8] =	sst s1  }
0xa: {  	[smem:$0x3FA9] =	sst s2  }
0xb: {  	[smem:$0x3FAA] =	sst s3  }
0xc: {  	[smem:$0x3FAB] =	sst s4  }
0xd: {  	[smem:$0x3FAC] =	sst s5  }
0xe: {  	[smem:$0x3FAD] =	sst s6  }
0xf: {  	[smem:$0x3FAE] =	sst s7  }
0x10: {  	[smem:$0x3FAF] =	sst s8  }
0x11: {  	[smem:$0x3FB0] =	sst s9;
	s0 =	simm.s32 @!p0 $0x0  }
0x12: {  	s1 =	sld [smem:$0x3F96];
	s0 =	simm.s32 @p0 $0x1  }
0x13: {  	[smem:$0x3FB1] =	sst s0;
	s0 =	simm.s32 @!p1 $0x0  }
0x14: {  	s2 =	sld [smem:$0x3F95];
	s0 =	simm.s32 @p1 $0x1  }
0x15: {  	[smem:$0x3FB2] =	sst s0;
	s0 =	simm.s32 @!p2 $0x0  }
0x16: {  	s3 =	sld [smem:$0x3FDB];
	s0 =	simm.s32 @p2 $0x1  }
0x17: {  	s4 =	simm.s32 $0x1BF5;
	[smem:$0x3FB4] =	sst s0  }
0x18: {  	s0 =	sld [smem:$0x3F97];
	_ =	swait.ge [sflag:s4], $0x0  }
0x19: {  	s7 =	sld [smem:$0x3F98]  }
0x1a: {  	s8 =	sadd.s32 $0xFFFFE003, lr  }
0x1b: {  	s9 =	sadd.s32 $0xFFFFFEF7, lr;
	s5 =	simm.s32 $0xFFFFFFFF;
	p2 =	slt.u32 s8, $0xFFFFF086  }
0x1c: {  	p1 =	slt.u32 s9, $0xF7A;
	s5 =	simm.s32 @!p2 $0x0  }
0x1d: {  	s5 =	simm.s32 @p1 $0x1;
	p0 =	seq.s32 s7, s2  }
0x1e: {  	s7 =	smul.u32 @!p0 $0xF7A, s2;
	p2 =	seq.s32 @!p0 s5, $0x0  }
0x1f: {  	s9 =	smul.u32 $0xF7A, s1;
	s8 =	simm.s32 @!p0 $0x1BF5;
	p2 =	por !p2, p0  }
0x20: {  	[sflag:s8] =	ssyncset.s32 @!p0 $0xFFFFF086;
	s6 =	sadd.s32 @!p0 s3, s7;
	s7 =	simm.s32 @!p0 $0x108  }
0x21: {  	s3 =	sadd.s32 s3, s9;
	s6 =	sadd.s32 @!p0 $0x88, s6;
	s7 =	simm.s32 @p2 $0x1082  }
0x22: {  	[simem:s7], [sflag:s8] =	dma.local @!p0 [hbm:s6], $0xF7A  }
0x23: {  	s9 =	sor.u32 $0xD0000000, s2;
	s6 =	simm.s32 $0x108;
	_ =	swait.ge @!p0 [sflag:s8], $0x0  }
0x24: {  	s3 =	sadd.s32 $0x88, s3;
	s6 =	simm.s32 @!p1 $0x1082;
	[sflag:s4] =	ssyncset.s32 $0xFFFFF086  }
0x25: {  	[simem:s6], [sflag:s4] =	dma.local [hbm:s3], $0xF7A  }
0x26: {  	[smem:$0x3F98] =	sst s1;
	(tag) =	ssettag s2;
	_ =	strace s9  }
0x27: {  	s1 =	sld [smem:$0x3FA8]  }
0x28: {  	s2 =	sld [smem:$0x3FA9]  }
0x29: {  	s4 =	sld [smem:$0x3FAB]  }
0x2a: {  	p0 =	seq.s32 s5, $0x0;
	s5 =	sld [smem:$0x3FAC]  }
0x2b: {  	s6 =	sld [smem:$0x3FAD]  }
0x2c: {  	s7 =	sld [smem:$0x3FAE]  }
0x2d: {  	s3 =	simm.s32 $0x108;
	s8 =	sld [smem:$0x3FAF]  }
0x2e: {  	s3 =	simm.s32 @!p0 $0x1082;
	s9 =	sld [smem:$0x3FB0]  }
0x2f: {  	lr =	sadd.s32 s0, s3;
	s0 =	sld [smem:$0x3FA7]  }
0x30: {  	s3 =	sld [smem:$0x3FAA]  }
0x31: {  	[smem:$0x3FB3] =	sst s10  }
0x32: {  	s10 =	sld [smem:$0x3FB1];
	_ =	sdelay $0x3  }
0x33: {  	p0 =	seq.s32 s10, $0x1;
	s10 =	sld [smem:$0x3FB3];
	_ =	sdelay $0x3  }
0x34: {  	[smem:$0x3FB3] =	sst s10  }
0x35: {  	s10 =	sld [smem:$0x3FB2];
	_ =	sdelay $0x3  }
0x36: {  	p1 =	seq.s32 s10, $0x1;
	s10 =	sld [smem:$0x3FB3];
	_ =	sdelay $0x3  }
0x37: {  	[smem:$0x3FB3] =	sst s10  }
0x38: {  	s10 =	sld [smem:$0x3FB4]  }
0x39: {  	_ = 	snop;
	(pc) =	sbr.ind lr, $3  }
0x3a: {  	_ = 	snop  }
0x3b: {  	_ = 	snop  }
0x3c: {  	p2 =	seq.s32 s10, $0x1;
	s10 =	sld [smem:$0x3FB3]  }
0x3d: {  	_ =	shalt  }
0x3e: {  	_ =	shalt  }
0x3f: {  	_ =	shalt  }
0x40: {  	_ =	shalt  }
0x41: {  	_ =	shalt  }
0x42: {  	_ =	shalt  }
0x43: {  	_ =	shalt  }
0x44: {  	_ =	shalt  }
0x45: {  	_ =	shalt  }
0x46: {  	_ =	shalt  }
0x47: {  	_ =	shalt  }
0x48: {  	_ =	shalt  }
0x49: {  	_ =	shalt  }
0x4a: {  	_ =	shalt  }
0x4b: {  	_ =	shalt  }
0x4c: {  	_ =	shalt  }
0x4d: {  	_ =	shalt  }
0x4e: {  	_ =	shalt  }
0x4f: {  	_ =	shalt  }
0x50: {  	_ =	shalt  }
0x51: {  	_ =	shalt  }
0x52: {  	_ =	shalt  }
0x53: {  	_ =	shalt  }
0x54: {  	_ =	shalt  }
0x55: {  	_ =	shalt  }
0x56: {  	_ =	shalt  }
0x57: {  	_ =	shalt  }
0x58: {  	_ =	shalt  }
0x59: {  	_ =	shalt  }
0x5a: {  	_ =	shalt  }
0x5b: {  	_ =	shalt  }
0x5c: {  	_ =	shalt  }
0x5d: {  	_ =	shalt  }
0x5e: {  	_ =	shalt  }
0x5f: {  	_ =	shalt  }
0x60: {  	_ =	shalt  }
0x61: {  	_ =	shalt  }
0x62: {  	_ =	shalt  }
0x63: {  	_ =	shalt  }
0x64: {  	_ =	shalt  }
0x65: {  	_ =	shalt  }
0x66: {  	_ =	shalt  }
0x67: {  	_ =	shalt  }
0x68: {  	_ =	shalt  }
0x69: {  	_ =	shalt  }
0x6a: {  	_ =	shalt  }
0x6b: {  	_ =	shalt  }
0x6c: {  	_ =	shalt  }
0x6d: {  	_ =	shalt  }
0x6e: {  	_ =	shalt  }
0x6f: {  	_ =	shalt  }
0x70: {  	_ =	shalt  }
0x71: {  	_ =	shalt  }
0x72: {  	_ =	shalt  }
0x73: {  	_ =	shalt  }
0x74: {  	_ =	shalt  }
0x75: {  	_ =	shalt  }
0x76: {  	_ =	shalt  }
0x77: {  	_ =	shalt  }
0x78: {  	_ =	shalt  }
0x79: {  	_ =	shalt  }
0x7a: {  	_ =	shalt  }
0x7b: {  	_ =	shalt  }
0x7c: {  	_ =	shalt  }
0x7d: {  	_ =	shalt  }
0x7e: {  	_ =	shalt  }
0x7f: {  	_ =	shalt  }
0x80: {  	_ =	shalt  }
0x81: {  	_ =	shalt  }
0x82: {  	_ =	shalt  }
0x83: {  	_ =	shalt  }
0x84: {  	_ =	shalt  }
0x85: {  	_ =	shalt  }
0x86: {  	_ =	shalt  }
0x87: {  	_ =	shalt  }
.Lfunc_end0:
.L_simem_size_0:
called_computation.6_lowered:
.L_overlay_start_0:
0x88: {  	s2 =	sld [smem:$0x3FD9]  }
0x89: {  	s3 =	sld [smem:$0x3FFE];
	_ =	sdelay $0x1  }
0x8a: {  	s1 =	srdreg.scid  }
0x8b: {  	s0 =	sand.u32 $0x1, s1  }
0x8c: {  	s16 =	sshll.u32 s0, $0xA;
	s2 =	sadd.s32 s3, s2  }
0x8d: {  	s2 =	sadd.s32 s2, s16  }
0x8e: {  	[smem:$0x3FBF] =	sst s2  }
0x8f: {  	_ = 	snop  }
0x90: {  	(tm) =	ssettm $0x1  }
0x91: {  	s17 =	sld [smem:$0x3FFB];
	_ =	sdelay $0x3  }
0x92: {  	_ =	strace s17  }
0x93: {  	s2 =	sld [smem:$0x3FFC];
	_ =	sdelay $0x3  }
0x94: {  	_ =	strace s2  }
0x95: {  	s2 =	sld [smem:$0x3FFD];
	_ =	sdelay $0x3  }
0x96: {  	_ =	strace s2  }
0x97: {  	_ =	strace $0x8FFFFFFF  }
0x98: {  	s18 =	sld [smem:$0x3FDB];
	_ =	sdelay $0x1  }
0x99: {  	s19 =	simm.s32 $_scs_section_size  }
0x9a: {  	s4 =	simm.s32 $_size__tile_overlayer_lowered;
	s5 =	simm.s32 $_tile_overlayer_lowered  }
0x9b: {  	s22 =	simm.s32 $0x1BFF;
	s21 =	sshll.u32 s5, $0x1;
	s2 =	sadd.s32 s19, s18  }
0x9c: {  	s6 =	simm.s32 $0x0;
	s20 =	sshll.u32 s4, $0x1;
	s4 =	sadd.s32 s21, s2  }
0x9d: {  	[timem:s6], [sflag:s22] =	dma.local [hbm:s4], s20  }
0x9e: {  	_ =	swait.ge [sflag:s22], s20  }
0x9f: {  	s3 =	ssub.s32 $0x0, s20;
	[sflag:s22] =	ssyncset.done $0x0  }
0xa0: {  	[sflag:s22] =	ssyncadd.s32 s3;
	_ =	sdelay $0x1  }
0xa1: {  	s23 =	simm.s32 $0x1B8B  }
0xa2: {  	_ =	swait.ge [sflag:s23], $0x1  }
0xa3: {  	[sflag:s23] =	ssyncset.done $0x0  }
0xa4: {  	s25 =	simm.s32 $0x1B8E;
	s24 =	sld [smem:$0x3FFE];
	[sflag:s23] =	ssyncadd.s32 $0xFFFFFFFF  }
0xa5: {  	s26 =	simm.s32 $execute0_lowered;
	[smem:$0x3FD2] =	sst s25  }
0xa6: {  	s4 =	sshll.u32 s26, $0x1;
	_ =	strace $0x80000058;
	[dreg:$0x1] =	wrdreg $0xFFFFFFFF  }
0xa7: {  	s28 =	simm.s32 $_size_execute0_lowered;
	s2 =	sadd.s32 s2, s4;
	[dreg:$0x0] =	wrdreg $0x0  }
0xa8: {  	s4 =	sshll.u32 s28, $0x1;
	[dreg:$0x2] =	wrdreg s2  }
0xa9: {  	[dreg:$0x3] =	wrdreg s4  }
0xaa: {  	[dreg:$0x4] =	wrdreg $0xC0  }
0xab: {  	_ =	task [dreg:s6], $0x5FFFF  }
0xac: {  	[dreg:$0x1] =	wrdreg $0xFFFFFFFF  }
0xad: {  	[dreg:$0x0] =	wrdreg $0x60  }
0xae: {  	[dreg:$0x2] =	wrdreg s24  }
0xaf: {  	[dreg:$0x3] =	wrdreg $0x41000  }
0xb0: {  	[dreg:$0x4] =	wrdreg $0x9  }
0xb1: {  	_ =	task.clear_ibuf [dreg:s6], $0x5FFFF;
	_ =	strace $0x90000058  }
0xb2: {  	s29 =	simm.s32 $0x9;
	_ =	strace $0x8000005A  }
0xb3: {  	_ =	swait.ge [sflag:s29], $0x1  }
0xb4: {  	[sflag:s29] =	ssyncadd.s32 $0xFFFFFFFF  }
0xb5: {  	_ =	strace $0x9000005A  }
0xb6: {  	_ =	sfence  }
0xb7: {  	s30 =	sld [smem:$0x0];
	_ =	sdelay $0x2  }
0xb8: {  	s31 =	sshll.u32 s1, $0xD;
	s1 =	sshrl.u32 s1, $0x2  }
0xb9: {  	s3 =	sand.u32 $0x4000, s31;
	s1 =	sadd.s32 s1, s30  }
0xba: {  	s0 =	sor.u32 s3, s0;
	s1 =	sshll.u32 s1, $0x11  }
0xbb: {  	s0 =	sor.u32 s1, s0  }
0xbc: {  	s0 =	sadd.s32 $0x8F2B, s0  }
0xbd: {  	[sflag:s0] =	ssyncadd.remote.s32 $0x1  }
0xbe: {  	_ =	sfence.sel $0xFFFF  }
0xbf: {  	[dreg:$0x0] =	wrdreg $0xFFFFFFFF;
	(pc) =	sbr.abs _section_cstart, $3  }
0xc0: {  	[dreg:$0x1] =	wrdreg $0xFFFFFFFF  }
0xc1: {  	_ =	task.clear_ibuf [dreg:s6], $0x2FFFF;
	_ =	strace $0x9FFFFFFF  }
0xc2: {  	(tm) =	ssettm $0x7FFFFFFF  }
0xc3: {  	_ =	shalt  }
tec
execute0_lowered:
.L_overlay_start_1:
0x0: {  	(tag) =	ssettag $0x1  }
0x1: {  	s7 =	rddreg [dreg:$0x0]  }
0x2: {  	s2 =	rddreg [dreg:$0x1]  }
0x3: {  	s0 =	rddreg [dreg:$0x2];
	s3 =	simm.s32 $0x0  }
0x4: {  	s1 =	stileid.u32;
	s4 =	srdreg.scid;
	s16 =	simm.s32 $0x1  }
0x5: {  	s17 =	simm.s32 $0x0;
	[smem:$0x7FF] =	sst s3;
	s8 =	smul.u32 $0x2780, s1  }
0x6: {  	s9 =	sand.u32 $0x1, s4;
	s4 =	sadd.s32 $0x2CC00, s7;
	s13 =	smul.u32 $0x4F000, s1  }
0x7: {  	s5 =	sadd.s32 $0x18C00, s7;
	s6 =	sadd.s32 $0x22C00, s7;
	s31 =	smul.u32 $0x500, s1  }
0x8: {  	s30 =	sshll.u32 s1, $0x6;
	_ =	strace $0x80000059;
	s10 =	smul.u32 $0x27800, s9  }
0x9: {  	s12 =	ssub.s32 $0x2, s9;
	s28 =	smul.u32 $0x5000, s9;
	s11 =	sadd.s32 s8, s7  }
0xa: {  	s26 =	sshrl.u32 s12, $0x1;
	s29 =	sshrl.u32 s13, $0x2;
	s13 =	simm.s32 $0x2  }
0xb: {  	s8 =	sadd.s32 s8, s10;
	s10 =	ssub.s32 s12, s26;
	s15 =	sadd.s32 s29, s2  }
0xc: {  	s14 =	sadd.s32 s8, s7;
	s7 =	sadd.s32 $0x53E00, s11;
	s8 =	sor.u32 $0x1C02, s30  }
0xd: {  	s10 =	smax.u32 s10, $0x1;
	s11 =	sadd.s32 s31, s28;
	s12 =	sshrl.u32 s15, $0x3  }
0xe: {  	s15 =	simm.s32 $0x100;
	s9 =	sadd.s32 $0x167A00, s14;
	s14 =	simm.s32 $0x80  }
.LBB2_1:
0xf: {  	[spmem:s12], [sflag:s8] =	dma.local [hbm:s7], $0x2780  }
0x10: {  	s18 =	sadd.s32 $0x0, s11;
	_ =	swait.ge [sflag:s13], $0x2780  }
0x11: {  	s19 =	sand.u32 $0x70, s3;
	s18 =	sand.u32 $0xFFFFF80, s18;
	[sflag:s13] =	ssyncset.done $0x0  }
0x12: {  	s18 =	sor.u32 s19, s18;
	[sflag:s13] =	ssyncadd.s32 $0xFFFFD880  }
0x13: {  	s19 =	sadd.s32 s5, s18;
	[bflag:$0x0] =	sbarrier.arrive $0xFFFF  }
0x14: {  	[tilespmem:s3], [sflag:$0x2] =	stream.linear.gather [hbm4b:s19+s3], $0x80, $0x38;
	[tilespmem:$0x17D00] =	vst v63  }
0x15: {  	_ =	swait.ge [sflag:s13], $0x80  }
0x16: {  	[sflag:s13] =	ssyncset.done $0x0  }
0x17: {  	s18 =	sadd.s32 s6, s18;
	[sflag:s13] =	ssyncadd.s32 $0xFFFFFF80  }
0x18: {  	[tilespmem:s14], [sflag:$0x2] =	stream.linear.gather [hbm4b:s18+s3], $0x80, $0x38;
	[tilespmem:$0x17D00] =	vst v63  }
0x19: {  	_ =	swait.ge [sflag:s13], $0x80  }
0x1a: {  	[sflag:s13] =	ssyncset.done $0x0  }
0x1b: {  	[sflag:s13] =	ssyncadd.s32 $0xFFFFFF80  }
0x1c: {  	[tilespmem:s15], [sflag:$0x1] =	stream.indirect.gather [hbm4b:s4+s14], $0x80, s3, s14, $0xb8;
	[tilespmem:$0x17D00] =	vst v63  }
0x1d: {  	_ =	swait.ge [sflag:s16], $0x4000  }
0x1e: {  	[sflag:s16] =	ssyncset.done $0x0  }
0x1f: {  	s30 =	simm.s32 $0x10;
	s31 =	sadd.s32 $0x10, s11;
	[sflag:s16] =	ssyncadd.s32 $0xFFFFC000  }
0x20: {  	[spmem:s2] =	stream.indirect.scatter.add.f32 [tilespmem:s15], [sflag:$0x2], $0x80, s14, s14, $0xb8;
	[tilespmem:$0x17D00] =	vst v63  }
0x21: {  	s20 =	sand.u32 $0xFFFFF80, s31;
	s18 =	sand.u32 $0x70, s30;
	_ =	swait.ge [sflag:s13], $0x4000  }
0x22: {  	s19 =	simm.s32 $0x20;
	s18 =	sor.u32 s18, s20;
	[sflag:s13] =	ssyncset.done $0x0  }
.LBB2_2:
0x23: {  	s20 =	sadd.s32 s5, s18  }
0x24: {  	[sflag:s13] =	ssyncadd.s32 $0xFFFFC000;
	s21 =	smov.u32 s19;
	s22 =	sadd.s32 $0x10, s19  }
0x25: {  	[tilespmem:s3], [sflag:$0x2] =	stream.linear.gather [hbm4b:s20+s3], $0x80, $0x38;
	[tilespmem:$0x17D00] =	vst v63  }
0x26: {  	p0 =	sne.s32 s19, $0x4F0;
	_ =	swait.ge [sflag:s13], $0x80  }
0x27: {  	[sflag:s13] =	ssyncset.done $0x0  }
0x28: {  	s18 =	sadd.s32 s6, s18;
	[sflag:s13] =	ssyncadd.s32 $0xFFFFFF80  }
0x29: {  	[tilespmem:s14], [sflag:$0x2] =	stream.linear.gather [hbm4b:s18+s3], $0x80, $0x38;
	[tilespmem:$0x17D00] =	vst v63  }
0x2a: {  	_ =	swait.ge [sflag:s13], $0x80  }
0x2b: {  	[sflag:s13] =	ssyncset.done $0x0  }
0x2c: {  	[sflag:s13] =	ssyncadd.s32 $0xFFFFFF80  }
0x2d: {  	[tilespmem:s15], [sflag:$0x1] =	stream.indirect.gather [hbm4b:s4+s14], $0x80, s3, s14, $0xb8;
	[tilespmem:$0x17D00] =	vst v63  }
0x2e: {  	_ =	swait.ge [sflag:s16], $0x4000  }
.Ltmp0:
0x2f: {  	[sflag:s16] =	ssyncset.done $0x0;
	(pc) =	sbr.rel @p0 .LBB2_2-.Ltmp0, $4  }
0x30: {  	s18 =	sadd.s32 s21, s11;
	[sflag:s16] =	ssyncadd.s32 $0xFFFFC000  }
0x31: {  	[spmem:s2] =	stream.indirect.scatter.add.f32 [tilespmem:s15], [sflag:$0x2], $0x80, s14, s14, $0xb8;
	[tilespmem:$0x17D00] =	vst v63  }
0x32: {  	s19 =	sand.u32 $0x70, s21;
	s18 =	sand.u32 $0xFFFFF80, s18;
	_ =	swait.ge [sflag:s13], $0x4000  }
0x33: {  	s18 =	sor.u32 s19, s18;
	s19 =	smov.u32 s22;
	[sflag:s13] =	ssyncset.done $0x0  }
0x34: {  	s19 =	sadd.s32 s5, s18;
	[sflag:s13] =	ssyncadd.s32 $0xFFFFC000  }
0x35: {  	[tilespmem:s3], [sflag:$0x2] =	stream.linear.gather [hbm4b:s19+s3], $0x80, $0x38;
	[tilespmem:$0x17D00] =	vst v63  }
0x36: {  	_ =	swait.ge [sflag:s13], $0x80  }
0x37: {  	[sflag:s13] =	ssyncset.done $0x0  }
0x38: {  	s31 =	sadd.s32 s6, s18;
	[sflag:s13] =	ssyncadd.s32 $0xFFFFFF80  }
0x39: {  	[tilespmem:s14], [sflag:$0x2] =	stream.linear.gather [hbm4b:s31+s3], $0x80, $0x38;
	[tilespmem:$0x17D00] =	vst v63  }
0x3a: {  	_ =	swait.ge [sflag:s13], $0x80  }
0x3b: {  	[sflag:s13] =	ssyncset.done $0x0  }
0x3c: {  	[sflag:s13] =	ssyncadd.s32 $0xFFFFFF80  }
0x3d: {  	[tilespmem:s15], [sflag:$0x1] =	stream.indirect.gather [hbm4b:s4+s14], $0x80, s3, s14, $0xb8;
	[tilespmem:$0x17D00] =	vst v63  }
0x3e: {  	_ =	swait.ge [sflag:s16], $0x4000  }
0x3f: {  	[sflag:s16] =	ssyncset.done $0x0  }
0x40: {  	[sflag:s16] =	ssyncadd.s32 $0xFFFFC000  }
0x41: {  	[spmem:s2] =	stream.indirect.scatter.add.f32 [tilespmem:s15], [sflag:$0x2], $0x80, s14, s14, $0xb8;
	[tilespmem:$0x17D00] =	vst v63  }
0x42: {  	_ =	swait.ge [sflag:s13], $0x4000  }
0x43: {  	s17 =	sadd.s32 $0x1, s17;
	[sflag:s13] =	ssyncset.done $0x0  }
0x44: {  	p0 =	sne.s32 s17, s10;
	[sflag:s13] =	ssyncadd.s32 $0xFFFFC000  }
.Ltmp1:
0x45: {  	[bflag:$0x0] =	sbarrier.arrive $0xFFFF;
	(pc) =	sbr.rel @p0 .LBB2_1-.Ltmp1, $4  }
0x46: {  	[hbm:s9], [sflag:s8] =	dma.local [spmem:s12], $0x2780  }
0x47: {  	_ =	swait.ge [sflag:s13], $0x2780  }
0x48: {  	[sflag:s13] =	ssyncset.done $0x0  }
0x49: {  	[sflag:s13] =	ssyncadd.s32 $0xFFFFD880  }
0x4a: {  	_ =	sfence.sel $0x180000  }
0x4b: {  	[bflag:$0x0] =	sbarrier.arrive $0xFFFF  }
0x4c: {  	p0 =	sne.s32 s1, $0x0;
	_ =	strace $0x90000059  }
0x4d: {  	s0 =	sadd.s32 @!p0 $0x100000, s0;
	[bflag:$0x2] =	sbarrier.arrive $0xFFFF  }
0x4e: {  	[sflag:s0] =	ssyncadd.tile.s32 @!p0 $0x1;
	_ =	shalt  }
.Lfunc_end2:
_tile_overlayer_lowered:
.L_overlay_start_2:
0x4f: {  	(tag) =	ssettag $0x2  }
0x50: {  	s0 =	rddreg [dreg:$0x0];
	s2 =	stileid.u32  }
0x51: {  	s1 =	rddreg [dreg:$0x1];
	p0 =	sne.s32 s2, $0x0  }
0x52: {  	s3 =	rddreg [dreg:$0x2];
	[bflag:$0x3] =	sbarrier.arrive $0xFFFF;
	s2 =	simm.s32 @!p0 $0x1C02  }
0x53: {  	[timem:s3], [sflag:s2] =	dma.local @!p0 [hbm:s0], s1  }
0x54: {  	s0 =	simm.s32 @!p0 $0x2  }
0x55: {  	_ =	swait.ge @!p0 [sflag:s0], s1  }
0x56: {  	s1 =	ssub.s32 @!p0 $0x0, s1;
	[sflag:s0] =	ssyncset.done @!p0 $0x0  }
0x57: {  	[sflag:s0] =	ssyncadd.s32 @!p0 s1  }
0x58: {  	[bflag:$0x3] =	sbarrier.arrive $0xFFFF  }
0x59: {  	_ =	shalt  }

// kernel: kernel.54.cloned.1.call-start
scs
__scs_entry_jumppad:
0x0: {  	(pc) =	sbr.rel $0x88, $3  }
0x1: {  	(tag) =	ssettag $0x0;
	lr =	simm.s32 $0x1  }
0x2: {  	[smem:$0x3F98] =	sst lr;
	_ =	strace $0xD0000000  }
0x3: {  	_ = 	snop  }
0x4: {  	_ = 	snop  }
0x5: {  	_ = 	snop  }
0x6: {  	_ = 	snop  }
0x7: {  	_ = 	snop  }
__scs_overlays_trampoline_lowered:
0x8: {  	[smem:$0x3FA7] =	sst s0  }
0x9: {  	[smem:$0x3FA8] =	sst s1  }
0xa: {  	[smem:$0x3FA9] =	sst s2  }
0xb: {  	[smem:$0x3FAA] =	sst s3  }
0xc: {  	[smem:$0x3FAB] =	sst s4  }
0xd: {  	[smem:$0x3FAC] =	sst s5  }
0xe: {  	[smem:$0x3FAD] =	sst s6  }
0xf: {  	[smem:$0x3FAE] =	sst s7  }
0x10: {  	[smem:$0x3FAF] =	sst s8  }
0x11: {  	[smem:$0x3FB0] =	sst s9;
	s0 =	simm.s32 @!p0 $0x0  }
0x12: {  	s1 =	sld [smem:$0x3F96];
	s0 =	simm.s32 @p0 $0x1  }
0x13: {  	[smem:$0x3FB1] =	sst s0;
	s0 =	simm.s32 @!p1 $0x0  }
0x14: {  	s2 =	sld [smem:$0x3F95];
	s0 =	simm.s32 @p1 $0x1  }
0x15: {  	[smem:$0x3FB2] =	sst s0;
	s0 =	simm.s32 @!p2 $0x0  }
0x16: {  	s3 =	sld [smem:$0x3FDB];
	s0 =	simm.s32 @p2 $0x1  }
0x17: {  	s4 =	simm.s32 $0x1BF5;
	[smem:$0x3FB4] =	sst s0  }
0x18: {  	s0 =	sld [smem:$0x3F97];
	_ =	swait.ge [sflag:s4], $0x0  }
0x19: {  	s7 =	sld [smem:$0x3F98]  }
0x1a: {  	s8 =	sadd.s32 $0xFFFFE003, lr  }
0x1b: {  	s9 =	sadd.s32 $0xFFFFFEF7, lr;
	s5 =	simm.s32 $0xFFFFFFFF;
	p2 =	slt.u32 s8, $0xFFFFF086  }
0x1c: {  	p1 =	slt.u32 s9, $0xF7A;
	s5 =	simm.s32 @!p2 $0x0  }
0x1d: {  	s5 =	simm.s32 @p1 $0x1;
	p0 =	seq.s32 s7, s2  }
0x1e: {  	s7 =	smul.u32 @!p0 $0xF7A, s2;
	p2 =	seq.s32 @!p0 s5, $0x0  }
0x1f: {  	s9 =	smul.u32 $0xF7A, s1;
	s8 =	simm.s32 @!p0 $0x1BF5;
	p2 =	por !p2, p0  }
0x20: {  	[sflag:s8] =	ssyncset.s32 @!p0 $0xFFFFF086;
	s6 =	sadd.s32 @!p0 s3, s7;
	s7 =	simm.s32 @!p0 $0x108  }
0x21: {  	s3 =	sadd.s32 s3, s9;
	s6 =	sadd.s32 @!p0 $0x88, s6;
	s7 =	simm.s32 @p2 $0x1082  }
0x22: {  	[simem:s7], [sflag:s8] =	dma.local @!p0 [hbm:s6], $0xF7A  }
0x23: {  	s9 =	sor.u32 $0xD0000000, s2;
	s6 =	simm.s32 $0x108;
	_ =	swait.ge @!p0 [sflag:s8], $0x0  }
0x24: {  	s3 =	sadd.s32 $0x88, s3;
	s6 =	simm.s32 @!p1 $0x1082;
	[sflag:s4] =	ssyncset.s32 $0xFFFFF086  }
0x25: {  	[simem:s6], [sflag:s4] =	dma.local [hbm:s3], $0xF7A  }
0x26: {  	[smem:$0x3F98] =	sst s1;
	(tag) =	ssettag s2;
	_ =	strace s9  }
0x27: {  	s1 =	sld [smem:$0x3FA8]  }
0x28: {  	s2 =	sld [smem:$0x3FA9]  }
0x29: {  	s4 =	sld [smem:$0x3FAB]  }
0x2a: {  	p0 =	seq.s32 s5, $0x0;
	s5 =	sld [smem:$0x3FAC]  }
0x2b: {  	s6 =	sld [smem:$0x3FAD]  }
0x2c: {  	s7 =	sld [smem:$0x3FAE]  }
0x2d: {  	s3 =	simm.s32 $0x108;
	s8 =	sld [smem:$0x3FAF]  }
0x2e: {  	s3 =	simm.s32 @!p0 $0x1082;
	s9 =	sld [smem:$0x3FB0]  }
0x2f: {  	lr =	sadd.s32 s0, s3;
	s0 =	sld [smem:$0x3FA7]  }
0x30: {  	s3 =	sld [smem:$0x3FAA]  }
0x31: {  	[smem:$0x3FB3] =	sst s10  }
0x32: {  	s10 =	sld [smem:$0x3FB1];
	_ =	sdelay $0x3  }
0x33: {  	p0 =	seq.s32 s10, $0x1;
	s10 =	sld [smem:$0x3FB3];
	_ =	sdelay $0x3  }
0x34: {  	[smem:$0x3FB3] =	sst s10  }
0x35: {  	s10 =	sld [smem:$0x3FB2];
	_ =	sdelay $0x3  }
0x36: {  	p1 =	seq.s32 s10, $0x1;
	s10 =	sld [smem:$0x3FB3];
	_ =	sdelay $0x3  }
0x37: {  	[smem:$0x3FB3] =	sst s10  }
0x38: {  	s10 =	sld [smem:$0x3FB4]  }
0x39: {  	_ = 	snop;
	(pc) =	sbr.ind lr, $3  }
0x3a: {  	_ = 	snop  }
0x3b: {  	_ = 	snop  }
0x3c: {  	p2 =	seq.s32 s10, $0x1;
	s10 =	sld [smem:$0x3FB3]  }
0x3d: {  	_ =	shalt  }
0x3e: {  	_ =	shalt  }
0x3f: {  	_ =	shalt  }
0x40: {  	_ =	shalt  }
0x41: {  	_ =	shalt  }
0x42: {  	_ =	shalt  }
0x43: {  	_ =	shalt  }
0x44: {  	_ =	shalt  }
0x45: {  	_ =	shalt  }
0x46: {  	_ =	shalt  }
0x47: {  	_ =	shalt  }
0x48: {  	_ =	shalt  }
0x49: {  	_ =	shalt  }
0x4a: {  	_ =	shalt  }
0x4b: {  	_ =	shalt  }
0x4c: {  	_ =	shalt  }
0x4d: {  	_ =	shalt  }
0x4e: {  	_ =	shalt  }
0x4f: {  	_ =	shalt  }
0x50: {  	_ =	shalt  }
0x51: {  	_ =	shalt  }
0x52: {  	_ =	shalt  }
0x53: {  	_ =	shalt  }
0x54: {  	_ =	shalt  }
0x55: {  	_ =	shalt  }
0x56: {  	_ =	shalt  }
0x57: {  	_ =	shalt  }
0x58: {  	_ =	shalt  }
0x59: {  	_ =	shalt  }
0x5a: {  	_ =	shalt  }
0x5b: {  	_ =	shalt  }
0x5c: {  	_ =	shalt  }
0x5d: {  	_ =	shalt  }
0x5e: {  	_ =	shalt  }
0x5f: {  	_ =	shalt  }
0x60: {  	_ =	shalt  }
0x61: {  	_ =	shalt  }
0x62: {  	_ =	shalt  }
0x63: {  	_ =	shalt  }
0x64: {  	_ =	shalt  }
0x65: {  	_ =	shalt  }
0x66: {  	_ =	shalt  }
0x67: {  	_ =	shalt  }
0x68: {  	_ =	shalt  }
0x69: {  	_ =	shalt  }
0x6a: {  	_ =	shalt  }
0x6b: {  	_ =	shalt  }
0x6c: {  	_ =	shalt  }
0x6d: {  	_ =	shalt  }
0x6e: {  	_ =	shalt  }
0x6f: {  	_ =	shalt  }
0x70: {  	_ =	shalt  }
0x71: {  	_ =	shalt  }
0x72: {  	_ =	shalt  }
0x73: {  	_ =	shalt  }
0x74: {  	_ =	shalt  }
0x75: {  	_ =	shalt  }
0x76: {  	_ =	shalt  }
0x77: {  	_ =	shalt  }
0x78: {  	_ =	shalt  }
0x79: {  	_ =	shalt  }
0x7a: {  	_ =	shalt  }
0x7b: {  	_ =	shalt  }
0x7c: {  	_ =	shalt  }
0x7d: {  	_ =	shalt  }
0x7e: {  	_ =	shalt  }
0x7f: {  	_ =	shalt  }
0x80: {  	_ =	shalt  }
0x81: {  	_ =	shalt  }
0x82: {  	_ =	shalt  }
0x83: {  	_ =	shalt  }
0x84: {  	_ =	shalt  }
0x85: {  	_ =	shalt  }
0x86: {  	_ =	shalt  }
0x87: {  	_ =	shalt  }
.Lfunc_end0:
.L_simem_size_0:
called_computation.7_lowered:
.L_overlay_start_0:
0x88: {  	s2 =	sld [smem:$0x3FD9]  }
0x89: {  	s3 =	sld [smem:$0x3FFE];
	_ =	sdelay $0x1  }
0x8a: {  	s1 =	srdreg.scid  }
0x8b: {  	s0 =	sand.u32 $0x1, s1  }
0x8c: {  	s16 =	sshll.u32 s0, $0xA;
	s2 =	sadd.s32 s3, s2  }
0x8d: {  	s2 =	sadd.s32 s2, s16  }
0x8e: {  	[smem:$0x3FBF] =	sst s2  }
0x8f: {  	_ = 	snop  }
0x90: {  	(tm) =	ssettm $0x1  }
0x91: {  	s17 =	sld [smem:$0x3FFB];
	_ =	sdelay $0x3  }
0x92: {  	_ =	strace s17  }
0x93: {  	s2 =	sld [smem:$0x3FFC];
	_ =	sdelay $0x3  }
0x94: {  	_ =	strace s2  }
0x95: {  	s2 =	sld [smem:$0x3FFD];
	_ =	sdelay $0x3  }
0x96: {  	_ =	strace s2  }
0x97: {  	_ =	strace $0x8FFFFFFF  }
0x98: {  	s18 =	sld [smem:$0x3FDB];
	_ =	sdelay $0x1  }
0x99: {  	s19 =	simm.s32 $_scs_section_size  }
0x9a: {  	s4 =	simm.s32 $_size__tile_overlayer_lowered;
	s5 =	simm.s32 $_tile_overlayer_lowered  }
0x9b: {  	s22 =	simm.s32 $0x1BFF;
	s21 =	sshll.u32 s5, $0x1;
	s2 =	sadd.s32 s19, s18  }
0x9c: {  	s6 =	simm.s32 $0x0;
	s20 =	sshll.u32 s4, $0x1;
	s4 =	sadd.s32 s21, s2  }
0x9d: {  	[timem:s6], [sflag:s22] =	dma.local [hbm:s4], s20  }
0x9e: {  	_ =	swait.ge [sflag:s22], s20  }
0x9f: {  	s3 =	ssub.s32 $0x0, s20;
	[sflag:s22] =	ssyncset.done $0x0  }
0xa0: {  	[sflag:s22] =	ssyncadd.s32 s3;
	_ =	sdelay $0x1  }
0xa1: {  	s23 =	simm.s32 $0x1B8B  }
0xa2: {  	_ =	swait.ge [sflag:s23], $0x1  }
0xa3: {  	[sflag:s23] =	ssyncset.done $0x0  }
0xa4: {  	s25 =	simm.s32 $0x1B8E;
	s24 =	sld [smem:$0x3FFE];
	[sflag:s23] =	ssyncadd.s32 $0xFFFFFFFF  }
0xa5: {  	s26 =	simm.s32 $execute0_lowered;
	[smem:$0x3FD2] =	sst s25  }
0xa6: {  	s4 =	sshll.u32 s26, $0x1;
	_ =	strace $0x8000005B;
	[dreg:$0x1] =	wrdreg $0xFFFFFFFF  }
0xa7: {  	s28 =	simm.s32 $_size_execute0_lowered;
	s2 =	sadd.s32 s2, s4;
	[dreg:$0x0] =	wrdreg $0x0  }
0xa8: {  	s4 =	sshll.u32 s28, $0x1;
	[dreg:$0x2] =	wrdreg s2  }
0xa9: {  	[dreg:$0x3] =	wrdreg s4  }
0xaa: {  	[dreg:$0x4] =	wrdreg $0xC0  }
0xab: {  	_ =	task [dreg:s6], $0x5FFFF  }
0xac: {  	[dreg:$0x1] =	wrdreg $0xFFFFFFFF  }
0xad: {  	[dreg:$0x0] =	wrdreg $0x60  }
0xae: {  	[dreg:$0x2] =	wrdreg s24  }
0xaf: {  	[dreg:$0x3] =	wrdreg $0x41000  }
0xb0: {  	[dreg:$0x4] =	wrdreg $0x9  }
0xb1: {  	_ =	task.clear_ibuf [dreg:s6], $0x5FFFF;
	_ =	strace $0x9000005B  }
0xb2: {  	s29 =	simm.s32 $0x9;
	_ =	strace $0x8000005D  }
0xb3: {  	_ =	swait.ge [sflag:s29], $0x1  }
0xb4: {  	[sflag:s29] =	ssyncadd.s32 $0xFFFFFFFF  }
0xb5: {  	_ =	strace $0x9000005D  }
0xb6: {  	_ =	sfence  }
0xb7: {  	s30 =	sld [smem:$0x0];
	_ =	sdelay $0x2  }
0xb8: {  	s31 =	sshll.u32 s1, $0xD;
	s1 =	sshrl.u32 s1, $0x2  }
0xb9: {  	s3 =	sand.u32 $0x4000, s31;
	s1 =	sadd.s32 s1, s30  }
0xba: {  	s0 =	sor.u32 s3, s0;
	s1 =	sshll.u32 s1, $0x11  }
0xbb: {  	s0 =	sor.u32 s1, s0  }
0xbc: {  	s0 =	sadd.s32 $0x8F2B, s0  }
0xbd: {  	[sflag:s0] =	ssyncadd.remote.s32 $0x1  }
0xbe: {  	_ =	sfence.sel $0xFFFF  }
0xbf: {  	[dreg:$0x0] =	wrdreg $0xFFFFFFFF;
	(pc) =	sbr.abs _section_cstart, $3  }
0xc0: {  	[dreg:$0x1] =	wrdreg $0xFFFFFFFF  }
0xc1: {  	_ =	task.clear_ibuf [dreg:s6], $0x2FFFF;
	_ =	strace $0x9FFFFFFF  }
0xc2: {  	(tm) =	ssettm $0x7FFFFFFF  }
0xc3: {  	_ =	shalt  }
tec
execute0_lowered:
.L_overlay_start_1:
0x0: {  	(tag) =	ssettag $0x1  }
0x1: {  	s7 =	rddreg [dreg:$0x0]  }
0x2: {  	s2 =	rddreg [dreg:$0x1]  }
0x3: {  	s0 =	rddreg [dreg:$0x2];
	s3 =	simm.s32 $0x0  }
0x4: {  	s1 =	stileid.u32;
	s4 =	srdreg.scid;
	s16 =	simm.s32 $0x1  }
0x5: {  	s17 =	simm.s32 $0x0;
	[smem:$0x7FF] =	sst s3;
	s8 =	smul.u32 $0x2780, s1  }
0x6: {  	s9 =	sand.u32 $0x1, s4;
	s4 =	sadd.s32 $0x2CC00, s7;
	s13 =	smul.u32 $0x4F000, s1  }
0x7: {  	s5 =	sadd.s32 $0x18C00, s7;
	s6 =	sadd.s32 $0x22C00, s7;
	s31 =	smul.u32 $0x500, s1  }
0x8: {  	s30 =	sshll.u32 s1, $0x6;
	_ =	strace $0x8000005C;
	s10 =	smul.u32 $0x27800, s9  }
0x9: {  	s12 =	ssub.s32 $0x2, s9;
	s28 =	smul.u32 $0x5000, s9;
	s11 =	sadd.s32 s8, s7  }
0xa: {  	s26 =	sshrl.u32 s12, $0x1;
	s29 =	sshrl.u32 s13, $0x2;
	s13 =	simm.s32 $0x2  }
0xb: {  	s8 =	sadd.s32 s8, s10;
	s10 =	ssub.s32 s12, s26;
	s15 =	sadd.s32 s29, s2  }
0xc: {  	s14 =	sadd.s32 s8, s7;
	s7 =	sadd.s32 $0x53E00, s11;
	s8 =	sor.u32 $0x1C02, s30  }
0xd: {  	s10 =	smax.u32 s10, $0x1;
	s11 =	sadd.s32 s31, s28;
	s12 =	sshrl.u32 s15, $0x3  }
0xe: {  	s15 =	simm.s32 $0x100;
	s9 =	sadd.s32 $0xA2800, s14;
	s14 =	simm.s32 $0x80  }
.LBB2_1:
0xf: {  	[spmem:s12], [sflag:s8] =	dma.local [hbm:s7], $0x2780  }
0x10: {  	s18 =	sadd.s32 $0x0, s11;
	_ =	swait.ge [sflag:s13], $0x2780  }
0x11: {  	s19 =	sand.u32 $0x70, s3;
	s18 =	sand.u32 $0xFFFFF80, s18;
	[sflag:s13] =	ssyncset.done $0x0  }
0x12: {  	s18 =	sor.u32 s19, s18;
	[sflag:s13] =	ssyncadd.s32 $0xFFFFD880  }
0x13: {  	s19 =	sadd.s32 s5, s18;
	[bflag:$0x0] =	sbarrier.arrive $0xFFFF  }
0x14: {  	[tilespmem:s3], [sflag:$0x2] =	stream.linear.gather [hbm4b:s19+s3], $0x80, $0x38;
	[tilespmem:$0x17D00] =	vst v63  }
0x15: {  	_ =	swait.ge [sflag:s13], $0x80  }
0x16: {  	[sflag:s13] =	ssyncset.done $0x0  }
0x17: {  	s18 =	sadd.s32 s6, s18;
	[sflag:s13] =	ssyncadd.s32 $0xFFFFFF80  }
0x18: {  	[tilespmem:s14], [sflag:$0x2] =	stream.linear.gather [hbm4b:s18+s3], $0x80, $0x38;
	[tilespmem:$0x17D00] =	vst v63  }
0x19: {  	_ =	swait.ge [sflag:s13], $0x80  }
0x1a: {  	[sflag:s13] =	ssyncset.done $0x0  }
0x1b: {  	[sflag:s13] =	ssyncadd.s32 $0xFFFFFF80  }
0x1c: {  	[tilespmem:s15], [sflag:$0x1] =	stream.indirect.gather [hbm4b:s4+s14], $0x80, s3, s14, $0xb8;
	[tilespmem:$0x17D00] =	vst v63  }
0x1d: {  	_ =	swait.ge [sflag:s16], $0x4000  }
0x1e: {  	[sflag:s16] =	ssyncset.done $0x0  }
0x1f: {  	s30 =	simm.s32 $0x10;
	s31 =	sadd.s32 $0x10, s11;
	[sflag:s16] =	ssyncadd.s32 $0xFFFFC000  }
0x20: {  	[spmem:s2] =	stream.indirect.scatter.add.f32 [tilespmem:s15], [sflag:$0x2], $0x80, s14, s14, $0xb8;
	[tilespmem:$0x17D00] =	vst v63  }
0x21: {  	s20 =	sand.u32 $0xFFFFF80, s31;
	s18 =	sand.u32 $0x70, s30;
	_ =	swait.ge [sflag:s13], $0x4000  }
0x22: {  	s19 =	simm.s32 $0x20;
	s18 =	sor.u32 s18, s20;
	[sflag:s13] =	ssyncset.done $0x0  }
.LBB2_2:
0x23: {  	s20 =	sadd.s32 s5, s18  }
0x24: {  	[sflag:s13] =	ssyncadd.s32 $0xFFFFC000;
	s21 =	smov.u32 s19;
	s22 =	sadd.s32 $0x10, s19  }
0x25: {  	[tilespmem:s3], [sflag:$0x2] =	stream.linear.gather [hbm4b:s20+s3], $0x80, $0x38;
	[tilespmem:$0x17D00] =	vst v63  }
0x26: {  	p0 =	sne.s32 s19, $0x4F0;
	_ =	swait.ge [sflag:s13], $0x80  }
0x27: {  	[sflag:s13] =	ssyncset.done $0x0  }
0x28: {  	s18 =	sadd.s32 s6, s18;
	[sflag:s13] =	ssyncadd.s32 $0xFFFFFF80  }
0x29: {  	[tilespmem:s14], [sflag:$0x2] =	stream.linear.gather [hbm4b:s18+s3], $0x80, $0x38;
	[tilespmem:$0x17D00] =	vst v63  }
0x2a: {  	_ =	swait.ge [sflag:s13], $0x80  }
0x2b: {  	[sflag:s13] =	ssyncset.done $0x0  }
0x2c: {  	[sflag:s13] =	ssyncadd.s32 $0xFFFFFF80  }
0x2d: {  	[tilespmem:s15], [sflag:$0x1] =	stream.indirect.gather [hbm4b:s4+s14], $0x80, s3, s14, $0xb8;
	[tilespmem:$0x17D00] =	vst v63  }
0x2e: {  	_ =	swait.ge [sflag:s16], $0x4000  }
.Ltmp0:
0x2f: {  	[sflag:s16] =	ssyncset.done $0x0;
	(pc) =	sbr.rel @p0 .LBB2_2-.Ltmp0, $4  }
0x30: {  	s18 =	sadd.s32 s21, s11;
	[sflag:s16] =	ssyncadd.s32 $0xFFFFC000  }
0x31: {  	[spmem:s2] =	stream.indirect.scatter.add.f32 [tilespmem:s15], [sflag:$0x2], $0x80, s14, s14, $0xb8;
	[tilespmem:$0x17D00] =	vst v63  }
0x32: {  	s19 =	sand.u32 $0x70, s21;
	s18 =	sand.u32 $0xFFFFF80, s18;
	_ =	swait.ge [sflag:s13], $0x4000  }
0x33: {  	s18 =	sor.u32 s19, s18;
	s19 =	smov.u32 s22;
	[sflag:s13] =	ssyncset.done $0x0  }
0x34: {  	s19 =	sadd.s32 s5, s18;
	[sflag:s13] =	ssyncadd.s32 $0xFFFFC000  }
0x35: {  	[tilespmem:s3], [sflag:$0x2] =	stream.linear.gather [hbm4b:s19+s3], $0x80, $0x38;
	[tilespmem:$0x17D00] =	vst v63  }
0x36: {  	_ =	swait.ge [sflag:s13], $0x80  }
0x37: {  	[sflag:s13] =	ssyncset.done $0x0  }
0x38: {  	s31 =	sadd.s32 s6, s18;
	[sflag:s13] =	ssyncadd.s32 $0xFFFFFF80  }
0x39: {  	[tilespmem:s14], [sflag:$0x2] =	stream.linear.gather [hbm4b:s31+s3], $0x80, $0x38;
	[tilespmem:$0x17D00] =	vst v63  }
0x3a: {  	_ =	swait.ge [sflag:s13], $0x80  }
0x3b: {  	[sflag:s13] =	ssyncset.done $0x0  }
0x3c: {  	[sflag:s13] =	ssyncadd.s32 $0xFFFFFF80  }
0x3d: {  	[tilespmem:s15], [sflag:$0x1] =	stream.indirect.gather [hbm4b:s4+s14], $0x80, s3, s14, $0xb8;
	[tilespmem:$0x17D00] =	vst v63  }
0x3e: {  	_ =	swait.ge [sflag:s16], $0x4000  }
0x3f: {  	[sflag:s16] =	ssyncset.done $0x0  }
0x40: {  	[sflag:s16] =	ssyncadd.s32 $0xFFFFC000  }
0x41: {  	[spmem:s2] =	stream.indirect.scatter.add.f32 [tilespmem:s15], [sflag:$0x2], $0x80, s14, s14, $0xb8;
	[tilespmem:$0x17D00] =	vst v63  }
0x42: {  	_ =	swait.ge [sflag:s13], $0x4000  }
0x43: {  	s17 =	sadd.s32 $0x1, s17;
	[sflag:s13] =	ssyncset.done $0x0  }
0x44: {  	p0 =	sne.s32 s17, s10;
	[sflag:s13] =	ssyncadd.s32 $0xFFFFC000  }
.Ltmp1:
0x45: {  	[bflag:$0x0] =	sbarrier.arrive $0xFFFF;
	(pc) =	sbr.rel @p0 .LBB2_1-.Ltmp1, $4  }
0x46: {  	[hbm:s9], [sflag:s8] =	dma.local [spmem:s12], $0x2780  }
0x47: {  	_ =	swait.ge [sflag:s13], $0x2780  }
0x48: {  	[sflag:s13] =	ssyncset.done $0x0  }
0x49: {  	[sflag:s13] =	ssyncadd.s32 $0xFFFFD880  }
0x4a: {  	_ =	sfence.sel $0x180000  }
0x4b: {  	[bflag:$0x0] =	sbarrier.arrive $0xFFFF  }
0x4c: {  	p0 =	sne.s32 s1, $0x0;
	_ =	strace $0x9000005C  }
0x4d: {  	s0 =	sadd.s32 @!p0 $0x100000, s0;
	[bflag:$0x2] =	sbarrier.arrive $0xFFFF  }
0x4e: {  	[sflag:s0] =	ssyncadd.tile.s32 @!p0 $0x1;
	_ =	shalt  }
.Lfunc_end2:
_tile_overlayer_lowered:
.L_overlay_start_2:
0x4f: {  	(tag) =	ssettag $0x2  }
0x50: {  	s0 =	rddreg [dreg:$0x0];
	s2 =	stileid.u32  }
0x51: {  	s1 =	rddreg [dreg:$0x1];
	p0 =	sne.s32 s2, $0x0  }
0x52: {  	s3 =	rddreg [dreg:$0x2];
	[bflag:$0x3] =	sbarrier.arrive $0xFFFF;
	s2 =	simm.s32 @!p0 $0x1C02  }
0x53: {  	[timem:s3], [sflag:s2] =	dma.local @!p0 [hbm:s0], s1  }
0x54: {  	s0 =	simm.s32 @!p0 $0x2  }
0x55: {  	_ =	swait.ge @!p0 [sflag:s0], s1  }
0x56: {  	s1 =	ssub.s32 @!p0 $0x0, s1;
	[sflag:s0] =	ssyncset.done @!p0 $0x0  }
0x57: {  	[sflag:s0] =	ssyncadd.s32 @!p0 s1  }
0x58: {  	[bflag:$0x3] =	sbarrier.arrive $0xFFFF  }
0x59: {  	_ =	shalt  }

// kernel: kernel.57.cloned.1.call-start
scs
__scs_entry_jumppad:
0x0: {  	(pc) =	sbr.rel $0x88, $3  }
0x1: {  	(tag) =	ssettag $0x0;
	lr =	simm.s32 $0x1  }
0x2: {  	[smem:$0x3F98] =	sst lr;
	_ =	strace $0xD0000000  }
0x3: {  	_ = 	snop  }
0x4: {  	_ = 	snop  }
0x5: {  	_ = 	snop  }
0x6: {  	_ = 	snop  }
0x7: {  	_ = 	snop  }
__scs_overlays_trampoline_lowered:
0x8: {  	[smem:$0x3FA7] =	sst s0  }
0x9: {  	[smem:$0x3FA8] =	sst s1  }
0xa: {  	[smem:$0x3FA9] =	sst s2  }
0xb: {  	[smem:$0x3FAA] =	sst s3  }
0xc: {  	[smem:$0x3FAB] =	sst s4  }
0xd: {  	[smem:$0x3FAC] =	sst s5  }
0xe: {  	[smem:$0x3FAD] =	sst s6  }
0xf: {  	[smem:$0x3FAE] =	sst s7  }
0x10: {  	[smem:$0x3FAF] =	sst s8  }
0x11: {  	[smem:$0x3FB0] =	sst s9;
	s0 =	simm.s32 @!p0 $0x0  }
0x12: {  	s1 =	sld [smem:$0x3F96];
	s0 =	simm.s32 @p0 $0x1  }
0x13: {  	[smem:$0x3FB1] =	sst s0;
	s0 =	simm.s32 @!p1 $0x0  }
0x14: {  	s2 =	sld [smem:$0x3F95];
	s0 =	simm.s32 @p1 $0x1  }
0x15: {  	[smem:$0x3FB2] =	sst s0;
	s0 =	simm.s32 @!p2 $0x0  }
0x16: {  	s3 =	sld [smem:$0x3FDB];
	s0 =	simm.s32 @p2 $0x1  }
0x17: {  	s4 =	simm.s32 $0x1BF5;
	[smem:$0x3FB4] =	sst s0  }
0x18: {  	s0 =	sld [smem:$0x3F97];
	_ =	swait.ge [sflag:s4], $0x0  }
0x19: {  	s7 =	sld [smem:$0x3F98]  }
0x1a: {  	s8 =	sadd.s32 $0xFFFFE003, lr  }
0x1b: {  	s9 =	sadd.s32 $0xFFFFFEF7, lr;
	s5 =	simm.s32 $0xFFFFFFFF;
	p2 =	slt.u32 s8, $0xFFFFF086  }
0x1c: {  	p1 =	slt.u32 s9, $0xF7A;
	s5 =	simm.s32 @!p2 $0x0  }
0x1d: {  	s5 =	simm.s32 @p1 $0x1;
	p0 =	seq.s32 s7, s2  }
0x1e: {  	s7 =	smul.u32 @!p0 $0xF7A, s2;
	p2 =	seq.s32 @!p0 s5, $0x0  }
0x1f: {  	s9 =	smul.u32 $0xF7A, s1;
	s8 =	simm.s32 @!p0 $0x1BF5;
	p2 =	por !p2, p0  }
0x20: {  	[sflag:s8] =	ssyncset.s32 @!p0 $0xFFFFF086;
	s6 =	sadd.s32 @!p0 s3, s7;
	s7 =	simm.s32 @!p0 $0x108  }
0x21: {  	s3 =	sadd.s32 s3, s9;
	s6 =	sadd.s32 @!p0 $0x88, s6;
	s7 =	simm.s32 @p2 $0x1082  }
0x22: {  	[simem:s7], [sflag:s8] =	dma.local @!p0 [hbm:s6], $0xF7A  }
0x23: {  	s9 =	sor.u32 $0xD0000000, s2;
	s6 =	simm.s32 $0x108;
	_ =	swait.ge @!p0 [sflag:s8], $0x0  }
0x24: {  	s3 =	sadd.s32 $0x88, s3;
	s6 =	simm.s32 @!p1 $0x1082;
	[sflag:s4] =	ssyncset.s32 $0xFFFFF086  }
0x25: {  	[simem:s6], [sflag:s4] =	dma.local [hbm:s3], $0xF7A  }
0x26: {  	[smem:$0x3F98] =	sst s1;
	(tag) =	ssettag s2;
	_ =	strace s9  }
0x27: {  	s1 =	sld [smem:$0x3FA8]  }
0x28: {  	s2 =	sld [smem:$0x3FA9]  }
0x29: {  	s4 =	sld [smem:$0x3FAB]  }
0x2a: {  	p0 =	seq.s32 s5, $0x0;
	s5 =	sld [smem:$0x3FAC]  }
0x2b: {  	s6 =	sld [smem:$0x3FAD]  }
0x2c: {  	s7 =	sld [smem:$0x3FAE]  }
0x2d: {  	s3 =	simm.s32 $0x108;
	s8 =	sld [smem:$0x3FAF]  }
0x2e: {  	s3 =	simm.s32 @!p0 $0x1082;
	s9 =	sld [smem:$0x3FB0]  }
0x2f: {  	lr =	sadd.s32 s0, s3;
	s0 =	sld [smem:$0x3FA7]  }
0x30: {  	s3 =	sld [smem:$0x3FAA]  }
0x31: {  	[smem:$0x3FB3] =	sst s10  }
0x32: {  	s10 =	sld [smem:$0x3FB1];
	_ =	sdelay $0x3  }
0x33: {  	p0 =	seq.s32 s10, $0x1;
	s10 =	sld [smem:$0x3FB3];
	_ =	sdelay $0x3  }
0x34: {  	[smem:$0x3FB3] =	sst s10  }
0x35: {  	s10 =	sld [smem:$0x3FB2];
	_ =	sdelay $0x3  }
0x36: {  	p1 =	seq.s32 s10, $0x1;
	s10 =	sld [smem:$0x3FB3];
	_ =	sdelay $0x3  }
0x37: {  	[smem:$0x3FB3] =	sst s10  }
0x38: {  	s10 =	sld [smem:$0x3FB4]  }
0x39: {  	_ = 	snop;
	(pc) =	sbr.ind lr, $3  }
0x3a: {  	_ = 	snop  }
0x3b: {  	_ = 	snop  }
0x3c: {  	p2 =	seq.s32 s10, $0x1;
	s10 =	sld [smem:$0x3FB3]  }
0x3d: {  	_ =	shalt  }
0x3e: {  	_ =	shalt  }
0x3f: {  	_ =	shalt  }
0x40: {  	_ =	shalt  }
0x41: {  	_ =	shalt  }
0x42: {  	_ =	shalt  }
0x43: {  	_ =	shalt  }
0x44: {  	_ =	shalt  }
0x45: {  	_ =	shalt  }
0x46: {  	_ =	shalt  }
0x47: {  	_ =	shalt  }
0x48: {  	_ =	shalt  }
0x49: {  	_ =	shalt  }
0x4a: {  	_ =	shalt  }
0x4b: {  	_ =	shalt  }
0x4c: {  	_ =	shalt  }
0x4d: {  	_ =	shalt  }
0x4e: {  	_ =	shalt  }
0x4f: {  	_ =	shalt  }
0x50: {  	_ =	shalt  }
0x51: {  	_ =	shalt  }
0x52: {  	_ =	shalt  }
0x53: {  	_ =	shalt  }
0x54: {  	_ =	shalt  }
0x55: {  	_ =	shalt  }
0x56: {  	_ =	shalt  }
0x57: {  	_ =	shalt  }
0x58: {  	_ =	shalt  }
0x59: {  	_ =	shalt  }
0x5a: {  	_ =	shalt  }
0x5b: {  	_ =	shalt  }
0x5c: {  	_ =	shalt  }
0x5d: {  	_ =	shalt  }
0x5e: {  	_ =	shalt  }
0x5f: {  	_ =	shalt  }
0x60: {  	_ =	shalt  }
0x61: {  	_ =	shalt  }
0x62: {  	_ =	shalt  }
0x63: {  	_ =	shalt  }
0x64: {  	_ =	shalt  }
0x65: {  	_ =	shalt  }
0x66: {  	_ =	shalt  }
0x67: {  	_ =	shalt  }
0x68: {  	_ =	shalt  }
0x69: {  	_ =	shalt  }
0x6a: {  	_ =	shalt  }
0x6b: {  	_ =	shalt  }
0x6c: {  	_ =	shalt  }
0x6d: {  	_ =	shalt  }
0x6e: {  	_ =	shalt  }
0x6f: {  	_ =	shalt  }
0x70: {  	_ =	shalt  }
0x71: {  	_ =	shalt  }
0x72: {  	_ =	shalt  }
0x73: {  	_ =	shalt  }
0x74: {  	_ =	shalt  }
0x75: {  	_ =	shalt  }
0x76: {  	_ =	shalt  }
0x77: {  	_ =	shalt  }
0x78: {  	_ =	shalt  }
0x79: {  	_ =	shalt  }
0x7a: {  	_ =	shalt  }
0x7b: {  	_ =	shalt  }
0x7c: {  	_ =	shalt  }
0x7d: {  	_ =	shalt  }
0x7e: {  	_ =	shalt  }
0x7f: {  	_ =	shalt  }
0x80: {  	_ =	shalt  }
0x81: {  	_ =	shalt  }
0x82: {  	_ =	shalt  }
0x83: {  	_ =	shalt  }
0x84: {  	_ =	shalt  }
0x85: {  	_ =	shalt  }
0x86: {  	_ =	shalt  }
0x87: {  	_ =	shalt  }
.Lfunc_end0:
.L_simem_size_0:
called_computation.8_lowered:
.L_overlay_start_0:
0x88: {  	s2 =	sld [smem:$0x3FD9]  }
0x89: {  	s3 =	sld [smem:$0x3FFE];
	_ =	sdelay $0x1  }
0x8a: {  	s1 =	srdreg.scid  }
0x8b: {  	s0 =	sand.u32 $0x1, s1  }
0x8c: {  	s16 =	sshll.u32 s0, $0xA;
	s2 =	sadd.s32 s3, s2  }
0x8d: {  	s2 =	sadd.s32 s2, s16  }
0x8e: {  	[smem:$0x3FBF] =	sst s2  }
0x8f: {  	_ = 	snop  }
0x90: {  	(tm) =	ssettm $0x1  }
0x91: {  	s17 =	sld [smem:$0x3FFB];
	_ =	sdelay $0x3  }
0x92: {  	_ =	strace s17  }
0x93: {  	s2 =	sld [smem:$0x3FFC];
	_ =	sdelay $0x3  }
0x94: {  	_ =	strace s2  }
0x95: {  	s2 =	sld [smem:$0x3FFD];
	_ =	sdelay $0x3  }
0x96: {  	_ =	strace s2  }
0x97: {  	_ =	strace $0x8FFFFFFF  }
0x98: {  	s18 =	sld [smem:$0x3FDB];
	_ =	sdelay $0x1  }
0x99: {  	s19 =	simm.s32 $_scs_section_size  }
0x9a: {  	s4 =	simm.s32 $_size__tile_overlayer_lowered;
	s5 =	simm.s32 $_tile_overlayer_lowered  }
0x9b: {  	s22 =	simm.s32 $0x1BFF;
	s21 =	sshll.u32 s5, $0x1;
	s2 =	sadd.s32 s19, s18  }
0x9c: {  	s6 =	simm.s32 $0x0;
	s20 =	sshll.u32 s4, $0x1;
	s4 =	sadd.s32 s21, s2  }
0x9d: {  	[timem:s6], [sflag:s22] =	dma.local [hbm:s4], s20  }
0x9e: {  	_ =	swait.ge [sflag:s22], s20  }
0x9f: {  	s3 =	ssub.s32 $0x0, s20;
	[sflag:s22] =	ssyncset.done $0x0  }
0xa0: {  	[sflag:s22] =	ssyncadd.s32 s3;
	_ =	sdelay $0x1  }
0xa1: {  	s23 =	simm.s32 $0x1B8B  }
0xa2: {  	_ =	swait.ge [sflag:s23], $0x1  }
0xa3: {  	[sflag:s23] =	ssyncset.done $0x0  }
0xa4: {  	s25 =	simm.s32 $0x1B8E;
	s24 =	sld [smem:$0x3FFE];
	[sflag:s23] =	ssyncadd.s32 $0xFFFFFFFF  }
0xa5: {  	s26 =	simm.s32 $execute0_lowered;
	[smem:$0x3FD2] =	sst s25  }
0xa6: {  	s4 =	sshll.u32 s26, $0x1;
	_ =	strace $0x8000005E;
	[dreg:$0x1] =	wrdreg $0xFFFFFFFF  }
0xa7: {  	s28 =	simm.s32 $_size_execute0_lowered;
	s2 =	sadd.s32 s2, s4;
	[dreg:$0x0] =	wrdreg $0x0  }
0xa8: {  	s4 =	sshll.u32 s28, $0x1;
	[dreg:$0x2] =	wrdreg s2  }
0xa9: {  	[dreg:$0x3] =	wrdreg s4  }
0xaa: {  	[dreg:$0x4] =	wrdreg $0xC0  }
0xab: {  	_ =	task [dreg:s6], $0x5FFFF  }
0xac: {  	[dreg:$0x1] =	wrdreg $0xFFFFFFFF  }
0xad: {  	[dreg:$0x0] =	wrdreg $0x60  }
0xae: {  	[dreg:$0x2] =	wrdreg s24  }
0xaf: {  	[dreg:$0x3] =	wrdreg $0x41000  }
0xb0: {  	[dreg:$0x4] =	wrdreg $0x9  }
0xb1: {  	_ =	task.clear_ibuf [dreg:s6], $0x5FFFF;
	_ =	strace $0x9000005E  }
0xb2: {  	s29 =	simm.s32 $0x9;
	_ =	strace $0x80000060  }
0xb3: {  	_ =	swait.ge [sflag:s29], $0x1  }
0xb4: {  	[sflag:s29] =	ssyncadd.s32 $0xFFFFFFFF  }
0xb5: {  	_ =	strace $0x90000060  }
0xb6: {  	_ =	sfence  }
0xb7: {  	s30 =	sld [smem:$0x0];
	_ =	sdelay $0x2  }
0xb8: {  	s31 =	sshll.u32 s1, $0xD;
	s1 =	sshrl.u32 s1, $0x2  }
0xb9: {  	s3 =	sand.u32 $0x4000, s31;
	s1 =	sadd.s32 s1, s30  }
0xba: {  	s0 =	sor.u32 s3, s0;
	s1 =	sshll.u32 s1, $0x11  }
0xbb: {  	s0 =	sor.u32 s1, s0  }
0xbc: {  	s0 =	sadd.s32 $0x8F2B, s0  }
0xbd: {  	[sflag:s0] =	ssyncadd.remote.s32 $0x1  }
0xbe: {  	_ =	sfence.sel $0xFFFF  }
0xbf: {  	[dreg:$0x0] =	wrdreg $0xFFFFFFFF;
	(pc) =	sbr.abs _section_cstart, $3  }
0xc0: {  	[dreg:$0x1] =	wrdreg $0xFFFFFFFF  }
0xc1: {  	_ =	task.clear_ibuf [dreg:s6], $0x2FFFF;
	_ =	strace $0x9FFFFFFF  }
0xc2: {  	(tm) =	ssettm $0x7FFFFFFF  }
0xc3: {  	_ =	shalt  }
tec
execute0_lowered:
.L_overlay_start_1:
0x0: {  	(tag) =	ssettag $0x1  }
0x1: {  	s7 =	rddreg [dreg:$0x0]  }
0x2: {  	s2 =	rddreg [dreg:$0x1]  }
0x3: {  	s0 =	rddreg [dreg:$0x2];
	s3 =	simm.s32 $0x0  }
0x4: {  	s1 =	stileid.u32;
	s4 =	srdreg.scid;
	s16 =	simm.s32 $0x1  }
0x5: {  	s17 =	simm.s32 $0x0;
	[smem:$0x7FF] =	sst s3;
	s8 =	smul.u32 $0x2780, s1  }
0x6: {  	s9 =	sand.u32 $0x1, s4;
	s4 =	sadd.s32 $0xF1800, s7;
	s13 =	smul.u32 $0x4F000, s1  }
0x7: {  	s5 =	sadd.s32 $0x18C00, s7;
	s6 =	sadd.s32 $0x22C00, s7;
	s31 =	smul.u32 $0x500, s1  }
0x8: {  	s30 =	sshll.u32 s1, $0x6;
	_ =	strace $0x8000005F;
	s10 =	smul.u32 $0x27800, s9  }
0x9: {  	s12 =	ssub.s32 $0x2, s9;
	s28 =	smul.u32 $0x5000, s9;
	s11 =	sadd.s32 s8, s7  }
0xa: {  	s26 =	sshrl.u32 s12, $0x1;
	s29 =	sshrl.u32 s13, $0x2;
	s13 =	simm.s32 $0x2  }
0xb: {  	s8 =	sadd.s32 s8, s10;
	s10 =	ssub.s32 s12, s26;
	s15 =	sadd.s32 s29, s2  }
0xc: {  	s14 =	sadd.s32 s8, s7;
	s7 =	sadd.s32 $0x53E00, s11;
	s8 =	sor.u32 $0x1C02, s30  }
0xd: {  	s10 =	smax.u32 s10, $0x1;
	s11 =	sadd.s32 s31, s28;
	s12 =	sshrl.u32 s15, $0x3  }
0xe: {  	s15 =	simm.s32 $0x100;
	s9 =	sadd.s32 $0x118A00, s14;
	s14 =	simm.s32 $0x80  }
.LBB2_1:
0xf: {  	[spmem:s12], [sflag:s8] =	dma.local [hbm:s7], $0x2780  }
0x10: {  	s18 =	sadd.s32 $0x0, s11;
	_ =	swait.ge [sflag:s13], $0x2780  }
0x11: {  	s19 =	sand.u32 $0x70, s3;
	s18 =	sand.u32 $0xFFFFF80, s18;
	[sflag:s13] =	ssyncset.done $0x0  }
0x12: {  	s18 =	sor.u32 s19, s18;
	[sflag:s13] =	ssyncadd.s32 $0xFFFFD880  }
0x13: {  	s19 =	sadd.s32 s5, s18;
	[bflag:$0x0] =	sbarrier.arrive $0xFFFF  }
0x14: {  	[tilespmem:s3], [sflag:$0x2] =	stream.linear.gather [hbm4b:s19+s3], $0x80, $0x38;
	[tilespmem:$0x17D00] =	vst v63  }
0x15: {  	_ =	swait.ge [sflag:s13], $0x80  }
0x16: {  	[sflag:s13] =	ssyncset.done $0x0  }
0x17: {  	s18 =	sadd.s32 s6, s18;
	[sflag:s13] =	ssyncadd.s32 $0xFFFFFF80  }
0x18: {  	[tilespmem:s14], [sflag:$0x2] =	stream.linear.gather [hbm4b:s18+s3], $0x80, $0x38;
	[tilespmem:$0x17D00] =	vst v63  }
0x19: {  	_ =	swait.ge [sflag:s13], $0x80  }
0x1a: {  	[sflag:s13] =	ssyncset.done $0x0  }
0x1b: {  	[sflag:s13] =	ssyncadd.s32 $0xFFFFFF80  }
0x1c: {  	[tilespmem:s15], [sflag:$0x1] =	stream.indirect.gather [hbm4b:s4+s14], $0x80, s3, s14, $0xb8;
	[tilespmem:$0x17D00] =	vst v63  }
0x1d: {  	_ =	swait.ge [sflag:s16], $0x4000  }
0x1e: {  	[sflag:s16] =	ssyncset.done $0x0  }
0x1f: {  	s30 =	simm.s32 $0x10;
	s31 =	sadd.s32 $0x10, s11;
	[sflag:s16] =	ssyncadd.s32 $0xFFFFC000  }
0x20: {  	[spmem:s2] =	stream.indirect.scatter.add.f32 [tilespmem:s15], [sflag:$0x2], $0x80, s14, s14, $0xb8;
	[tilespmem:$0x17D00] =	vst v63  }
0x21: {  	s20 =	sand.u32 $0xFFFFF80, s31;
	s18 =	sand.u32 $0x70, s30;
	_ =	swait.ge [sflag:s13], $0x4000  }
0x22: {  	s19 =	simm.s32 $0x20;
	s18 =	sor.u32 s18, s20;
	[sflag:s13] =	ssyncset.done $0x0  }
.LBB2_2:
0x23: {  	s20 =	sadd.s32 s5, s18  }
0x24: {  	[sflag:s13] =	ssyncadd.s32 $0xFFFFC000;
	s21 =	smov.u32 s19;
	s22 =	sadd.s32 $0x10, s19  }
0x25: {  	[tilespmem:s3], [sflag:$0x2] =	stream.linear.gather [hbm4b:s20+s3], $0x80, $0x38;
	[tilespmem:$0x17D00] =	vst v63  }
0x26: {  	p0 =	sne.s32 s19, $0x4F0;
	_ =	swait.ge [sflag:s13], $0x80  }
0x27: {  	[sflag:s13] =	ssyncset.done $0x0  }
0x28: {  	s18 =	sadd.s32 s6, s18;
	[sflag:s13] =	ssyncadd.s32 $0xFFFFFF80  }
0x29: {  	[tilespmem:s14], [sflag:$0x2] =	stream.linear.gather [hbm4b:s18+s3], $0x80, $0x38;
	[tilespmem:$0x17D00] =	vst v63  }
0x2a: {  	_ =	swait.ge [sflag:s13], $0x80  }
0x2b: {  	[sflag:s13] =	ssyncset.done $0x0  }
0x2c: {  	[sflag:s13] =	ssyncadd.s32 $0xFFFFFF80  }
0x2d: {  	[tilespmem:s15], [sflag:$0x1] =	stream.indirect.gather [hbm4b:s4+s14], $0x80, s3, s14, $0xb8;
	[tilespmem:$0x17D00] =	vst v63  }
0x2e: {  	_ =	swait.ge [sflag:s16], $0x4000  }
.Ltmp0:
0x2f: {  	[sflag:s16] =	ssyncset.done $0x0;
	(pc) =	sbr.rel @p0 .LBB2_2-.Ltmp0, $4  }
0x30: {  	s18 =	sadd.s32 s21, s11;
	[sflag:s16] =	ssyncadd.s32 $0xFFFFC000  }
0x31: {  	[spmem:s2] =	stream.indirect.scatter.add.f32 [tilespmem:s15], [sflag:$0x2], $0x80, s14, s14, $0xb8;
	[tilespmem:$0x17D00] =	vst v63  }
0x32: {  	s19 =	sand.u32 $0x70, s21;
	s18 =	sand.u32 $0xFFFFF80, s18;
	_ =	swait.ge [sflag:s13], $0x4000  }
0x33: {  	s18 =	sor.u32 s19, s18;
	s19 =	smov.u32 s22;
	[sflag:s13] =	ssyncset.done $0x0  }
0x34: {  	s19 =	sadd.s32 s5, s18;
	[sflag:s13] =	ssyncadd.s32 $0xFFFFC000  }
0x35: {  	[tilespmem:s3], [sflag:$0x2] =	stream.linear.gather [hbm4b:s19+s3], $0x80, $0x38;
	[tilespmem:$0x17D00] =	vst v63  }
0x36: {  	_ =	swait.ge [sflag:s13], $0x80  }
0x37: {  	[sflag:s13] =	ssyncset.done $0x0  }
0x38: {  	s31 =	sadd.s32 s6, s18;
	[sflag:s13] =	ssyncadd.s32 $0xFFFFFF80  }
0x39: {  	[tilespmem:s14], [sflag:$0x2] =	stream.linear.gather [hbm4b:s31+s3], $0x80, $0x38;
	[tilespmem:$0x17D00] =	vst v63  }
0x3a: {  	_ =	swait.ge [sflag:s13], $0x80  }
0x3b: {  	[sflag:s13] =	ssyncset.done $0x0  }
0x3c: {  	[sflag:s13] =	ssyncadd.s32 $0xFFFFFF80  }
0x3d: {  	[tilespmem:s15], [sflag:$0x1] =	stream.indirect.gather [hbm4b:s4+s14], $0x80, s3, s14, $0xb8;
	[tilespmem:$0x17D00] =	vst v63  }
0x3e: {  	_ =	swait.ge [sflag:s16], $0x4000  }
0x3f: {  	[sflag:s16] =	ssyncset.done $0x0  }
0x40: {  	[sflag:s16] =	ssyncadd.s32 $0xFFFFC000  }
0x41: {  	[spmem:s2] =	stream.indirect.scatter.add.f32 [tilespmem:s15], [sflag:$0x2], $0x80, s14, s14, $0xb8;
	[tilespmem:$0x17D00] =	vst v63  }
0x42: {  	_ =	swait.ge [sflag:s13], $0x4000  }
0x43: {  	s17 =	sadd.s32 $0x1, s17;
	[sflag:s13] =	ssyncset.done $0x0  }
0x44: {  	p0 =	sne.s32 s17, s10;
	[sflag:s13] =	ssyncadd.s32 $0xFFFFC000  }
.Ltmp1:
0x45: {  	[bflag:$0x0] =	sbarrier.arrive $0xFFFF;
	(pc) =	sbr.rel @p0 .LBB2_1-.Ltmp1, $4  }
0x46: {  	[hbm:s9], [sflag:s8] =	dma.local [spmem:s12], $0x2780  }
0x47: {  	_ =	swait.ge [sflag:s13], $0x2780  }
0x48: {  	[sflag:s13] =	ssyncset.done $0x0  }
0x49: {  	[sflag:s13] =	ssyncadd.s32 $0xFFFFD880  }
0x4a: {  	_ =	sfence.sel $0x180000  }
0x4b: {  	[bflag:$0x0] =	sbarrier.arrive $0xFFFF  }
0x4c: {  	p0 =	sne.s32 s1, $0x0;
	_ =	strace $0x9000005F  }
0x4d: {  	s0 =	sadd.s32 @!p0 $0x100000, s0;
	[bflag:$0x2] =	sbarrier.arrive $0xFFFF  }
0x4e: {  	[sflag:s0] =	ssyncadd.tile.s32 @!p0 $0x1;
	_ =	shalt  }
.Lfunc_end2:
_tile_overlayer_lowered:
.L_overlay_start_2:
0x4f: {  	(tag) =	ssettag $0x2  }
0x50: {  	s0 =	rddreg [dreg:$0x0];
	s2 =	stileid.u32  }
0x51: {  	s1 =	rddreg [dreg:$0x1];
	p0 =	sne.s32 s2, $0x0  }
0x52: {  	s3 =	rddreg [dreg:$0x2];
	[bflag:$0x3] =	sbarrier.arrive $0xFFFF;
	s2 =	simm.s32 @!p0 $0x1C02  }
0x53: {  	[timem:s3], [sflag:s2] =	dma.local @!p0 [hbm:s0], s1  }
0x54: {  	s0 =	simm.s32 @!p0 $0x2  }
0x55: {  	_ =	swait.ge @!p0 [sflag:s0], s1  }
0x56: {  	s1 =	ssub.s32 @!p0 $0x0, s1;
	[sflag:s0] =	ssyncset.done @!p0 $0x0  }
0x57: {  	[sflag:s0] =	ssyncadd.s32 @!p0 s1  }
0x58: {  	[bflag:$0x3] =	sbarrier.arrive $0xFFFF  }
0x59: {  	_ =	shalt  }

// kernel: kernel.60.cloned.1.call-start
scs
__scs_entry_jumppad:
0x0: {  	(pc) =	sbr.rel $0x88, $3  }
0x1: {  	(tag) =	ssettag $0x0;
	lr =	simm.s32 $0x1  }
0x2: {  	[smem:$0x3F98] =	sst lr;
	_ =	strace $0xD0000000  }
0x3: {  	_ = 	snop  }
0x4: {  	_ = 	snop  }
0x5: {  	_ = 	snop  }
0x6: {  	_ = 	snop  }
0x7: {  	_ = 	snop  }
__scs_overlays_trampoline_lowered:
0x8: {  	[smem:$0x3FA7] =	sst s0  }
0x9: {  	[smem:$0x3FA8] =	sst s1  }
0xa: {  	[smem:$0x3FA9] =	sst s2  }
0xb: {  	[smem:$0x3FAA] =	sst s3  }
0xc: {  	[smem:$0x3FAB] =	sst s4  }
0xd: {  	[smem:$0x3FAC] =	sst s5  }
0xe: {  	[smem:$0x3FAD] =	sst s6  }
0xf: {  	[smem:$0x3FAE] =	sst s7  }
0x10: {  	[smem:$0x3FAF] =	sst s8  }
0x11: {  	[smem:$0x3FB0] =	sst s9;
	s0 =	simm.s32 @!p0 $0x0  }
0x12: {  	s1 =	sld [smem:$0x3F96];
	s0 =	simm.s32 @p0 $0x1  }
0x13: {  	[smem:$0x3FB1] =	sst s0;
	s0 =	simm.s32 @!p1 $0x0  }
0x14: {  	s2 =	sld [smem:$0x3F95];
	s0 =	simm.s32 @p1 $0x1  }
0x15: {  	[smem:$0x3FB2] =	sst s0;
	s0 =	simm.s32 @!p2 $0x0  }
0x16: {  	s3 =	sld [smem:$0x3FDB];
	s0 =	simm.s32 @p2 $0x1  }
0x17: {  	s4 =	simm.s32 $0x1BF5;
	[smem:$0x3FB4] =	sst s0  }
0x18: {  	s0 =	sld [smem:$0x3F97];
	_ =	swait.ge [sflag:s4], $0x0  }
0x19: {  	s7 =	sld [smem:$0x3F98]  }
0x1a: {  	s8 =	sadd.s32 $0xFFFFE003, lr  }
0x1b: {  	s9 =	sadd.s32 $0xFFFFFEF7, lr;
	s5 =	simm.s32 $0xFFFFFFFF;
	p2 =	slt.u32 s8, $0xFFFFF086  }
0x1c: {  	p1 =	slt.u32 s9, $0xF7A;
	s5 =	simm.s32 @!p2 $0x0  }
0x1d: {  	s5 =	simm.s32 @p1 $0x1;
	p0 =	seq.s32 s7, s2  }
0x1e: {  	s7 =	smul.u32 @!p0 $0xF7A, s2;
	p2 =	seq.s32 @!p0 s5, $0x0  }
0x1f: {  	s9 =	smul.u32 $0xF7A, s1;
	s8 =	simm.s32 @!p0 $0x1BF5;
	p2 =	por !p2, p0  }
0x20: {  	[sflag:s8] =	ssyncset.s32 @!p0 $0xFFFFF086;
	s6 =	sadd.s32 @!p0 s3, s7;
	s7 =	simm.s32 @!p0 $0x108  }
0x21: {  	s3 =	sadd.s32 s3, s9;
	s6 =	sadd.s32 @!p0 $0x88, s6;
	s7 =	simm.s32 @p2 $0x1082  }
0x22: {  	[simem:s7], [sflag:s8] =	dma.local @!p0 [hbm:s6], $0xF7A  }
0x23: {  	s9 =	sor.u32 $0xD0000000, s2;
	s6 =	simm.s32 $0x108;
	_ =	swait.ge @!p0 [sflag:s8], $0x0  }
0x24: {  	s3 =	sadd.s32 $0x88, s3;
	s6 =	simm.s32 @!p1 $0x1082;
	[sflag:s4] =	ssyncset.s32 $0xFFFFF086  }
0x25: {  	[simem:s6], [sflag:s4] =	dma.local [hbm:s3], $0xF7A  }
0x26: {  	[smem:$0x3F98] =	sst s1;
	(tag) =	ssettag s2;
	_ =	strace s9  }
0x27: {  	s1 =	sld [smem:$0x3FA8]  }
0x28: {  	s2 =	sld [smem:$0x3FA9]  }
0x29: {  	s4 =	sld [smem:$0x3FAB]  }
0x2a: {  	p0 =	seq.s32 s5, $0x0;
	s5 =	sld [smem:$0x3FAC]  }
0x2b: {  	s6 =	sld [smem:$0x3FAD]  }
0x2c: {  	s7 =	sld [smem:$0x3FAE]  }
0x2d: {  	s3 =	simm.s32 $0x108;
	s8 =	sld [smem:$0x3FAF]  }
0x2e: {  	s3 =	simm.s32 @!p0 $0x1082;
	s9 =	sld [smem:$0x3FB0]  }
0x2f: {  	lr =	sadd.s32 s0, s3;
	s0 =	sld [smem:$0x3FA7]  }
0x30: {  	s3 =	sld [smem:$0x3FAA]  }
0x31: {  	[smem:$0x3FB3] =	sst s10  }
0x32: {  	s10 =	sld [smem:$0x3FB1];
	_ =	sdelay $0x3  }
0x33: {  	p0 =	seq.s32 s10, $0x1;
	s10 =	sld [smem:$0x3FB3];
	_ =	sdelay $0x3  }
0x34: {  	[smem:$0x3FB3] =	sst s10  }
0x35: {  	s10 =	sld [smem:$0x3FB2];
	_ =	sdelay $0x3  }
0x36: {  	p1 =	seq.s32 s10, $0x1;
	s10 =	sld [smem:$0x3FB3];
	_ =	sdelay $0x3  }
0x37: {  	[smem:$0x3FB3] =	sst s10  }
0x38: {  	s10 =	sld [smem:$0x3FB4]  }
0x39: {  	_ = 	snop;
	(pc) =	sbr.ind lr, $3  }
0x3a: {  	_ = 	snop  }
0x3b: {  	_ = 	snop  }
0x3c: {  	p2 =	seq.s32 s10, $0x1;
	s10 =	sld [smem:$0x3FB3]  }
0x3d: {  	_ =	shalt  }
0x3e: {  	_ =	shalt  }
0x3f: {  	_ =	shalt  }
0x40: {  	_ =	shalt  }
0x41: {  	_ =	shalt  }
0x42: {  	_ =	shalt  }
0x43: {  	_ =	shalt  }
0x44: {  	_ =	shalt  }
0x45: {  	_ =	shalt  }
0x46: {  	_ =	shalt  }
0x47: {  	_ =	shalt  }
0x48: {  	_ =	shalt  }
0x49: {  	_ =	shalt  }
0x4a: {  	_ =	shalt  }
0x4b: {  	_ =	shalt  }
0x4c: {  	_ =	shalt  }
0x4d: {  	_ =	shalt  }
0x4e: {  	_ =	shalt  }
0x4f: {  	_ =	shalt  }
0x50: {  	_ =	shalt  }
0x51: {  	_ =	shalt  }
0x52: {  	_ =	shalt  }
0x53: {  	_ =	shalt  }
0x54: {  	_ =	shalt  }
0x55: {  	_ =	shalt  }
0x56: {  	_ =	shalt  }
0x57: {  	_ =	shalt  }
0x58: {  	_ =	shalt  }
0x59: {  	_ =	shalt  }
0x5a: {  	_ =	shalt  }
0x5b: {  	_ =	shalt  }
0x5c: {  	_ =	shalt  }
0x5d: {  	_ =	shalt  }
0x5e: {  	_ =	shalt  }
0x5f: {  	_ =	shalt  }
0x60: {  	_ =	shalt  }
0x61: {  	_ =	shalt  }
0x62: {  	_ =	shalt  }
0x63: {  	_ =	shalt  }
0x64: {  	_ =	shalt  }
0x65: {  	_ =	shalt  }
0x66: {  	_ =	shalt  }
0x67: {  	_ =	shalt  }
0x68: {  	_ =	shalt  }
0x69: {  	_ =	shalt  }
0x6a: {  	_ =	shalt  }
0x6b: {  	_ =	shalt  }
0x6c: {  	_ =	shalt  }
0x6d: {  	_ =	shalt  }
0x6e: {  	_ =	shalt  }
0x6f: {  	_ =	shalt  }
0x70: {  	_ =	shalt  }
0x71: {  	_ =	shalt  }
0x72: {  	_ =	shalt  }
0x73: {  	_ =	shalt  }
0x74: {  	_ =	shalt  }
0x75: {  	_ =	shalt  }
0x76: {  	_ =	shalt  }
0x77: {  	_ =	shalt  }
0x78: {  	_ =	shalt  }
0x79: {  	_ =	shalt  }
0x7a: {  	_ =	shalt  }
0x7b: {  	_ =	shalt  }
0x7c: {  	_ =	shalt  }
0x7d: {  	_ =	shalt  }
0x7e: {  	_ =	shalt  }
0x7f: {  	_ =	shalt  }
0x80: {  	_ =	shalt  }
0x81: {  	_ =	shalt  }
0x82: {  	_ =	shalt  }
0x83: {  	_ =	shalt  }
0x84: {  	_ =	shalt  }
0x85: {  	_ =	shalt  }
0x86: {  	_ =	shalt  }
0x87: {  	_ =	shalt  }
.Lfunc_end0:
.L_simem_size_0:
called_computation.9_lowered:
.L_overlay_start_0:
0x88: {  	s2 =	sld [smem:$0x3FD9]  }
0x89: {  	s3 =	sld [smem:$0x3FFE];
	_ =	sdelay $0x1  }
0x8a: {  	s1 =	srdreg.scid  }
0x8b: {  	s0 =	sand.u32 $0x1, s1  }
0x8c: {  	s16 =	sshll.u32 s0, $0xA;
	s2 =	sadd.s32 s3, s2  }
0x8d: {  	s2 =	sadd.s32 s2, s16  }
0x8e: {  	[smem:$0x3FBF] =	sst s2  }
0x8f: {  	_ = 	snop  }
0x90: {  	(tm) =	ssettm $0x1  }
0x91: {  	s17 =	sld [smem:$0x3FFB];
	_ =	sdelay $0x3  }
0x92: {  	_ =	strace s17  }
0x93: {  	s2 =	sld [smem:$0x3FFC];
	_ =	sdelay $0x3  }
0x94: {  	_ =	strace s2  }
0x95: {  	s2 =	sld [smem:$0x3FFD];
	_ =	sdelay $0x3  }
0x96: {  	_ =	strace s2  }
0x97: {  	_ =	strace $0x8FFFFFFF  }
0x98: {  	s18 =	sld [smem:$0x3FDB];
	_ =	sdelay $0x1  }
0x99: {  	s19 =	simm.s32 $_scs_section_size  }
0x9a: {  	s4 =	simm.s32 $_size__tile_overlayer_lowered;
	s5 =	simm.s32 $_tile_overlayer_lowered  }
0x9b: {  	s22 =	simm.s32 $0x1BFF;
	s21 =	sshll.u32 s5, $0x1;
	s2 =	sadd.s32 s19, s18  }
0x9c: {  	s6 =	simm.s32 $0x0;
	s20 =	sshll.u32 s4, $0x1;
	s4 =	sadd.s32 s21, s2  }
0x9d: {  	[timem:s6], [sflag:s22] =	dma.local [hbm:s4], s20  }
0x9e: {  	_ =	swait.ge [sflag:s22], s20  }
0x9f: {  	s3 =	ssub.s32 $0x0, s20;
	[sflag:s22] =	ssyncset.done $0x0  }
0xa0: {  	[sflag:s22] =	ssyncadd.s32 s3;
	_ =	sdelay $0x1  }
0xa1: {  	s23 =	simm.s32 $0x1B8B  }
0xa2: {  	_ =	swait.ge [sflag:s23], $0x1  }
0xa3: {  	[sflag:s23] =	ssyncset.done $0x0  }
0xa4: {  	s25 =	simm.s32 $0x1B8E;
	s24 =	sld [smem:$0x3FFE];
	[sflag:s23] =	ssyncadd.s32 $0xFFFFFFFF  }
0xa5: {  	s26 =	simm.s32 $execute0_lowered;
	[smem:$0x3FD2] =	sst s25  }
0xa6: {  	s4 =	sshll.u32 s26, $0x1;
	_ =	strace $0x80000061;
	[dreg:$0x1] =	wrdreg $0xFFFFFFFF  }
0xa7: {  	s28 =	simm.s32 $_size_execute0_lowered;
	s2 =	sadd.s32 s2, s4;
	[dreg:$0x0] =	wrdreg $0x0  }
0xa8: {  	s4 =	sshll.u32 s28, $0x1;
	[dreg:$0x2] =	wrdreg s2  }
0xa9: {  	[dreg:$0x3] =	wrdreg s4  }
0xaa: {  	[dreg:$0x4] =	wrdreg $0xC0  }
0xab: {  	_ =	task [dreg:s6], $0x5FFFF  }
0xac: {  	[dreg:$0x1] =	wrdreg $0xFFFFFFFF  }
0xad: {  	[dreg:$0x0] =	wrdreg $0x60  }
0xae: {  	[dreg:$0x2] =	wrdreg s24  }
0xaf: {  	[dreg:$0x3] =	wrdreg $0x41000  }
0xb0: {  	[dreg:$0x4] =	wrdreg $0x9  }
0xb1: {  	_ =	task.clear_ibuf [dreg:s6], $0x5FFFF;
	_ =	strace $0x90000061  }
0xb2: {  	s29 =	simm.s32 $0x9;
	_ =	strace $0x80000063  }
0xb3: {  	_ =	swait.ge [sflag:s29], $0x1  }
0xb4: {  	[sflag:s29] =	ssyncadd.s32 $0xFFFFFFFF  }
0xb5: {  	_ =	strace $0x90000063  }
0xb6: {  	_ =	sfence  }
0xb7: {  	s30 =	sld [smem:$0x0];
	_ =	sdelay $0x2  }
0xb8: {  	s31 =	sshll.u32 s1, $0xD;
	s1 =	sshrl.u32 s1, $0x2  }
0xb9: {  	s3 =	sand.u32 $0x4000, s31;
	s1 =	sadd.s32 s1, s30  }
0xba: {  	s0 =	sor.u32 s3, s0;
	s1 =	sshll.u32 s1, $0x11  }
0xbb: {  	s0 =	sor.u32 s1, s0  }
0xbc: {  	s0 =	sadd.s32 $0x8F2B, s0  }
0xbd: {  	[sflag:s0] =	ssyncadd.remote.s32 $0x1  }
0xbe: {  	_ =	sfence.sel $0xFFFF  }
0xbf: {  	[dreg:$0x0] =	wrdreg $0xFFFFFFFF;
	(pc) =	sbr.abs _section_cstart, $3  }
0xc0: {  	[dreg:$0x1] =	wrdreg $0xFFFFFFFF  }
0xc1: {  	_ =	task.clear_ibuf [dreg:s6], $0x2FFFF;
	_ =	strace $0x9FFFFFFF  }
0xc2: {  	(tm) =	ssettm $0x7FFFFFFF  }
0xc3: {  	_ =	shalt  }
tec
execute0_lowered:
.L_overlay_start_1:
0x0: {  	(tag) =	ssettag $0x1  }
0x1: {  	s7 =	rddreg [dreg:$0x0]  }
0x2: {  	s2 =	rddreg [dreg:$0x1]  }
0x3: {  	s0 =	rddreg [dreg:$0x2];
	s3 =	simm.s32 $0x0  }
0x4: {  	s1 =	stileid.u32;
	s4 =	srdreg.scid;
	s16 =	simm.s32 $0x1  }
0x5: {  	s17 =	simm.s32 $0x0;
	[smem:$0x7FF] =	sst s3;
	s8 =	smul.u32 $0x2780, s1  }
0x6: {  	s9 =	sand.u32 $0x1, s4;
	s4 =	sadd.s32 $0x2CC00, s7;
	s13 =	smul.u32 $0x4F000, s1  }
0x7: {  	s5 =	sadd.s32 $0x18C00, s7;
	s6 =	sadd.s32 $0x22C00, s7;
	s31 =	smul.u32 $0x500, s1  }
0x8: {  	s30 =	sshll.u32 s1, $0x6;
	_ =	strace $0x80000062;
	s10 =	smul.u32 $0x27800, s9  }
0x9: {  	s12 =	ssub.s32 $0x2, s9;
	s28 =	smul.u32 $0x5000, s9;
	s11 =	sadd.s32 s8, s7  }
0xa: {  	s26 =	sshrl.u32 s12, $0x1;
	s29 =	sshrl.u32 s13, $0x2;
	s13 =	simm.s32 $0x2  }
0xb: {  	s8 =	sadd.s32 s8, s10;
	s10 =	ssub.s32 s12, s26;
	s15 =	sadd.s32 s29, s2  }
0xc: {  	s14 =	sadd.s32 s8, s7;
	s7 =	sadd.s32 $0x53E00, s11;
	s8 =	sor.u32 $0x1C02, s30  }
0xd: {  	s10 =	smax.u32 s10, $0x1;
	s11 =	sadd.s32 s31, s28;
	s12 =	sshrl.u32 s15, $0x3  }
0xe: {  	s15 =	simm.s32 $0x100;
	s9 =	sadd.s32 $0x167A00, s14;
	s14 =	simm.s32 $0x80  }
.LBB2_1:
0xf: {  	[spmem:s12], [sflag:s8] =	dma.local [hbm:s7], $0x2780  }
0x10: {  	s18 =	sadd.s32 $0x0, s11;
	_ =	swait.ge [sflag:s13], $0x2780  }
0x11: {  	s19 =	sand.u32 $0x70, s3;
	s18 =	sand.u32 $0xFFFFF80, s18;
	[sflag:s13] =	ssyncset.done $0x0  }
0x12: {  	s18 =	sor.u32 s19, s18;
	[sflag:s13] =	ssyncadd.s32 $0xFFFFD880  }
0x13: {  	s19 =	sadd.s32 s5, s18;
	[bflag:$0x0] =	sbarrier.arrive $0xFFFF  }
0x14: {  	[tilespmem:s3], [sflag:$0x2] =	stream.linear.gather [hbm4b:s19+s3], $0x80, $0x38;
	[tilespmem:$0x17D00] =	vst v63  }
0x15: {  	_ =	swait.ge [sflag:s13], $0x80  }
0x16: {  	[sflag:s13] =	ssyncset.done $0x0  }
0x17: {  	s18 =	sadd.s32 s6, s18;
	[sflag:s13] =	ssyncadd.s32 $0xFFFFFF80  }
0x18: {  	[tilespmem:s14], [sflag:$0x2] =	stream.linear.gather [hbm4b:s18+s3], $0x80, $0x38;
	[tilespmem:$0x17D00] =	vst v63  }
0x19: {  	_ =	swait.ge [sflag:s13], $0x80  }
0x1a: {  	[sflag:s13] =	ssyncset.done $0x0  }
0x1b: {  	[sflag:s13] =	ssyncadd.s32 $0xFFFFFF80  }
0x1c: {  	[tilespmem:s15], [sflag:$0x1] =	stream.indirect.gather [hbm4b:s4+s14], $0x80, s3, s14, $0xb8;
	[tilespmem:$0x17D00] =	vst v63  }
0x1d: {  	_ =	swait.ge [sflag:s16], $0x4000  }
0x1e: {  	[sflag:s16] =	ssyncset.done $0x0  }
0x1f: {  	s30 =	simm.s32 $0x10;
	s31 =	sadd.s32 $0x10, s11;
	[sflag:s16] =	ssyncadd.s32 $0xFFFFC000  }
0x20: {  	[spmem:s2] =	stream.indirect.scatter.add.f32 [tilespmem:s15], [sflag:$0x2], $0x80, s14, s14, $0xb8;
	[tilespmem:$0x17D00] =	vst v63  }
0x21: {  	s20 =	sand.u32 $0xFFFFF80, s31;
	s18 =	sand.u32 $0x70, s30;
	_ =	swait.ge [sflag:s13], $0x4000  }
0x22: {  	s19 =	simm.s32 $0x20;
	s18 =	sor.u32 s18, s20;
	[sflag:s13] =	ssyncset.done $0x0  }
.LBB2_2:
0x23: {  	s20 =	sadd.s32 s5, s18  }
0x24: {  	[sflag:s13] =	ssyncadd.s32 $0xFFFFC000;
	s21 =	smov.u32 s19;
	s22 =	sadd.s32 $0x10, s19  }
0x25: {  	[tilespmem:s3], [sflag:$0x2] =	stream.linear.gather [hbm4b:s20+s3], $0x80, $0x38;
	[tilespmem:$0x17D00] =	vst v63  }
0x26: {  	p0 =	sne.s32 s19, $0x4F0;
	_ =	swait.ge [sflag:s13], $0x80  }
0x27: {  	[sflag:s13] =	ssyncset.done $0x0  }
0x28: {  	s18 =	sadd.s32 s6, s18;
	[sflag:s13] =	ssyncadd.s32 $0xFFFFFF80  }
0x29: {  	[tilespmem:s14], [sflag:$0x2] =	stream.linear.gather [hbm4b:s18+s3], $0x80, $0x38;
	[tilespmem:$0x17D00] =	vst v63  }
0x2a: {  	_ =	swait.ge [sflag:s13], $0x80  }
0x2b: {  	[sflag:s13] =	ssyncset.done $0x0  }
0x2c: {  	[sflag:s13] =	ssyncadd.s32 $0xFFFFFF80  }
0x2d: {  	[tilespmem:s15], [sflag:$0x1] =	stream.indirect.gather [hbm4b:s4+s14], $0x80, s3, s14, $0xb8;
	[tilespmem:$0x17D00] =	vst v63  }
0x2e: {  	_ =	swait.ge [sflag:s16], $0x4000  }
.Ltmp0:
0x2f: {  	[sflag:s16] =	ssyncset.done $0x0;
	(pc) =	sbr.rel @p0 .LBB2_2-.Ltmp0, $4  }
0x30: {  	s18 =	sadd.s32 s21, s11;
	[sflag:s16] =	ssyncadd.s32 $0xFFFFC000  }
0x31: {  	[spmem:s2] =	stream.indirect.scatter.add.f32 [tilespmem:s15], [sflag:$0x2], $0x80, s14, s14, $0xb8;
	[tilespmem:$0x17D00] =	vst v63  }
0x32: {  	s19 =	sand.u32 $0x70, s21;
	s18 =	sand.u32 $0xFFFFF80, s18;
	_ =	swait.ge [sflag:s13], $0x4000  }
0x33: {  	s18 =	sor.u32 s19, s18;
	s19 =	smov.u32 s22;
	[sflag:s13] =	ssyncset.done $0x0  }
0x34: {  	s19 =	sadd.s32 s5, s18;
	[sflag:s13] =	ssyncadd.s32 $0xFFFFC000  }
0x35: {  	[tilespmem:s3], [sflag:$0x2] =	stream.linear.gather [hbm4b:s19+s3], $0x80, $0x38;
	[tilespmem:$0x17D00] =	vst v63  }
0x36: {  	_ =	swait.ge [sflag:s13], $0x80  }
0x37: {  	[sflag:s13] =	ssyncset.done $0x0  }
0x38: {  	s31 =	sadd.s32 s6, s18;
	[sflag:s13] =	ssyncadd.s32 $0xFFFFFF80  }
0x39: {  	[tilespmem:s14], [sflag:$0x2] =	stream.linear.gather [hbm4b:s31+s3], $0x80, $0x38;
	[tilespmem:$0x17D00] =	vst v63  }
0x3a: {  	_ =	swait.ge [sflag:s13], $0x80  }
0x3b: {  	[sflag:s13] =	ssyncset.done $0x0  }
0x3c: {  	[sflag:s13] =	ssyncadd.s32 $0xFFFFFF80  }
0x3d: {  	[tilespmem:s15], [sflag:$0x1] =	stream.indirect.gather [hbm4b:s4+s14], $0x80, s3, s14, $0xb8;
	[tilespmem:$0x17D00] =	vst v63  }
0x3e: {  	_ =	swait.ge [sflag:s16], $0x4000  }
0x3f: {  	[sflag:s16] =	ssyncset.done $0x0  }
0x40: {  	[sflag:s16] =	ssyncadd.s32 $0xFFFFC000  }
0x41: {  	[spmem:s2] =	stream.indirect.scatter.add.f32 [tilespmem:s15], [sflag:$0x2], $0x80, s14, s14, $0xb8;
	[tilespmem:$0x17D00] =	vst v63  }
0x42: {  	_ =	swait.ge [sflag:s13], $0x4000  }
0x43: {  	s17 =	sadd.s32 $0x1, s17;
	[sflag:s13] =	ssyncset.done $0x0  }
0x44: {  	p0 =	sne.s32 s17, s10;
	[sflag:s13] =	ssyncadd.s32 $0xFFFFC000  }
.Ltmp1:
0x45: {  	[bflag:$0x0] =	sbarrier.arrive $0xFFFF;
	(pc) =	sbr.rel @p0 .LBB2_1-.Ltmp1, $4  }
0x46: {  	[hbm:s9], [sflag:s8] =	dma.local [spmem:s12], $0x2780  }
0x47: {  	_ =	swait.ge [sflag:s13], $0x2780  }
0x48: {  	[sflag:s13] =	ssyncset.done $0x0  }
0x49: {  	[sflag:s13] =	ssyncadd.s32 $0xFFFFD880  }
0x4a: {  	_ =	sfence.sel $0x180000  }
0x4b: {  	[bflag:$0x0] =	sbarrier.arrive $0xFFFF  }
0x4c: {  	p0 =	sne.s32 s1, $0x0;
	_ =	strace $0x90000062  }
0x4d: {  	s0 =	sadd.s32 @!p0 $0x100000, s0;
	[bflag:$0x2] =	sbarrier.arrive $0xFFFF  }
0x4e: {  	[sflag:s0] =	ssyncadd.tile.s32 @!p0 $0x1;
	_ =	shalt  }
.Lfunc_end2:
_tile_overlayer_lowered:
.L_overlay_start_2:
0x4f: {  	(tag) =	ssettag $0x2  }
0x50: {  	s0 =	rddreg [dreg:$0x0];
	s2 =	stileid.u32  }
0x51: {  	s1 =	rddreg [dreg:$0x1];
	p0 =	sne.s32 s2, $0x0  }
0x52: {  	s3 =	rddreg [dreg:$0x2];
	[bflag:$0x3] =	sbarrier.arrive $0xFFFF;
	s2 =	simm.s32 @!p0 $0x1C02  }
0x53: {  	[timem:s3], [sflag:s2] =	dma.local @!p0 [hbm:s0], s1  }
0x54: {  	s0 =	simm.s32 @!p0 $0x2  }
0x55: {  	_ =	swait.ge @!p0 [sflag:s0], s1  }
0x56: {  	s1 =	ssub.s32 @!p0 $0x0, s1;
	[sflag:s0] =	ssyncset.done @!p0 $0x0  }
0x57: {  	[sflag:s0] =	ssyncadd.s32 @!p0 s1  }
0x58: {  	[bflag:$0x3] =	sbarrier.arrive $0xFFFF  }
0x59: {  	_ =	shalt  }

// kernel: kernel.63.cloned.1.call-start
scs
__scs_entry_jumppad:
0x0: {  	(pc) =	sbr.rel $0x88, $3  }
0x1: {  	(tag) =	ssettag $0x0;
	lr =	simm.s32 $0x1  }
0x2: {  	[smem:$0x3F98] =	sst lr;
	_ =	strace $0xD0000000  }
0x3: {  	_ = 	snop  }
0x4: {  	_ = 	snop  }
0x5: {  	_ = 	snop  }
0x6: {  	_ = 	snop  }
0x7: {  	_ = 	snop  }
__scs_overlays_trampoline_lowered:
0x8: {  	[smem:$0x3FA7] =	sst s0  }
0x9: {  	[smem:$0x3FA8] =	sst s1  }
0xa: {  	[smem:$0x3FA9] =	sst s2  }
0xb: {  	[smem:$0x3FAA] =	sst s3  }
0xc: {  	[smem:$0x3FAB] =	sst s4  }
0xd: {  	[smem:$0x3FAC] =	sst s5  }
0xe: {  	[smem:$0x3FAD] =	sst s6  }
0xf: {  	[smem:$0x3FAE] =	sst s7  }
0x10: {  	[smem:$0x3FAF] =	sst s8  }
0x11: {  	[smem:$0x3FB0] =	sst s9;
	s0 =	simm.s32 @!p0 $0x0  }
0x12: {  	s1 =	sld [smem:$0x3F96];
	s0 =	simm.s32 @p0 $0x1  }
0x13: {  	[smem:$0x3FB1] =	sst s0;
	s0 =	simm.s32 @!p1 $0x0  }
0x14: {  	s2 =	sld [smem:$0x3F95];
	s0 =	simm.s32 @p1 $0x1  }
0x15: {  	[smem:$0x3FB2] =	sst s0;
	s0 =	simm.s32 @!p2 $0x0  }
0x16: {  	s3 =	sld [smem:$0x3FDB];
	s0 =	simm.s32 @p2 $0x1  }
0x17: {  	s4 =	simm.s32 $0x1BF5;
	[smem:$0x3FB4] =	sst s0  }
0x18: {  	s0 =	sld [smem:$0x3F97];
	_ =	swait.ge [sflag:s4], $0x0  }
0x19: {  	s7 =	sld [smem:$0x3F98]  }
0x1a: {  	s8 =	sadd.s32 $0xFFFFE003, lr  }
0x1b: {  	s9 =	sadd.s32 $0xFFFFFEF7, lr;
	s5 =	simm.s32 $0xFFFFFFFF;
	p2 =	slt.u32 s8, $0xFFFFF086  }
0x1c: {  	p1 =	slt.u32 s9, $0xF7A;
	s5 =	simm.s32 @!p2 $0x0  }
0x1d: {  	s5 =	simm.s32 @p1 $0x1;
	p0 =	seq.s32 s7, s2  }
0x1e: {  	s7 =	smul.u32 @!p0 $0xF7A, s2;
	p2 =	seq.s32 @!p0 s5, $0x0  }
0x1f: {  	s9 =	smul.u32 $0xF7A, s1;
	s8 =	simm.s32 @!p0 $0x1BF5;
	p2 =	por !p2, p0  }
0x20: {  	[sflag:s8] =	ssyncset.s32 @!p0 $0xFFFFF086;
	s6 =	sadd.s32 @!p0 s3, s7;
	s7 =	simm.s32 @!p0 $0x108  }
0x21: {  	s3 =	sadd.s32 s3, s9;
	s6 =	sadd.s32 @!p0 $0x88, s6;
	s7 =	simm.s32 @p2 $0x1082  }
0x22: {  	[simem:s7], [sflag:s8] =	dma.local @!p0 [hbm:s6], $0xF7A  }
0x23: {  	s9 =	sor.u32 $0xD0000000, s2;
	s6 =	simm.s32 $0x108;
	_ =	swait.ge @!p0 [sflag:s8], $0x0  }
0x24: {  	s3 =	sadd.s32 $0x88, s3;
	s6 =	simm.s32 @!p1 $0x1082;
	[sflag:s4] =	ssyncset.s32 $0xFFFFF086  }
0x25: {  	[simem:s6], [sflag:s4] =	dma.local [hbm:s3], $0xF7A  }
0x26: {  	[smem:$0x3F98] =	sst s1;
	(tag) =	ssettag s2;
	_ =	strace s9  }
0x27: {  	s1 =	sld [smem:$0x3FA8]  }
0x28: {  	s2 =	sld [smem:$0x3FA9]  }
0x29: {  	s4 =	sld [smem:$0x3FAB]  }
0x2a: {  	p0 =	seq.s32 s5, $0x0;
	s5 =	sld [smem:$0x3FAC]  }
0x2b: {  	s6 =	sld [smem:$0x3FAD]  }
0x2c: {  	s7 =	sld [smem:$0x3FAE]  }
0x2d: {  	s3 =	simm.s32 $0x108;
	s8 =	sld [smem:$0x3FAF]  }
0x2e: {  	s3 =	simm.s32 @!p0 $0x1082;
	s9 =	sld [smem:$0x3FB0]  }
0x2f: {  	lr =	sadd.s32 s0, s3;
	s0 =	sld [smem:$0x3FA7]  }
0x30: {  	s3 =	sld [smem:$0x3FAA]  }
0x31: {  	[smem:$0x3FB3] =	sst s10  }
0x32: {  	s10 =	sld [smem:$0x3FB1];
	_ =	sdelay $0x3  }
0x33: {  	p0 =	seq.s32 s10, $0x1;
	s10 =	sld [smem:$0x3FB3];
	_ =	sdelay $0x3  }
0x34: {  	[smem:$0x3FB3] =	sst s10  }
0x35: {  	s10 =	sld [smem:$0x3FB2];
	_ =	sdelay $0x3  }
0x36: {  	p1 =	seq.s32 s10, $0x1;
	s10 =	sld [smem:$0x3FB3];
	_ =	sdelay $0x3  }
0x37: {  	[smem:$0x3FB3] =	sst s10  }
0x38: {  	s10 =	sld [smem:$0x3FB4]  }
0x39: {  	_ = 	snop;
	(pc) =	sbr.ind lr, $3  }
0x3a: {  	_ = 	snop  }
0x3b: {  	_ = 	snop  }
0x3c: {  	p2 =	seq.s32 s10, $0x1;
	s10 =	sld [smem:$0x3FB3]  }
0x3d: {  	_ =	shalt  }
0x3e: {  	_ =	shalt  }
0x3f: {  	_ =	shalt  }
0x40: {  	_ =	shalt  }
0x41: {  	_ =	shalt  }
0x42: {  	_ =	shalt  }
0x43: {  	_ =	shalt  }
0x44: {  	_ =	shalt  }
0x45: {  	_ =	shalt  }
0x46: {  	_ =	shalt  }
0x47: {  	_ =	shalt  }
0x48: {  	_ =	shalt  }
0x49: {  	_ =	shalt  }
0x4a: {  	_ =	shalt  }
0x4b: {  	_ =	shalt  }
0x4c: {  	_ =	shalt  }
0x4d: {  	_ =	shalt  }
0x4e: {  	_ =	shalt  }
0x4f: {  	_ =	shalt  }
0x50: {  	_ =	shalt  }
0x51: {  	_ =	shalt  }
0x52: {  	_ =	shalt  }
0x53: {  	_ =	shalt  }
0x54: {  	_ =	shalt  }
0x55: {  	_ =	shalt  }
0x56: {  	_ =	shalt  }
0x57: {  	_ =	shalt  }
0x58: {  	_ =	shalt  }
0x59: {  	_ =	shalt  }
0x5a: {  	_ =	shalt  }
0x5b: {  	_ =	shalt  }
0x5c: {  	_ =	shalt  }
0x5d: {  	_ =	shalt  }
0x5e: {  	_ =	shalt  }
0x5f: {  	_ =	shalt  }
0x60: {  	_ =	shalt  }
0x61: {  	_ =	shalt  }
0x62: {  	_ =	shalt  }
0x63: {  	_ =	shalt  }
0x64: {  	_ =	shalt  }
0x65: {  	_ =	shalt  }
0x66: {  	_ =	shalt  }
0x67: {  	_ =	shalt  }
0x68: {  	_ =	shalt  }
0x69: {  	_ =	shalt  }
0x6a: {  	_ =	shalt  }
0x6b: {  	_ =	shalt  }
0x6c: {  	_ =	shalt  }
0x6d: {  	_ =	shalt  }
0x6e: {  	_ =	shalt  }
0x6f: {  	_ =	shalt  }
0x70: {  	_ =	shalt  }
0x71: {  	_ =	shalt  }
0x72: {  	_ =	shalt  }
0x73: {  	_ =	shalt  }
0x74: {  	_ =	shalt  }
0x75: {  	_ =	shalt  }
0x76: {  	_ =	shalt  }
0x77: {  	_ =	shalt  }
0x78: {  	_ =	shalt  }
0x79: {  	_ =	shalt  }
0x7a: {  	_ =	shalt  }
0x7b: {  	_ =	shalt  }
0x7c: {  	_ =	shalt  }
0x7d: {  	_ =	shalt  }
0x7e: {  	_ =	shalt  }
0x7f: {  	_ =	shalt  }
0x80: {  	_ =	shalt  }
0x81: {  	_ =	shalt  }
0x82: {  	_ =	shalt  }
0x83: {  	_ =	shalt  }
0x84: {  	_ =	shalt  }
0x85: {  	_ =	shalt  }
0x86: {  	_ =	shalt  }
0x87: {  	_ =	shalt  }
.Lfunc_end0:
.L_simem_size_0:
called_computation.10_lowered:
.L_overlay_start_0:
0x88: {  	s2 =	sld [smem:$0x3FD9]  }
0x89: {  	s3 =	sld [smem:$0x3FFE];
	_ =	sdelay $0x1  }
0x8a: {  	s1 =	srdreg.scid  }
0x8b: {  	s0 =	sand.u32 $0x1, s1  }
0x8c: {  	s16 =	sshll.u32 s0, $0xA;
	s2 =	sadd.s32 s3, s2  }
0x8d: {  	s2 =	sadd.s32 s2, s16  }
0x8e: {  	[smem:$0x3FBF] =	sst s2  }
0x8f: {  	_ = 	snop  }
0x90: {  	(tm) =	ssettm $0x1  }
0x91: {  	s17 =	sld [smem:$0x3FFB];
	_ =	sdelay $0x3  }
0x92: {  	_ =	strace s17  }
0x93: {  	s2 =	sld [smem:$0x3FFC];
	_ =	sdelay $0x3  }
0x94: {  	_ =	strace s2  }
0x95: {  	s2 =	sld [smem:$0x3FFD];
	_ =	sdelay $0x3  }
0x96: {  	_ =	strace s2  }
0x97: {  	_ =	strace $0x8FFFFFFF  }
0x98: {  	s18 =	sld [smem:$0x3FDB];
	_ =	sdelay $0x1  }
0x99: {  	s19 =	simm.s32 $_scs_section_size  }
0x9a: {  	s4 =	simm.s32 $_size__tile_overlayer_lowered;
	s5 =	simm.s32 $_tile_overlayer_lowered  }
0x9b: {  	s22 =	simm.s32 $0x1BFF;
	s21 =	sshll.u32 s5, $0x1;
	s2 =	sadd.s32 s19, s18  }
0x9c: {  	s6 =	simm.s32 $0x0;
	s20 =	sshll.u32 s4, $0x1;
	s4 =	sadd.s32 s21, s2  }
0x9d: {  	[timem:s6], [sflag:s22] =	dma.local [hbm:s4], s20  }
0x9e: {  	_ =	swait.ge [sflag:s22], s20  }
0x9f: {  	s3 =	ssub.s32 $0x0, s20;
	[sflag:s22] =	ssyncset.done $0x0  }
0xa0: {  	[sflag:s22] =	ssyncadd.s32 s3;
	_ =	sdelay $0x1  }
0xa1: {  	s23 =	simm.s32 $0x1B8B  }
0xa2: {  	_ =	swait.ge [sflag:s23], $0x1  }
0xa3: {  	[sflag:s23] =	ssyncset.done $0x0  }
0xa4: {  	s25 =	simm.s32 $0x1B8E;
	s24 =	sld [smem:$0x3FFE];
	[sflag:s23] =	ssyncadd.s32 $0xFFFFFFFF  }
0xa5: {  	s26 =	simm.s32 $execute0_lowered;
	[smem:$0x3FD2] =	sst s25  }
0xa6: {  	s4 =	sshll.u32 s26, $0x1;
	_ =	strace $0x80000064;
	[dreg:$0x1] =	wrdreg $0xFFFFFFFF  }
0xa7: {  	s28 =	simm.s32 $_size_execute0_lowered;
	s2 =	sadd.s32 s2, s4;
	[dreg:$0x0] =	wrdreg $0x0  }
0xa8: {  	s4 =	sshll.u32 s28, $0x1;
	[dreg:$0x2] =	wrdreg s2  }
0xa9: {  	[dreg:$0x3] =	wrdreg s4  }
0xaa: {  	[dreg:$0x4] =	wrdreg $0xC0  }
0xab: {  	_ =	task [dreg:s6], $0x5FFFF  }
0xac: {  	[dreg:$0x1] =	wrdreg $0xFFFFFFFF  }
0xad: {  	[dreg:$0x0] =	wrdreg $0x60  }
0xae: {  	[dreg:$0x2] =	wrdreg s24  }
0xaf: {  	[dreg:$0x3] =	wrdreg $0x41000  }
0xb0: {  	[dreg:$0x4] =	wrdreg $0x9  }
0xb1: {  	_ =	task.clear_ibuf [dreg:s6], $0x5FFFF;
	_ =	strace $0x90000064  }
0xb2: {  	s29 =	simm.s32 $0x9;
	_ =	strace $0x80000066  }
0xb3: {  	_ =	swait.ge [sflag:s29], $0x1  }
0xb4: {  	[sflag:s29] =	ssyncadd.s32 $0xFFFFFFFF  }
0xb5: {  	_ =	strace $0x90000066  }
0xb6: {  	_ =	sfence  }
0xb7: {  	s30 =	sld [smem:$0x0];
	_ =	sdelay $0x2  }
0xb8: {  	s31 =	sshll.u32 s1, $0xD;
	s1 =	sshrl.u32 s1, $0x2  }
0xb9: {  	s3 =	sand.u32 $0x4000, s31;
	s1 =	sadd.s32 s1, s30  }
0xba: {  	s0 =	sor.u32 s3, s0;
	s1 =	sshll.u32 s1, $0x11  }
0xbb: {  	s0 =	sor.u32 s1, s0  }
0xbc: {  	s0 =	sadd.s32 $0x8F2B, s0  }
0xbd: {  	[sflag:s0] =	ssyncadd.remote.s32 $0x1  }
0xbe: {  	_ =	sfence.sel $0xFFFF  }
0xbf: {  	[dreg:$0x0] =	wrdreg $0xFFFFFFFF;
	(pc) =	sbr.abs _section_cstart, $3  }
0xc0: {  	[dreg:$0x1] =	wrdreg $0xFFFFFFFF  }
0xc1: {  	_ =	task.clear_ibuf [dreg:s6], $0x2FFFF;
	_ =	strace $0x9FFFFFFF  }
0xc2: {  	(tm) =	ssettm $0x7FFFFFFF  }
0xc3: {  	_ =	shalt  }
tec
execute0_lowered:
.L_overlay_start_1:
0x0: {  	(tag) =	ssettag $0x1  }
0x1: {  	s7 =	rddreg [dreg:$0x0]  }
0x2: {  	s2 =	rddreg [dreg:$0x1]  }
0x3: {  	s0 =	rddreg [dreg:$0x2];
	s3 =	simm.s32 $0x0  }
0x4: {  	s1 =	stileid.u32;
	s4 =	srdreg.scid;
	s16 =	simm.s32 $0x1  }
0x5: {  	s17 =	simm.s32 $0x0;
	[smem:$0x7FF] =	sst s3;
	s8 =	smul.u32 $0x2780, s1  }
0x6: {  	s9 =	sand.u32 $0x1, s4;
	s4 =	sadd.s32 $0x2CC00, s7;
	s13 =	smul.u32 $0x4F000, s1  }
0x7: {  	s5 =	sadd.s32 $0x18C00, s7;
	s6 =	sadd.s32 $0x22C00, s7;
	s31 =	smul.u32 $0x500, s1  }
0x8: {  	s30 =	sshll.u32 s1, $0x6;
	_ =	strace $0x80000065;
	s10 =	smul.u32 $0x27800, s9  }
0x9: {  	s12 =	ssub.s32 $0x2, s9;
	s28 =	smul.u32 $0x5000, s9;
	s11 =	sadd.s32 s8, s7  }
0xa: {  	s26 =	sshrl.u32 s12, $0x1;
	s29 =	sshrl.u32 s13, $0x2;
	s13 =	simm.s32 $0x2  }
0xb: {  	s8 =	sadd.s32 s8, s10;
	s10 =	ssub.s32 s12, s26;
	s15 =	sadd.s32 s29, s2  }
0xc: {  	s14 =	sadd.s32 s8, s7;
	s7 =	sadd.s32 $0x53E00, s11;
	s8 =	sor.u32 $0x1C02, s30  }
0xd: {  	s10 =	smax.u32 s10, $0x1;
	s11 =	sadd.s32 s31, s28;
	s12 =	sshrl.u32 s15, $0x3  }
0xe: {  	s15 =	simm.s32 $0x100;
	s9 =	sadd.s32 $0xA2800, s14;
	s14 =	simm.s32 $0x80  }
.LBB2_1:
0xf: {  	[spmem:s12], [sflag:s8] =	dma.local [hbm:s7], $0x2780  }
0x10: {  	s18 =	sadd.s32 $0x0, s11;
	_ =	swait.ge [sflag:s13], $0x2780  }
0x11: {  	s19 =	sand.u32 $0x70, s3;
	s18 =	sand.u32 $0xFFFFF80, s18;
	[sflag:s13] =	ssyncset.done $0x0  }
0x12: {  	s18 =	sor.u32 s19, s18;
	[sflag:s13] =	ssyncadd.s32 $0xFFFFD880  }
0x13: {  	s19 =	sadd.s32 s5, s18;
	[bflag:$0x0] =	sbarrier.arrive $0xFFFF  }
0x14: {  	[tilespmem:s3], [sflag:$0x2] =	stream.linear.gather [hbm4b:s19+s3], $0x80, $0x38;
	[tilespmem:$0x17D00] =	vst v63  }
0x15: {  	_ =	swait.ge [sflag:s13], $0x80  }
0x16: {  	[sflag:s13] =	ssyncset.done $0x0  }
0x17: {  	s18 =	sadd.s32 s6, s18;
	[sflag:s13] =	ssyncadd.s32 $0xFFFFFF80  }
0x18: {  	[tilespmem:s14], [sflag:$0x2] =	stream.linear.gather [hbm4b:s18+s3], $0x80, $0x38;
	[tilespmem:$0x17D00] =	vst v63  }
0x19: {  	_ =	swait.ge [sflag:s13], $0x80  }
0x1a: {  	[sflag:s13] =	ssyncset.done $0x0  }
0x1b: {  	[sflag:s13] =	ssyncadd.s32 $0xFFFFFF80  }
0x1c: {  	[tilespmem:s15], [sflag:$0x1] =	stream.indirect.gather [hbm4b:s4+s14], $0x80, s3, s14, $0xb8;
	[tilespmem:$0x17D00] =	vst v63  }
0x1d: {  	_ =	swait.ge [sflag:s16], $0x4000  }
0x1e: {  	[sflag:s16] =	ssyncset.done $0x0  }
0x1f: {  	s30 =	simm.s32 $0x10;
	s31 =	sadd.s32 $0x10, s11;
	[sflag:s16] =	ssyncadd.s32 $0xFFFFC000  }
0x20: {  	[spmem:s2] =	stream.indirect.scatter.add.f32 [tilespmem:s15], [sflag:$0x2], $0x80, s14, s14, $0xb8;
	[tilespmem:$0x17D00] =	vst v63  }
0x21: {  	s20 =	sand.u32 $0xFFFFF80, s31;
	s18 =	sand.u32 $0x70, s30;
	_ =	swait.ge [sflag:s13], $0x4000  }
0x22: {  	s19 =	simm.s32 $0x20;
	s18 =	sor.u32 s18, s20;
	[sflag:s13] =	ssyncset.done $0x0  }
.LBB2_2:
0x23: {  	s20 =	sadd.s32 s5, s18  }
0x24: {  	[sflag:s13] =	ssyncadd.s32 $0xFFFFC000;
	s21 =	smov.u32 s19;
	s22 =	sadd.s32 $0x10, s19  }
0x25: {  	[tilespmem:s3], [sflag:$0x2] =	stream.linear.gather [hbm4b:s20+s3], $0x80, $0x38;
	[tilespmem:$0x17D00] =	vst v63  }
0x26: {  	p0 =	sne.s32 s19, $0x4F0;
	_ =	swait.ge [sflag:s13], $0x80  }
0x27: {  	[sflag:s13] =	ssyncset.done $0x0  }
0x28: {  	s18 =	sadd.s32 s6, s18;
	[sflag:s13] =	ssyncadd.s32 $0xFFFFFF80  }
0x29: {  	[tilespmem:s14], [sflag:$0x2] =	stream.linear.gather [hbm4b:s18+s3], $0x80, $0x38;
	[tilespmem:$0x17D00] =	vst v63  }
0x2a: {  	_ =	swait.ge [sflag:s13], $0x80  }
0x2b: {  	[sflag:s13] =	ssyncset.done $0x0  }
0x2c: {  	[sflag:s13] =	ssyncadd.s32 $0xFFFFFF80  }
0x2d: {  	[tilespmem:s15], [sflag:$0x1] =	stream.indirect.gather [hbm4b:s4+s14], $0x80, s3, s14, $0xb8;
	[tilespmem:$0x17D00] =	vst v63  }
0x2e: {  	_ =	swait.ge [sflag:s16], $0x4000  }
.Ltmp0:
0x2f: {  	[sflag:s16] =	ssyncset.done $0x0;
	(pc) =	sbr.rel @p0 .LBB2_2-.Ltmp0, $4  }
0x30: {  	s18 =	sadd.s32 s21, s11;
	[sflag:s16] =	ssyncadd.s32 $0xFFFFC000  }
0x31: {  	[spmem:s2] =	stream.indirect.scatter.add.f32 [tilespmem:s15], [sflag:$0x2], $0x80, s14, s14, $0xb8;
	[tilespmem:$0x17D00] =	vst v63  }
0x32: {  	s19 =	sand.u32 $0x70, s21;
	s18 =	sand.u32 $0xFFFFF80, s18;
	_ =	swait.ge [sflag:s13], $0x4000  }
0x33: {  	s18 =	sor.u32 s19, s18;
	s19 =	smov.u32 s22;
	[sflag:s13] =	ssyncset.done $0x0  }
0x34: {  	s19 =	sadd.s32 s5, s18;
	[sflag:s13] =	ssyncadd.s32 $0xFFFFC000  }
0x35: {  	[tilespmem:s3], [sflag:$0x2] =	stream.linear.gather [hbm4b:s19+s3], $0x80, $0x38;
	[tilespmem:$0x17D00] =	vst v63  }
0x36: {  	_ =	swait.ge [sflag:s13], $0x80  }
0x37: {  	[sflag:s13] =	ssyncset.done $0x0  }
0x38: {  	s31 =	sadd.s32 s6, s18;
	[sflag:s13] =	ssyncadd.s32 $0xFFFFFF80  }
0x39: {  	[tilespmem:s14], [sflag:$0x2] =	stream.linear.gather [hbm4b:s31+s3], $0x80, $0x38;
	[tilespmem:$0x17D00] =	vst v63  }
0x3a: {  	_ =	swait.ge [sflag:s13], $0x80  }
0x3b: {  	[sflag:s13] =	ssyncset.done $0x0  }
0x3c: {  	[sflag:s13] =	ssyncadd.s32 $0xFFFFFF80  }
0x3d: {  	[tilespmem:s15], [sflag:$0x1] =	stream.indirect.gather [hbm4b:s4+s14], $0x80, s3, s14, $0xb8;
	[tilespmem:$0x17D00] =	vst v63  }
0x3e: {  	_ =	swait.ge [sflag:s16], $0x4000  }
0x3f: {  	[sflag:s16] =	ssyncset.done $0x0  }
0x40: {  	[sflag:s16] =	ssyncadd.s32 $0xFFFFC000  }
0x41: {  	[spmem:s2] =	stream.indirect.scatter.add.f32 [tilespmem:s15], [sflag:$0x2], $0x80, s14, s14, $0xb8;
	[tilespmem:$0x17D00] =	vst v63  }
0x42: {  	_ =	swait.ge [sflag:s13], $0x4000  }
0x43: {  	s17 =	sadd.s32 $0x1, s17;
	[sflag:s13] =	ssyncset.done $0x0  }
0x44: {  	p0 =	sne.s32 s17, s10;
	[sflag:s13] =	ssyncadd.s32 $0xFFFFC000  }
.Ltmp1:
0x45: {  	[bflag:$0x0] =	sbarrier.arrive $0xFFFF;
	(pc) =	sbr.rel @p0 .LBB2_1-.Ltmp1, $4  }
0x46: {  	[hbm:s9], [sflag:s8] =	dma.local [spmem:s12], $0x2780  }
0x47: {  	_ =	swait.ge [sflag:s13], $0x2780  }
0x48: {  	[sflag:s13] =	ssyncset.done $0x0  }
0x49: {  	[sflag:s13] =	ssyncadd.s32 $0xFFFFD880  }
0x4a: {  	_ =	sfence.sel $0x180000  }
0x4b: {  	[bflag:$0x0] =	sbarrier.arrive $0xFFFF  }
0x4c: {  	p0 =	sne.s32 s1, $0x0;
	_ =	strace $0x90000065  }
0x4d: {  	s0 =	sadd.s32 @!p0 $0x100000, s0;
	[bflag:$0x2] =	sbarrier.arrive $0xFFFF  }
0x4e: {  	[sflag:s0] =	ssyncadd.tile.s32 @!p0 $0x1;
	_ =	shalt  }
.Lfunc_end2:
_tile_overlayer_lowered:
.L_overlay_start_2:
0x4f: {  	(tag) =	ssettag $0x2  }
0x50: {  	s0 =	rddreg [dreg:$0x0];
	s2 =	stileid.u32  }
0x51: {  	s1 =	rddreg [dreg:$0x1];
	p0 =	sne.s32 s2, $0x0  }
0x52: {  	s3 =	rddreg [dreg:$0x2];
	[bflag:$0x3] =	sbarrier.arrive $0xFFFF;
	s2 =	simm.s32 @!p0 $0x1C02  }
0x53: {  	[timem:s3], [sflag:s2] =	dma.local @!p0 [hbm:s0], s1  }
0x54: {  	s0 =	simm.s32 @!p0 $0x2  }
0x55: {  	_ =	swait.ge @!p0 [sflag:s0], s1  }
0x56: {  	s1 =	ssub.s32 @!p0 $0x0, s1;
	[sflag:s0] =	ssyncset.done @!p0 $0x0  }
0x57: {  	[sflag:s0] =	ssyncadd.s32 @!p0 s1  }
0x58: {  	[bflag:$0x3] =	sbarrier.arrive $0xFFFF  }
0x59: {  	_ =	shalt  }

// kernel: kernel.66.cloned.1.call-start
scs
__scs_entry_jumppad:
0x0: {  	(pc) =	sbr.rel $0x88, $3  }
0x1: {  	(tag) =	ssettag $0x0;
	lr =	simm.s32 $0x1  }
0x2: {  	[smem:$0x3F98] =	sst lr;
	_ =	strace $0xD0000000  }
0x3: {  	_ = 	snop  }
0x4: {  	_ = 	snop  }
0x5: {  	_ = 	snop  }
0x6: {  	_ = 	snop  }
0x7: {  	_ = 	snop  }
__scs_overlays_trampoline_lowered:
0x8: {  	[smem:$0x3FA7] =	sst s0  }
0x9: {  	[smem:$0x3FA8] =	sst s1  }
0xa: {  	[smem:$0x3FA9] =	sst s2  }
0xb: {  	[smem:$0x3FAA] =	sst s3  }
0xc: {  	[smem:$0x3FAB] =	sst s4  }
0xd: {  	[smem:$0x3FAC] =	sst s5  }
0xe: {  	[smem:$0x3FAD] =	sst s6  }
0xf: {  	[smem:$0x3FAE] =	sst s7  }
0x10: {  	[smem:$0x3FAF] =	sst s8  }
0x11: {  	[smem:$0x3FB0] =	sst s9;
	s0 =	simm.s32 @!p0 $0x0  }
0x12: {  	s1 =	sld [smem:$0x3F96];
	s0 =	simm.s32 @p0 $0x1  }
0x13: {  	[smem:$0x3FB1] =	sst s0;
	s0 =	simm.s32 @!p1 $0x0  }
0x14: {  	s2 =	sld [smem:$0x3F95];
	s0 =	simm.s32 @p1 $0x1  }
0x15: {  	[smem:$0x3FB2] =	sst s0;
	s0 =	simm.s32 @!p2 $0x0  }
0x16: {  	s3 =	sld [smem:$0x3FDB];
	s0 =	simm.s32 @p2 $0x1  }
0x17: {  	s4 =	simm.s32 $0x1BF5;
	[smem:$0x3FB4] =	sst s0  }
0x18: {  	s0 =	sld [smem:$0x3F97];
	_ =	swait.ge [sflag:s4], $0x0  }
0x19: {  	s7 =	sld [smem:$0x3F98]  }
0x1a: {  	s8 =	sadd.s32 $0xFFFFE003, lr  }
0x1b: {  	s9 =	sadd.s32 $0xFFFFFEF7, lr;
	s5 =	simm.s32 $0xFFFFFFFF;
	p2 =	slt.u32 s8, $0xFFFFF086  }
0x1c: {  	p1 =	slt.u32 s9, $0xF7A;
	s5 =	simm.s32 @!p2 $0x0  }
0x1d: {  	s5 =	simm.s32 @p1 $0x1;
	p0 =	seq.s32 s7, s2  }
0x1e: {  	s7 =	smul.u32 @!p0 $0xF7A, s2;
	p2 =	seq.s32 @!p0 s5, $0x0  }
0x1f: {  	s9 =	smul.u32 $0xF7A, s1;
	s8 =	simm.s32 @!p0 $0x1BF5;
	p2 =	por !p2, p0  }
0x20: {  	[sflag:s8] =	ssyncset.s32 @!p0 $0xFFFFF086;
	s6 =	sadd.s32 @!p0 s3, s7;
	s7 =	simm.s32 @!p0 $0x108  }
0x21: {  	s3 =	sadd.s32 s3, s9;
	s6 =	sadd.s32 @!p0 $0x88, s6;
	s7 =	simm.s32 @p2 $0x1082  }
0x22: {  	[simem:s7], [sflag:s8] =	dma.local @!p0 [hbm:s6], $0xF7A  }
0x23: {  	s9 =	sor.u32 $0xD0000000, s2;
	s6 =	simm.s32 $0x108;
	_ =	swait.ge @!p0 [sflag:s8], $0x0  }
0x24: {  	s3 =	sadd.s32 $0x88, s3;
	s6 =	simm.s32 @!p1 $0x1082;
	[sflag:s4] =	ssyncset.s32 $0xFFFFF086  }
0x25: {  	[simem:s6], [sflag:s4] =	dma.local [hbm:s3], $0xF7A  }
0x26: {  	[smem:$0x3F98] =	sst s1;
	(tag) =	ssettag s2;
	_ =	strace s9  }
0x27: {  	s1 =	sld [smem:$0x3FA8]  }
0x28: {  	s2 =	sld [smem:$0x3FA9]  }
0x29: {  	s4 =	sld [smem:$0x3FAB]  }
0x2a: {  	p0 =	seq.s32 s5, $0x0;
	s5 =	sld [smem:$0x3FAC]  }
0x2b: {  	s6 =	sld [smem:$0x3FAD]  }
0x2c: {  	s7 =	sld [smem:$0x3FAE]  }
0x2d: {  	s3 =	simm.s32 $0x108;
	s8 =	sld [smem:$0x3FAF]  }
0x2e: {  	s3 =	simm.s32 @!p0 $0x1082;
	s9 =	sld [smem:$0x3FB0]  }
0x2f: {  	lr =	sadd.s32 s0, s3;
	s0 =	sld [smem:$0x3FA7]  }
0x30: {  	s3 =	sld [smem:$0x3FAA]  }
0x31: {  	[smem:$0x3FB3] =	sst s10  }
0x32: {  	s10 =	sld [smem:$0x3FB1];
	_ =	sdelay $0x3  }
0x33: {  	p0 =	seq.s32 s10, $0x1;
	s10 =	sld [smem:$0x3FB3];
	_ =	sdelay $0x3  }
0x34: {  	[smem:$0x3FB3] =	sst s10  }
0x35: {  	s10 =	sld [smem:$0x3FB2];
	_ =	sdelay $0x3  }
0x36: {  	p1 =	seq.s32 s10, $0x1;
	s10 =	sld [smem:$0x3FB3];
	_ =	sdelay $0x3  }
0x37: {  	[smem:$0x3FB3] =	sst s10  }
0x38: {  	s10 =	sld [smem:$0x3FB4]  }
0x39: {  	_ = 	snop;
	(pc) =	sbr.ind lr, $3  }
0x3a: {  	_ = 	snop  }
0x3b: {  	_ = 	snop  }
0x3c: {  	p2 =	seq.s32 s10, $0x1;
	s10 =	sld [smem:$0x3FB3]  }
0x3d: {  	_ =	shalt  }
0x3e: {  	_ =	shalt  }
0x3f: {  	_ =	shalt  }
0x40: {  	_ =	shalt  }
0x41: {  	_ =	shalt  }
0x42: {  	_ =	shalt  }
0x43: {  	_ =	shalt  }
0x44: {  	_ =	shalt  }
0x45: {  	_ =	shalt  }
0x46: {  	_ =	shalt  }
0x47: {  	_ =	shalt  }
0x48: {  	_ =	shalt  }
0x49: {  	_ =	shalt  }
0x4a: {  	_ =	shalt  }
0x4b: {  	_ =	shalt  }
0x4c: {  	_ =	shalt  }
0x4d: {  	_ =	shalt  }
0x4e: {  	_ =	shalt  }
0x4f: {  	_ =	shalt  }
0x50: {  	_ =	shalt  }
0x51: {  	_ =	shalt  }
0x52: {  	_ =	shalt  }
0x53: {  	_ =	shalt  }
0x54: {  	_ =	shalt  }
0x55: {  	_ =	shalt  }
0x56: {  	_ =	shalt  }
0x57: {  	_ =	shalt  }
0x58: {  	_ =	shalt  }
0x59: {  	_ =	shalt  }
0x5a: {  	_ =	shalt  }
0x5b: {  	_ =	shalt  }
0x5c: {  	_ =	shalt  }
0x5d: {  	_ =	shalt  }
0x5e: {  	_ =	shalt  }
0x5f: {  	_ =	shalt  }
0x60: {  	_ =	shalt  }
0x61: {  	_ =	shalt  }
0x62: {  	_ =	shalt  }
0x63: {  	_ =	shalt  }
0x64: {  	_ =	shalt  }
0x65: {  	_ =	shalt  }
0x66: {  	_ =	shalt  }
0x67: {  	_ =	shalt  }
0x68: {  	_ =	shalt  }
0x69: {  	_ =	shalt  }
0x6a: {  	_ =	shalt  }
0x6b: {  	_ =	shalt  }
0x6c: {  	_ =	shalt  }
0x6d: {  	_ =	shalt  }
0x6e: {  	_ =	shalt  }
0x6f: {  	_ =	shalt  }
0x70: {  	_ =	shalt  }
0x71: {  	_ =	shalt  }
0x72: {  	_ =	shalt  }
0x73: {  	_ =	shalt  }
0x74: {  	_ =	shalt  }
0x75: {  	_ =	shalt  }
0x76: {  	_ =	shalt  }
0x77: {  	_ =	shalt  }
0x78: {  	_ =	shalt  }
0x79: {  	_ =	shalt  }
0x7a: {  	_ =	shalt  }
0x7b: {  	_ =	shalt  }
0x7c: {  	_ =	shalt  }
0x7d: {  	_ =	shalt  }
0x7e: {  	_ =	shalt  }
0x7f: {  	_ =	shalt  }
0x80: {  	_ =	shalt  }
0x81: {  	_ =	shalt  }
0x82: {  	_ =	shalt  }
0x83: {  	_ =	shalt  }
0x84: {  	_ =	shalt  }
0x85: {  	_ =	shalt  }
0x86: {  	_ =	shalt  }
0x87: {  	_ =	shalt  }
.Lfunc_end0:
.L_simem_size_0:
called_computation.11_lowered:
.L_overlay_start_0:
0x88: {  	s2 =	sld [smem:$0x3FD9]  }
0x89: {  	s3 =	sld [smem:$0x3FFE];
	_ =	sdelay $0x1  }
0x8a: {  	s1 =	srdreg.scid  }
0x8b: {  	s0 =	sand.u32 $0x1, s1  }
0x8c: {  	s16 =	sshll.u32 s0, $0xA;
	s2 =	sadd.s32 s3, s2  }
0x8d: {  	s2 =	sadd.s32 s2, s16  }
0x8e: {  	[smem:$0x3FBF] =	sst s2  }
0x8f: {  	_ = 	snop  }
0x90: {  	(tm) =	ssettm $0x1  }
0x91: {  	s17 =	sld [smem:$0x3FFB];
	_ =	sdelay $0x3  }
0x92: {  	_ =	strace s17  }
0x93: {  	s2 =	sld [smem:$0x3FFC];
	_ =	sdelay $0x3  }
0x94: {  	_ =	strace s2  }
0x95: {  	s2 =	sld [smem:$0x3FFD];
	_ =	sdelay $0x3  }
0x96: {  	_ =	strace s2  }
0x97: {  	_ =	strace $0x8FFFFFFF  }
0x98: {  	s18 =	sld [smem:$0x3FDB];
	_ =	sdelay $0x1  }
0x99: {  	s19 =	simm.s32 $_scs_section_size  }
0x9a: {  	s4 =	simm.s32 $_size__tile_overlayer_lowered;
	s5 =	simm.s32 $_tile_overlayer_lowered  }
0x9b: {  	s22 =	simm.s32 $0x1BFF;
	s21 =	sshll.u32 s5, $0x1;
	s2 =	sadd.s32 s19, s18  }
0x9c: {  	s6 =	simm.s32 $0x0;
	s20 =	sshll.u32 s4, $0x1;
	s4 =	sadd.s32 s21, s2  }
0x9d: {  	[timem:s6], [sflag:s22] =	dma.local [hbm:s4], s20  }
0x9e: {  	_ =	swait.ge [sflag:s22], s20  }
0x9f: {  	s3 =	ssub.s32 $0x0, s20;
	[sflag:s22] =	ssyncset.done $0x0  }
0xa0: {  	[sflag:s22] =	ssyncadd.s32 s3;
	_ =	sdelay $0x1  }
0xa1: {  	s23 =	simm.s32 $0x1B8B  }
0xa2: {  	_ =	swait.ge [sflag:s23], $0x1  }
0xa3: {  	[sflag:s23] =	ssyncset.done $0x0  }
0xa4: {  	s25 =	simm.s32 $0x1B8E;
	s24 =	sld [smem:$0x3FFE];
	[sflag:s23] =	ssyncadd.s32 $0xFFFFFFFF  }
0xa5: {  	s26 =	simm.s32 $execute0_lowered;
	[smem:$0x3FD2] =	sst s25  }
0xa6: {  	s4 =	sshll.u32 s26, $0x1;
	_ =	strace $0x80000067;
	[dreg:$0x1] =	wrdreg $0xFFFFFFFF  }
0xa7: {  	s28 =	simm.s32 $_size_execute0_lowered;
	s2 =	sadd.s32 s2, s4;
	[dreg:$0x0] =	wrdreg $0x0  }
0xa8: {  	s4 =	sshll.u32 s28, $0x1;
	[dreg:$0x2] =	wrdreg s2  }
0xa9: {  	[dreg:$0x3] =	wrdreg s4  }
0xaa: {  	[dreg:$0x4] =	wrdreg $0xC0  }
0xab: {  	_ =	task [dreg:s6], $0x5FFFF  }
0xac: {  	[dreg:$0x1] =	wrdreg $0xFFFFFFFF  }
0xad: {  	[dreg:$0x0] =	wrdreg $0x60  }
0xae: {  	[dreg:$0x2] =	wrdreg s24  }
0xaf: {  	[dreg:$0x3] =	wrdreg $0x41000  }
0xb0: {  	[dreg:$0x4] =	wrdreg $0x9  }
0xb1: {  	_ =	task.clear_ibuf [dreg:s6], $0x5FFFF;
	_ =	strace $0x90000067  }
0xb2: {  	s29 =	simm.s32 $0x9;
	_ =	strace $0x80000069  }
0xb3: {  	_ =	swait.ge [sflag:s29], $0x1  }
0xb4: {  	[sflag:s29] =	ssyncadd.s32 $0xFFFFFFFF  }
0xb5: {  	_ =	strace $0x90000069  }
0xb6: {  	_ =	sfence  }
0xb7: {  	s30 =	sld [smem:$0x0];
	_ =	sdelay $0x2  }
0xb8: {  	s31 =	sshll.u32 s1, $0xD;
	s1 =	sshrl.u32 s1, $0x2  }
0xb9: {  	s3 =	sand.u32 $0x4000, s31;
	s1 =	sadd.s32 s1, s30  }
0xba: {  	s0 =	sor.u32 s3, s0;
	s1 =	sshll.u32 s1, $0x11  }
0xbb: {  	s0 =	sor.u32 s1, s0  }
0xbc: {  	s0 =	sadd.s32 $0x8F2B, s0  }
0xbd: {  	[sflag:s0] =	ssyncadd.remote.s32 $0x1  }
0xbe: {  	_ =	sfence.sel $0xFFFF  }
0xbf: {  	[dreg:$0x0] =	wrdreg $0xFFFFFFFF;
	(pc) =	sbr.abs _section_cstart, $3  }
0xc0: {  	[dreg:$0x1] =	wrdreg $0xFFFFFFFF  }
0xc1: {  	_ =	task.clear_ibuf [dreg:s6], $0x2FFFF;
	_ =	strace $0x9FFFFFFF  }
0xc2: {  	(tm) =	ssettm $0x7FFFFFFF  }
0xc3: {  	_ =	shalt  }
tec
execute0_lowered:
.L_overlay_start_1:
0x0: {  	(tag) =	ssettag $0x1  }
0x1: {  	s7 =	rddreg [dreg:$0x0]  }
0x2: {  	s2 =	rddreg [dreg:$0x1]  }
0x3: {  	s0 =	rddreg [dreg:$0x2];
	s3 =	simm.s32 $0x0  }
0x4: {  	s1 =	stileid.u32;
	s4 =	srdreg.scid;
	s16 =	simm.s32 $0x1  }
0x5: {  	s17 =	simm.s32 $0x0;
	[smem:$0x7FF] =	sst s3;
	s8 =	smul.u32 $0x2780, s1  }
0x6: {  	s9 =	sand.u32 $0x1, s4;
	s4 =	sadd.s32 $0xF1800, s7;
	s13 =	smul.u32 $0x4F000, s1  }
0x7: {  	s5 =	sadd.s32 $0x18C00, s7;
	s6 =	sadd.s32 $0x22C00, s7;
	s31 =	smul.u32 $0x500, s1  }
0x8: {  	s30 =	sshll.u32 s1, $0x6;
	_ =	strace $0x80000068;
	s10 =	smul.u32 $0x27800, s9  }
0x9: {  	s12 =	ssub.s32 $0x2, s9;
	s28 =	smul.u32 $0x5000, s9;
	s11 =	sadd.s32 s8, s7  }
0xa: {  	s26 =	sshrl.u32 s12, $0x1;
	s29 =	sshrl.u32 s13, $0x2;
	s13 =	simm.s32 $0x2  }
0xb: {  	s8 =	sadd.s32 s8, s10;
	s10 =	ssub.s32 s12, s26;
	s15 =	sadd.s32 s29, s2  }
0xc: {  	s14 =	sadd.s32 s8, s7;
	s7 =	sadd.s32 $0x53E00, s11;
	s8 =	sor.u32 $0x1C02, s30  }
0xd: {  	s10 =	smax.u32 s10, $0x1;
	s11 =	sadd.s32 s31, s28;
	s12 =	sshrl.u32 s15, $0x3  }
0xe: {  	s15 =	simm.s32 $0x100;
	s9 =	sadd.s32 $0x118A00, s14;
	s14 =	simm.s32 $0x80  }
.LBB2_1:
0xf: {  	[spmem:s12], [sflag:s8] =	dma.local [hbm:s7], $0x2780  }
0x10: {  	s18 =	sadd.s32 $0x0, s11;
	_ =	swait.ge [sflag:s13], $0x2780  }
0x11: {  	s19 =	sand.u32 $0x70, s3;
	s18 =	sand.u32 $0xFFFFF80, s18;
	[sflag:s13] =	ssyncset.done $0x0  }
0x12: {  	s18 =	sor.u32 s19, s18;
	[sflag:s13] =	ssyncadd.s32 $0xFFFFD880  }
0x13: {  	s19 =	sadd.s32 s5, s18;
	[bflag:$0x0] =	sbarrier.arrive $0xFFFF  }
0x14: {  	[tilespmem:s3], [sflag:$0x2] =	stream.linear.gather [hbm4b:s19+s3], $0x80, $0x38;
	[tilespmem:$0x17D00] =	vst v63  }
0x15: {  	_ =	swait.ge [sflag:s13], $0x80  }
0x16: {  	[sflag:s13] =	ssyncset.done $0x0  }
0x17: {  	s18 =	sadd.s32 s6, s18;
	[sflag:s13] =	ssyncadd.s32 $0xFFFFFF80  }
0x18: {  	[tilespmem:s14], [sflag:$0x2] =	stream.linear.gather [hbm4b:s18+s3], $0x80, $0x38;
	[tilespmem:$0x17D00] =	vst v63  }
0x19: {  	_ =	swait.ge [sflag:s13], $0x80  }
0x1a: {  	[sflag:s13] =	ssyncset.done $0x0  }
0x1b: {  	[sflag:s13] =	ssyncadd.s32 $0xFFFFFF80  }
0x1c: {  	[tilespmem:s15], [sflag:$0x1] =	stream.indirect.gather [hbm4b:s4+s14], $0x80, s3, s14, $0xb8;
	[tilespmem:$0x17D00] =	vst v63  }
0x1d: {  	_ =	swait.ge [sflag:s16], $0x4000  }
0x1e: {  	[sflag:s16] =	ssyncset.done $0x0  }
0x1f: {  	s30 =	simm.s32 $0x10;
	s31 =	sadd.s32 $0x10, s11;
	[sflag:s16] =	ssyncadd.s32 $0xFFFFC000  }
0x20: {  	[spmem:s2] =	stream.indirect.scatter.add.f32 [tilespmem:s15], [sflag:$0x2], $0x80, s14, s14, $0xb8;
	[tilespmem:$0x17D00] =	vst v63  }
0x21: {  	s20 =	sand.u32 $0xFFFFF80, s31;
	s18 =	sand.u32 $0x70, s30;
	_ =	swait.ge [sflag:s13], $0x4000  }
0x22: {  	s19 =	simm.s32 $0x20;
	s18 =	sor.u32 s18, s20;
	[sflag:s13] =	ssyncset.done $0x0  }
.LBB2_2:
0x23: {  	s20 =	sadd.s32 s5, s18  }
0x24: {  	[sflag:s13] =	ssyncadd.s32 $0xFFFFC000;
	s21 =	smov.u32 s19;
	s22 =	sadd.s32 $0x10, s19  }
0x25: {  	[tilespmem:s3], [sflag:$0x2] =	stream.linear.gather [hbm4b:s20+s3], $0x80, $0x38;
	[tilespmem:$0x17D00] =	vst v63  }
0x26: {  	p0 =	sne.s32 s19, $0x4F0;
	_ =	swait.ge [sflag:s13], $0x80  }
0x27: {  	[sflag:s13] =	ssyncset.done $0x0  }
0x28: {  	s18 =	sadd.s32 s6, s18;
	[sflag:s13] =	ssyncadd.s32 $0xFFFFFF80  }
0x29: {  	[tilespmem:s14], [sflag:$0x2] =	stream.linear.gather [hbm4b:s18+s3], $0x80, $0x38;
	[tilespmem:$0x17D00] =	vst v63  }
0x2a: {  	_ =	swait.ge [sflag:s13], $0x80  }
0x2b: {  	[sflag:s13] =	ssyncset.done $0x0  }
0x2c: {  	[sflag:s13] =	ssyncadd.s32 $0xFFFFFF80  }
0x2d: {  	[tilespmem:s15], [sflag:$0x1] =	stream.indirect.gather [hbm4b:s4+s14], $0x80, s3, s14, $0xb8;
	[tilespmem:$0x17D00] =	vst v63  }
0x2e: {  	_ =	swait.ge [sflag:s16], $0x4000  }
.Ltmp0:
0x2f: {  	[sflag:s16] =	ssyncset.done $0x0;
	(pc) =	sbr.rel @p0 .LBB2_2-.Ltmp0, $4  }
0x30: {  	s18 =	sadd.s32 s21, s11;
	[sflag:s16] =	ssyncadd.s32 $0xFFFFC000  }
0x31: {  	[spmem:s2] =	stream.indirect.scatter.add.f32 [tilespmem:s15], [sflag:$0x2], $0x80, s14, s14, $0xb8;
	[tilespmem:$0x17D00] =	vst v63  }
0x32: {  	s19 =	sand.u32 $0x70, s21;
	s18 =	sand.u32 $0xFFFFF80, s18;
	_ =	swait.ge [sflag:s13], $0x4000  }
0x33: {  	s18 =	sor.u32 s19, s18;
	s19 =	smov.u32 s22;
	[sflag:s13] =	ssyncset.done $0x0  }
0x34: {  	s19 =	sadd.s32 s5, s18;
	[sflag:s13] =	ssyncadd.s32 $0xFFFFC000  }
0x35: {  	[tilespmem:s3], [sflag:$0x2] =	stream.linear.gather [hbm4b:s19+s3], $0x80, $0x38;
	[tilespmem:$0x17D00] =	vst v63  }
0x36: {  	_ =	swait.ge [sflag:s13], $0x80  }
0x37: {  	[sflag:s13] =	ssyncset.done $0x0  }
0x38: {  	s31 =	sadd.s32 s6, s18;
	[sflag:s13] =	ssyncadd.s32 $0xFFFFFF80  }
0x39: {  	[tilespmem:s14], [sflag:$0x2] =	stream.linear.gather [hbm4b:s31+s3], $0x80, $0x38;
	[tilespmem:$0x17D00] =	vst v63  }
0x3a: {  	_ =	swait.ge [sflag:s13], $0x80  }
0x3b: {  	[sflag:s13] =	ssyncset.done $0x0  }
0x3c: {  	[sflag:s13] =	ssyncadd.s32 $0xFFFFFF80  }
0x3d: {  	[tilespmem:s15], [sflag:$0x1] =	stream.indirect.gather [hbm4b:s4+s14], $0x80, s3, s14, $0xb8;
	[tilespmem:$0x17D00] =	vst v63  }
0x3e: {  	_ =	swait.ge [sflag:s16], $0x4000  }
0x3f: {  	[sflag:s16] =	ssyncset.done $0x0  }
0x40: {  	[sflag:s16] =	ssyncadd.s32 $0xFFFFC000  }
0x41: {  	[spmem:s2] =	stream.indirect.scatter.add.f32 [tilespmem:s15], [sflag:$0x2], $0x80, s14, s14, $0xb8;
	[tilespmem:$0x17D00] =	vst v63  }
0x42: {  	_ =	swait.ge [sflag:s13], $0x4000  }
0x43: {  	s17 =	sadd.s32 $0x1, s17;
	[sflag:s13] =	ssyncset.done $0x0  }
0x44: {  	p0 =	sne.s32 s17, s10;
	[sflag:s13] =	ssyncadd.s32 $0xFFFFC000  }
.Ltmp1:
0x45: {  	[bflag:$0x0] =	sbarrier.arrive $0xFFFF;
	(pc) =	sbr.rel @p0 .LBB2_1-.Ltmp1, $4  }
0x46: {  	[hbm:s9], [sflag:s8] =	dma.local [spmem:s12], $0x2780  }
0x47: {  	_ =	swait.ge [sflag:s13], $0x2780  }
0x48: {  	[sflag:s13] =	ssyncset.done $0x0  }
0x49: {  	[sflag:s13] =	ssyncadd.s32 $0xFFFFD880  }
0x4a: {  	_ =	sfence.sel $0x180000  }
0x4b: {  	[bflag:$0x0] =	sbarrier.arrive $0xFFFF  }
0x4c: {  	p0 =	sne.s32 s1, $0x0;
	_ =	strace $0x90000068  }
0x4d: {  	s0 =	sadd.s32 @!p0 $0x100000, s0;
	[bflag:$0x2] =	sbarrier.arrive $0xFFFF  }
0x4e: {  	[sflag:s0] =	ssyncadd.tile.s32 @!p0 $0x1;
	_ =	shalt  }
.Lfunc_end2:
_tile_overlayer_lowered:
.L_overlay_start_2:
0x4f: {  	(tag) =	ssettag $0x2  }
0x50: {  	s0 =	rddreg [dreg:$0x0];
	s2 =	stileid.u32  }
0x51: {  	s1 =	rddreg [dreg:$0x1];
	p0 =	sne.s32 s2, $0x0  }
0x52: {  	s3 =	rddreg [dreg:$0x2];
	[bflag:$0x3] =	sbarrier.arrive $0xFFFF;
	s2 =	simm.s32 @!p0 $0x1C02  }
0x53: {  	[timem:s3], [sflag:s2] =	dma.local @!p0 [hbm:s0], s1  }
0x54: {  	s0 =	simm.s32 @!p0 $0x2  }
0x55: {  	_ =	swait.ge @!p0 [sflag:s0], s1  }
0x56: {  	s1 =	ssub.s32 @!p0 $0x0, s1;
	[sflag:s0] =	ssyncset.done @!p0 $0x0  }
0x57: {  	[sflag:s0] =	ssyncadd.s32 @!p0 s1  }
0x58: {  	[bflag:$0x3] =	sbarrier.arrive $0xFFFF  }
0x59: {  	_ =	shalt  }

// kernel: kernel.69.cloned.1.call-start
scs
__scs_entry_jumppad:
0x0: {  	(pc) =	sbr.rel $0x88, $3  }
0x1: {  	(tag) =	ssettag $0x0;
	lr =	simm.s32 $0x1  }
0x2: {  	[smem:$0x3F98] =	sst lr;
	_ =	strace $0xD0000000  }
0x3: {  	_ = 	snop  }
0x4: {  	_ = 	snop  }
0x5: {  	_ = 	snop  }
0x6: {  	_ = 	snop  }
0x7: {  	_ = 	snop  }
__scs_overlays_trampoline_lowered:
0x8: {  	[smem:$0x3FA7] =	sst s0  }
0x9: {  	[smem:$0x3FA8] =	sst s1  }
0xa: {  	[smem:$0x3FA9] =	sst s2  }
0xb: {  	[smem:$0x3FAA] =	sst s3  }
0xc: {  	[smem:$0x3FAB] =	sst s4  }
0xd: {  	[smem:$0x3FAC] =	sst s5  }
0xe: {  	[smem:$0x3FAD] =	sst s6  }
0xf: {  	[smem:$0x3FAE] =	sst s7  }
0x10: {  	[smem:$0x3FAF] =	sst s8  }
0x11: {  	[smem:$0x3FB0] =	sst s9;
	s0 =	simm.s32 @!p0 $0x0  }
0x12: {  	s1 =	sld [smem:$0x3F96];
	s0 =	simm.s32 @p0 $0x1  }
0x13: {  	[smem:$0x3FB1] =	sst s0;
	s0 =	simm.s32 @!p1 $0x0  }
0x14: {  	s2 =	sld [smem:$0x3F95];
	s0 =	simm.s32 @p1 $0x1  }
0x15: {  	[smem:$0x3FB2] =	sst s0;
	s0 =	simm.s32 @!p2 $0x0  }
0x16: {  	s3 =	sld [smem:$0x3FDB];
	s0 =	simm.s32 @p2 $0x1  }
0x17: {  	s4 =	simm.s32 $0x1BF5;
	[smem:$0x3FB4] =	sst s0  }
0x18: {  	s0 =	sld [smem:$0x3F97];
	_ =	swait.ge [sflag:s4], $0x0  }
0x19: {  	s7 =	sld [smem:$0x3F98]  }
0x1a: {  	s8 =	sadd.s32 $0xFFFFE003, lr  }
0x1b: {  	s9 =	sadd.s32 $0xFFFFFEF7, lr;
	s5 =	simm.s32 $0xFFFFFFFF;
	p2 =	slt.u32 s8, $0xFFFFF086  }
0x1c: {  	p1 =	slt.u32 s9, $0xF7A;
	s5 =	simm.s32 @!p2 $0x0  }
0x1d: {  	s5 =	simm.s32 @p1 $0x1;
	p0 =	seq.s32 s7, s2  }
0x1e: {  	s7 =	smul.u32 @!p0 $0xF7A, s2;
	p2 =	seq.s32 @!p0 s5, $0x0  }
0x1f: {  	s9 =	smul.u32 $0xF7A, s1;
	s8 =	simm.s32 @!p0 $0x1BF5;
	p2 =	por !p2, p0  }
0x20: {  	[sflag:s8] =	ssyncset.s32 @!p0 $0xFFFFF086;
	s6 =	sadd.s32 @!p0 s3, s7;
	s7 =	simm.s32 @!p0 $0x108  }
0x21: {  	s3 =	sadd.s32 s3, s9;
	s6 =	sadd.s32 @!p0 $0x88, s6;
	s7 =	simm.s32 @p2 $0x1082  }
0x22: {  	[simem:s7], [sflag:s8] =	dma.local @!p0 [hbm:s6], $0xF7A  }
0x23: {  	s9 =	sor.u32 $0xD0000000, s2;
	s6 =	simm.s32 $0x108;
	_ =	swait.ge @!p0 [sflag:s8], $0x0  }
0x24: {  	s3 =	sadd.s32 $0x88, s3;
	s6 =	simm.s32 @!p1 $0x1082;
	[sflag:s4] =	ssyncset.s32 $0xFFFFF086  }
0x25: {  	[simem:s6], [sflag:s4] =	dma.local [hbm:s3], $0xF7A  }
0x26: {  	[smem:$0x3F98] =	sst s1;
	(tag) =	ssettag s2;
	_ =	strace s9  }
0x27: {  	s1 =	sld [smem:$0x3FA8]  }
0x28: {  	s2 =	sld [smem:$0x3FA9]  }
0x29: {  	s4 =	sld [smem:$0x3FAB]  }
0x2a: {  	p0 =	seq.s32 s5, $0x0;
	s5 =	sld [smem:$0x3FAC]  }
0x2b: {  	s6 =	sld [smem:$0x3FAD]  }
0x2c: {  	s7 =	sld [smem:$0x3FAE]  }
0x2d: {  	s3 =	simm.s32 $0x108;
	s8 =	sld [smem:$0x3FAF]  }
0x2e: {  	s3 =	simm.s32 @!p0 $0x1082;
	s9 =	sld [smem:$0x3FB0]  }
0x2f: {  	lr =	sadd.s32 s0, s3;
	s0 =	sld [smem:$0x3FA7]  }
0x30: {  	s3 =	sld [smem:$0x3FAA]  }
0x31: {  	[smem:$0x3FB3] =	sst s10  }
0x32: {  	s10 =	sld [smem:$0x3FB1];
	_ =	sdelay $0x3  }
0x33: {  	p0 =	seq.s32 s10, $0x1;
	s10 =	sld [smem:$0x3FB3];
	_ =	sdelay $0x3  }
0x34: {  	[smem:$0x3FB3] =	sst s10  }
0x35: {  	s10 =	sld [smem:$0x3FB2];
	_ =	sdelay $0x3  }
0x36: {  	p1 =	seq.s32 s10, $0x1;
	s10 =	sld [smem:$0x3FB3];
	_ =	sdelay $0x3  }
0x37: {  	[smem:$0x3FB3] =	sst s10  }
0x38: {  	s10 =	sld [smem:$0x3FB4]  }
0x39: {  	_ = 	snop;
	(pc) =	sbr.ind lr, $3  }
0x3a: {  	_ = 	snop  }
0x3b: {  	_ = 	snop  }
0x3c: {  	p2 =	seq.s32 s10, $0x1;
	s10 =	sld [smem:$0x3FB3]  }
0x3d: {  	_ =	shalt  }
0x3e: {  	_ =	shalt  }
0x3f: {  	_ =	shalt  }
0x40: {  	_ =	shalt  }
0x41: {  	_ =	shalt  }
0x42: {  	_ =	shalt  }
0x43: {  	_ =	shalt  }
0x44: {  	_ =	shalt  }
0x45: {  	_ =	shalt  }
0x46: {  	_ =	shalt  }
0x47: {  	_ =	shalt  }
0x48: {  	_ =	shalt  }
0x49: {  	_ =	shalt  }
0x4a: {  	_ =	shalt  }
0x4b: {  	_ =	shalt  }
0x4c: {  	_ =	shalt  }
0x4d: {  	_ =	shalt  }
0x4e: {  	_ =	shalt  }
0x4f: {  	_ =	shalt  }
0x50: {  	_ =	shalt  }
0x51: {  	_ =	shalt  }
0x52: {  	_ =	shalt  }
0x53: {  	_ =	shalt  }
0x54: {  	_ =	shalt  }
0x55: {  	_ =	shalt  }
0x56: {  	_ =	shalt  }
0x57: {  	_ =	shalt  }
0x58: {  	_ =	shalt  }
0x59: {  	_ =	shalt  }
0x5a: {  	_ =	shalt  }
0x5b: {  	_ =	shalt  }
0x5c: {  	_ =	shalt  }
0x5d: {  	_ =	shalt  }
0x5e: {  	_ =	shalt  }
0x5f: {  	_ =	shalt  }
0x60: {  	_ =	shalt  }
0x61: {  	_ =	shalt  }
0x62: {  	_ =	shalt  }
0x63: {  	_ =	shalt  }
0x64: {  	_ =	shalt  }
0x65: {  	_ =	shalt  }
0x66: {  	_ =	shalt  }
0x67: {  	_ =	shalt  }
0x68: {  	_ =	shalt  }
0x69: {  	_ =	shalt  }
0x6a: {  	_ =	shalt  }
0x6b: {  	_ =	shalt  }
0x6c: {  	_ =	shalt  }
0x6d: {  	_ =	shalt  }
0x6e: {  	_ =	shalt  }
0x6f: {  	_ =	shalt  }
0x70: {  	_ =	shalt  }
0x71: {  	_ =	shalt  }
0x72: {  	_ =	shalt  }
0x73: {  	_ =	shalt  }
0x74: {  	_ =	shalt  }
0x75: {  	_ =	shalt  }
0x76: {  	_ =	shalt  }
0x77: {  	_ =	shalt  }
0x78: {  	_ =	shalt  }
0x79: {  	_ =	shalt  }
0x7a: {  	_ =	shalt  }
0x7b: {  	_ =	shalt  }
0x7c: {  	_ =	shalt  }
0x7d: {  	_ =	shalt  }
0x7e: {  	_ =	shalt  }
0x7f: {  	_ =	shalt  }
0x80: {  	_ =	shalt  }
0x81: {  	_ =	shalt  }
0x82: {  	_ =	shalt  }
0x83: {  	_ =	shalt  }
0x84: {  	_ =	shalt  }
0x85: {  	_ =	shalt  }
0x86: {  	_ =	shalt  }
0x87: {  	_ =	shalt  }
.Lfunc_end0:
.L_simem_size_0:
called_computation.12_lowered:
.L_overlay_start_0:
0x88: {  	s2 =	sld [smem:$0x3FD9]  }
0x89: {  	s3 =	sld [smem:$0x3FFE];
	_ =	sdelay $0x1  }
0x8a: {  	s1 =	srdreg.scid  }
0x8b: {  	s0 =	sand.u32 $0x1, s1  }
0x8c: {  	s16 =	sshll.u32 s0, $0xA;
	s2 =	sadd.s32 s3, s2  }
0x8d: {  	s2 =	sadd.s32 s2, s16  }
0x8e: {  	[smem:$0x3FBF] =	sst s2  }
0x8f: {  	_ = 	snop  }
0x90: {  	(tm) =	ssettm $0x1  }
0x91: {  	s17 =	sld [smem:$0x3FFB];
	_ =	sdelay $0x3  }
0x92: {  	_ =	strace s17  }
0x93: {  	s2 =	sld [smem:$0x3FFC];
	_ =	sdelay $0x3  }
0x94: {  	_ =	strace s2  }
0x95: {  	s2 =	sld [smem:$0x3FFD];
	_ =	sdelay $0x3  }
0x96: {  	_ =	strace s2  }
0x97: {  	_ =	strace $0x8FFFFFFF  }
0x98: {  	s18 =	sld [smem:$0x3FDB];
	_ =	sdelay $0x1  }
0x99: {  	s19 =	simm.s32 $_scs_section_size  }
0x9a: {  	s4 =	simm.s32 $_size__tile_overlayer_lowered;
	s5 =	simm.s32 $_tile_overlayer_lowered  }
0x9b: {  	s22 =	simm.s32 $0x1BFF;
	s21 =	sshll.u32 s5, $0x1;
	s2 =	sadd.s32 s19, s18  }
0x9c: {  	s6 =	simm.s32 $0x0;
	s20 =	sshll.u32 s4, $0x1;
	s4 =	sadd.s32 s21, s2  }
0x9d: {  	[timem:s6], [sflag:s22] =	dma.local [hbm:s4], s20  }
0x9e: {  	_ =	swait.ge [sflag:s22], s20  }
0x9f: {  	s3 =	ssub.s32 $0x0, s20;
	[sflag:s22] =	ssyncset.done $0x0  }
0xa0: {  	[sflag:s22] =	ssyncadd.s32 s3;
	_ =	sdelay $0x1  }
0xa1: {  	s23 =	simm.s32 $0x1B8B  }
0xa2: {  	_ =	swait.ge [sflag:s23], $0x1  }
0xa3: {  	[sflag:s23] =	ssyncset.done $0x0  }
0xa4: {  	s25 =	simm.s32 $0x1B8E;
	s24 =	sld [smem:$0x3FFE];
	[sflag:s23] =	ssyncadd.s32 $0xFFFFFFFF  }
0xa5: {  	s26 =	simm.s32 $execute0_lowered;
	[smem:$0x3FD2] =	sst s25  }
0xa6: {  	s4 =	sshll.u32 s26, $0x1;
	_ =	strace $0x8000006A;
	[dreg:$0x1] =	wrdreg $0xFFFFFFFF  }
0xa7: {  	s28 =	simm.s32 $_size_execute0_lowered;
	s2 =	sadd.s32 s2, s4;
	[dreg:$0x0] =	wrdreg $0x0  }
0xa8: {  	s4 =	sshll.u32 s28, $0x1;
	[dreg:$0x2] =	wrdreg s2  }
0xa9: {  	[dreg:$0x3] =	wrdreg s4  }
0xaa: {  	[dreg:$0x4] =	wrdreg $0xC0  }
0xab: {  	_ =	task [dreg:s6], $0x5FFFF  }
0xac: {  	[dreg:$0x1] =	wrdreg $0xFFFFFFFF  }
0xad: {  	[dreg:$0x0] =	wrdreg $0x60  }
0xae: {  	[dreg:$0x2] =	wrdreg s24  }
0xaf: {  	[dreg:$0x3] =	wrdreg $0x41000  }
0xb0: {  	[dreg:$0x4] =	wrdreg $0x9  }
0xb1: {  	_ =	task.clear_ibuf [dreg:s6], $0x5FFFF;
	_ =	strace $0x9000006A  }
0xb2: {  	s29 =	simm.s32 $0x9;
	_ =	strace $0x8000006C  }
0xb3: {  	_ =	swait.ge [sflag:s29], $0x1  }
0xb4: {  	[sflag:s29] =	ssyncadd.s32 $0xFFFFFFFF  }
0xb5: {  	_ =	strace $0x9000006C  }
0xb6: {  	_ =	sfence  }
0xb7: {  	s30 =	sld [smem:$0x0];
	_ =	sdelay $0x2  }
0xb8: {  	s31 =	sshll.u32 s1, $0xD;
	s1 =	sshrl.u32 s1, $0x2  }
0xb9: {  	s3 =	sand.u32 $0x4000, s31;
	s1 =	sadd.s32 s1, s30  }
0xba: {  	s0 =	sor.u32 s3, s0;
	s1 =	sshll.u32 s1, $0x11  }
0xbb: {  	s0 =	sor.u32 s1, s0  }
0xbc: {  	s0 =	sadd.s32 $0x8F2B, s0  }
0xbd: {  	[sflag:s0] =	ssyncadd.remote.s32 $0x1  }
0xbe: {  	_ =	sfence.sel $0xFFFF  }
0xbf: {  	[dreg:$0x0] =	wrdreg $0xFFFFFFFF;
	(pc) =	sbr.abs _section_cstart, $3  }
0xc0: {  	[dreg:$0x1] =	wrdreg $0xFFFFFFFF  }
0xc1: {  	_ =	task.clear_ibuf [dreg:s6], $0x2FFFF;
	_ =	strace $0x9FFFFFFF  }
0xc2: {  	(tm) =	ssettm $0x7FFFFFFF  }
0xc3: {  	_ =	shalt  }
tec
execute0_lowered:
.L_overlay_start_1:
0x0: {  	(tag) =	ssettag $0x1  }
0x1: {  	s7 =	rddreg [dreg:$0x0]  }
0x2: {  	s2 =	rddreg [dreg:$0x1]  }
0x3: {  	s0 =	rddreg [dreg:$0x2];
	s3 =	simm.s32 $0x0  }
0x4: {  	s1 =	stileid.u32;
	s4 =	srdreg.scid;
	s16 =	simm.s32 $0x1  }
0x5: {  	s17 =	simm.s32 $0x0;
	[smem:$0x7FF] =	sst s3;
	s8 =	smul.u32 $0x2780, s1  }
0x6: {  	s9 =	sand.u32 $0x1, s4;
	s4 =	sadd.s32 $0x2CC00, s7;
	s13 =	smul.u32 $0x4F000, s1  }
0x7: {  	s5 =	sadd.s32 $0x18C00, s7;
	s6 =	sadd.s32 $0x22C00, s7;
	s31 =	smul.u32 $0x500, s1  }
0x8: {  	s30 =	sshll.u32 s1, $0x6;
	_ =	strace $0x8000006B;
	s10 =	smul.u32 $0x27800, s9  }
0x9: {  	s12 =	ssub.s32 $0x2, s9;
	s28 =	smul.u32 $0x5000, s9;
	s11 =	sadd.s32 s8, s7  }
0xa: {  	s26 =	sshrl.u32 s12, $0x1;
	s29 =	sshrl.u32 s13, $0x2;
	s13 =	simm.s32 $0x2  }
0xb: {  	s8 =	sadd.s32 s8, s10;
	s10 =	ssub.s32 s12, s26;
	s15 =	sadd.s32 s29, s2  }
0xc: {  	s14 =	sadd.s32 s8, s7;
	s7 =	sadd.s32 $0x53E00, s11;
	s8 =	sor.u32 $0x1C02, s30  }
0xd: {  	s10 =	smax.u32 s10, $0x1;
	s11 =	sadd.s32 s31, s28;
	s12 =	sshrl.u32 s15, $0x3  }
0xe: {  	s15 =	simm.s32 $0x100;
	s9 =	sadd.s32 $0x167A00, s14;
	s14 =	simm.s32 $0x80  }
.LBB2_1:
0xf: {  	[spmem:s12], [sflag:s8] =	dma.local [hbm:s7], $0x2780  }
0x10: {  	s18 =	sadd.s32 $0x0, s11;
	_ =	swait.ge [sflag:s13], $0x2780  }
0x11: {  	s19 =	sand.u32 $0x70, s3;
	s18 =	sand.u32 $0xFFFFF80, s18;
	[sflag:s13] =	ssyncset.done $0x0  }
0x12: {  	s18 =	sor.u32 s19, s18;
	[sflag:s13] =	ssyncadd.s32 $0xFFFFD880  }
0x13: {  	s19 =	sadd.s32 s5, s18;
	[bflag:$0x0] =	sbarrier.arrive $0xFFFF  }
0x14: {  	[tilespmem:s3], [sflag:$0x2] =	stream.linear.gather [hbm4b:s19+s3], $0x80, $0x38;
	[tilespmem:$0x17D00] =	vst v63  }
0x15: {  	_ =	swait.ge [sflag:s13], $0x80  }
0x16: {  	[sflag:s13] =	ssyncset.done $0x0  }
0x17: {  	s18 =	sadd.s32 s6, s18;
	[sflag:s13] =	ssyncadd.s32 $0xFFFFFF80  }
0x18: {  	[tilespmem:s14], [sflag:$0x2] =	stream.linear.gather [hbm4b:s18+s3], $0x80, $0x38;
	[tilespmem:$0x17D00] =	vst v63  }
0x19: {  	_ =	swait.ge [sflag:s13], $0x80  }
0x1a: {  	[sflag:s13] =	ssyncset.done $0x0  }
0x1b: {  	[sflag:s13] =	ssyncadd.s32 $0xFFFFFF80  }
0x1c: {  	[tilespmem:s15], [sflag:$0x1] =	stream.indirect.gather [hbm4b:s4+s14], $0x80, s3, s14, $0xb8;
	[tilespmem:$0x17D00] =	vst v63  }
0x1d: {  	_ =	swait.ge [sflag:s16], $0x4000  }
0x1e: {  	[sflag:s16] =	ssyncset.done $0x0  }
0x1f: {  	s30 =	simm.s32 $0x10;
	s31 =	sadd.s32 $0x10, s11;
	[sflag:s16] =	ssyncadd.s32 $0xFFFFC000  }
0x20: {  	[spmem:s2] =	stream.indirect.scatter.add.f32 [tilespmem:s15], [sflag:$0x2], $0x80, s14, s14, $0xb8;
	[tilespmem:$0x17D00] =	vst v63  }
0x21: {  	s20 =	sand.u32 $0xFFFFF80, s31;
	s18 =	sand.u32 $0x70, s30;
	_ =	swait.ge [sflag:s13], $0x4000  }
0x22: {  	s19 =	simm.s32 $0x20;
	s18 =	sor.u32 s18, s20;
	[sflag:s13] =	ssyncset.done $0x0  }
.LBB2_2:
0x23: {  	s20 =	sadd.s32 s5, s18  }
0x24: {  	[sflag:s13] =	ssyncadd.s32 $0xFFFFC000;
	s21 =	smov.u32 s19;
	s22 =	sadd.s32 $0x10, s19  }
0x25: {  	[tilespmem:s3], [sflag:$0x2] =	stream.linear.gather [hbm4b:s20+s3], $0x80, $0x38;
	[tilespmem:$0x17D00] =	vst v63  }
0x26: {  	p0 =	sne.s32 s19, $0x4F0;
	_ =	swait.ge [sflag:s13], $0x80  }
0x27: {  	[sflag:s13] =	ssyncset.done $0x0  }
0x28: {  	s18 =	sadd.s32 s6, s18;
	[sflag:s13] =	ssyncadd.s32 $0xFFFFFF80  }
0x29: {  	[tilespmem:s14], [sflag:$0x2] =	stream.linear.gather [hbm4b:s18+s3], $0x80, $0x38;
	[tilespmem:$0x17D00] =	vst v63  }
0x2a: {  	_ =	swait.ge [sflag:s13], $0x80  }
0x2b: {  	[sflag:s13] =	ssyncset.done $0x0  }
0x2c: {  	[sflag:s13] =	ssyncadd.s32 $0xFFFFFF80  }
0x2d: {  	[tilespmem:s15], [sflag:$0x1] =	stream.indirect.gather [hbm4b:s4+s14], $0x80, s3, s14, $0xb8;
	[tilespmem:$0x17D00] =	vst v63  }
0x2e: {  	_ =	swait.ge [sflag:s16], $0x4000  }
.Ltmp0:
0x2f: {  	[sflag:s16] =	ssyncset.done $0x0;
	(pc) =	sbr.rel @p0 .LBB2_2-.Ltmp0, $4  }
0x30: {  	s18 =	sadd.s32 s21, s11;
	[sflag:s16] =	ssyncadd.s32 $0xFFFFC000  }
0x31: {  	[spmem:s2] =	stream.indirect.scatter.add.f32 [tilespmem:s15], [sflag:$0x2], $0x80, s14, s14, $0xb8;
	[tilespmem:$0x17D00] =	vst v63  }
0x32: {  	s19 =	sand.u32 $0x70, s21;
	s18 =	sand.u32 $0xFFFFF80, s18;
	_ =	swait.ge [sflag:s13], $0x4000  }
0x33: {  	s18 =	sor.u32 s19, s18;
	s19 =	smov.u32 s22;
	[sflag:s13] =	ssyncset.done $0x0  }
0x34: {  	s19 =	sadd.s32 s5, s18;
	[sflag:s13] =	ssyncadd.s32 $0xFFFFC000  }
0x35: {  	[tilespmem:s3], [sflag:$0x2] =	stream.linear.gather [hbm4b:s19+s3], $0x80, $0x38;
	[tilespmem:$0x17D00] =	vst v63  }
0x36: {  	_ =	swait.ge [sflag:s13], $0x80  }
0x37: {  	[sflag:s13] =	ssyncset.done $0x0  }
0x38: {  	s31 =	sadd.s32 s6, s18;
	[sflag:s13] =	ssyncadd.s32 $0xFFFFFF80  }
0x39: {  	[tilespmem:s14], [sflag:$0x2] =	stream.linear.gather [hbm4b:s31+s3], $0x80, $0x38;
	[tilespmem:$0x17D00] =	vst v63  }
0x3a: {  	_ =	swait.ge [sflag:s13], $0x80  }
0x3b: {  	[sflag:s13] =	ssyncset.done $0x0  }
0x3c: {  	[sflag:s13] =	ssyncadd.s32 $0xFFFFFF80  }
0x3d: {  	[tilespmem:s15], [sflag:$0x1] =	stream.indirect.gather [hbm4b:s4+s14], $0x80, s3, s14, $0xb8;
	[tilespmem:$0x17D00] =	vst v63  }
0x3e: {  	_ =	swait.ge [sflag:s16], $0x4000  }
0x3f: {  	[sflag:s16] =	ssyncset.done $0x0  }
0x40: {  	[sflag:s16] =	ssyncadd.s32 $0xFFFFC000  }
0x41: {  	[spmem:s2] =	stream.indirect.scatter.add.f32 [tilespmem:s15], [sflag:$0x2], $0x80, s14, s14, $0xb8;
	[tilespmem:$0x17D00] =	vst v63  }
0x42: {  	_ =	swait.ge [sflag:s13], $0x4000  }
0x43: {  	s17 =	sadd.s32 $0x1, s17;
	[sflag:s13] =	ssyncset.done $0x0  }
0x44: {  	p0 =	sne.s32 s17, s10;
	[sflag:s13] =	ssyncadd.s32 $0xFFFFC000  }
.Ltmp1:
0x45: {  	[bflag:$0x0] =	sbarrier.arrive $0xFFFF;
	(pc) =	sbr.rel @p0 .LBB2_1-.Ltmp1, $4  }
0x46: {  	[hbm:s9], [sflag:s8] =	dma.local [spmem:s12], $0x2780  }
0x47: {  	_ =	swait.ge [sflag:s13], $0x2780  }
0x48: {  	[sflag:s13] =	ssyncset.done $0x0  }
0x49: {  	[sflag:s13] =	ssyncadd.s32 $0xFFFFD880  }
0x4a: {  	_ =	sfence.sel $0x180000  }
0x4b: {  	[bflag:$0x0] =	sbarrier.arrive $0xFFFF  }
0x4c: {  	p0 =	sne.s32 s1, $0x0;
	_ =	strace $0x9000006B  }
0x4d: {  	s0 =	sadd.s32 @!p0 $0x100000, s0;
	[bflag:$0x2] =	sbarrier.arrive $0xFFFF  }
0x4e: {  	[sflag:s0] =	ssyncadd.tile.s32 @!p0 $0x1;
	_ =	shalt  }
.Lfunc_end2:
_tile_overlayer_lowered:
.L_overlay_start_2:
0x4f: {  	(tag) =	ssettag $0x2  }
0x50: {  	s0 =	rddreg [dreg:$0x0];
	s2 =	stileid.u32  }
0x51: {  	s1 =	rddreg [dreg:$0x1];
	p0 =	sne.s32 s2, $0x0  }
0x52: {  	s3 =	rddreg [dreg:$0x2];
	[bflag:$0x3] =	sbarrier.arrive $0xFFFF;
	s2 =	simm.s32 @!p0 $0x1C02  }
0x53: {  	[timem:s3], [sflag:s2] =	dma.local @!p0 [hbm:s0], s1  }
0x54: {  	s0 =	simm.s32 @!p0 $0x2  }
0x55: {  	_ =	swait.ge @!p0 [sflag:s0], s1  }
0x56: {  	s1 =	ssub.s32 @!p0 $0x0, s1;
	[sflag:s0] =	ssyncset.done @!p0 $0x0  }
0x57: {  	[sflag:s0] =	ssyncadd.s32 @!p0 s1  }
0x58: {  	[bflag:$0x3] =	sbarrier.arrive $0xFFFF  }
0x59: {  	_ =	shalt  }

</sc_bundles>
